<compile_context>
chip_gen: v7x
topology: tpu7x:2x2x1
jax: 0.10.2.dev20260603
libtpu: 0.0.44.dev20260713+nightly
codegen_flags: <defaults>
</compile_context>

<pallas_src>
import functools

import jax
import jax.numpy as jnp
from jax import lax
from jax.experimental import pallas as pl
from jax.experimental.pallas import tpu as pltpu
from jax.experimental.pallas import tpu_sc as plsc

OUT = 7
PTS = OUT * OUT
PPAD = 64
L = 16


@functools.lru_cache(maxsize=None)
def _build(B, C, H, W, N):
    NC = 2
    NTILE = NC * 16
    NGRP = NTILE // B
    GRP = C // NGRP
    NB = 25
    NBLK = N // NB
    RPAD = ((N * 4 + L) + 127) // 128 * 128
    ROW = GRP * PTS

    mesh = plsc.VectorSubcoreMesh(core_axis_name="c", subcore_axis_name="s")

    @functools.partial(
        pl.kernel,
        mesh=mesh,
        compiler_params=pltpu.CompilerParams(
            needs_layout_passes=False, use_tc_tiling_on_sc=False),
        out_type=jax.ShapeDtypeStruct((B * N, C * PTS), jnp.float32),
        scratch_types=[
            pltpu.VMEM((GRP * H * W,), jnp.float32),
            pltpu.VMEM((RPAD,), jnp.float32),
            pltpu.VMEM((PPAD,), jnp.float32),
            pltpu.VMEM((PPAD,), jnp.float32),
            pltpu.VMEM((NB, ROW), jnp.float32),
            pltpu.VMEM((NB, ROW), jnp.float32),
            pltpu.SemaphoreType.DMA,
            pltpu.SemaphoreType.DMA,
        ],
    )
    def k(feat_hbm, rois_hbm, ig_hbm, jg_hbm, out_hbm,
          slab, roi_v, ig_v, jg_v, stg_a, stg_b, sem_a, sem_b):
        wid = lax.axis_index("s") * NC + lax.axis_index("c")
        b = wid // NGRP
        g = wid % NGRP
        pltpu.sync_copy(
            feat_hbm.at[pl.ds((b * C + g * GRP) * H * W, GRP * H * W)], slab)
        pltpu.sync_copy(rois_hbm.at[pl.ds(b * RPAD, RPAD)], roi_v)
        pltpu.sync_copy(ig_hbm, ig_v)
        pltpu.sync_copy(jg_hbm, jg_v)

        iota = lax.iota(jnp.int32, L)
        coffs = [jnp.full((L,), c * H * W, jnp.int32) for c in range(GRP)]

        def interp_store(buf, rvv, px, py, col_of_c, mask):
            xi = jnp.clip(px.astype(jnp.int32), 0, W - 2)
            yi = jnp.clip(py.astype(jnp.int32), 0, H - 2)
            wx1 = px - xi.astype(jnp.float32)
            wy1 = py - yi.astype(jnp.float32)
            wx0 = 1.0 - wx1
            wy0 = 1.0 - wy1
            w00 = wy0 * wx0
            w01 = wy0 * wx1
            w10 = wy1 * wx0
            w11 = wy1 * wx1
            i00 = yi * W + xi
            i01 = i00 + 1
            i10 = i00 + W
            i11 = i10 + 1
            for c in range(GRP):
                co = coffs[c]
                v00 = plsc.load_gather(slab, [i00 + co])
                v01 = plsc.load_gather(slab, [i01 + co])
                v10 = plsc.load_gather(slab, [i10 + co])
                v11 = plsc.load_gather(slab, [i11 + co])
                acc = v00 * w00 + v01 * w01 + v10 * w10 + v11 * w11
                plsc.store_scatter(buf, [rvv, col_of_c(c)], acc, mask=mask)

        def make_roi_body(buf):
            def roi_body(r, blk):
                ri = blk * NB + r
                rv = plsc.load_gather(
                    roi_v, [jnp.broadcast_to(ri * 4, (L,)) + iota])
                x1 = rv[0]
                y1 = rv[1]
                rw = jnp.maximum(rv[2] - x1, 1.0)
                rh = jnp.maximum(rv[3] - y1, 1.0)
                rvv = jnp.broadcast_to(r, (L,))
                for kk in range(3):
                    jgv = jg_v[pl.ds(kk * L, L)]
                    igv = ig_v[pl.ds(kk * L, L)]
                    px = jnp.broadcast_to(x1, (L,)) + jgv * rw
                    py = jnp.broadcast_to(y1, (L,)) + igv * rh
                    interp_store(buf, rvv, px, py,
                                 lambda c, kk=kk: iota + (c * PTS + kk * L),
                                 None)
                return blk
            return roi_body

        def last_point_pass(buf, blk, go, cnt):
            ridx4 = (jnp.broadcast_to(blk * NB + go, (L,)) + iota) * 4
            x1 = plsc.load_gather(roi_v, [ridx4])
            y1 = plsc.load_gather(roi_v, [ridx4 + 1])
            x2 = plsc.load_gather(roi_v, [ridx4 + 2])
            y2 = plsc.load_gather(roi_v, [ridx4 + 3])
            px = x1 + jnp.maximum(x2 - x1, 1.0)
            py = y1 + jnp.maximum(y2 - y1, 1.0)
            mask = (iota < cnt) if cnt < L else None
            rvv = jnp.broadcast_to(go, (L,)) + iota
            interp_store(buf, rvv, px, py,
                         lambda c: jnp.full((L,), c * PTS + 48, jnp.int32),
                         mask)

        def make_fill(buf):
            def fill(blk):
                lax.fori_loop(0, NB, make_roi_body(buf), blk)
                for go in range(0, NB, L):
                    last_point_pass(buf, blk, go, min(L, NB - go))
            return fill

        bufs = (stg_a, stg_b)
        sems = (sem_a, sem_b)
        fills = (make_fill(stg_a), make_fill(stg_b))

        def dst(blk):
            return out_hbm.at[pl.ds(b * N + blk * NB, NB),
                              pl.ds(g * ROW, ROW)]

        def pair_body(p, carry):
            for h in range(2):
                blk = p * 2 + h

                @pl.when(p > 0)
                def _wait():
                    pltpu.make_async_copy(bufs[h], dst(0), sems[h]).wait()

                fills[h](blk)
                pltpu.make_async_copy(bufs[h], dst(blk), sems[h]).start()
            return carry

        lax.fori_loop(0, NBLK // 2, pair_body, 0)
        for h in range(2):
            pltpu.make_async_copy(bufs[h], dst(0), sems[h]).wait()

    return k


def kernel(features, rois):
    B, C, H, W = features.shape
    N = rois.shape[1]
    steps = jnp.linspace(0.0, 1.0, OUT)
    yg, xg = jnp.meshgrid(steps, steps, indexing="ij")
    pad = jnp.zeros((PPAD - PTS,), jnp.float32)
    ig = jnp.concatenate([yg.reshape(-1).astype(jnp.float32), pad])
    jg = jnp.concatenate([xg.reshape(-1).astype(jnp.float32), pad])
    fn = _build(B, C, H, W, N)
    rpad = ((N * 4 + L) + 127) // 128 * 128
    rois_flat = jnp.pad(
        rois.reshape(B, N * 4), ((0, 0), (0, rpad - N * 4))).reshape(-1)
    out = fn(features.reshape(B * C * H * W), rois_flat, ig, jg)
    return out.reshape(B * N, C, OUT, OUT)

# --- scband reference (transcript-rebuilt; emitter-appended) ---
"""Pipeline reference for scband-roialign-88227218195076 (READ-ONLY COPY).

The authoritative reference and input builder live on the scoring server;
editing this copy changes nothing except your own understanding.
"""

import jax, jax.numpy as jnp
import numpy as np

OUT_SIZE = 7


def _roi_align_one(feat, roi):
    # feat: [C, H, W], roi: [4] = (x1, y1, x2, y2)
    C, H, W = feat.shape
    x1, y1, x2, y2 = roi[0], roi[1], roi[2], roi[3]
    rw = jnp.maximum(x2 - x1, 1.0)
    rh = jnp.maximum(y2 - y1, 1.0)
    steps = jnp.linspace(0.0, 1.0, OUT_SIZE)
    yg, xg = jnp.meshgrid(steps, steps, indexing='ij')
    # torch code normalizes to [-1,1] then grid_sample(align_corners=True)
    # un-normalizes back to pixel coords, so sample locations are exactly:
    px = x1 + xg * rw
    py = y1 + yg * rh
    x0f = jnp.floor(px)
    y0f = jnp.floor(py)
    wx1 = px - x0f
    wx0 = 1.0 - wx1
    wy1 = py - y0f
    wy0 = 1.0 - wy1
    x0 = x0f.astype(jnp.int32)
    y0 = y0f.astype(jnp.int32)
    x1i = x0 + 1
    y1i = y0 + 1

    def corner(yi, xi, w):
        # zeros padding: out-of-bounds corner pixels contribute 0 (grid_sample default)
        valid = ((yi >= 0) & (yi <= H - 1) & (xi >= 0) & (xi <= W - 1)).astype(feat.dtype)
        yc = jnp.clip(yi, 0, H - 1)
        xc = jnp.clip(xi, 0, W - 1)
        vals = feat[:, yc, xc]  # gather -> [C, S, S]
        return vals * (w * valid)[None, :, :]

    out = (corner(y0, x0, wy0 * wx0)
           + corner(y0, x1i, wy0 * wx1)
           + corner(y1i, x0, wy1 * wx0)
           + corner(y1i, x1i, wy1 * wx1))
    return out  # [C, S, S]


def _forward(features, rois):
    B, C, H, W = features.shape
    N = rois.shape[1]
    per_batch = jax.vmap(lambda feat, rs: jax.vmap(lambda r: _roi_align_one(feat, r))(rs), in_axes=(0, 0))
    out = per_batch(features, rois)  # [B, N, C, S, S]
    return out.reshape(B * N, C, OUT_SIZE, OUT_SIZE)


def setup_inputs(seed: int = 0) -> dict:
    key = jax.random.key(seed)
    k1, k2, k3 = jax.random.split(key, 3)
    features = jax.random.normal(k1, (4, 64, 64, 64), dtype=jnp.float32)
    # rois: uniform random boxes fully inside the 64x64 feature map
    xy1 = jax.random.uniform(k2, (4, 2500, 2), minval=0.0, maxval=50.0, dtype=jnp.float32)
    wh = jax.random.uniform(k3, (4, 2500, 2), minval=1.0, maxval=13.0, dtype=jnp.float32)
    rois = jnp.concatenate([xy1, xy1 + wh], axis=-1)
    return {"features": features, "rois": rois}


def reference(features, rois):
    return _forward(features, rois)

if __name__ == "__main__":
    import jax
    _d = setup_inputs()
    print(jax.jit(kernel)(*tuple(_d.values())))

</pallas_src>

<mosaic_0001>
#map = affine_map<(d0, d1) -> (0)>
#map1 = affine_map<(d0, d1) -> (0, 0)>
module attributes {stable_mosaic.version = 14 : i64} {
  func.func @k(%arg0: i32, %arg1: i32, %arg2: memref<1048576xf32, #tpu.memory_space<hbm>>, %arg3: memref<40448xf32, #tpu.memory_space<hbm>>, %arg4: memref<64xf32, #tpu.memory_space<hbm>>, %arg5: memref<64xf32, #tpu.memory_space<hbm>>, %arg6: memref<10000x3136xf32, #tpu.memory_space<hbm>>, %arg7: memref<32768xf32, #tpu.memory_space<vmem>>, %arg8: memref<10112xf32, #tpu.memory_space<vmem>>, %arg9: memref<64xf32, #tpu.memory_space<vmem>>, %arg10: memref<64xf32, #tpu.memory_space<vmem>>, %arg11: memref<25x392xf32, #tpu.memory_space<vmem>>, %arg12: memref<25x392xf32, #tpu.memory_space<vmem>>, %arg13: memref<!tpu.dma_semaphore, #tpu.memory_space<semaphore_mem>>, %arg14: memref<!tpu.dma_semaphore, #tpu.memory_space<semaphore_mem>>) attributes {dimension_semantics = [#tpu.dimension_semantics<core_parallel>, #tpu.dimension_semantics<subcore_parallel>], iteration_bounds = array<i64: 2, 16>, scalar_prefetch = 0 : i64, scratch_operands = 8 : i64, tpu.core_type = #tpu.core_type<sc_vector_subcore>, window_params = [{transform_indices = #map}, {transform_indices = #map}, {transform_indices = #map}, {transform_indices = #map}, {transform_indices = #map1}]} {
    %mul3A = arith.constant 2 : i32
    %mul3A_0 = arith.muli %arg1, %mul3A : i32
    %add3A = arith.addi %mul3A_0, %arg0 : i32
    %jit3A = arith.constant 8 : i32
    %div3A = arith.divsi %add3A, %jit3A : i32
    %sign3A = arith.constant 0 : i32
    %sign3A_1 = arith.cmpi sgt, %add3A, %sign3A : i32
    %sign3A_2 = arith.extui %sign3A_1 : i1 to i32
    %sign3A_3 = arith.constant 0 : i32
    %sign3A_4 = arith.cmpi slt, %add3A, %sign3A_3 : i32
    %sign3A_5 = arith.extui %sign3A_4 : i1 to i32
    %sign3A_6 = arith.subi %sign3A_2, %sign3A_5 : i32
    %sign3A_7 = arith.constant 0 : i32
    %sign3A_8 = arith.cmpi sgt, %jit3A, %sign3A_7 : i32
    %sign3A_9 = arith.extui %sign3A_8 : i1 to i32
    %sign3A_10 = arith.constant 0 : i32
    %sign3A_11 = arith.cmpi slt, %jit3A, %sign3A_10 : i32
    %sign3A_12 = arith.extui %sign3A_11 : i1 to i32
    %sign3A_13 = arith.subi %sign3A_9, %sign3A_12 : i32
    %ne3A = arith.cmpi ne, %sign3A_6, %sign3A_13 : i32
    %rem3A = arith.remsi %add3A, %jit3A : i32
    %ne3A_14 = arith.constant 0 : i32
    %ne3A_15 = arith.cmpi ne, %rem3A, %ne3A_14 : i32
    %and3A = arith.andi %ne3A, %ne3A_15 : i1
    %sub3A = arith.constant 1 : i32
    %sub3A_16 = arith.subi %div3A, %sub3A : i32
    %select_n3A = arith.select %and3A, %sub3A_16, %div3A : i32
    %jit3A_17 = arith.constant 8 : i32
    %eq3A = arith.constant 0 : i32
    %eq3A_18 = arith.cmpi eq, %jit3A_17, %eq3A : i32
    %jit3A_19 = arith.constant 1 : i32
    %select_n3A_20 = arith.select %eq3A_18, %jit3A_19, %jit3A_17 : i32
    %rem3A_21 = arith.remsi %add3A, %select_n3A_20 : i32
    %ne3A_22 = arith.constant 0 : i32
    %ne3A_23 = arith.cmpi ne, %rem3A_21, %ne3A_22 : i32
    %lt3A = arith.constant 0 : i32
    %lt3A_24 = arith.cmpi slt, %rem3A_21, %lt3A : i32
    %lt3A_25 = arith.constant 0 : i32
    %lt3A_26 = arith.cmpi slt, %select_n3A_20, %lt3A_25 : i32
    %ne3A_27 = arith.xori %lt3A_24, %lt3A_26 : i1
    %and3A_28 = arith.andi %ne3A_27, %ne3A_23 : i1
    %add3A_29 = arith.addi %rem3A_21, %select_n3A_20 : i32
    %select_n3A_30 = arith.select %and3A_28, %add3A_29, %rem3A_21 : i32
    %mul3A_31 = arith.constant 64 : i32
    %mul3A_32 = arith.muli %select_n3A, %mul3A_31 : i32
    %mul3A_33 = arith.constant 8 : i32
    %mul3A_34 = arith.muli %select_n3A_30, %mul3A_33 : i32
    %add3A_35 = arith.addi %mul3A_32, %mul3A_34 : i32
    %mul3A_36 = arith.constant 64 : i32
    %mul3A_37 = arith.muli %add3A_35, %mul3A_36 : i32
    %mul3A_38 = arith.constant 64 : i32
    %mul3A_39 = arith.muli %mul3A_37, %mul3A_38 : i32
    "tpu.region"() ({
      %run_scoped3A = tpu.sem_alloc : memref<!tpu.dma_semaphore, #tpu.memory_space<semaphore_mem>>
      %dma_start3A = tpu.memref_slice %arg2[%mul3A_39] : memref<1048576xf32, #tpu.memory_space<hbm>> -> memref<32768xf32, #tpu.memory_space<hbm>>
      %dma_start3A_77 = tpu.memref_slice %arg2[%mul3A_39] : memref<1048576xf32, #tpu.memory_space<hbm>> -> memref<32768xf32, #tpu.memory_space<hbm>>
      tpu.enqueue_dma source(%dma_start3A_77 : memref<32768xf32, #tpu.memory_space<hbm>>) target(%arg7 : memref<32768xf32, #tpu.memory_space<vmem>>) target_semaphore(%run_scoped3A : memref<!tpu.dma_semaphore, #tpu.memory_space<semaphore_mem>>)
      %dma_wait3A_78 = tpu.memref_slice %arg2[%mul3A_39] : memref<1048576xf32, #tpu.memory_space<hbm>> -> memref<32768xf32, #tpu.memory_space<hbm>>
      %dma_wait3A_79 = tpu.memref_slice %arg2[%mul3A_39] : memref<1048576xf32, #tpu.memory_space<hbm>> -> memref<32768xf32, #tpu.memory_space<hbm>>
      tpu.wait_dma2 semaphore(%run_scoped3A : memref<!tpu.dma_semaphore, #tpu.memory_space<semaphore_mem>>) src(%dma_wait3A_79 : memref<32768xf32, #tpu.memory_space<hbm>>) dst(%arg7 : memref<32768xf32, #tpu.memory_space<vmem>>)
      tpu.yield
    }) : () -> ()
    %mul3A_40 = arith.constant 10112 : i32
    %mul3A_41 = arith.muli %select_n3A, %mul3A_40 : i32
    "tpu.region"() ({
      %run_scoped3A = tpu.sem_alloc : memref<!tpu.dma_semaphore, #tpu.memory_space<semaphore_mem>>
      %dma_start3A = tpu.memref_slice %arg3[%mul3A_41] : memref<40448xf32, #tpu.memory_space<hbm>> -> memref<10112xf32, #tpu.memory_space<hbm>>
      %dma_start3A_77 = tpu.memref_slice %arg3[%mul3A_41] : memref<40448xf32, #tpu.memory_space<hbm>> -> memref<10112xf32, #tpu.memory_space<hbm>>
      tpu.enqueue_dma source(%dma_start3A_77 : memref<10112xf32, #tpu.memory_space<hbm>>) target(%arg8 : memref<10112xf32, #tpu.memory_space<vmem>>) target_semaphore(%run_scoped3A : memref<!tpu.dma_semaphore, #tpu.memory_space<semaphore_mem>>)
      %dma_wait3A_78 = tpu.memref_slice %arg3[%mul3A_41] : memref<40448xf32, #tpu.memory_space<hbm>> -> memref<10112xf32, #tpu.memory_space<hbm>>
      %dma_wait3A_79 = tpu.memref_slice %arg3[%mul3A_41] : memref<40448xf32, #tpu.memory_space<hbm>> -> memref<10112xf32, #tpu.memory_space<hbm>>
      tpu.wait_dma2 semaphore(%run_scoped3A : memref<!tpu.dma_semaphore, #tpu.memory_space<semaphore_mem>>) src(%dma_wait3A_79 : memref<10112xf32, #tpu.memory_space<hbm>>) dst(%arg8 : memref<10112xf32, #tpu.memory_space<vmem>>)
      tpu.yield
    }) : () -> ()
    "tpu.region"() ({
      %run_scoped3A = tpu.sem_alloc : memref<!tpu.dma_semaphore, #tpu.memory_space<semaphore_mem>>
      tpu.enqueue_dma source(%arg4 : memref<64xf32, #tpu.memory_space<hbm>>) target(%arg9 : memref<64xf32, #tpu.memory_space<vmem>>) target_semaphore(%run_scoped3A : memref<!tpu.dma_semaphore, #tpu.memory_space<semaphore_mem>>)
      tpu.wait_dma2 semaphore(%run_scoped3A : memref<!tpu.dma_semaphore, #tpu.memory_space<semaphore_mem>>) src(%arg4 : memref<64xf32, #tpu.memory_space<hbm>>) dst(%arg9 : memref<64xf32, #tpu.memory_space<vmem>>)
      tpu.yield
    }) : () -> ()
    "tpu.region"() ({
      %run_scoped3A = tpu.sem_alloc : memref<!tpu.dma_semaphore, #tpu.memory_space<semaphore_mem>>
      tpu.enqueue_dma source(%arg5 : memref<64xf32, #tpu.memory_space<hbm>>) target(%arg10 : memref<64xf32, #tpu.memory_space<vmem>>) target_semaphore(%run_scoped3A : memref<!tpu.dma_semaphore, #tpu.memory_space<semaphore_mem>>)
      tpu.wait_dma2 semaphore(%run_scoped3A : memref<!tpu.dma_semaphore, #tpu.memory_space<semaphore_mem>>) src(%arg5 : memref<64xf32, #tpu.memory_space<hbm>>) dst(%arg10 : memref<64xf32, #tpu.memory_space<vmem>>)
      tpu.yield
    }) : () -> ()
    %iota3A = tpu.iota {dimensions = array<i32: 0>} : vector<16xi32>
    %broadcast_in_dim3A = arith.constant 0 : i32
    %broadcast_in_dim3A_42 = vector.broadcast %broadcast_in_dim3A : i32 to vector<16xi32>
    %broadcast_in_dim3A_43 = arith.constant 4096 : i32
    %broadcast_in_dim3A_44 = vector.broadcast %broadcast_in_dim3A_43 : i32 to vector<16xi32>
    %broadcast_in_dim3A_45 = arith.constant 8192 : i32
    %broadcast_in_dim3A_46 = vector.broadcast %broadcast_in_dim3A_45 : i32 to vector<16xi32>
    %broadcast_in_dim3A_47 = arith.constant 12288 : i32
    %broadcast_in_dim3A_48 = vector.broadcast %broadcast_in_dim3A_47 : i32 to vector<16xi32>
    %broadcast_in_dim3A_49 = arith.constant 16384 : i32
    %broadcast_in_dim3A_50 = vector.broadcast %broadcast_in_dim3A_49 : i32 to vector<16xi32>
    %broadcast_in_dim3A_51 = arith.constant 20480 : i32
    %broadcast_in_dim3A_52 = vector.broadcast %broadcast_in_dim3A_51 : i32 to vector<16xi32>
    %broadcast_in_dim3A_53 = arith.constant 24576 : i32
    %broadcast_in_dim3A_54 = vector.broadcast %broadcast_in_dim3A_53 : i32 to vector<16xi32>
    %broadcast_in_dim3A_55 = arith.constant 28672 : i32
    %broadcast_in_dim3A_56 = vector.broadcast %broadcast_in_dim3A_55 : i32 to vector<16xi32>
    %scan3A = arith.constant 0 : i32
    %scan3A_57 = arith.constant 0 : i32
    %scan3A_58 = arith.constant 50 : i32
    %scan3A_59 = arith.addi %scan3A_57, %scan3A_58 : i32
    %scan3A_60 = arith.constant 1 : i32
    scf.for %scan3A_77 = %scan3A_57 to %scan3A_59 step %scan3A_60  : i32 {
      %mul3A_78 = arith.constant 2 : i32
      %mul3A_79 = arith.muli %scan3A_77, %mul3A_78 : i32
      %add3A_80 = arith.constant 0 : i32
      %add3A_81 = arith.addi %mul3A_79, %add3A_80 : i32
      %gt3A = arith.constant 0 : i32
      %gt3A_82 = arith.cmpi sgt, %scan3A_77, %gt3A : i32
      %convert_element_type3A = arith.extui %gt3A_82 : i1 to i32
      %cond3A = arith.constant 0 : i32
      %cond3A_83 = arith.cmpi ne, %convert_element_type3A, %cond3A : i32
      scf.if %cond3A_83 {
        %mul3A_971 = arith.constant 2500 : i32
        %mul3A_972 = arith.muli %select_n3A, %mul3A_971 : i32
        %add3A_973 = arith.constant 0 : i32
        %add3A_974 = arith.addi %mul3A_972, %add3A_973 : i32
        %mul3A_975 = arith.constant 392 : i32
        %mul3A_976 = arith.muli %select_n3A_30, %mul3A_975 : i32
        %dma_wait3A_977 = tpu.memref_slice %arg6[%add3A_974, %mul3A_976] : memref<10000x3136xf32, #tpu.memory_space<hbm>> -> memref<25x392xf32, #tpu.memory_space<hbm>>
        %dma_wait3A_978 = tpu.memref_slice %arg6[%add3A_974, %mul3A_976] : memref<10000x3136xf32, #tpu.memory_space<hbm>> -> memref<25x392xf32, #tpu.memory_space<hbm>>
        tpu.wait_dma2 semaphore(%arg13 : memref<!tpu.dma_semaphore, #tpu.memory_space<semaphore_mem>>) src(%arg11 : memref<25x392xf32, #tpu.memory_space<vmem>>) dst(%dma_wait3A_978 : memref<25x392xf32, #tpu.memory_space<hbm>>)
      } else {
      }
      %scan3A_84 = arith.constant 0 : i32
      %scan3A_85 = arith.constant 25 : i32
      %scan3A_86 = arith.addi %scan3A_84, %scan3A_85 : i32
      %scan3A_87 = arith.constant 1 : i32
      scf.for %scan3A_971 = %scan3A_84 to %scan3A_86 step %scan3A_87  : i32 {
        %mul3A_972 = arith.constant 25 : i32
        %mul3A_973 = arith.muli %add3A_81, %mul3A_972 : i32
        %add3A_974 = arith.addi %mul3A_973, %scan3A_971 : i32
        %mul3A_975 = arith.constant 4 : i32
        %mul3A_976 = arith.muli %add3A_974, %mul3A_975 : i32
        %broadcast_in_dim3A_977 = vector.broadcast %mul3A_976 : i32 to vector<16xi32>
        %add3A_978 = arith.addi %broadcast_in_dim3A_977, %iota3A : vector<16xi32>
        %gather3A_979 = tpu.vector_load_idx %arg8[%add3A_978] : memref<10112xf32, #tpu.memory_space<vmem>>[vector<16xi32>], vector<16xf32>,
        %slice3A = vector.extract_strided_slice %gather3A_979 {offsets = [0], sizes = [1], strides = [1]} : vector<16xf32> to vector<1xf32>
        %squeeze3A = vector.extract %slice3A[0] : f32 from vector<1xf32>
        %slice3A_980 = vector.extract_strided_slice %gather3A_979 {offsets = [1], sizes = [1], strides = [1]} : vector<16xf32> to vector<1xf32>
        %squeeze3A_981 = vector.extract %slice3A_980[0] : f32 from vector<1xf32>
        %slice3A_982 = vector.extract_strided_slice %gather3A_979 {offsets = [2], sizes = [1], strides = [1]} : vector<16xf32> to vector<1xf32>
        %squeeze3A_983 = vector.extract %slice3A_982[0] : f32 from vector<1xf32>
        %sub3A_984 = arith.subf %squeeze3A_983, %squeeze3A : f32
        %max3A_985 = arith.constant 1.000000e+00 : f32
        %max3A_986 = arith.maximumf %sub3A_984, %max3A_985 : f32
        %slice3A_987 = vector.extract_strided_slice %gather3A_979 {offsets = [3], sizes = [1], strides = [1]} : vector<16xf32> to vector<1xf32>
        %squeeze3A_988 = vector.extract %slice3A_987[0] : f32 from vector<1xf32>
        %sub3A_989 = arith.subf %squeeze3A_988, %squeeze3A_981 : f32
        %max3A_990 = arith.constant 1.000000e+00 : f32
        %max3A_991 = arith.maximumf %sub3A_989, %max3A_990 : f32
        %broadcast_in_dim3A_992 = vector.broadcast %scan3A_971 : i32 to vector<16xi32>
        %get3A = arith.constant 0 : index
        %get3A_993 = tpu.vector_load %arg10[%get3A] {strides = array<i32>} : memref<64xf32, #tpu.memory_space<vmem>>, vector<16xf32>,
        %get3A_994 = arith.constant 0 : index
        %get3A_995 = tpu.vector_load %arg9[%get3A_994] {strides = array<i32>} : memref<64xf32, #tpu.memory_space<vmem>>, vector<16xf32>,
        %broadcast_in_dim3A_996 = vector.broadcast %squeeze3A : f32 to vector<16xf32>
        %mul3A_997 = vector.broadcast %max3A_986 : f32 to vector<16xf32>
        %mul3A_998 = arith.mulf %get3A_993, %mul3A_997 : vector<16xf32>
        %add3A_999 = arith.addf %broadcast_in_dim3A_996, %mul3A_998 : vector<16xf32>
        %broadcast_in_dim3A_1000 = vector.broadcast %squeeze3A_981 : f32 to vector<16xf32>
        %mul3A_1001 = vector.broadcast %max3A_991 : f32 to vector<16xf32>
        %mul3A_1002 = arith.mulf %get3A_995, %mul3A_1001 : vector<16xf32>
        %add3A_1003 = arith.addf %broadcast_in_dim3A_1000, %mul3A_1002 : vector<16xf32>
        %convert_element_type3A_1004 = arith.fptosi %add3A_999 : vector<16xf32> to vector<16xi32>
        %jit3A_1005 = arith.constant 0 : i32
        %jit3A_1006 = arith.constant 62 : i32
        %max3A_1007 = vector.broadcast %jit3A_1005 : i32 to vector<16xi32>
        %max3A_1008 = arith.maxsi %max3A_1007, %convert_element_type3A_1004 : vector<16xi32>
        %min3A_1009 = vector.broadcast %jit3A_1006 : i32 to vector<16xi32>
        %min3A_1010 = arith.minsi %min3A_1009, %max3A_1008 : vector<16xi32>
        %convert_element_type3A_1011 = arith.fptosi %add3A_1003 : vector<16xf32> to vector<16xi32>
        %jit3A_1012 = arith.constant 0 : i32
        %jit3A_1013 = arith.constant 62 : i32
        %max3A_1014 = vector.broadcast %jit3A_1012 : i32 to vector<16xi32>
        %max3A_1015 = arith.maxsi %max3A_1014, %convert_element_type3A_1011 : vector<16xi32>
        %min3A_1016 = vector.broadcast %jit3A_1013 : i32 to vector<16xi32>
        %min3A_1017 = arith.minsi %min3A_1016, %max3A_1015 : vector<16xi32>
        %convert_element_type3A_1018 = arith.sitofp %min3A_1010 : vector<16xi32> to vector<16xf32>
        %sub3A_1019 = arith.subf %add3A_999, %convert_element_type3A_1018 : vector<16xf32>
        %convert_element_type3A_1020 = arith.sitofp %min3A_1017 : vector<16xi32> to vector<16xf32>
        %sub3A_1021 = arith.subf %add3A_1003, %convert_element_type3A_1020 : vector<16xf32>
        %sub3A_1022 = arith.constant 1.000000e+00 : f32
        %sub3A_1023 = vector.broadcast %sub3A_1022 : f32 to vector<16xf32>
        %sub3A_1024 = arith.subf %sub3A_1023, %sub3A_1019 : vector<16xf32>
        %sub3A_1025 = arith.constant 1.000000e+00 : f32
        %sub3A_1026 = vector.broadcast %sub3A_1025 : f32 to vector<16xf32>
        %sub3A_1027 = arith.subf %sub3A_1026, %sub3A_1021 : vector<16xf32>
        %mul3A_1028 = arith.mulf %sub3A_1027, %sub3A_1024 : vector<16xf32>
        %mul3A_1029 = arith.mulf %sub3A_1027, %sub3A_1019 : vector<16xf32>
        %mul3A_1030 = arith.mulf %sub3A_1021, %sub3A_1024 : vector<16xf32>
        %mul3A_1031 = arith.mulf %sub3A_1021, %sub3A_1019 : vector<16xf32>
        %mul3A_1032 = arith.constant 64 : i32
        %mul3A_1033 = vector.broadcast %mul3A_1032 : i32 to vector<16xi32>
        %mul3A_1034 = arith.muli %min3A_1017, %mul3A_1033 : vector<16xi32>
        %add3A_1035 = arith.addi %mul3A_1034, %min3A_1010 : vector<16xi32>
        %add3A_1036 = arith.constant 1 : i32
        %add3A_1037 = vector.broadcast %add3A_1036 : i32 to vector<16xi32>
        %add3A_1038 = arith.addi %add3A_1035, %add3A_1037 : vector<16xi32>
        %add3A_1039 = arith.constant 64 : i32
        %add3A_1040 = vector.broadcast %add3A_1039 : i32 to vector<16xi32>
        %add3A_1041 = arith.addi %add3A_1035, %add3A_1040 : vector<16xi32>
        %add3A_1042 = arith.constant 1 : i32
        %add3A_1043 = vector.broadcast %add3A_1042 : i32 to vector<16xi32>
        %add3A_1044 = arith.addi %add3A_1041, %add3A_1043 : vector<16xi32>
        %add3A_1045 = arith.addi %add3A_1035, %broadcast_in_dim3A_42 : vector<16xi32>
        %gather3A_1046 = tpu.vector_load_idx %arg7[%add3A_1045] : memref<32768xf32, #tpu.memory_space<vmem>>[vector<16xi32>], vector<16xf32>,
        %add3A_1047 = arith.addi %add3A_1038, %broadcast_in_dim3A_42 : vector<16xi32>
        %gather3A_1048 = tpu.vector_load_idx %arg7[%add3A_1047] : memref<32768xf32, #tpu.memory_space<vmem>>[vector<16xi32>], vector<16xf32>,
        %add3A_1049 = arith.addi %add3A_1041, %broadcast_in_dim3A_42 : vector<16xi32>
        %gather3A_1050 = tpu.vector_load_idx %arg7[%add3A_1049] : memref<32768xf32, #tpu.memory_space<vmem>>[vector<16xi32>], vector<16xf32>,
        %add3A_1051 = arith.addi %add3A_1044, %broadcast_in_dim3A_42 : vector<16xi32>
        %gather3A_1052 = tpu.vector_load_idx %arg7[%add3A_1051] : memref<32768xf32, #tpu.memory_space<vmem>>[vector<16xi32>], vector<16xf32>,
        %mul3A_1053 = arith.mulf %gather3A_1046, %mul3A_1028 : vector<16xf32>
        %mul3A_1054 = arith.mulf %gather3A_1048, %mul3A_1029 : vector<16xf32>
        %add3A_1055 = arith.addf %mul3A_1053, %mul3A_1054 : vector<16xf32>
        %mul3A_1056 = arith.mulf %gather3A_1050, %mul3A_1030 : vector<16xf32>
        %add3A_1057 = arith.addf %add3A_1055, %mul3A_1056 : vector<16xf32>
        %mul3A_1058 = arith.mulf %gather3A_1052, %mul3A_1031 : vector<16xf32>
        %add3A_1059 = arith.addf %add3A_1057, %mul3A_1058 : vector<16xf32>
        %add3A_1060 = arith.constant 0 : i32
        %add3A_1061 = vector.broadcast %add3A_1060 : i32 to vector<16xi32>
        %add3A_1062 = arith.addi %iota3A, %add3A_1061 : vector<16xi32>
        tpu.vector_store_idx %arg11[%broadcast_in_dim3A_992, %add3A_1062], %add3A_1059 : memref<25x392xf32, #tpu.memory_space<vmem>>[vector<16xi32>, vector<16xi32>], vector<16xf32>,
        %add3A_1063 = arith.addi %add3A_1035, %broadcast_in_dim3A_44 : vector<16xi32>
        %gather3A_1064 = tpu.vector_load_idx %arg7[%add3A_1063] : memref<32768xf32, #tpu.memory_space<vmem>>[vector<16xi32>], vector<16xf32>,
        %add3A_1065 = arith.addi %add3A_1038, %broadcast_in_dim3A_44 : vector<16xi32>
        %gather3A_1066 = tpu.vector_load_idx %arg7[%add3A_1065] : memref<32768xf32, #tpu.memory_space<vmem>>[vector<16xi32>], vector<16xf32>,
        %add3A_1067 = arith.addi %add3A_1041, %broadcast_in_dim3A_44 : vector<16xi32>
        %gather3A_1068 = tpu.vector_load_idx %arg7[%add3A_1067] : memref<32768xf32, #tpu.memory_space<vmem>>[vector<16xi32>], vector<16xf32>,
        %add3A_1069 = arith.addi %add3A_1044, %broadcast_in_dim3A_44 : vector<16xi32>
        %gather3A_1070 = tpu.vector_load_idx %arg7[%add3A_1069] : memref<32768xf32, #tpu.memory_space<vmem>>[vector<16xi32>], vector<16xf32>,
        %mul3A_1071 = arith.mulf %gather3A_1064, %mul3A_1028 : vector<16xf32>
        %mul3A_1072 = arith.mulf %gather3A_1066, %mul3A_1029 : vector<16xf32>
        %add3A_1073 = arith.addf %mul3A_1071, %mul3A_1072 : vector<16xf32>
        %mul3A_1074 = arith.mulf %gather3A_1068, %mul3A_1030 : vector<16xf32>
        %add3A_1075 = arith.addf %add3A_1073, %mul3A_1074 : vector<16xf32>
        %mul3A_1076 = arith.mulf %gather3A_1070, %mul3A_1031 : vector<16xf32>
        %add3A_1077 = arith.addf %add3A_1075, %mul3A_1076 : vector<16xf32>
        %add3A_1078 = arith.constant 49 : i32
        %add3A_1079 = vector.broadcast %add3A_1078 : i32 to vector<16xi32>
        %add3A_1080 = arith.addi %iota3A, %add3A_1079 : vector<16xi32>
        tpu.vector_store_idx %arg11[%broadcast_in_dim3A_992, %add3A_1080], %add3A_1077 : memref<25x392xf32, #tpu.memory_space<vmem>>[vector<16xi32>, vector<16xi32>], vector<16xf32>,
        %add3A_1081 = arith.addi %add3A_1035, %broadcast_in_dim3A_46 : vector<16xi32>
        %gather3A_1082 = tpu.vector_load_idx %arg7[%add3A_1081] : memref<32768xf32, #tpu.memory_space<vmem>>[vector<16xi32>], vector<16xf32>,
        %add3A_1083 = arith.addi %add3A_1038, %broadcast_in_dim3A_46 : vector<16xi32>
        %gather3A_1084 = tpu.vector_load_idx %arg7[%add3A_1083] : memref<32768xf32, #tpu.memory_space<vmem>>[vector<16xi32>], vector<16xf32>,
        %add3A_1085 = arith.addi %add3A_1041, %broadcast_in_dim3A_46 : vector<16xi32>
        %gather3A_1086 = tpu.vector_load_idx %arg7[%add3A_1085] : memref<32768xf32, #tpu.memory_space<vmem>>[vector<16xi32>], vector<16xf32>,
        %add3A_1087 = arith.addi %add3A_1044, %broadcast_in_dim3A_46 : vector<16xi32>
        %gather3A_1088 = tpu.vector_load_idx %arg7[%add3A_1087] : memref<32768xf32, #tpu.memory_space<vmem>>[vector<16xi32>], vector<16xf32>,
        %mul3A_1089 = arith.mulf %gather3A_1082, %mul3A_1028 : vector<16xf32>
        %mul3A_1090 = arith.mulf %gather3A_1084, %mul3A_1029 : vector<16xf32>
        %add3A_1091 = arith.addf %mul3A_1089, %mul3A_1090 : vector<16xf32>
        %mul3A_1092 = arith.mulf %gather3A_1086, %mul3A_1030 : vector<16xf32>
        %add3A_1093 = arith.addf %add3A_1091, %mul3A_1092 : vector<16xf32>
        %mul3A_1094 = arith.mulf %gather3A_1088, %mul3A_1031 : vector<16xf32>
        %add3A_1095 = arith.addf %add3A_1093, %mul3A_1094 : vector<16xf32>
        %add3A_1096 = arith.constant 98 : i32
        %add3A_1097 = vector.broadcast %add3A_1096 : i32 to vector<16xi32>
        %add3A_1098 = arith.addi %iota3A, %add3A_1097 : vector<16xi32>
        tpu.vector_store_idx %arg11[%broadcast_in_dim3A_992, %add3A_1098], %add3A_1095 : memref<25x392xf32, #tpu.memory_space<vmem>>[vector<16xi32>, vector<16xi32>], vector<16xf32>,
        %add3A_1099 = arith.addi %add3A_1035, %broadcast_in_dim3A_48 : vector<16xi32>
        %gather3A_1100 = tpu.vector_load_idx %arg7[%add3A_1099] : memref<32768xf32, #tpu.memory_space<vmem>>[vector<16xi32>], vector<16xf32>,
        %add3A_1101 = arith.addi %add3A_1038, %broadcast_in_dim3A_48 : vector<16xi32>
        %gather3A_1102 = tpu.vector_load_idx %arg7[%add3A_1101] : memref<32768xf32, #tpu.memory_space<vmem>>[vector<16xi32>], vector<16xf32>,
        %add3A_1103 = arith.addi %add3A_1041, %broadcast_in_dim3A_48 : vector<16xi32>
        %gather3A_1104 = tpu.vector_load_idx %arg7[%add3A_1103] : memref<32768xf32, #tpu.memory_space<vmem>>[vector<16xi32>], vector<16xf32>,
        %add3A_1105 = arith.addi %add3A_1044, %broadcast_in_dim3A_48 : vector<16xi32>
        %gather3A_1106 = tpu.vector_load_idx %arg7[%add3A_1105] : memref<32768xf32, #tpu.memory_space<vmem>>[vector<16xi32>], vector<16xf32>,
        %mul3A_1107 = arith.mulf %gather3A_1100, %mul3A_1028 : vector<16xf32>
        %mul3A_1108 = arith.mulf %gather3A_1102, %mul3A_1029 : vector<16xf32>
        %add3A_1109 = arith.addf %mul3A_1107, %mul3A_1108 : vector<16xf32>
        %mul3A_1110 = arith.mulf %gather3A_1104, %mul3A_1030 : vector<16xf32>
        %add3A_1111 = arith.addf %add3A_1109, %mul3A_1110 : vector<16xf32>
        %mul3A_1112 = arith.mulf %gather3A_1106, %mul3A_1031 : vector<16xf32>
        %add3A_1113 = arith.addf %add3A_1111, %mul3A_1112 : vector<16xf32>
        %add3A_1114 = arith.constant 147 : i32
        %add3A_1115 = vector.broadcast %add3A_1114 : i32 to vector<16xi32>
        %add3A_1116 = arith.addi %iota3A, %add3A_1115 : vector<16xi32>
        tpu.vector_store_idx %arg11[%broadcast_in_dim3A_992, %add3A_1116], %add3A_1113 : memref<25x392xf32, #tpu.memory_space<vmem>>[vector<16xi32>, vector<16xi32>], vector<16xf32>,
        %add3A_1117 = arith.addi %add3A_1035, %broadcast_in_dim3A_50 : vector<16xi32>
        %gather3A_1118 = tpu.vector_load_idx %arg7[%add3A_1117] : memref<32768xf32, #tpu.memory_space<vmem>>[vector<16xi32>], vector<16xf32>,
        %add3A_1119 = arith.addi %add3A_1038, %broadcast_in_dim3A_50 : vector<16xi32>
        %gather3A_1120 = tpu.vector_load_idx %arg7[%add3A_1119] : memref<32768xf32, #tpu.memory_space<vmem>>[vector<16xi32>], vector<16xf32>,
        %add3A_1121 = arith.addi %add3A_1041, %broadcast_in_dim3A_50 : vector<16xi32>
        %gather3A_1122 = tpu.vector_load_idx %arg7[%add3A_1121] : memref<32768xf32, #tpu.memory_space<vmem>>[vector<16xi32>], vector<16xf32>,
        %add3A_1123 = arith.addi %add3A_1044, %broadcast_in_dim3A_50 : vector<16xi32>
        %gather3A_1124 = tpu.vector_load_idx %arg7[%add3A_1123] : memref<32768xf32, #tpu.memory_space<vmem>>[vector<16xi32>], vector<16xf32>,
        %mul3A_1125 = arith.mulf %gather3A_1118, %mul3A_1028 : vector<16xf32>
        %mul3A_1126 = arith.mulf %gather3A_1120, %mul3A_1029 : vector<16xf32>
        %add3A_1127 = arith.addf %mul3A_1125, %mul3A_1126 : vector<16xf32>
        %mul3A_1128 = arith.mulf %gather3A_1122, %mul3A_1030 : vector<16xf32>
        %add3A_1129 = arith.addf %add3A_1127, %mul3A_1128 : vector<16xf32>
        %mul3A_1130 = arith.mulf %gather3A_1124, %mul3A_1031 : vector<16xf32>
        %add3A_1131 = arith.addf %add3A_1129, %mul3A_1130 : vector<16xf32>
        %add3A_1132 = arith.constant 196 : i32
        %add3A_1133 = vector.broadcast %add3A_1132 : i32 to vector<16xi32>
        %add3A_1134 = arith.addi %iota3A, %add3A_1133 : vector<16xi32>
        tpu.vector_store_idx %arg11[%broadcast_in_dim3A_992, %add3A_1134], %add3A_1131 : memref<25x392xf32, #tpu.memory_space<vmem>>[vector<16xi32>, vector<16xi32>], vector<16xf32>,
        %add3A_1135 = arith.addi %add3A_1035, %broadcast_in_dim3A_52 : vector<16xi32>
        %gather3A_1136 = tpu.vector_load_idx %arg7[%add3A_1135] : memref<32768xf32, #tpu.memory_space<vmem>>[vector<16xi32>], vector<16xf32>,
        %add3A_1137 = arith.addi %add3A_1038, %broadcast_in_dim3A_52 : vector<16xi32>
        %gather3A_1138 = tpu.vector_load_idx %arg7[%add3A_1137] : memref<32768xf32, #tpu.memory_space<vmem>>[vector<16xi32>], vector<16xf32>,
        %add3A_1139 = arith.addi %add3A_1041, %broadcast_in_dim3A_52 : vector<16xi32>
        %gather3A_1140 = tpu.vector_load_idx %arg7[%add3A_1139] : memref<32768xf32, #tpu.memory_space<vmem>>[vector<16xi32>], vector<16xf32>,
        %add3A_1141 = arith.addi %add3A_1044, %broadcast_in_dim3A_52 : vector<16xi32>
        %gather3A_1142 = tpu.vector_load_idx %arg7[%add3A_1141] : memref<32768xf32, #tpu.memory_space<vmem>>[vector<16xi32>], vector<16xf32>,
        %mul3A_1143 = arith.mulf %gather3A_1136, %mul3A_1028 : vector<16xf32>
        %mul3A_1144 = arith.mulf %gather3A_1138, %mul3A_1029 : vector<16xf32>
        %add3A_1145 = arith.addf %mul3A_1143, %mul3A_1144 : vector<16xf32>
        %mul3A_1146 = arith.mulf %gather3A_1140, %mul3A_1030 : vector<16xf32>
        %add3A_1147 = arith.addf %add3A_1145, %mul3A_1146 : vector<16xf32>
        %mul3A_1148 = arith.mulf %gather3A_1142, %mul3A_1031 : vector<16xf32>
        %add3A_1149 = arith.addf %add3A_1147, %mul3A_1148 : vector<16xf32>
        %add3A_1150 = arith.constant 245 : i32
        %add3A_1151 = vector.broadcast %add3A_1150 : i32 to vector<16xi32>
        %add3A_1152 = arith.addi %iota3A, %add3A_1151 : vector<16xi32>
        tpu.vector_store_idx %arg11[%broadcast_in_dim3A_992, %add3A_1152], %add3A_1149 : memref<25x392xf32, #tpu.memory_space<vmem>>[vector<16xi32>, vector<16xi32>], vector<16xf32>,
        %add3A_1153 = arith.addi %add3A_1035, %broadcast_in_dim3A_54 : vector<16xi32>
        %gather3A_1154 = tpu.vector_load_idx %arg7[%add3A_1153] : memref<32768xf32, #tpu.memory_space<vmem>>[vector<16xi32>], vector<16xf32>,
        %add3A_1155 = arith.addi %add3A_1038, %broadcast_in_dim3A_54 : vector<16xi32>
        %gather3A_1156 = tpu.vector_load_idx %arg7[%add3A_1155] : memref<32768xf32, #tpu.memory_space<vmem>>[vector<16xi32>], vector<16xf32>,
        %add3A_1157 = arith.addi %add3A_1041, %broadcast_in_dim3A_54 : vector<16xi32>
        %gather3A_1158 = tpu.vector_load_idx %arg7[%add3A_1157] : memref<32768xf32, #tpu.memory_space<vmem>>[vector<16xi32>], vector<16xf32>,
        %add3A_1159 = arith.addi %add3A_1044, %broadcast_in_dim3A_54 : vector<16xi32>
        %gather3A_1160 = tpu.vector_load_idx %arg7[%add3A_1159] : memref<32768xf32, #tpu.memory_space<vmem>>[vector<16xi32>], vector<16xf32>,
        %mul3A_1161 = arith.mulf %gather3A_1154, %mul3A_1028 : vector<16xf32>
        %mul3A_1162 = arith.mulf %gather3A_1156, %mul3A_1029 : vector<16xf32>
        %add3A_1163 = arith.addf %mul3A_1161, %mul3A_1162 : vector<16xf32>
        %mul3A_1164 = arith.mulf %gather3A_1158, %mul3A_1030 : vector<16xf32>
        %add3A_1165 = arith.addf %add3A_1163, %mul3A_1164 : vector<16xf32>
        %mul3A_1166 = arith.mulf %gather3A_1160, %mul3A_1031 : vector<16xf32>
        %add3A_1167 = arith.addf %add3A_1165, %mul3A_1166 : vector<16xf32>
        %add3A_1168 = arith.constant 294 : i32
        %add3A_1169 = vector.broadcast %add3A_1168 : i32 to vector<16xi32>
        %add3A_1170 = arith.addi %iota3A, %add3A_1169 : vector<16xi32>
        tpu.vector_store_idx %arg11[%broadcast_in_dim3A_992, %add3A_1170], %add3A_1167 : memref<25x392xf32, #tpu.memory_space<vmem>>[vector<16xi32>, vector<16xi32>], vector<16xf32>,
        %add3A_1171 = arith.addi %add3A_1035, %broadcast_in_dim3A_56 : vector<16xi32>
        %gather3A_1172 = tpu.vector_load_idx %arg7[%add3A_1171] : memref<32768xf32, #tpu.memory_space<vmem>>[vector<16xi32>], vector<16xf32>,
        %add3A_1173 = arith.addi %add3A_1038, %broadcast_in_dim3A_56 : vector<16xi32>
        %gather3A_1174 = tpu.vector_load_idx %arg7[%add3A_1173] : memref<32768xf32, #tpu.memory_space<vmem>>[vector<16xi32>], vector<16xf32>,
        %add3A_1175 = arith.addi %add3A_1041, %broadcast_in_dim3A_56 : vector<16xi32>
        %gather3A_1176 = tpu.vector_load_idx %arg7[%add3A_1175] : memref<32768xf32, #tpu.memory_space<vmem>>[vector<16xi32>], vector<16xf32>,
        %add3A_1177 = arith.addi %add3A_1044, %broadcast_in_dim3A_56 : vector<16xi32>
        %gather3A_1178 = tpu.vector_load_idx %arg7[%add3A_1177] : memref<32768xf32, #tpu.memory_space<vmem>>[vector<16xi32>], vector<16xf32>,
        %mul3A_1179 = arith.mulf %gather3A_1172, %mul3A_1028 : vector<16xf32>
        %mul3A_1180 = arith.mulf %gather3A_1174, %mul3A_1029 : vector<16xf32>
        %add3A_1181 = arith.addf %mul3A_1179, %mul3A_1180 : vector<16xf32>
        %mul3A_1182 = arith.mulf %gather3A_1176, %mul3A_1030 : vector<16xf32>
        %add3A_1183 = arith.addf %add3A_1181, %mul3A_1182 : vector<16xf32>
        %mul3A_1184 = arith.mulf %gather3A_1178, %mul3A_1031 : vector<16xf32>
        %add3A_1185 = arith.addf %add3A_1183, %mul3A_1184 : vector<16xf32>
        %add3A_1186 = arith.constant 343 : i32
        %add3A_1187 = vector.broadcast %add3A_1186 : i32 to vector<16xi32>
        %add3A_1188 = arith.addi %iota3A, %add3A_1187 : vector<16xi32>
        tpu.vector_store_idx %arg11[%broadcast_in_dim3A_992, %add3A_1188], %add3A_1185 : memref<25x392xf32, #tpu.memory_space<vmem>>[vector<16xi32>, vector<16xi32>], vector<16xf32>,
        %get3A_1189 = arith.constant 16 : index
        %get3A_1190 = tpu.vector_load %arg10[%get3A_1189] {strides = array<i32>} : memref<64xf32, #tpu.memory_space<vmem>>, vector<16xf32>,
        %get3A_1191 = arith.constant 16 : index
        %get3A_1192 = tpu.vector_load %arg9[%get3A_1191] {strides = array<i32>} : memref<64xf32, #tpu.memory_space<vmem>>, vector<16xf32>,
        %broadcast_in_dim3A_1193 = vector.broadcast %squeeze3A : f32 to vector<16xf32>
        %mul3A_1194 = vector.broadcast %max3A_986 : f32 to vector<16xf32>
        %mul3A_1195 = arith.mulf %get3A_1190, %mul3A_1194 : vector<16xf32>
        %add3A_1196 = arith.addf %broadcast_in_dim3A_1193, %mul3A_1195 : vector<16xf32>
        %broadcast_in_dim3A_1197 = vector.broadcast %squeeze3A_981 : f32 to vector<16xf32>
        %mul3A_1198 = vector.broadcast %max3A_991 : f32 to vector<16xf32>
        %mul3A_1199 = arith.mulf %get3A_1192, %mul3A_1198 : vector<16xf32>
        %add3A_1200 = arith.addf %broadcast_in_dim3A_1197, %mul3A_1199 : vector<16xf32>
        %convert_element_type3A_1201 = arith.fptosi %add3A_1196 : vector<16xf32> to vector<16xi32>
        %jit3A_1202 = arith.constant 0 : i32
        %jit3A_1203 = arith.constant 62 : i32
        %max3A_1204 = vector.broadcast %jit3A_1202 : i32 to vector<16xi32>
        %max3A_1205 = arith.maxsi %max3A_1204, %convert_element_type3A_1201 : vector<16xi32>
        %min3A_1206 = vector.broadcast %jit3A_1203 : i32 to vector<16xi32>
        %min3A_1207 = arith.minsi %min3A_1206, %max3A_1205 : vector<16xi32>
        %convert_element_type3A_1208 = arith.fptosi %add3A_1200 : vector<16xf32> to vector<16xi32>
        %jit3A_1209 = arith.constant 0 : i32
        %jit3A_1210 = arith.constant 62 : i32
        %max3A_1211 = vector.broadcast %jit3A_1209 : i32 to vector<16xi32>
        %max3A_1212 = arith.maxsi %max3A_1211, %convert_element_type3A_1208 : vector<16xi32>
        %min3A_1213 = vector.broadcast %jit3A_1210 : i32 to vector<16xi32>
        %min3A_1214 = arith.minsi %min3A_1213, %max3A_1212 : vector<16xi32>
        %convert_element_type3A_1215 = arith.sitofp %min3A_1207 : vector<16xi32> to vector<16xf32>
        %sub3A_1216 = arith.subf %add3A_1196, %convert_element_type3A_1215 : vector<16xf32>
        %convert_element_type3A_1217 = arith.sitofp %min3A_1214 : vector<16xi32> to vector<16xf32>
        %sub3A_1218 = arith.subf %add3A_1200, %convert_element_type3A_1217 : vector<16xf32>
        %sub3A_1219 = arith.constant 1.000000e+00 : f32
        %sub3A_1220 = vector.broadcast %sub3A_1219 : f32 to vector<16xf32>
        %sub3A_1221 = arith.subf %sub3A_1220, %sub3A_1216 : vector<16xf32>
        %sub3A_1222 = arith.constant 1.000000e+00 : f32
        %sub3A_1223 = vector.broadcast %sub3A_1222 : f32 to vector<16xf32>
        %sub3A_1224 = arith.subf %sub3A_1223, %sub3A_1218 : vector<16xf32>
        %mul3A_1225 = arith.mulf %sub3A_1224, %sub3A_1221 : vector<16xf32>
        %mul3A_1226 = arith.mulf %sub3A_1224, %sub3A_1216 : vector<16xf32>
        %mul3A_1227 = arith.mulf %sub3A_1218, %sub3A_1221 : vector<16xf32>
        %mul3A_1228 = arith.mulf %sub3A_1218, %sub3A_1216 : vector<16xf32>
        %mul3A_1229 = arith.constant 64 : i32
        %mul3A_1230 = vector.broadcast %mul3A_1229 : i32 to vector<16xi32>
        %mul3A_1231 = arith.muli %min3A_1214, %mul3A_1230 : vector<16xi32>
        %add3A_1232 = arith.addi %mul3A_1231, %min3A_1207 : vector<16xi32>
        %add3A_1233 = arith.constant 1 : i32
        %add3A_1234 = vector.broadcast %add3A_1233 : i32 to vector<16xi32>
        %add3A_1235 = arith.addi %add3A_1232, %add3A_1234 : vector<16xi32>
        %add3A_1236 = arith.constant 64 : i32
        %add3A_1237 = vector.broadcast %add3A_1236 : i32 to vector<16xi32>
        %add3A_1238 = arith.addi %add3A_1232, %add3A_1237 : vector<16xi32>
        %add3A_1239 = arith.constant 1 : i32
        %add3A_1240 = vector.broadcast %add3A_1239 : i32 to vector<16xi32>
        %add3A_1241 = arith.addi %add3A_1238, %add3A_1240 : vector<16xi32>
        %add3A_1242 = arith.addi %add3A_1232, %broadcast_in_dim3A_42 : vector<16xi32>
        %gather3A_1243 = tpu.vector_load_idx %arg7[%add3A_1242] : memref<32768xf32, #tpu.memory_space<vmem>>[vector<16xi32>], vector<16xf32>,
        %add3A_1244 = arith.addi %add3A_1235, %broadcast_in_dim3A_42 : vector<16xi32>
        %gather3A_1245 = tpu.vector_load_idx %arg7[%add3A_1244] : memref<32768xf32, #tpu.memory_space<vmem>>[vector<16xi32>], vector<16xf32>,
        %add3A_1246 = arith.addi %add3A_1238, %broadcast_in_dim3A_42 : vector<16xi32>
        %gather3A_1247 = tpu.vector_load_idx %arg7[%add3A_1246] : memref<32768xf32, #tpu.memory_space<vmem>>[vector<16xi32>], vector<16xf32>,
        %add3A_1248 = arith.addi %add3A_1241, %broadcast_in_dim3A_42 : vector<16xi32>
        %gather3A_1249 = tpu.vector_load_idx %arg7[%add3A_1248] : memref<32768xf32, #tpu.memory_space<vmem>>[vector<16xi32>], vector<16xf32>,
        %mul3A_1250 = arith.mulf %gather3A_1243, %mul3A_1225 : vector<16xf32>
        %mul3A_1251 = arith.mulf %gather3A_1245, %mul3A_1226 : vector<16xf32>
        %add3A_1252 = arith.addf %mul3A_1250, %mul3A_1251 : vector<16xf32>
        %mul3A_1253 = arith.mulf %gather3A_1247, %mul3A_1227 : vector<16xf32>
        %add3A_1254 = arith.addf %add3A_1252, %mul3A_1253 : vector<16xf32>
        %mul3A_1255 = arith.mulf %gather3A_1249, %mul3A_1228 : vector<16xf32>
        %add3A_1256 = arith.addf %add3A_1254, %mul3A_1255 : vector<16xf32>
        %add3A_1257 = arith.constant 16 : i32
        %add3A_1258 = vector.broadcast %add3A_1257 : i32 to vector<16xi32>
        %add3A_1259 = arith.addi %iota3A, %add3A_1258 : vector<16xi32>
        tpu.vector_store_idx %arg11[%broadcast_in_dim3A_992, %add3A_1259], %add3A_1256 : memref<25x392xf32, #tpu.memory_space<vmem>>[vector<16xi32>, vector<16xi32>], vector<16xf32>,
        %add3A_1260 = arith.addi %add3A_1232, %broadcast_in_dim3A_44 : vector<16xi32>
        %gather3A_1261 = tpu.vector_load_idx %arg7[%add3A_1260] : memref<32768xf32, #tpu.memory_space<vmem>>[vector<16xi32>], vector<16xf32>,
        %add3A_1262 = arith.addi %add3A_1235, %broadcast_in_dim3A_44 : vector<16xi32>
        %gather3A_1263 = tpu.vector_load_idx %arg7[%add3A_1262] : memref<32768xf32, #tpu.memory_space<vmem>>[vector<16xi32>], vector<16xf32>,
        %add3A_1264 = arith.addi %add3A_1238, %broadcast_in_dim3A_44 : vector<16xi32>
        %gather3A_1265 = tpu.vector_load_idx %arg7[%add3A_1264] : memref<32768xf32, #tpu.memory_space<vmem>>[vector<16xi32>], vector<16xf32>,
        %add3A_1266 = arith.addi %add3A_1241, %broadcast_in_dim3A_44 : vector<16xi32>
        %gather3A_1267 = tpu.vector_load_idx %arg7[%add3A_1266] : memref<32768xf32, #tpu.memory_space<vmem>>[vector<16xi32>], vector<16xf32>,
        %mul3A_1268 = arith.mulf %gather3A_1261, %mul3A_1225 : vector<16xf32>
        %mul3A_1269 = arith.mulf %gather3A_1263, %mul3A_1226 : vector<16xf32>
        %add3A_1270 = arith.addf %mul3A_1268, %mul3A_1269 : vector<16xf32>
        %mul3A_1271 = arith.mulf %gather3A_1265, %mul3A_1227 : vector<16xf32>
        %add3A_1272 = arith.addf %add3A_1270, %mul3A_1271 : vector<16xf32>
        %mul3A_1273 = arith.mulf %gather3A_1267, %mul3A_1228 : vector<16xf32>
        %add3A_1274 = arith.addf %add3A_1272, %mul3A_1273 : vector<16xf32>
        %add3A_1275 = arith.constant 65 : i32
        %add3A_1276 = vector.broadcast %add3A_1275 : i32 to vector<16xi32>
        %add3A_1277 = arith.addi %iota3A, %add3A_1276 : vector<16xi32>
        tpu.vector_store_idx %arg11[%broadcast_in_dim3A_992, %add3A_1277], %add3A_1274 : memref<25x392xf32, #tpu.memory_space<vmem>>[vector<16xi32>, vector<16xi32>], vector<16xf32>,
        %add3A_1278 = arith.addi %add3A_1232, %broadcast_in_dim3A_46 : vector<16xi32>
        %gather3A_1279 = tpu.vector_load_idx %arg7[%add3A_1278] : memref<32768xf32, #tpu.memory_space<vmem>>[vector<16xi32>], vector<16xf32>,
        %add3A_1280 = arith.addi %add3A_1235, %broadcast_in_dim3A_46 : vector<16xi32>
        %gather3A_1281 = tpu.vector_load_idx %arg7[%add3A_1280] : memref<32768xf32, #tpu.memory_space<vmem>>[vector<16xi32>], vector<16xf32>,
        %add3A_1282 = arith.addi %add3A_1238, %broadcast_in_dim3A_46 : vector<16xi32>
        %gather3A_1283 = tpu.vector_load_idx %arg7[%add3A_1282] : memref<32768xf32, #tpu.memory_space<vmem>>[vector<16xi32>], vector<16xf32>,
        %add3A_1284 = arith.addi %add3A_1241, %broadcast_in_dim3A_46 : vector<16xi32>
        %gather3A_1285 = tpu.vector_load_idx %arg7[%add3A_1284] : memref<32768xf32, #tpu.memory_space<vmem>>[vector<16xi32>], vector<16xf32>,
        %mul3A_1286 = arith.mulf %gather3A_1279, %mul3A_1225 : vector<16xf32>
        %mul3A_1287 = arith.mulf %gather3A_1281, %mul3A_1226 : vector<16xf32>
        %add3A_1288 = arith.addf %mul3A_1286, %mul3A_1287 : vector<16xf32>
        %mul3A_1289 = arith.mulf %gather3A_1283, %mul3A_1227 : vector<16xf32>
        %add3A_1290 = arith.addf %add3A_1288, %mul3A_1289 : vector<16xf32>
        %mul3A_1291 = arith.mulf %gather3A_1285, %mul3A_1228 : vector<16xf32>
        %add3A_1292 = arith.addf %add3A_1290, %mul3A_1291 : vector<16xf32>
        %add3A_1293 = arith.constant 114 : i32
        %add3A_1294 = vector.broadcast %add3A_1293 : i32 to vector<16xi32>
        %add3A_1295 = arith.addi %iota3A, %add3A_1294 : vector<16xi32>
        tpu.vector_store_idx %arg11[%broadcast_in_dim3A_992, %add3A_1295], %add3A_1292 : memref<25x392xf32, #tpu.memory_space<vmem>>[vector<16xi32>, vector<16xi32>], vector<16xf32>,
        %add3A_1296 = arith.addi %add3A_1232, %broadcast_in_dim3A_48 : vector<16xi32>
        %gather3A_1297 = tpu.vector_load_idx %arg7[%add3A_1296] : memref<32768xf32, #tpu.memory_space<vmem>>[vector<16xi32>], vector<16xf32>,
        %add3A_1298 = arith.addi %add3A_1235, %broadcast_in_dim3A_48 : vector<16xi32>
        %gather3A_1299 = tpu.vector_load_idx %arg7[%add3A_1298] : memref<32768xf32, #tpu.memory_space<vmem>>[vector<16xi32>], vector<16xf32>,
        %add3A_1300 = arith.addi %add3A_1238, %broadcast_in_dim3A_48 : vector<16xi32>
        %gather3A_1301 = tpu.vector_load_idx %arg7[%add3A_1300] : memref<32768xf32, #tpu.memory_space<vmem>>[vector<16xi32>], vector<16xf32>,
        %add3A_1302 = arith.addi %add3A_1241, %broadcast_in_dim3A_48 : vector<16xi32>
        %gather3A_1303 = tpu.vector_load_idx %arg7[%add3A_1302] : memref<32768xf32, #tpu.memory_space<vmem>>[vector<16xi32>], vector<16xf32>,
        %mul3A_1304 = arith.mulf %gather3A_1297, %mul3A_1225 : vector<16xf32>
        %mul3A_1305 = arith.mulf %gather3A_1299, %mul3A_1226 : vector<16xf32>
        %add3A_1306 = arith.addf %mul3A_1304, %mul3A_1305 : vector<16xf32>
        %mul3A_1307 = arith.mulf %gather3A_1301, %mul3A_1227 : vector<16xf32>
        %add3A_1308 = arith.addf %add3A_1306, %mul3A_1307 : vector<16xf32>
        %mul3A_1309 = arith.mulf %gather3A_1303, %mul3A_1228 : vector<16xf32>
        %add3A_1310 = arith.addf %add3A_1308, %mul3A_1309 : vector<16xf32>
        %add3A_1311 = arith.constant 163 : i32
        %add3A_1312 = vector.broadcast %add3A_1311 : i32 to vector<16xi32>
        %add3A_1313 = arith.addi %iota3A, %add3A_1312 : vector<16xi32>
        tpu.vector_store_idx %arg11[%broadcast_in_dim3A_992, %add3A_1313], %add3A_1310 : memref<25x392xf32, #tpu.memory_space<vmem>>[vector<16xi32>, vector<16xi32>], vector<16xf32>,
        %add3A_1314 = arith.addi %add3A_1232, %broadcast_in_dim3A_50 : vector<16xi32>
        %gather3A_1315 = tpu.vector_load_idx %arg7[%add3A_1314] : memref<32768xf32, #tpu.memory_space<vmem>>[vector<16xi32>], vector<16xf32>,
        %add3A_1316 = arith.addi %add3A_1235, %broadcast_in_dim3A_50 : vector<16xi32>
        %gather3A_1317 = tpu.vector_load_idx %arg7[%add3A_1316] : memref<32768xf32, #tpu.memory_space<vmem>>[vector<16xi32>], vector<16xf32>,
        %add3A_1318 = arith.addi %add3A_1238, %broadcast_in_dim3A_50 : vector<16xi32>
        %gather3A_1319 = tpu.vector_load_idx %arg7[%add3A_1318] : memref<32768xf32, #tpu.memory_space<vmem>>[vector<16xi32>], vector<16xf32>,
        %add3A_1320 = arith.addi %add3A_1241, %broadcast_in_dim3A_50 : vector<16xi32>
        %gather3A_1321 = tpu.vector_load_idx %arg7[%add3A_1320] : memref<32768xf32, #tpu.memory_space<vmem>>[vector<16xi32>], vector<16xf32>,
        %mul3A_1322 = arith.mulf %gather3A_1315, %mul3A_1225 : vector<16xf32>
        %mul3A_1323 = arith.mulf %gather3A_1317, %mul3A_1226 : vector<16xf32>
        %add3A_1324 = arith.addf %mul3A_1322, %mul3A_1323 : vector<16xf32>
        %mul3A_1325 = arith.mulf %gather3A_1319, %mul3A_1227 : vector<16xf32>
        %add3A_1326 = arith.addf %add3A_1324, %mul3A_1325 : vector<16xf32>
        %mul3A_1327 = arith.mulf %gather3A_1321, %mul3A_1228 : vector<16xf32>
        %add3A_1328 = arith.addf %add3A_1326, %mul3A_1327 : vector<16xf32>
        %add3A_1329 = arith.constant 212 : i32
        %add3A_1330 = vector.broadcast %add3A_1329 : i32 to vector<16xi32>
        %add3A_1331 = arith.addi %iota3A, %add3A_1330 : vector<16xi32>
        tpu.vector_store_idx %arg11[%broadcast_in_dim3A_992, %add3A_1331], %add3A_1328 : memref<25x392xf32, #tpu.memory_space<vmem>>[vector<16xi32>, vector<16xi32>], vector<16xf32>,
        %add3A_1332 = arith.addi %add3A_1232, %broadcast_in_dim3A_52 : vector<16xi32>
        %gather3A_1333 = tpu.vector_load_idx %arg7[%add3A_1332] : memref<32768xf32, #tpu.memory_space<vmem>>[vector<16xi32>], vector<16xf32>,
        %add3A_1334 = arith.addi %add3A_1235, %broadcast_in_dim3A_52 : vector<16xi32>
        %gather3A_1335 = tpu.vector_load_idx %arg7[%add3A_1334] : memref<32768xf32, #tpu.memory_space<vmem>>[vector<16xi32>], vector<16xf32>,
        %add3A_1336 = arith.addi %add3A_1238, %broadcast_in_dim3A_52 : vector<16xi32>
        %gather3A_1337 = tpu.vector_load_idx %arg7[%add3A_1336] : memref<32768xf32, #tpu.memory_space<vmem>>[vector<16xi32>], vector<16xf32>,
        %add3A_1338 = arith.addi %add3A_1241, %broadcast_in_dim3A_52 : vector<16xi32>
        %gather3A_1339 = tpu.vector_load_idx %arg7[%add3A_1338] : memref<32768xf32, #tpu.memory_space<vmem>>[vector<16xi32>], vector<16xf32>,
        %mul3A_1340 = arith.mulf %gather3A_1333, %mul3A_1225 : vector<16xf32>
        %mul3A_1341 = arith.mulf %gather3A_1335, %mul3A_1226 : vector<16xf32>
        %add3A_1342 = arith.addf %mul3A_1340, %mul3A_1341 : vector<16xf32>
        %mul3A_1343 = arith.mulf %gather3A_1337, %mul3A_1227 : vector<16xf32>
        %add3A_1344 = arith.addf %add3A_1342, %mul3A_1343 : vector<16xf32>
        %mul3A_1345 = arith.mulf %gather3A_1339, %mul3A_1228 : vector<16xf32>
        %add3A_1346 = arith.addf %add3A_1344, %mul3A_1345 : vector<16xf32>
        %add3A_1347 = arith.constant 261 : i32
        %add3A_1348 = vector.broadcast %add3A_1347 : i32 to vector<16xi32>
        %add3A_1349 = arith.addi %iota3A, %add3A_1348 : vector<16xi32>
        tpu.vector_store_idx %arg11[%broadcast_in_dim3A_992, %add3A_1349], %add3A_1346 : memref<25x392xf32, #tpu.memory_space<vmem>>[vector<16xi32>, vector<16xi32>], vector<16xf32>,
        %add3A_1350 = arith.addi %add3A_1232, %broadcast_in_dim3A_54 : vector<16xi32>
        %gather3A_1351 = tpu.vector_load_idx %arg7[%add3A_1350] : memref<32768xf32, #tpu.memory_space<vmem>>[vector<16xi32>], vector<16xf32>,
        %add3A_1352 = arith.addi %add3A_1235, %broadcast_in_dim3A_54 : vector<16xi32>
        %gather3A_1353 = tpu.vector_load_idx %arg7[%add3A_1352] : memref<32768xf32, #tpu.memory_space<vmem>>[vector<16xi32>], vector<16xf32>,
        %add3A_1354 = arith.addi %add3A_1238, %broadcast_in_dim3A_54 : vector<16xi32>
        %gather3A_1355 = tpu.vector_load_idx %arg7[%add3A_1354] : memref<32768xf32, #tpu.memory_space<vmem>>[vector<16xi32>], vector<16xf32>,
        %add3A_1356 = arith.addi %add3A_1241, %broadcast_in_dim3A_54 : vector<16xi32>
        %gather3A_1357 = tpu.vector_load_idx %arg7[%add3A_1356] : memref<32768xf32, #tpu.memory_space<vmem>>[vector<16xi32>], vector<16xf32>,
        %mul3A_1358 = arith.mulf %gather3A_1351, %mul3A_1225 : vector<16xf32>
        %mul3A_1359 = arith.mulf %gather3A_1353, %mul3A_1226 : vector<16xf32>
        %add3A_1360 = arith.addf %mul3A_1358, %mul3A_1359 : vector<16xf32>
        %mul3A_1361 = arith.mulf %gather3A_1355, %mul3A_1227 : vector<16xf32>
        %add3A_1362 = arith.addf %add3A_1360, %mul3A_1361 : vector<16xf32>
        %mul3A_1363 = arith.mulf %gather3A_1357, %mul3A_1228 : vector<16xf32>
        %add3A_1364 = arith.addf %add3A_1362, %mul3A_1363 : vector<16xf32>
        %add3A_1365 = arith.constant 310 : i32
        %add3A_1366 = vector.broadcast %add3A_1365 : i32 to vector<16xi32>
        %add3A_1367 = arith.addi %iota3A, %add3A_1366 : vector<16xi32>
        tpu.vector_store_idx %arg11[%broadcast_in_dim3A_992, %add3A_1367], %add3A_1364 : memref<25x392xf32, #tpu.memory_space<vmem>>[vector<16xi32>, vector<16xi32>], vector<16xf32>,
        %add3A_1368 = arith.addi %add3A_1232, %broadcast_in_dim3A_56 : vector<16xi32>
        %gather3A_1369 = tpu.vector_load_idx %arg7[%add3A_1368] : memref<32768xf32, #tpu.memory_space<vmem>>[vector<16xi32>], vector<16xf32>,
        %add3A_1370 = arith.addi %add3A_1235, %broadcast_in_dim3A_56 : vector<16xi32>
        %gather3A_1371 = tpu.vector_load_idx %arg7[%add3A_1370] : memref<32768xf32, #tpu.memory_space<vmem>>[vector<16xi32>], vector<16xf32>,
        %add3A_1372 = arith.addi %add3A_1238, %broadcast_in_dim3A_56 : vector<16xi32>
        %gather3A_1373 = tpu.vector_load_idx %arg7[%add3A_1372] : memref<32768xf32, #tpu.memory_space<vmem>>[vector<16xi32>], vector<16xf32>,
        %add3A_1374 = arith.addi %add3A_1241, %broadcast_in_dim3A_56 : vector<16xi32>
        %gather3A_1375 = tpu.vector_load_idx %arg7[%add3A_1374] : memref<32768xf32, #tpu.memory_space<vmem>>[vector<16xi32>], vector<16xf32>,
        %mul3A_1376 = arith.mulf %gather3A_1369, %mul3A_1225 : vector<16xf32>
        %mul3A_1377 = arith.mulf %gather3A_1371, %mul3A_1226 : vector<16xf32>
        %add3A_1378 = arith.addf %mul3A_1376, %mul3A_1377 : vector<16xf32>
        %mul3A_1379 = arith.mulf %gather3A_1373, %mul3A_1227 : vector<16xf32>
        %add3A_1380 = arith.addf %add3A_1378, %mul3A_1379 : vector<16xf32>
        %mul3A_1381 = arith.mulf %gather3A_1375, %mul3A_1228 : vector<16xf32>
        %add3A_1382 = arith.addf %add3A_1380, %mul3A_1381 : vector<16xf32>
        %add3A_1383 = arith.constant 359 : i32
        %add3A_1384 = vector.broadcast %add3A_1383 : i32 to vector<16xi32>
        %add3A_1385 = arith.addi %iota3A, %add3A_1384 : vector<16xi32>
        tpu.vector_store_idx %arg11[%broadcast_in_dim3A_992, %add3A_1385], %add3A_1382 : memref<25x392xf32, #tpu.memory_space<vmem>>[vector<16xi32>, vector<16xi32>], vector<16xf32>,
        %get3A_1386 = arith.constant 32 : index
        %get3A_1387 = tpu.vector_load %arg10[%get3A_1386] {strides = array<i32>} : memref<64xf32, #tpu.memory_space<vmem>>, vector<16xf32>,
        %get3A_1388 = arith.constant 32 : index
        %get3A_1389 = tpu.vector_load %arg9[%get3A_1388] {strides = array<i32>} : memref<64xf32, #tpu.memory_space<vmem>>, vector<16xf32>,
        %broadcast_in_dim3A_1390 = vector.broadcast %squeeze3A : f32 to vector<16xf32>
        %mul3A_1391 = vector.broadcast %max3A_986 : f32 to vector<16xf32>
        %mul3A_1392 = arith.mulf %get3A_1387, %mul3A_1391 : vector<16xf32>
        %add3A_1393 = arith.addf %broadcast_in_dim3A_1390, %mul3A_1392 : vector<16xf32>
        %broadcast_in_dim3A_1394 = vector.broadcast %squeeze3A_981 : f32 to vector<16xf32>
        %mul3A_1395 = vector.broadcast %max3A_991 : f32 to vector<16xf32>
        %mul3A_1396 = arith.mulf %get3A_1389, %mul3A_1395 : vector<16xf32>
        %add3A_1397 = arith.addf %broadcast_in_dim3A_1394, %mul3A_1396 : vector<16xf32>
        %convert_element_type3A_1398 = arith.fptosi %add3A_1393 : vector<16xf32> to vector<16xi32>
        %jit3A_1399 = arith.constant 0 : i32
        %jit3A_1400 = arith.constant 62 : i32
        %max3A_1401 = vector.broadcast %jit3A_1399 : i32 to vector<16xi32>
        %max3A_1402 = arith.maxsi %max3A_1401, %convert_element_type3A_1398 : vector<16xi32>
        %min3A_1403 = vector.broadcast %jit3A_1400 : i32 to vector<16xi32>
        %min3A_1404 = arith.minsi %min3A_1403, %max3A_1402 : vector<16xi32>
        %convert_element_type3A_1405 = arith.fptosi %add3A_1397 : vector<16xf32> to vector<16xi32>
        %jit3A_1406 = arith.constant 0 : i32
        %jit3A_1407 = arith.constant 62 : i32
        %max3A_1408 = vector.broadcast %jit3A_1406 : i32 to vector<16xi32>
        %max3A_1409 = arith.maxsi %max3A_1408, %convert_element_type3A_1405 : vector<16xi32>
        %min3A_1410 = vector.broadcast %jit3A_1407 : i32 to vector<16xi32>
        %min3A_1411 = arith.minsi %min3A_1410, %max3A_1409 : vector<16xi32>
        %convert_element_type3A_1412 = arith.sitofp %min3A_1404 : vector<16xi32> to vector<16xf32>
        %sub3A_1413 = arith.subf %add3A_1393, %convert_element_type3A_1412 : vector<16xf32>
        %convert_element_type3A_1414 = arith.sitofp %min3A_1411 : vector<16xi32> to vector<16xf32>
        %sub3A_1415 = arith.subf %add3A_1397, %convert_element_type3A_1414 : vector<16xf32>
        %sub3A_1416 = arith.constant 1.000000e+00 : f32
        %sub3A_1417 = vector.broadcast %sub3A_1416 : f32 to vector<16xf32>
        %sub3A_1418 = arith.subf %sub3A_1417, %sub3A_1413 : vector<16xf32>
        %sub3A_1419 = arith.constant 1.000000e+00 : f32
        %sub3A_1420 = vector.broadcast %sub3A_1419 : f32 to vector<16xf32>
        %sub3A_1421 = arith.subf %sub3A_1420, %sub3A_1415 : vector<16xf32>
        %mul3A_1422 = arith.mulf %sub3A_1421, %sub3A_1418 : vector<16xf32>
        %mul3A_1423 = arith.mulf %sub3A_1421, %sub3A_1413 : vector<16xf32>
        %mul3A_1424 = arith.mulf %sub3A_1415, %sub3A_1418 : vector<16xf32>
        %mul3A_1425 = arith.mulf %sub3A_1415, %sub3A_1413 : vector<16xf32>
        %mul3A_1426 = arith.constant 64 : i32
        %mul3A_1427 = vector.broadcast %mul3A_1426 : i32 to vector<16xi32>
        %mul3A_1428 = arith.muli %min3A_1411, %mul3A_1427 : vector<16xi32>
        %add3A_1429 = arith.addi %mul3A_1428, %min3A_1404 : vector<16xi32>
        %add3A_1430 = arith.constant 1 : i32
        %add3A_1431 = vector.broadcast %add3A_1430 : i32 to vector<16xi32>
        %add3A_1432 = arith.addi %add3A_1429, %add3A_1431 : vector<16xi32>
        %add3A_1433 = arith.constant 64 : i32
        %add3A_1434 = vector.broadcast %add3A_1433 : i32 to vector<16xi32>
        %add3A_1435 = arith.addi %add3A_1429, %add3A_1434 : vector<16xi32>
        %add3A_1436 = arith.constant 1 : i32
        %add3A_1437 = vector.broadcast %add3A_1436 : i32 to vector<16xi32>
        %add3A_1438 = arith.addi %add3A_1435, %add3A_1437 : vector<16xi32>
        %add3A_1439 = arith.addi %add3A_1429, %broadcast_in_dim3A_42 : vector<16xi32>
        %gather3A_1440 = tpu.vector_load_idx %arg7[%add3A_1439] : memref<32768xf32, #tpu.memory_space<vmem>>[vector<16xi32>], vector<16xf32>,
        %add3A_1441 = arith.addi %add3A_1432, %broadcast_in_dim3A_42 : vector<16xi32>
        %gather3A_1442 = tpu.vector_load_idx %arg7[%add3A_1441] : memref<32768xf32, #tpu.memory_space<vmem>>[vector<16xi32>], vector<16xf32>,
        %add3A_1443 = arith.addi %add3A_1435, %broadcast_in_dim3A_42 : vector<16xi32>
        %gather3A_1444 = tpu.vector_load_idx %arg7[%add3A_1443] : memref<32768xf32, #tpu.memory_space<vmem>>[vector<16xi32>], vector<16xf32>,
        %add3A_1445 = arith.addi %add3A_1438, %broadcast_in_dim3A_42 : vector<16xi32>
        %gather3A_1446 = tpu.vector_load_idx %arg7[%add3A_1445] : memref<32768xf32, #tpu.memory_space<vmem>>[vector<16xi32>], vector<16xf32>,
        %mul3A_1447 = arith.mulf %gather3A_1440, %mul3A_1422 : vector<16xf32>
        %mul3A_1448 = arith.mulf %gather3A_1442, %mul3A_1423 : vector<16xf32>
        %add3A_1449 = arith.addf %mul3A_1447, %mul3A_1448 : vector<16xf32>
        %mul3A_1450 = arith.mulf %gather3A_1444, %mul3A_1424 : vector<16xf32>
        %add3A_1451 = arith.addf %add3A_1449, %mul3A_1450 : vector<16xf32>
        %mul3A_1452 = arith.mulf %gather3A_1446, %mul3A_1425 : vector<16xf32>
        %add3A_1453 = arith.addf %add3A_1451, %mul3A_1452 : vector<16xf32>
        %add3A_1454 = arith.constant 32 : i32
        %add3A_1455 = vector.broadcast %add3A_1454 : i32 to vector<16xi32>
        %add3A_1456 = arith.addi %iota3A, %add3A_1455 : vector<16xi32>
        tpu.vector_store_idx %arg11[%broadcast_in_dim3A_992, %add3A_1456], %add3A_1453 : memref<25x392xf32, #tpu.memory_space<vmem>>[vector<16xi32>, vector<16xi32>], vector<16xf32>,
        %add3A_1457 = arith.addi %add3A_1429, %broadcast_in_dim3A_44 : vector<16xi32>
        %gather3A_1458 = tpu.vector_load_idx %arg7[%add3A_1457] : memref<32768xf32, #tpu.memory_space<vmem>>[vector<16xi32>], vector<16xf32>,
        %add3A_1459 = arith.addi %add3A_1432, %broadcast_in_dim3A_44 : vector<16xi32>
        %gather3A_1460 = tpu.vector_load_idx %arg7[%add3A_1459] : memref<32768xf32, #tpu.memory_space<vmem>>[vector<16xi32>], vector<16xf32>,
        %add3A_1461 = arith.addi %add3A_1435, %broadcast_in_dim3A_44 : vector<16xi32>
        %gather3A_1462 = tpu.vector_load_idx %arg7[%add3A_1461] : memref<32768xf32, #tpu.memory_space<vmem>>[vector<16xi32>], vector<16xf32>,
        %add3A_1463 = arith.addi %add3A_1438, %broadcast_in_dim3A_44 : vector<16xi32>
        %gather3A_1464 = tpu.vector_load_idx %arg7[%add3A_1463] : memref<32768xf32, #tpu.memory_space<vmem>>[vector<16xi32>], vector<16xf32>,
        %mul3A_1465 = arith.mulf %gather3A_1458, %mul3A_1422 : vector<16xf32>
        %mul3A_1466 = arith.mulf %gather3A_1460, %mul3A_1423 : vector<16xf32>
        %add3A_1467 = arith.addf %mul3A_1465, %mul3A_1466 : vector<16xf32>
        %mul3A_1468 = arith.mulf %gather3A_1462, %mul3A_1424 : vector<16xf32>
        %add3A_1469 = arith.addf %add3A_1467, %mul3A_1468 : vector<16xf32>
        %mul3A_1470 = arith.mulf %gather3A_1464, %mul3A_1425 : vector<16xf32>
        %add3A_1471 = arith.addf %add3A_1469, %mul3A_1470 : vector<16xf32>
        %add3A_1472 = arith.constant 81 : i32
        %add3A_1473 = vector.broadcast %add3A_1472 : i32 to vector<16xi32>
        %add3A_1474 = arith.addi %iota3A, %add3A_1473 : vector<16xi32>
        tpu.vector_store_idx %arg11[%broadcast_in_dim3A_992, %add3A_1474], %add3A_1471 : memref<25x392xf32, #tpu.memory_space<vmem>>[vector<16xi32>, vector<16xi32>], vector<16xf32>,
        %add3A_1475 = arith.addi %add3A_1429, %broadcast_in_dim3A_46 : vector<16xi32>
        %gather3A_1476 = tpu.vector_load_idx %arg7[%add3A_1475] : memref<32768xf32, #tpu.memory_space<vmem>>[vector<16xi32>], vector<16xf32>,
        %add3A_1477 = arith.addi %add3A_1432, %broadcast_in_dim3A_46 : vector<16xi32>
        %gather3A_1478 = tpu.vector_load_idx %arg7[%add3A_1477] : memref<32768xf32, #tpu.memory_space<vmem>>[vector<16xi32>], vector<16xf32>,
        %add3A_1479 = arith.addi %add3A_1435, %broadcast_in_dim3A_46 : vector<16xi32>
        %gather3A_1480 = tpu.vector_load_idx %arg7[%add3A_1479] : memref<32768xf32, #tpu.memory_space<vmem>>[vector<16xi32>], vector<16xf32>,
        %add3A_1481 = arith.addi %add3A_1438, %broadcast_in_dim3A_46 : vector<16xi32>
        %gather3A_1482 = tpu.vector_load_idx %arg7[%add3A_1481] : memref<32768xf32, #tpu.memory_space<vmem>>[vector<16xi32>], vector<16xf32>,
        %mul3A_1483 = arith.mulf %gather3A_1476, %mul3A_1422 : vector<16xf32>
        %mul3A_1484 = arith.mulf %gather3A_1478, %mul3A_1423 : vector<16xf32>
        %add3A_1485 = arith.addf %mul3A_1483, %mul3A_1484 : vector<16xf32>
        %mul3A_1486 = arith.mulf %gather3A_1480, %mul3A_1424 : vector<16xf32>
        %add3A_1487 = arith.addf %add3A_1485, %mul3A_1486 : vector<16xf32>
        %mul3A_1488 = arith.mulf %gather3A_1482, %mul3A_1425 : vector<16xf32>
        %add3A_1489 = arith.addf %add3A_1487, %mul3A_1488 : vector<16xf32>
        %add3A_1490 = arith.constant 130 : i32
        %add3A_1491 = vector.broadcast %add3A_1490 : i32 to vector<16xi32>
        %add3A_1492 = arith.addi %iota3A, %add3A_1491 : vector<16xi32>
        tpu.vector_store_idx %arg11[%broadcast_in_dim3A_992, %add3A_1492], %add3A_1489 : memref<25x392xf32, #tpu.memory_space<vmem>>[vector<16xi32>, vector<16xi32>], vector<16xf32>,
        %add3A_1493 = arith.addi %add3A_1429, %broadcast_in_dim3A_48 : vector<16xi32>
        %gather3A_1494 = tpu.vector_load_idx %arg7[%add3A_1493] : memref<32768xf32, #tpu.memory_space<vmem>>[vector<16xi32>], vector<16xf32>,
        %add3A_1495 = arith.addi %add3A_1432, %broadcast_in_dim3A_48 : vector<16xi32>
        %gather3A_1496 = tpu.vector_load_idx %arg7[%add3A_1495] : memref<32768xf32, #tpu.memory_space<vmem>>[vector<16xi32>], vector<16xf32>,
        %add3A_1497 = arith.addi %add3A_1435, %broadcast_in_dim3A_48 : vector<16xi32>
        %gather3A_1498 = tpu.vector_load_idx %arg7[%add3A_1497] : memref<32768xf32, #tpu.memory_space<vmem>>[vector<16xi32>], vector<16xf32>,
        %add3A_1499 = arith.addi %add3A_1438, %broadcast_in_dim3A_48 : vector<16xi32>
        %gather3A_1500 = tpu.vector_load_idx %arg7[%add3A_1499] : memref<32768xf32, #tpu.memory_space<vmem>>[vector<16xi32>], vector<16xf32>,
        %mul3A_1501 = arith.mulf %gather3A_1494, %mul3A_1422 : vector<16xf32>
        %mul3A_1502 = arith.mulf %gather3A_1496, %mul3A_1423 : vector<16xf32>
        %add3A_1503 = arith.addf %mul3A_1501, %mul3A_1502 : vector<16xf32>
        %mul3A_1504 = arith.mulf %gather3A_1498, %mul3A_1424 : vector<16xf32>
        %add3A_1505 = arith.addf %add3A_1503, %mul3A_1504 : vector<16xf32>
        %mul3A_1506 = arith.mulf %gather3A_1500, %mul3A_1425 : vector<16xf32>
        %add3A_1507 = arith.addf %add3A_1505, %mul3A_1506 : vector<16xf32>
        %add3A_1508 = arith.constant 179 : i32
        %add3A_1509 = vector.broadcast %add3A_1508 : i32 to vector<16xi32>
        %add3A_1510 = arith.addi %iota3A, %add3A_1509 : vector<16xi32>
        tpu.vector_store_idx %arg11[%broadcast_in_dim3A_992, %add3A_1510], %add3A_1507 : memref<25x392xf32, #tpu.memory_space<vmem>>[vector<16xi32>, vector<16xi32>], vector<16xf32>,
        %add3A_1511 = arith.addi %add3A_1429, %broadcast_in_dim3A_50 : vector<16xi32>
        %gather3A_1512 = tpu.vector_load_idx %arg7[%add3A_1511] : memref<32768xf32, #tpu.memory_space<vmem>>[vector<16xi32>], vector<16xf32>,
        %add3A_1513 = arith.addi %add3A_1432, %broadcast_in_dim3A_50 : vector<16xi32>
        %gather3A_1514 = tpu.vector_load_idx %arg7[%add3A_1513] : memref<32768xf32, #tpu.memory_space<vmem>>[vector<16xi32>], vector<16xf32>,
        %add3A_1515 = arith.addi %add3A_1435, %broadcast_in_dim3A_50 : vector<16xi32>
        %gather3A_1516 = tpu.vector_load_idx %arg7[%add3A_1515] : memref<32768xf32, #tpu.memory_space<vmem>>[vector<16xi32>], vector<16xf32>,
        %add3A_1517 = arith.addi %add3A_1438, %broadcast_in_dim3A_50 : vector<16xi32>
        %gather3A_1518 = tpu.vector_load_idx %arg7[%add3A_1517] : memref<32768xf32, #tpu.memory_space<vmem>>[vector<16xi32>], vector<16xf32>,
        %mul3A_1519 = arith.mulf %gather3A_1512, %mul3A_1422 : vector<16xf32>
        %mul3A_1520 = arith.mulf %gather3A_1514, %mul3A_1423 : vector<16xf32>
        %add3A_1521 = arith.addf %mul3A_1519, %mul3A_1520 : vector<16xf32>
        %mul3A_1522 = arith.mulf %gather3A_1516, %mul3A_1424 : vector<16xf32>
        %add3A_1523 = arith.addf %add3A_1521, %mul3A_1522 : vector<16xf32>
        %mul3A_1524 = arith.mulf %gather3A_1518, %mul3A_1425 : vector<16xf32>
        %add3A_1525 = arith.addf %add3A_1523, %mul3A_1524 : vector<16xf32>
        %add3A_1526 = arith.constant 228 : i32
        %add3A_1527 = vector.broadcast %add3A_1526 : i32 to vector<16xi32>
        %add3A_1528 = arith.addi %iota3A, %add3A_1527 : vector<16xi32>
        tpu.vector_store_idx %arg11[%broadcast_in_dim3A_992, %add3A_1528], %add3A_1525 : memref<25x392xf32, #tpu.memory_space<vmem>>[vector<16xi32>, vector<16xi32>], vector<16xf32>,
        %add3A_1529 = arith.addi %add3A_1429, %broadcast_in_dim3A_52 : vector<16xi32>
        %gather3A_1530 = tpu.vector_load_idx %arg7[%add3A_1529] : memref<32768xf32, #tpu.memory_space<vmem>>[vector<16xi32>], vector<16xf32>,
        %add3A_1531 = arith.addi %add3A_1432, %broadcast_in_dim3A_52 : vector<16xi32>
        %gather3A_1532 = tpu.vector_load_idx %arg7[%add3A_1531] : memref<32768xf32, #tpu.memory_space<vmem>>[vector<16xi32>], vector<16xf32>,
        %add3A_1533 = arith.addi %add3A_1435, %broadcast_in_dim3A_52 : vector<16xi32>
        %gather3A_1534 = tpu.vector_load_idx %arg7[%add3A_1533] : memref<32768xf32, #tpu.memory_space<vmem>>[vector<16xi32>], vector<16xf32>,
        %add3A_1535 = arith.addi %add3A_1438, %broadcast_in_dim3A_52 : vector<16xi32>
        %gather3A_1536 = tpu.vector_load_idx %arg7[%add3A_1535] : memref<32768xf32, #tpu.memory_space<vmem>>[vector<16xi32>], vector<16xf32>,
        %mul3A_1537 = arith.mulf %gather3A_1530, %mul3A_1422 : vector<16xf32>
        %mul3A_1538 = arith.mulf %gather3A_1532, %mul3A_1423 : vector<16xf32>
        %add3A_1539 = arith.addf %mul3A_1537, %mul3A_1538 : vector<16xf32>
        %mul3A_1540 = arith.mulf %gather3A_1534, %mul3A_1424 : vector<16xf32>
        %add3A_1541 = arith.addf %add3A_1539, %mul3A_1540 : vector<16xf32>
        %mul3A_1542 = arith.mulf %gather3A_1536, %mul3A_1425 : vector<16xf32>
        %add3A_1543 = arith.addf %add3A_1541, %mul3A_1542 : vector<16xf32>
        %add3A_1544 = arith.constant 277 : i32
        %add3A_1545 = vector.broadcast %add3A_1544 : i32 to vector<16xi32>
        %add3A_1546 = arith.addi %iota3A, %add3A_1545 : vector<16xi32>
        tpu.vector_store_idx %arg11[%broadcast_in_dim3A_992, %add3A_1546], %add3A_1543 : memref<25x392xf32, #tpu.memory_space<vmem>>[vector<16xi32>, vector<16xi32>], vector<16xf32>,
        %add3A_1547 = arith.addi %add3A_1429, %broadcast_in_dim3A_54 : vector<16xi32>
        %gather3A_1548 = tpu.vector_load_idx %arg7[%add3A_1547] : memref<32768xf32, #tpu.memory_space<vmem>>[vector<16xi32>], vector<16xf32>,
        %add3A_1549 = arith.addi %add3A_1432, %broadcast_in_dim3A_54 : vector<16xi32>
        %gather3A_1550 = tpu.vector_load_idx %arg7[%add3A_1549] : memref<32768xf32, #tpu.memory_space<vmem>>[vector<16xi32>], vector<16xf32>,
        %add3A_1551 = arith.addi %add3A_1435, %broadcast_in_dim3A_54 : vector<16xi32>
        %gather3A_1552 = tpu.vector_load_idx %arg7[%add3A_1551] : memref<32768xf32, #tpu.memory_space<vmem>>[vector<16xi32>], vector<16xf32>,
        %add3A_1553 = arith.addi %add3A_1438, %broadcast_in_dim3A_54 : vector<16xi32>
        %gather3A_1554 = tpu.vector_load_idx %arg7[%add3A_1553] : memref<32768xf32, #tpu.memory_space<vmem>>[vector<16xi32>], vector<16xf32>,
        %mul3A_1555 = arith.mulf %gather3A_1548, %mul3A_1422 : vector<16xf32>
        %mul3A_1556 = arith.mulf %gather3A_1550, %mul3A_1423 : vector<16xf32>
        %add3A_1557 = arith.addf %mul3A_1555, %mul3A_1556 : vector<16xf32>
        %mul3A_1558 = arith.mulf %gather3A_1552, %mul3A_1424 : vector<16xf32>
        %add3A_1559 = arith.addf %add3A_1557, %mul3A_1558 : vector<16xf32>
        %mul3A_1560 = arith.mulf %gather3A_1554, %mul3A_1425 : vector<16xf32>
        %add3A_1561 = arith.addf %add3A_1559, %mul3A_1560 : vector<16xf32>
        %add3A_1562 = arith.constant 326 : i32
        %add3A_1563 = vector.broadcast %add3A_1562 : i32 to vector<16xi32>
        %add3A_1564 = arith.addi %iota3A, %add3A_1563 : vector<16xi32>
        tpu.vector_store_idx %arg11[%broadcast_in_dim3A_992, %add3A_1564], %add3A_1561 : memref<25x392xf32, #tpu.memory_space<vmem>>[vector<16xi32>, vector<16xi32>], vector<16xf32>,
        %add3A_1565 = arith.addi %add3A_1429, %broadcast_in_dim3A_56 : vector<16xi32>
        %gather3A_1566 = tpu.vector_load_idx %arg7[%add3A_1565] : memref<32768xf32, #tpu.memory_space<vmem>>[vector<16xi32>], vector<16xf32>,
        %add3A_1567 = arith.addi %add3A_1432, %broadcast_in_dim3A_56 : vector<16xi32>
        %gather3A_1568 = tpu.vector_load_idx %arg7[%add3A_1567] : memref<32768xf32, #tpu.memory_space<vmem>>[vector<16xi32>], vector<16xf32>,
        %add3A_1569 = arith.addi %add3A_1435, %broadcast_in_dim3A_56 : vector<16xi32>
        %gather3A_1570 = tpu.vector_load_idx %arg7[%add3A_1569] : memref<32768xf32, #tpu.memory_space<vmem>>[vector<16xi32>], vector<16xf32>,
        %add3A_1571 = arith.addi %add3A_1438, %broadcast_in_dim3A_56 : vector<16xi32>
        %gather3A_1572 = tpu.vector_load_idx %arg7[%add3A_1571] : memref<32768xf32, #tpu.memory_space<vmem>>[vector<16xi32>], vector<16xf32>,
        %mul3A_1573 = arith.mulf %gather3A_1566, %mul3A_1422 : vector<16xf32>
        %mul3A_1574 = arith.mulf %gather3A_1568, %mul3A_1423 : vector<16xf32>
        %add3A_1575 = arith.addf %mul3A_1573, %mul3A_1574 : vector<16xf32>
        %mul3A_1576 = arith.mulf %gather3A_1570, %mul3A_1424 : vector<16xf32>
        %add3A_1577 = arith.addf %add3A_1575, %mul3A_1576 : vector<16xf32>
        %mul3A_1578 = arith.mulf %gather3A_1572, %mul3A_1425 : vector<16xf32>
        %add3A_1579 = arith.addf %add3A_1577, %mul3A_1578 : vector<16xf32>
        %add3A_1580 = arith.constant 375 : i32
        %add3A_1581 = vector.broadcast %add3A_1580 : i32 to vector<16xi32>
        %add3A_1582 = arith.addi %iota3A, %add3A_1581 : vector<16xi32>
        tpu.vector_store_idx %arg11[%broadcast_in_dim3A_992, %add3A_1582], %add3A_1579 : memref<25x392xf32, #tpu.memory_space<vmem>>[vector<16xi32>, vector<16xi32>], vector<16xf32>,
      }
      %scan3A_88 = arith.constant 25 : i32
      %mul3A_89 = arith.constant 25 : i32
      %mul3A_90 = arith.muli %add3A_81, %mul3A_89 : i32
      %add3A_91 = arith.constant 0 : i32
      %add3A_92 = arith.addi %mul3A_90, %add3A_91 : i32
      %broadcast_in_dim3A_93 = vector.broadcast %add3A_92 : i32 to vector<16xi32>
      %add3A_94 = arith.addi %broadcast_in_dim3A_93, %iota3A : vector<16xi32>
      %mul3A_95 = arith.constant 4 : i32
      %mul3A_96 = vector.broadcast %mul3A_95 : i32 to vector<16xi32>
      %mul3A_97 = arith.muli %add3A_94, %mul3A_96 : vector<16xi32>
      %gather3A = tpu.vector_load_idx %arg8[%mul3A_97] : memref<10112xf32, #tpu.memory_space<vmem>>[vector<16xi32>], vector<16xf32>,
      %add3A_98 = arith.constant 1 : i32
      %add3A_99 = vector.broadcast %add3A_98 : i32 to vector<16xi32>
      %add3A_100 = arith.addi %mul3A_97, %add3A_99 : vector<16xi32>
      %gather3A_101 = tpu.vector_load_idx %arg8[%add3A_100] : memref<10112xf32, #tpu.memory_space<vmem>>[vector<16xi32>], vector<16xf32>,
      %add3A_102 = arith.constant 2 : i32
      %add3A_103 = vector.broadcast %add3A_102 : i32 to vector<16xi32>
      %add3A_104 = arith.addi %mul3A_97, %add3A_103 : vector<16xi32>
      %gather3A_105 = tpu.vector_load_idx %arg8[%add3A_104] : memref<10112xf32, #tpu.memory_space<vmem>>[vector<16xi32>], vector<16xf32>,
      %add3A_106 = arith.constant 3 : i32
      %add3A_107 = vector.broadcast %add3A_106 : i32 to vector<16xi32>
      %add3A_108 = arith.addi %mul3A_97, %add3A_107 : vector<16xi32>
      %gather3A_109 = tpu.vector_load_idx %arg8[%add3A_108] : memref<10112xf32, #tpu.memory_space<vmem>>[vector<16xi32>], vector<16xf32>,
      %sub3A_110 = arith.subf %gather3A_105, %gather3A : vector<16xf32>
      %max3A = arith.constant 1.000000e+00 : f32
      %max3A_111 = vector.broadcast %max3A : f32 to vector<16xf32>
      %max3A_112 = arith.maximumf %sub3A_110, %max3A_111 : vector<16xf32>
      %add3A_113 = arith.addf %gather3A, %max3A_112 : vector<16xf32>
      %sub3A_114 = arith.subf %gather3A_109, %gather3A_101 : vector<16xf32>
      %max3A_115 = arith.constant 1.000000e+00 : f32
      %max3A_116 = vector.broadcast %max3A_115 : f32 to vector<16xf32>
      %max3A_117 = arith.maximumf %sub3A_114, %max3A_116 : vector<16xf32>
      %add3A_118 = arith.addf %gather3A_101, %max3A_117 : vector<16xf32>
      %broadcast_in_dim3A_119 = arith.constant 0 : i32
      %broadcast_in_dim3A_120 = vector.broadcast %broadcast_in_dim3A_119 : i32 to vector<16xi32>
      %add3A_121 = arith.addi %broadcast_in_dim3A_120, %iota3A : vector<16xi32>
      %convert_element_type3A_122 = arith.fptosi %add3A_113 : vector<16xf32> to vector<16xi32>
      %jit3A_123 = arith.constant 0 : i32
      %jit3A_124 = arith.constant 62 : i32
      %max3A_125 = vector.broadcast %jit3A_123 : i32 to vector<16xi32>
      %max3A_126 = arith.maxsi %max3A_125, %convert_element_type3A_122 : vector<16xi32>
      %min3A = vector.broadcast %jit3A_124 : i32 to vector<16xi32>
      %min3A_127 = arith.minsi %min3A, %max3A_126 : vector<16xi32>
      %convert_element_type3A_128 = arith.fptosi %add3A_118 : vector<16xf32> to vector<16xi32>
      %jit3A_129 = arith.constant 0 : i32
      %jit3A_130 = arith.constant 62 : i32
      %max3A_131 = vector.broadcast %jit3A_129 : i32 to vector<16xi32>
      %max3A_132 = arith.maxsi %max3A_131, %convert_element_type3A_128 : vector<16xi32>
      %min3A_133 = vector.broadcast %jit3A_130 : i32 to vector<16xi32>
      %min3A_134 = arith.minsi %min3A_133, %max3A_132 : vector<16xi32>
      %convert_element_type3A_135 = arith.sitofp %min3A_127 : vector<16xi32> to vector<16xf32>
      %sub3A_136 = arith.subf %add3A_113, %convert_element_type3A_135 : vector<16xf32>
      %convert_element_type3A_137 = arith.sitofp %min3A_134 : vector<16xi32> to vector<16xf32>
      %sub3A_138 = arith.subf %add3A_118, %convert_element_type3A_137 : vector<16xf32>
      %sub3A_139 = arith.constant 1.000000e+00 : f32
      %sub3A_140 = vector.broadcast %sub3A_139 : f32 to vector<16xf32>
      %sub3A_141 = arith.subf %sub3A_140, %sub3A_136 : vector<16xf32>
      %sub3A_142 = arith.constant 1.000000e+00 : f32
      %sub3A_143 = vector.broadcast %sub3A_142 : f32 to vector<16xf32>
      %sub3A_144 = arith.subf %sub3A_143, %sub3A_138 : vector<16xf32>
      %mul3A_145 = arith.mulf %sub3A_144, %sub3A_141 : vector<16xf32>
      %mul3A_146 = arith.mulf %sub3A_144, %sub3A_136 : vector<16xf32>
      %mul3A_147 = arith.mulf %sub3A_138, %sub3A_141 : vector<16xf32>
      %mul3A_148 = arith.mulf %sub3A_138, %sub3A_136 : vector<16xf32>
      %mul3A_149 = arith.constant 64 : i32
      %mul3A_150 = vector.broadcast %mul3A_149 : i32 to vector<16xi32>
      %mul3A_151 = arith.muli %min3A_134, %mul3A_150 : vector<16xi32>
      %add3A_152 = arith.addi %mul3A_151, %min3A_127 : vector<16xi32>
      %add3A_153 = arith.constant 1 : i32
      %add3A_154 = vector.broadcast %add3A_153 : i32 to vector<16xi32>
      %add3A_155 = arith.addi %add3A_152, %add3A_154 : vector<16xi32>
      %add3A_156 = arith.constant 64 : i32
      %add3A_157 = vector.broadcast %add3A_156 : i32 to vector<16xi32>
      %add3A_158 = arith.addi %add3A_152, %add3A_157 : vector<16xi32>
      %add3A_159 = arith.constant 1 : i32
      %add3A_160 = vector.broadcast %add3A_159 : i32 to vector<16xi32>
      %add3A_161 = arith.addi %add3A_158, %add3A_160 : vector<16xi32>
      %add3A_162 = arith.addi %add3A_152, %broadcast_in_dim3A_42 : vector<16xi32>
      %gather3A_163 = tpu.vector_load_idx %arg7[%add3A_162] : memref<32768xf32, #tpu.memory_space<vmem>>[vector<16xi32>], vector<16xf32>,
      %add3A_164 = arith.addi %add3A_155, %broadcast_in_dim3A_42 : vector<16xi32>
      %gather3A_165 = tpu.vector_load_idx %arg7[%add3A_164] : memref<32768xf32, #tpu.memory_space<vmem>>[vector<16xi32>], vector<16xf32>,
      %add3A_166 = arith.addi %add3A_158, %broadcast_in_dim3A_42 : vector<16xi32>
      %gather3A_167 = tpu.vector_load_idx %arg7[%add3A_166] : memref<32768xf32, #tpu.memory_space<vmem>>[vector<16xi32>], vector<16xf32>,
      %add3A_168 = arith.addi %add3A_161, %broadcast_in_dim3A_42 : vector<16xi32>
      %gather3A_169 = tpu.vector_load_idx %arg7[%add3A_168] : memref<32768xf32, #tpu.memory_space<vmem>>[vector<16xi32>], vector<16xf32>,
      %mul3A_170 = arith.mulf %gather3A_163, %mul3A_145 : vector<16xf32>
      %mul3A_171 = arith.mulf %gather3A_165, %mul3A_146 : vector<16xf32>
      %add3A_172 = arith.addf %mul3A_170, %mul3A_171 : vector<16xf32>
      %mul3A_173 = arith.mulf %gather3A_167, %mul3A_147 : vector<16xf32>
      %add3A_174 = arith.addf %add3A_172, %mul3A_173 : vector<16xf32>
      %mul3A_175 = arith.mulf %gather3A_169, %mul3A_148 : vector<16xf32>
      %add3A_176 = arith.addf %add3A_174, %mul3A_175 : vector<16xf32>
      %broadcast_in_dim3A_177 = arith.constant 48 : i32
      %broadcast_in_dim3A_178 = vector.broadcast %broadcast_in_dim3A_177 : i32 to vector<16xi32>
      tpu.vector_store_idx %arg11[%add3A_121, %broadcast_in_dim3A_178], %add3A_176 : memref<25x392xf32, #tpu.memory_space<vmem>>[vector<16xi32>, vector<16xi32>], vector<16xf32>,
      %add3A_179 = arith.addi %add3A_152, %broadcast_in_dim3A_44 : vector<16xi32>
      %gather3A_180 = tpu.vector_load_idx %arg7[%add3A_179] : memref<32768xf32, #tpu.memory_space<vmem>>[vector<16xi32>], vector<16xf32>,
      %add3A_181 = arith.addi %add3A_155, %broadcast_in_dim3A_44 : vector<16xi32>
      %gather3A_182 = tpu.vector_load_idx %arg7[%add3A_181] : memref<32768xf32, #tpu.memory_space<vmem>>[vector<16xi32>], vector<16xf32>,
      %add3A_183 = arith.addi %add3A_158, %broadcast_in_dim3A_44 : vector<16xi32>
      %gather3A_184 = tpu.vector_load_idx %arg7[%add3A_183] : memref<32768xf32, #tpu.memory_space<vmem>>[vector<16xi32>], vector<16xf32>,
      %add3A_185 = arith.addi %add3A_161, %broadcast_in_dim3A_44 : vector<16xi32>
      %gather3A_186 = tpu.vector_load_idx %arg7[%add3A_185] : memref<32768xf32, #tpu.memory_space<vmem>>[vector<16xi32>], vector<16xf32>,
      %mul3A_187 = arith.mulf %gather3A_180, %mul3A_145 : vector<16xf32>
      %mul3A_188 = arith.mulf %gather3A_182, %mul3A_146 : vector<16xf32>
      %add3A_189 = arith.addf %mul3A_187, %mul3A_188 : vector<16xf32>
      %mul3A_190 = arith.mulf %gather3A_184, %mul3A_147 : vector<16xf32>
      %add3A_191 = arith.addf %add3A_189, %mul3A_190 : vector<16xf32>
      %mul3A_192 = arith.mulf %gather3A_186, %mul3A_148 : vector<16xf32>
      %add3A_193 = arith.addf %add3A_191, %mul3A_192 : vector<16xf32>
      %broadcast_in_dim3A_194 = arith.constant 97 : i32
      %broadcast_in_dim3A_195 = vector.broadcast %broadcast_in_dim3A_194 : i32 to vector<16xi32>
      tpu.vector_store_idx %arg11[%add3A_121, %broadcast_in_dim3A_195], %add3A_193 : memref<25x392xf32, #tpu.memory_space<vmem>>[vector<16xi32>, vector<16xi32>], vector<16xf32>,
      %add3A_196 = arith.addi %add3A_152, %broadcast_in_dim3A_46 : vector<16xi32>
      %gather3A_197 = tpu.vector_load_idx %arg7[%add3A_196] : memref<32768xf32, #tpu.memory_space<vmem>>[vector<16xi32>], vector<16xf32>,
      %add3A_198 = arith.addi %add3A_155, %broadcast_in_dim3A_46 : vector<16xi32>
      %gather3A_199 = tpu.vector_load_idx %arg7[%add3A_198] : memref<32768xf32, #tpu.memory_space<vmem>>[vector<16xi32>], vector<16xf32>,
      %add3A_200 = arith.addi %add3A_158, %broadcast_in_dim3A_46 : vector<16xi32>
      %gather3A_201 = tpu.vector_load_idx %arg7[%add3A_200] : memref<32768xf32, #tpu.memory_space<vmem>>[vector<16xi32>], vector<16xf32>,
      %add3A_202 = arith.addi %add3A_161, %broadcast_in_dim3A_46 : vector<16xi32>
      %gather3A_203 = tpu.vector_load_idx %arg7[%add3A_202] : memref<32768xf32, #tpu.memory_space<vmem>>[vector<16xi32>], vector<16xf32>,
      %mul3A_204 = arith.mulf %gather3A_197, %mul3A_145 : vector<16xf32>
      %mul3A_205 = arith.mulf %gather3A_199, %mul3A_146 : vector<16xf32>
      %add3A_206 = arith.addf %mul3A_204, %mul3A_205 : vector<16xf32>
      %mul3A_207 = arith.mulf %gather3A_201, %mul3A_147 : vector<16xf32>
      %add3A_208 = arith.addf %add3A_206, %mul3A_207 : vector<16xf32>
      %mul3A_209 = arith.mulf %gather3A_203, %mul3A_148 : vector<16xf32>
      %add3A_210 = arith.addf %add3A_208, %mul3A_209 : vector<16xf32>
      %broadcast_in_dim3A_211 = arith.constant 146 : i32
      %broadcast_in_dim3A_212 = vector.broadcast %broadcast_in_dim3A_211 : i32 to vector<16xi32>
      tpu.vector_store_idx %arg11[%add3A_121, %broadcast_in_dim3A_212], %add3A_210 : memref<25x392xf32, #tpu.memory_space<vmem>>[vector<16xi32>, vector<16xi32>], vector<16xf32>,
      %add3A_213 = arith.addi %add3A_152, %broadcast_in_dim3A_48 : vector<16xi32>
      %gather3A_214 = tpu.vector_load_idx %arg7[%add3A_213] : memref<32768xf32, #tpu.memory_space<vmem>>[vector<16xi32>], vector<16xf32>,
      %add3A_215 = arith.addi %add3A_155, %broadcast_in_dim3A_48 : vector<16xi32>
      %gather3A_216 = tpu.vector_load_idx %arg7[%add3A_215] : memref<32768xf32, #tpu.memory_space<vmem>>[vector<16xi32>], vector<16xf32>,
      %add3A_217 = arith.addi %add3A_158, %broadcast_in_dim3A_48 : vector<16xi32>
      %gather3A_218 = tpu.vector_load_idx %arg7[%add3A_217] : memref<32768xf32, #tpu.memory_space<vmem>>[vector<16xi32>], vector<16xf32>,
      %add3A_219 = arith.addi %add3A_161, %broadcast_in_dim3A_48 : vector<16xi32>
      %gather3A_220 = tpu.vector_load_idx %arg7[%add3A_219] : memref<32768xf32, #tpu.memory_space<vmem>>[vector<16xi32>], vector<16xf32>,
      %mul3A_221 = arith.mulf %gather3A_214, %mul3A_145 : vector<16xf32>
      %mul3A_222 = arith.mulf %gather3A_216, %mul3A_146 : vector<16xf32>
      %add3A_223 = arith.addf %mul3A_221, %mul3A_222 : vector<16xf32>
      %mul3A_224 = arith.mulf %gather3A_218, %mul3A_147 : vector<16xf32>
      %add3A_225 = arith.addf %add3A_223, %mul3A_224 : vector<16xf32>
      %mul3A_226 = arith.mulf %gather3A_220, %mul3A_148 : vector<16xf32>
      %add3A_227 = arith.addf %add3A_225, %mul3A_226 : vector<16xf32>
      %broadcast_in_dim3A_228 = arith.constant 195 : i32
      %broadcast_in_dim3A_229 = vector.broadcast %broadcast_in_dim3A_228 : i32 to vector<16xi32>
      tpu.vector_store_idx %arg11[%add3A_121, %broadcast_in_dim3A_229], %add3A_227 : memref<25x392xf32, #tpu.memory_space<vmem>>[vector<16xi32>, vector<16xi32>], vector<16xf32>,
      %add3A_230 = arith.addi %add3A_152, %broadcast_in_dim3A_50 : vector<16xi32>
      %gather3A_231 = tpu.vector_load_idx %arg7[%add3A_230] : memref<32768xf32, #tpu.memory_space<vmem>>[vector<16xi32>], vector<16xf32>,
      %add3A_232 = arith.addi %add3A_155, %broadcast_in_dim3A_50 : vector<16xi32>
      %gather3A_233 = tpu.vector_load_idx %arg7[%add3A_232] : memref<32768xf32, #tpu.memory_space<vmem>>[vector<16xi32>], vector<16xf32>,
      %add3A_234 = arith.addi %add3A_158, %broadcast_in_dim3A_50 : vector<16xi32>
      %gather3A_235 = tpu.vector_load_idx %arg7[%add3A_234] : memref<32768xf32, #tpu.memory_space<vmem>>[vector<16xi32>], vector<16xf32>,
      %add3A_236 = arith.addi %add3A_161, %broadcast_in_dim3A_50 : vector<16xi32>
      %gather3A_237 = tpu.vector_load_idx %arg7[%add3A_236] : memref<32768xf32, #tpu.memory_space<vmem>>[vector<16xi32>], vector<16xf32>,
      %mul3A_238 = arith.mulf %gather3A_231, %mul3A_145 : vector<16xf32>
      %mul3A_239 = arith.mulf %gather3A_233, %mul3A_146 : vector<16xf32>
      %add3A_240 = arith.addf %mul3A_238, %mul3A_239 : vector<16xf32>
      %mul3A_241 = arith.mulf %gather3A_235, %mul3A_147 : vector<16xf32>
      %add3A_242 = arith.addf %add3A_240, %mul3A_241 : vector<16xf32>
      %mul3A_243 = arith.mulf %gather3A_237, %mul3A_148 : vector<16xf32>
      %add3A_244 = arith.addf %add3A_242, %mul3A_243 : vector<16xf32>
      %broadcast_in_dim3A_245 = arith.constant 244 : i32
      %broadcast_in_dim3A_246 = vector.broadcast %broadcast_in_dim3A_245 : i32 to vector<16xi32>
      tpu.vector_store_idx %arg11[%add3A_121, %broadcast_in_dim3A_246], %add3A_244 : memref<25x392xf32, #tpu.memory_space<vmem>>[vector<16xi32>, vector<16xi32>], vector<16xf32>,
      %add3A_247 = arith.addi %add3A_152, %broadcast_in_dim3A_52 : vector<16xi32>
      %gather3A_248 = tpu.vector_load_idx %arg7[%add3A_247] : memref<32768xf32, #tpu.memory_space<vmem>>[vector<16xi32>], vector<16xf32>,
      %add3A_249 = arith.addi %add3A_155, %broadcast_in_dim3A_52 : vector<16xi32>
      %gather3A_250 = tpu.vector_load_idx %arg7[%add3A_249] : memref<32768xf32, #tpu.memory_space<vmem>>[vector<16xi32>], vector<16xf32>,
      %add3A_251 = arith.addi %add3A_158, %broadcast_in_dim3A_52 : vector<16xi32>
      %gather3A_252 = tpu.vector_load_idx %arg7[%add3A_251] : memref<32768xf32, #tpu.memory_space<vmem>>[vector<16xi32>], vector<16xf32>,
      %add3A_253 = arith.addi %add3A_161, %broadcast_in_dim3A_52 : vector<16xi32>
      %gather3A_254 = tpu.vector_load_idx %arg7[%add3A_253] : memref<32768xf32, #tpu.memory_space<vmem>>[vector<16xi32>], vector<16xf32>,
      %mul3A_255 = arith.mulf %gather3A_248, %mul3A_145 : vector<16xf32>
      %mul3A_256 = arith.mulf %gather3A_250, %mul3A_146 : vector<16xf32>
      %add3A_257 = arith.addf %mul3A_255, %mul3A_256 : vector<16xf32>
      %mul3A_258 = arith.mulf %gather3A_252, %mul3A_147 : vector<16xf32>
      %add3A_259 = arith.addf %add3A_257, %mul3A_258 : vector<16xf32>
      %mul3A_260 = arith.mulf %gather3A_254, %mul3A_148 : vector<16xf32>
      %add3A_261 = arith.addf %add3A_259, %mul3A_260 : vector<16xf32>
      %broadcast_in_dim3A_262 = arith.constant 293 : i32
      %broadcast_in_dim3A_263 = vector.broadcast %broadcast_in_dim3A_262 : i32 to vector<16xi32>
      tpu.vector_store_idx %arg11[%add3A_121, %broadcast_in_dim3A_263], %add3A_261 : memref<25x392xf32, #tpu.memory_space<vmem>>[vector<16xi32>, vector<16xi32>], vector<16xf32>,
      %add3A_264 = arith.addi %add3A_152, %broadcast_in_dim3A_54 : vector<16xi32>
      %gather3A_265 = tpu.vector_load_idx %arg7[%add3A_264] : memref<32768xf32, #tpu.memory_space<vmem>>[vector<16xi32>], vector<16xf32>,
      %add3A_266 = arith.addi %add3A_155, %broadcast_in_dim3A_54 : vector<16xi32>
      %gather3A_267 = tpu.vector_load_idx %arg7[%add3A_266] : memref<32768xf32, #tpu.memory_space<vmem>>[vector<16xi32>], vector<16xf32>,
      %add3A_268 = arith.addi %add3A_158, %broadcast_in_dim3A_54 : vector<16xi32>
      %gather3A_269 = tpu.vector_load_idx %arg7[%add3A_268] : memref<32768xf32, #tpu.memory_space<vmem>>[vector<16xi32>], vector<16xf32>,
      %add3A_270 = arith.addi %add3A_161, %broadcast_in_dim3A_54 : vector<16xi32>
      %gather3A_271 = tpu.vector_load_idx %arg7[%add3A_270] : memref<32768xf32, #tpu.memory_space<vmem>>[vector<16xi32>], vector<16xf32>,
      %mul3A_272 = arith.mulf %gather3A_265, %mul3A_145 : vector<16xf32>
      %mul3A_273 = arith.mulf %gather3A_267, %mul3A_146 : vector<16xf32>
      %add3A_274 = arith.addf %mul3A_272, %mul3A_273 : vector<16xf32>
      %mul3A_275 = arith.mulf %gather3A_269, %mul3A_147 : vector<16xf32>
      %add3A_276 = arith.addf %add3A_274, %mul3A_275 : vector<16xf32>
      %mul3A_277 = arith.mulf %gather3A_271, %mul3A_148 : vector<16xf32>
      %add3A_278 = arith.addf %add3A_276, %mul3A_277 : vector<16xf32>
      %broadcast_in_dim3A_279 = arith.constant 342 : i32
      %broadcast_in_dim3A_280 = vector.broadcast %broadcast_in_dim3A_279 : i32 to vector<16xi32>
      tpu.vector_store_idx %arg11[%add3A_121, %broadcast_in_dim3A_280], %add3A_278 : memref<25x392xf32, #tpu.memory_space<vmem>>[vector<16xi32>, vector<16xi32>], vector<16xf32>,
      %add3A_281 = arith.addi %add3A_152, %broadcast_in_dim3A_56 : vector<16xi32>
      %gather3A_282 = tpu.vector_load_idx %arg7[%add3A_281] : memref<32768xf32, #tpu.memory_space<vmem>>[vector<16xi32>], vector<16xf32>,
      %add3A_283 = arith.addi %add3A_155, %broadcast_in_dim3A_56 : vector<16xi32>
      %gather3A_284 = tpu.vector_load_idx %arg7[%add3A_283] : memref<32768xf32, #tpu.memory_space<vmem>>[vector<16xi32>], vector<16xf32>,
      %add3A_285 = arith.addi %add3A_158, %broadcast_in_dim3A_56 : vector<16xi32>
      %gather3A_286 = tpu.vector_load_idx %arg7[%add3A_285] : memref<32768xf32, #tpu.memory_space<vmem>>[vector<16xi32>], vector<16xf32>,
      %add3A_287 = arith.addi %add3A_161, %broadcast_in_dim3A_56 : vector<16xi32>
      %gather3A_288 = tpu.vector_load_idx %arg7[%add3A_287] : memref<32768xf32, #tpu.memory_space<vmem>>[vector<16xi32>], vector<16xf32>,
      %mul3A_289 = arith.mulf %gather3A_282, %mul3A_145 : vector<16xf32>
      %mul3A_290 = arith.mulf %gather3A_284, %mul3A_146 : vector<16xf32>
      %add3A_291 = arith.addf %mul3A_289, %mul3A_290 : vector<16xf32>
      %mul3A_292 = arith.mulf %gather3A_286, %mul3A_147 : vector<16xf32>
      %add3A_293 = arith.addf %add3A_291, %mul3A_292 : vector<16xf32>
      %mul3A_294 = arith.mulf %gather3A_288, %mul3A_148 : vector<16xf32>
      %add3A_295 = arith.addf %add3A_293, %mul3A_294 : vector<16xf32>
      %broadcast_in_dim3A_296 = arith.constant 391 : i32
      %broadcast_in_dim3A_297 = vector.broadcast %broadcast_in_dim3A_296 : i32 to vector<16xi32>
      tpu.vector_store_idx %arg11[%add3A_121, %broadcast_in_dim3A_297], %add3A_295 : memref<25x392xf32, #tpu.memory_space<vmem>>[vector<16xi32>, vector<16xi32>], vector<16xf32>,
      %mul3A_298 = arith.constant 25 : i32
      %mul3A_299 = arith.muli %add3A_81, %mul3A_298 : i32
      %add3A_300 = arith.constant 16 : i32
      %add3A_301 = arith.addi %mul3A_299, %add3A_300 : i32
      %broadcast_in_dim3A_302 = vector.broadcast %add3A_301 : i32 to vector<16xi32>
      %add3A_303 = arith.addi %broadcast_in_dim3A_302, %iota3A : vector<16xi32>
      %mul3A_304 = arith.constant 4 : i32
      %mul3A_305 = vector.broadcast %mul3A_304 : i32 to vector<16xi32>
      %mul3A_306 = arith.muli %add3A_303, %mul3A_305 : vector<16xi32>
      %gather3A_307 = tpu.vector_load_idx %arg8[%mul3A_306] : memref<10112xf32, #tpu.memory_space<vmem>>[vector<16xi32>], vector<16xf32>,
      %add3A_308 = arith.constant 1 : i32
      %add3A_309 = vector.broadcast %add3A_308 : i32 to vector<16xi32>
      %add3A_310 = arith.addi %mul3A_306, %add3A_309 : vector<16xi32>
      %gather3A_311 = tpu.vector_load_idx %arg8[%add3A_310] : memref<10112xf32, #tpu.memory_space<vmem>>[vector<16xi32>], vector<16xf32>,
      %add3A_312 = arith.constant 2 : i32
      %add3A_313 = vector.broadcast %add3A_312 : i32 to vector<16xi32>
      %add3A_314 = arith.addi %mul3A_306, %add3A_313 : vector<16xi32>
      %gather3A_315 = tpu.vector_load_idx %arg8[%add3A_314] : memref<10112xf32, #tpu.memory_space<vmem>>[vector<16xi32>], vector<16xf32>,
      %add3A_316 = arith.constant 3 : i32
      %add3A_317 = vector.broadcast %add3A_316 : i32 to vector<16xi32>
      %add3A_318 = arith.addi %mul3A_306, %add3A_317 : vector<16xi32>
      %gather3A_319 = tpu.vector_load_idx %arg8[%add3A_318] : memref<10112xf32, #tpu.memory_space<vmem>>[vector<16xi32>], vector<16xf32>,
      %sub3A_320 = arith.subf %gather3A_315, %gather3A_307 : vector<16xf32>
      %max3A_321 = arith.constant 1.000000e+00 : f32
      %max3A_322 = vector.broadcast %max3A_321 : f32 to vector<16xf32>
      %max3A_323 = arith.maximumf %sub3A_320, %max3A_322 : vector<16xf32>
      %add3A_324 = arith.addf %gather3A_307, %max3A_323 : vector<16xf32>
      %sub3A_325 = arith.subf %gather3A_319, %gather3A_311 : vector<16xf32>
      %max3A_326 = arith.constant 1.000000e+00 : f32
      %max3A_327 = vector.broadcast %max3A_326 : f32 to vector<16xf32>
      %max3A_328 = arith.maximumf %sub3A_325, %max3A_327 : vector<16xf32>
      %add3A_329 = arith.addf %gather3A_311, %max3A_328 : vector<16xf32>
      %lt3A_330 = arith.constant 9 : i32
      %lt3A_331 = vector.broadcast %lt3A_330 : i32 to vector<16xi32>
      %lt3A_332 = arith.cmpi slt, %iota3A, %lt3A_331 : vector<16xi32>
      %broadcast_in_dim3A_333 = arith.constant 16 : i32
      %broadcast_in_dim3A_334 = vector.broadcast %broadcast_in_dim3A_333 : i32 to vector<16xi32>
      %add3A_335 = arith.addi %broadcast_in_dim3A_334, %iota3A : vector<16xi32>
      %convert_element_type3A_336 = arith.fptosi %add3A_324 : vector<16xf32> to vector<16xi32>
      %jit3A_337 = arith.constant 0 : i32
      %jit3A_338 = arith.constant 62 : i32
      %max3A_339 = vector.broadcast %jit3A_337 : i32 to vector<16xi32>
      %max3A_340 = arith.maxsi %max3A_339, %convert_element_type3A_336 : vector<16xi32>
      %min3A_341 = vector.broadcast %jit3A_338 : i32 to vector<16xi32>
      %min3A_342 = arith.minsi %min3A_341, %max3A_340 : vector<16xi32>
      %convert_element_type3A_343 = arith.fptosi %add3A_329 : vector<16xf32> to vector<16xi32>
      %jit3A_344 = arith.constant 0 : i32
      %jit3A_345 = arith.constant 62 : i32
      %max3A_346 = vector.broadcast %jit3A_344 : i32 to vector<16xi32>
      %max3A_347 = arith.maxsi %max3A_346, %convert_element_type3A_343 : vector<16xi32>
      %min3A_348 = vector.broadcast %jit3A_345 : i32 to vector<16xi32>
      %min3A_349 = arith.minsi %min3A_348, %max3A_347 : vector<16xi32>
      %convert_element_type3A_350 = arith.sitofp %min3A_342 : vector<16xi32> to vector<16xf32>
      %sub3A_351 = arith.subf %add3A_324, %convert_element_type3A_350 : vector<16xf32>
      %convert_element_type3A_352 = arith.sitofp %min3A_349 : vector<16xi32> to vector<16xf32>
      %sub3A_353 = arith.subf %add3A_329, %convert_element_type3A_352 : vector<16xf32>
      %sub3A_354 = arith.constant 1.000000e+00 : f32
      %sub3A_355 = vector.broadcast %sub3A_354 : f32 to vector<16xf32>
      %sub3A_356 = arith.subf %sub3A_355, %sub3A_351 : vector<16xf32>
      %sub3A_357 = arith.constant 1.000000e+00 : f32
      %sub3A_358 = vector.broadcast %sub3A_357 : f32 to vector<16xf32>
      %sub3A_359 = arith.subf %sub3A_358, %sub3A_353 : vector<16xf32>
      %mul3A_360 = arith.mulf %sub3A_359, %sub3A_356 : vector<16xf32>
      %mul3A_361 = arith.mulf %sub3A_359, %sub3A_351 : vector<16xf32>
      %mul3A_362 = arith.mulf %sub3A_353, %sub3A_356 : vector<16xf32>
      %mul3A_363 = arith.mulf %sub3A_353, %sub3A_351 : vector<16xf32>
      %mul3A_364 = arith.constant 64 : i32
      %mul3A_365 = vector.broadcast %mul3A_364 : i32 to vector<16xi32>
      %mul3A_366 = arith.muli %min3A_349, %mul3A_365 : vector<16xi32>
      %add3A_367 = arith.addi %mul3A_366, %min3A_342 : vector<16xi32>
      %add3A_368 = arith.constant 1 : i32
      %add3A_369 = vector.broadcast %add3A_368 : i32 to vector<16xi32>
      %add3A_370 = arith.addi %add3A_367, %add3A_369 : vector<16xi32>
      %add3A_371 = arith.constant 64 : i32
      %add3A_372 = vector.broadcast %add3A_371 : i32 to vector<16xi32>
      %add3A_373 = arith.addi %add3A_367, %add3A_372 : vector<16xi32>
      %add3A_374 = arith.constant 1 : i32
      %add3A_375 = vector.broadcast %add3A_374 : i32 to vector<16xi32>
      %add3A_376 = arith.addi %add3A_373, %add3A_375 : vector<16xi32>
      %add3A_377 = arith.addi %add3A_367, %broadcast_in_dim3A_42 : vector<16xi32>
      %gather3A_378 = tpu.vector_load_idx %arg7[%add3A_377] : memref<32768xf32, #tpu.memory_space<vmem>>[vector<16xi32>], vector<16xf32>,
      %add3A_379 = arith.addi %add3A_370, %broadcast_in_dim3A_42 : vector<16xi32>
      %gather3A_380 = tpu.vector_load_idx %arg7[%add3A_379] : memref<32768xf32, #tpu.memory_space<vmem>>[vector<16xi32>], vector<16xf32>,
      %add3A_381 = arith.addi %add3A_373, %broadcast_in_dim3A_42 : vector<16xi32>
      %gather3A_382 = tpu.vector_load_idx %arg7[%add3A_381] : memref<32768xf32, #tpu.memory_space<vmem>>[vector<16xi32>], vector<16xf32>,
      %add3A_383 = arith.addi %add3A_376, %broadcast_in_dim3A_42 : vector<16xi32>
      %gather3A_384 = tpu.vector_load_idx %arg7[%add3A_383] : memref<32768xf32, #tpu.memory_space<vmem>>[vector<16xi32>], vector<16xf32>,
      %mul3A_385 = arith.mulf %gather3A_378, %mul3A_360 : vector<16xf32>
      %mul3A_386 = arith.mulf %gather3A_380, %mul3A_361 : vector<16xf32>
      %add3A_387 = arith.addf %mul3A_385, %mul3A_386 : vector<16xf32>
      %mul3A_388 = arith.mulf %gather3A_382, %mul3A_362 : vector<16xf32>
      %add3A_389 = arith.addf %add3A_387, %mul3A_388 : vector<16xf32>
      %mul3A_390 = arith.mulf %gather3A_384, %mul3A_363 : vector<16xf32>
      %add3A_391 = arith.addf %add3A_389, %mul3A_390 : vector<16xf32>
      %broadcast_in_dim3A_392 = arith.constant 48 : i32
      %broadcast_in_dim3A_393 = vector.broadcast %broadcast_in_dim3A_392 : i32 to vector<16xi32>
      tpu.vector_store_idx %arg11[%add3A_335, %broadcast_in_dim3A_393], %add3A_391 masked %lt3A_332 : memref<25x392xf32, #tpu.memory_space<vmem>>[vector<16xi32>, vector<16xi32>], vector<16xf32>, vector<16xi1>
      %add3A_394 = arith.addi %add3A_367, %broadcast_in_dim3A_44 : vector<16xi32>
      %gather3A_395 = tpu.vector_load_idx %arg7[%add3A_394] : memref<32768xf32, #tpu.memory_space<vmem>>[vector<16xi32>], vector<16xf32>,
      %add3A_396 = arith.addi %add3A_370, %broadcast_in_dim3A_44 : vector<16xi32>
      %gather3A_397 = tpu.vector_load_idx %arg7[%add3A_396] : memref<32768xf32, #tpu.memory_space<vmem>>[vector<16xi32>], vector<16xf32>,
      %add3A_398 = arith.addi %add3A_373, %broadcast_in_dim3A_44 : vector<16xi32>
      %gather3A_399 = tpu.vector_load_idx %arg7[%add3A_398] : memref<32768xf32, #tpu.memory_space<vmem>>[vector<16xi32>], vector<16xf32>,
      %add3A_400 = arith.addi %add3A_376, %broadcast_in_dim3A_44 : vector<16xi32>
      %gather3A_401 = tpu.vector_load_idx %arg7[%add3A_400] : memref<32768xf32, #tpu.memory_space<vmem>>[vector<16xi32>], vector<16xf32>,
      %mul3A_402 = arith.mulf %gather3A_395, %mul3A_360 : vector<16xf32>
      %mul3A_403 = arith.mulf %gather3A_397, %mul3A_361 : vector<16xf32>
      %add3A_404 = arith.addf %mul3A_402, %mul3A_403 : vector<16xf32>
      %mul3A_405 = arith.mulf %gather3A_399, %mul3A_362 : vector<16xf32>
      %add3A_406 = arith.addf %add3A_404, %mul3A_405 : vector<16xf32>
      %mul3A_407 = arith.mulf %gather3A_401, %mul3A_363 : vector<16xf32>
      %add3A_408 = arith.addf %add3A_406, %mul3A_407 : vector<16xf32>
      %broadcast_in_dim3A_409 = arith.constant 97 : i32
      %broadcast_in_dim3A_410 = vector.broadcast %broadcast_in_dim3A_409 : i32 to vector<16xi32>
      tpu.vector_store_idx %arg11[%add3A_335, %broadcast_in_dim3A_410], %add3A_408 masked %lt3A_332 : memref<25x392xf32, #tpu.memory_space<vmem>>[vector<16xi32>, vector<16xi32>], vector<16xf32>, vector<16xi1>
      %add3A_411 = arith.addi %add3A_367, %broadcast_in_dim3A_46 : vector<16xi32>
      %gather3A_412 = tpu.vector_load_idx %arg7[%add3A_411] : memref<32768xf32, #tpu.memory_space<vmem>>[vector<16xi32>], vector<16xf32>,
      %add3A_413 = arith.addi %add3A_370, %broadcast_in_dim3A_46 : vector<16xi32>
      %gather3A_414 = tpu.vector_load_idx %arg7[%add3A_413] : memref<32768xf32, #tpu.memory_space<vmem>>[vector<16xi32>], vector<16xf32>,
      %add3A_415 = arith.addi %add3A_373, %broadcast_in_dim3A_46 : vector<16xi32>
      %gather3A_416 = tpu.vector_load_idx %arg7[%add3A_415] : memref<32768xf32, #tpu.memory_space<vmem>>[vector<16xi32>], vector<16xf32>,
      %add3A_417 = arith.addi %add3A_376, %broadcast_in_dim3A_46 : vector<16xi32>
      %gather3A_418 = tpu.vector_load_idx %arg7[%add3A_417] : memref<32768xf32, #tpu.memory_space<vmem>>[vector<16xi32>], vector<16xf32>,
      %mul3A_419 = arith.mulf %gather3A_412, %mul3A_360 : vector<16xf32>
      %mul3A_420 = arith.mulf %gather3A_414, %mul3A_361 : vector<16xf32>
      %add3A_421 = arith.addf %mul3A_419, %mul3A_420 : vector<16xf32>
      %mul3A_422 = arith.mulf %gather3A_416, %mul3A_362 : vector<16xf32>
      %add3A_423 = arith.addf %add3A_421, %mul3A_422 : vector<16xf32>
      %mul3A_424 = arith.mulf %gather3A_418, %mul3A_363 : vector<16xf32>
      %add3A_425 = arith.addf %add3A_423, %mul3A_424 : vector<16xf32>
      %broadcast_in_dim3A_426 = arith.constant 146 : i32
      %broadcast_in_dim3A_427 = vector.broadcast %broadcast_in_dim3A_426 : i32 to vector<16xi32>
      tpu.vector_store_idx %arg11[%add3A_335, %broadcast_in_dim3A_427], %add3A_425 masked %lt3A_332 : memref<25x392xf32, #tpu.memory_space<vmem>>[vector<16xi32>, vector<16xi32>], vector<16xf32>, vector<16xi1>
      %add3A_428 = arith.addi %add3A_367, %broadcast_in_dim3A_48 : vector<16xi32>
      %gather3A_429 = tpu.vector_load_idx %arg7[%add3A_428] : memref<32768xf32, #tpu.memory_space<vmem>>[vector<16xi32>], vector<16xf32>,
      %add3A_430 = arith.addi %add3A_370, %broadcast_in_dim3A_48 : vector<16xi32>
      %gather3A_431 = tpu.vector_load_idx %arg7[%add3A_430] : memref<32768xf32, #tpu.memory_space<vmem>>[vector<16xi32>], vector<16xf32>,
      %add3A_432 = arith.addi %add3A_373, %broadcast_in_dim3A_48 : vector<16xi32>
      %gather3A_433 = tpu.vector_load_idx %arg7[%add3A_432] : memref<32768xf32, #tpu.memory_space<vmem>>[vector<16xi32>], vector<16xf32>,
      %add3A_434 = arith.addi %add3A_376, %broadcast_in_dim3A_48 : vector<16xi32>
      %gather3A_435 = tpu.vector_load_idx %arg7[%add3A_434] : memref<32768xf32, #tpu.memory_space<vmem>>[vector<16xi32>], vector<16xf32>,
      %mul3A_436 = arith.mulf %gather3A_429, %mul3A_360 : vector<16xf32>
      %mul3A_437 = arith.mulf %gather3A_431, %mul3A_361 : vector<16xf32>
      %add3A_438 = arith.addf %mul3A_436, %mul3A_437 : vector<16xf32>
      %mul3A_439 = arith.mulf %gather3A_433, %mul3A_362 : vector<16xf32>
      %add3A_440 = arith.addf %add3A_438, %mul3A_439 : vector<16xf32>
      %mul3A_441 = arith.mulf %gather3A_435, %mul3A_363 : vector<16xf32>
      %add3A_442 = arith.addf %add3A_440, %mul3A_441 : vector<16xf32>
      %broadcast_in_dim3A_443 = arith.constant 195 : i32
      %broadcast_in_dim3A_444 = vector.broadcast %broadcast_in_dim3A_443 : i32 to vector<16xi32>
      tpu.vector_store_idx %arg11[%add3A_335, %broadcast_in_dim3A_444], %add3A_442 masked %lt3A_332 : memref<25x392xf32, #tpu.memory_space<vmem>>[vector<16xi32>, vector<16xi32>], vector<16xf32>, vector<16xi1>
      %add3A_445 = arith.addi %add3A_367, %broadcast_in_dim3A_50 : vector<16xi32>
      %gather3A_446 = tpu.vector_load_idx %arg7[%add3A_445] : memref<32768xf32, #tpu.memory_space<vmem>>[vector<16xi32>], vector<16xf32>,
      %add3A_447 = arith.addi %add3A_370, %broadcast_in_dim3A_50 : vector<16xi32>
      %gather3A_448 = tpu.vector_load_idx %arg7[%add3A_447] : memref<32768xf32, #tpu.memory_space<vmem>>[vector<16xi32>], vector<16xf32>,
      %add3A_449 = arith.addi %add3A_373, %broadcast_in_dim3A_50 : vector<16xi32>
      %gather3A_450 = tpu.vector_load_idx %arg7[%add3A_449] : memref<32768xf32, #tpu.memory_space<vmem>>[vector<16xi32>], vector<16xf32>,
      %add3A_451 = arith.addi %add3A_376, %broadcast_in_dim3A_50 : vector<16xi32>
      %gather3A_452 = tpu.vector_load_idx %arg7[%add3A_451] : memref<32768xf32, #tpu.memory_space<vmem>>[vector<16xi32>], vector<16xf32>,
      %mul3A_453 = arith.mulf %gather3A_446, %mul3A_360 : vector<16xf32>
      %mul3A_454 = arith.mulf %gather3A_448, %mul3A_361 : vector<16xf32>
      %add3A_455 = arith.addf %mul3A_453, %mul3A_454 : vector<16xf32>
      %mul3A_456 = arith.mulf %gather3A_450, %mul3A_362 : vector<16xf32>
      %add3A_457 = arith.addf %add3A_455, %mul3A_456 : vector<16xf32>
      %mul3A_458 = arith.mulf %gather3A_452, %mul3A_363 : vector<16xf32>
      %add3A_459 = arith.addf %add3A_457, %mul3A_458 : vector<16xf32>
      %broadcast_in_dim3A_460 = arith.constant 244 : i32
      %broadcast_in_dim3A_461 = vector.broadcast %broadcast_in_dim3A_460 : i32 to vector<16xi32>
      tpu.vector_store_idx %arg11[%add3A_335, %broadcast_in_dim3A_461], %add3A_459 masked %lt3A_332 : memref<25x392xf32, #tpu.memory_space<vmem>>[vector<16xi32>, vector<16xi32>], vector<16xf32>, vector<16xi1>
      %add3A_462 = arith.addi %add3A_367, %broadcast_in_dim3A_52 : vector<16xi32>
      %gather3A_463 = tpu.vector_load_idx %arg7[%add3A_462] : memref<32768xf32, #tpu.memory_space<vmem>>[vector<16xi32>], vector<16xf32>,
      %add3A_464 = arith.addi %add3A_370, %broadcast_in_dim3A_52 : vector<16xi32>
      %gather3A_465 = tpu.vector_load_idx %arg7[%add3A_464] : memref<32768xf32, #tpu.memory_space<vmem>>[vector<16xi32>], vector<16xf32>,
      %add3A_466 = arith.addi %add3A_373, %broadcast_in_dim3A_52 : vector<16xi32>
      %gather3A_467 = tpu.vector_load_idx %arg7[%add3A_466] : memref<32768xf32, #tpu.memory_space<vmem>>[vector<16xi32>], vector<16xf32>,
      %add3A_468 = arith.addi %add3A_376, %broadcast_in_dim3A_52 : vector<16xi32>
      %gather3A_469 = tpu.vector_load_idx %arg7[%add3A_468] : memref<32768xf32, #tpu.memory_space<vmem>>[vector<16xi32>], vector<16xf32>,
      %mul3A_470 = arith.mulf %gather3A_463, %mul3A_360 : vector<16xf32>
      %mul3A_471 = arith.mulf %gather3A_465, %mul3A_361 : vector<16xf32>
      %add3A_472 = arith.addf %mul3A_470, %mul3A_471 : vector<16xf32>
      %mul3A_473 = arith.mulf %gather3A_467, %mul3A_362 : vector<16xf32>
      %add3A_474 = arith.addf %add3A_472, %mul3A_473 : vector<16xf32>
      %mul3A_475 = arith.mulf %gather3A_469, %mul3A_363 : vector<16xf32>
      %add3A_476 = arith.addf %add3A_474, %mul3A_475 : vector<16xf32>
      %broadcast_in_dim3A_477 = arith.constant 293 : i32
      %broadcast_in_dim3A_478 = vector.broadcast %broadcast_in_dim3A_477 : i32 to vector<16xi32>
      tpu.vector_store_idx %arg11[%add3A_335, %broadcast_in_dim3A_478], %add3A_476 masked %lt3A_332 : memref<25x392xf32, #tpu.memory_space<vmem>>[vector<16xi32>, vector<16xi32>], vector<16xf32>, vector<16xi1>
      %add3A_479 = arith.addi %add3A_367, %broadcast_in_dim3A_54 : vector<16xi32>
      %gather3A_480 = tpu.vector_load_idx %arg7[%add3A_479] : memref<32768xf32, #tpu.memory_space<vmem>>[vector<16xi32>], vector<16xf32>,
      %add3A_481 = arith.addi %add3A_370, %broadcast_in_dim3A_54 : vector<16xi32>
      %gather3A_482 = tpu.vector_load_idx %arg7[%add3A_481] : memref<32768xf32, #tpu.memory_space<vmem>>[vector<16xi32>], vector<16xf32>,
      %add3A_483 = arith.addi %add3A_373, %broadcast_in_dim3A_54 : vector<16xi32>
      %gather3A_484 = tpu.vector_load_idx %arg7[%add3A_483] : memref<32768xf32, #tpu.memory_space<vmem>>[vector<16xi32>], vector<16xf32>,
      %add3A_485 = arith.addi %add3A_376, %broadcast_in_dim3A_54 : vector<16xi32>
      %gather3A_486 = tpu.vector_load_idx %arg7[%add3A_485] : memref<32768xf32, #tpu.memory_space<vmem>>[vector<16xi32>], vector<16xf32>,
      %mul3A_487 = arith.mulf %gather3A_480, %mul3A_360 : vector<16xf32>
      %mul3A_488 = arith.mulf %gather3A_482, %mul3A_361 : vector<16xf32>
      %add3A_489 = arith.addf %mul3A_487, %mul3A_488 : vector<16xf32>
      %mul3A_490 = arith.mulf %gather3A_484, %mul3A_362 : vector<16xf32>
      %add3A_491 = arith.addf %add3A_489, %mul3A_490 : vector<16xf32>
      %mul3A_492 = arith.mulf %gather3A_486, %mul3A_363 : vector<16xf32>
      %add3A_493 = arith.addf %add3A_491, %mul3A_492 : vector<16xf32>
      %broadcast_in_dim3A_494 = arith.constant 342 : i32
      %broadcast_in_dim3A_495 = vector.broadcast %broadcast_in_dim3A_494 : i32 to vector<16xi32>
      tpu.vector_store_idx %arg11[%add3A_335, %broadcast_in_dim3A_495], %add3A_493 masked %lt3A_332 : memref<25x392xf32, #tpu.memory_space<vmem>>[vector<16xi32>, vector<16xi32>], vector<16xf32>, vector<16xi1>
      %add3A_496 = arith.addi %add3A_367, %broadcast_in_dim3A_56 : vector<16xi32>
      %gather3A_497 = tpu.vector_load_idx %arg7[%add3A_496] : memref<32768xf32, #tpu.memory_space<vmem>>[vector<16xi32>], vector<16xf32>,
      %add3A_498 = arith.addi %add3A_370, %broadcast_in_dim3A_56 : vector<16xi32>
      %gather3A_499 = tpu.vector_load_idx %arg7[%add3A_498] : memref<32768xf32, #tpu.memory_space<vmem>>[vector<16xi32>], vector<16xf32>,
      %add3A_500 = arith.addi %add3A_373, %broadcast_in_dim3A_56 : vector<16xi32>
      %gather3A_501 = tpu.vector_load_idx %arg7[%add3A_500] : memref<32768xf32, #tpu.memory_space<vmem>>[vector<16xi32>], vector<16xf32>,
      %add3A_502 = arith.addi %add3A_376, %broadcast_in_dim3A_56 : vector<16xi32>
      %gather3A_503 = tpu.vector_load_idx %arg7[%add3A_502] : memref<32768xf32, #tpu.memory_space<vmem>>[vector<16xi32>], vector<16xf32>,
      %mul3A_504 = arith.mulf %gather3A_497, %mul3A_360 : vector<16xf32>
      %mul3A_505 = arith.mulf %gather3A_499, %mul3A_361 : vector<16xf32>
      %add3A_506 = arith.addf %mul3A_504, %mul3A_505 : vector<16xf32>
      %mul3A_507 = arith.mulf %gather3A_501, %mul3A_362 : vector<16xf32>
      %add3A_508 = arith.addf %add3A_506, %mul3A_507 : vector<16xf32>
      %mul3A_509 = arith.mulf %gather3A_503, %mul3A_363 : vector<16xf32>
      %add3A_510 = arith.addf %add3A_508, %mul3A_509 : vector<16xf32>
      %broadcast_in_dim3A_511 = arith.constant 391 : i32
      %broadcast_in_dim3A_512 = vector.broadcast %broadcast_in_dim3A_511 : i32 to vector<16xi32>
      tpu.vector_store_idx %arg11[%add3A_335, %broadcast_in_dim3A_512], %add3A_510 masked %lt3A_332 : memref<25x392xf32, #tpu.memory_space<vmem>>[vector<16xi32>, vector<16xi32>], vector<16xf32>, vector<16xi1>
      %mul3A_513 = arith.constant 2500 : i32
      %mul3A_514 = arith.muli %select_n3A, %mul3A_513 : i32
      %mul3A_515 = arith.constant 25 : i32
      %mul3A_516 = arith.muli %add3A_81, %mul3A_515 : i32
      %add3A_517 = arith.addi %mul3A_514, %mul3A_516 : i32
      %mul3A_518 = arith.constant 392 : i32
      %mul3A_519 = arith.muli %select_n3A_30, %mul3A_518 : i32
      %dma_start3A = tpu.memref_slice %arg6[%add3A_517, %mul3A_519] : memref<10000x3136xf32, #tpu.memory_space<hbm>> -> memref<25x392xf32, #tpu.memory_space<hbm>>
      %dma_start3A_520 = tpu.memref_slice %arg6[%add3A_517, %mul3A_519] : memref<10000x3136xf32, #tpu.memory_space<hbm>> -> memref<25x392xf32, #tpu.memory_space<hbm>>
      tpu.enqueue_dma source(%arg11 : memref<25x392xf32, #tpu.memory_space<vmem>>) target(%dma_start3A_520 : memref<25x392xf32, #tpu.memory_space<hbm>>) target_semaphore(%arg13 : memref<!tpu.dma_semaphore, #tpu.memory_space<semaphore_mem>>)
      %mul3A_521 = arith.constant 2 : i32
      %mul3A_522 = arith.muli %scan3A_77, %mul3A_521 : i32
      %add3A_523 = arith.constant 1 : i32
      %add3A_524 = arith.addi %mul3A_522, %add3A_523 : i32
      %gt3A_525 = arith.constant 0 : i32
      %gt3A_526 = arith.cmpi sgt, %scan3A_77, %gt3A_525 : i32
      %convert_element_type3A_527 = arith.extui %gt3A_526 : i1 to i32
      %cond3A_528 = arith.constant 0 : i32
      %cond3A_529 = arith.cmpi ne, %convert_element_type3A_527, %cond3A_528 : i32
      scf.if %cond3A_529 {
        %mul3A_971 = arith.constant 2500 : i32
        %mul3A_972 = arith.muli %select_n3A, %mul3A_971 : i32
        %add3A_973 = arith.constant 0 : i32
        %add3A_974 = arith.addi %mul3A_972, %add3A_973 : i32
        %mul3A_975 = arith.constant 392 : i32
        %mul3A_976 = arith.muli %select_n3A_30, %mul3A_975 : i32
        %dma_wait3A_977 = tpu.memref_slice %arg6[%add3A_974, %mul3A_976] : memref<10000x3136xf32, #tpu.memory_space<hbm>> -> memref<25x392xf32, #tpu.memory_space<hbm>>
        %dma_wait3A_978 = tpu.memref_slice %arg6[%add3A_974, %mul3A_976] : memref<10000x3136xf32, #tpu.memory_space<hbm>> -> memref<25x392xf32, #tpu.memory_space<hbm>>
        tpu.wait_dma2 semaphore(%arg14 : memref<!tpu.dma_semaphore, #tpu.memory_space<semaphore_mem>>) src(%arg12 : memref<25x392xf32, #tpu.memory_space<vmem>>) dst(%dma_wait3A_978 : memref<25x392xf32, #tpu.memory_space<hbm>>)
      } else {
      }
      %scan3A_530 = arith.constant 0 : i32
      %scan3A_531 = arith.constant 25 : i32
      %scan3A_532 = arith.addi %scan3A_530, %scan3A_531 : i32
      %scan3A_533 = arith.constant 1 : i32
      scf.for %scan3A_971 = %scan3A_530 to %scan3A_532 step %scan3A_533  : i32 {
        %mul3A_972 = arith.constant 25 : i32
        %mul3A_973 = arith.muli %add3A_524, %mul3A_972 : i32
        %add3A_974 = arith.addi %mul3A_973, %scan3A_971 : i32
        %mul3A_975 = arith.constant 4 : i32
        %mul3A_976 = arith.muli %add3A_974, %mul3A_975 : i32
        %broadcast_in_dim3A_977 = vector.broadcast %mul3A_976 : i32 to vector<16xi32>
        %add3A_978 = arith.addi %broadcast_in_dim3A_977, %iota3A : vector<16xi32>
        %gather3A_979 = tpu.vector_load_idx %arg8[%add3A_978] : memref<10112xf32, #tpu.memory_space<vmem>>[vector<16xi32>], vector<16xf32>,
        %slice3A = vector.extract_strided_slice %gather3A_979 {offsets = [0], sizes = [1], strides = [1]} : vector<16xf32> to vector<1xf32>
        %squeeze3A = vector.extract %slice3A[0] : f32 from vector<1xf32>
        %slice3A_980 = vector.extract_strided_slice %gather3A_979 {offsets = [1], sizes = [1], strides = [1]} : vector<16xf32> to vector<1xf32>
        %squeeze3A_981 = vector.extract %slice3A_980[0] : f32 from vector<1xf32>
        %slice3A_982 = vector.extract_strided_slice %gather3A_979 {offsets = [2], sizes = [1], strides = [1]} : vector<16xf32> to vector<1xf32>
        %squeeze3A_983 = vector.extract %slice3A_982[0] : f32 from vector<1xf32>
        %sub3A_984 = arith.subf %squeeze3A_983, %squeeze3A : f32
        %max3A_985 = arith.constant 1.000000e+00 : f32
        %max3A_986 = arith.maximumf %sub3A_984, %max3A_985 : f32
        %slice3A_987 = vector.extract_strided_slice %gather3A_979 {offsets = [3], sizes = [1], strides = [1]} : vector<16xf32> to vector<1xf32>
        %squeeze3A_988 = vector.extract %slice3A_987[0] : f32 from vector<1xf32>
        %sub3A_989 = arith.subf %squeeze3A_988, %squeeze3A_981 : f32
        %max3A_990 = arith.constant 1.000000e+00 : f32
        %max3A_991 = arith.maximumf %sub3A_989, %max3A_990 : f32
        %broadcast_in_dim3A_992 = vector.broadcast %scan3A_971 : i32 to vector<16xi32>
        %get3A = arith.constant 0 : index
        %get3A_993 = tpu.vector_load %arg10[%get3A] {strides = array<i32>} : memref<64xf32, #tpu.memory_space<vmem>>, vector<16xf32>,
        %get3A_994 = arith.constant 0 : index
        %get3A_995 = tpu.vector_load %arg9[%get3A_994] {strides = array<i32>} : memref<64xf32, #tpu.memory_space<vmem>>, vector<16xf32>,
        %broadcast_in_dim3A_996 = vector.broadcast %squeeze3A : f32 to vector<16xf32>
        %mul3A_997 = vector.broadcast %max3A_986 : f32 to vector<16xf32>
        %mul3A_998 = arith.mulf %get3A_993, %mul3A_997 : vector<16xf32>
        %add3A_999 = arith.addf %broadcast_in_dim3A_996, %mul3A_998 : vector<16xf32>
        %broadcast_in_dim3A_1000 = vector.broadcast %squeeze3A_981 : f32 to vector<16xf32>
        %mul3A_1001 = vector.broadcast %max3A_991 : f32 to vector<16xf32>
        %mul3A_1002 = arith.mulf %get3A_995, %mul3A_1001 : vector<16xf32>
        %add3A_1003 = arith.addf %broadcast_in_dim3A_1000, %mul3A_1002 : vector<16xf32>
        %convert_element_type3A_1004 = arith.fptosi %add3A_999 : vector<16xf32> to vector<16xi32>
        %jit3A_1005 = arith.constant 0 : i32
        %jit3A_1006 = arith.constant 62 : i32
        %max3A_1007 = vector.broadcast %jit3A_1005 : i32 to vector<16xi32>
        %max3A_1008 = arith.maxsi %max3A_1007, %convert_element_type3A_1004 : vector<16xi32>
        %min3A_1009 = vector.broadcast %jit3A_1006 : i32 to vector<16xi32>
        %min3A_1010 = arith.minsi %min3A_1009, %max3A_1008 : vector<16xi32>
        %convert_element_type3A_1011 = arith.fptosi %add3A_1003 : vector<16xf32> to vector<16xi32>
        %jit3A_1012 = arith.constant 0 : i32
        %jit3A_1013 = arith.constant 62 : i32
        %max3A_1014 = vector.broadcast %jit3A_1012 : i32 to vector<16xi32>
        %max3A_1015 = arith.maxsi %max3A_1014, %convert_element_type3A_1011 : vector<16xi32>
        %min3A_1016 = vector.broadcast %jit3A_1013 : i32 to vector<16xi32>
        %min3A_1017 = arith.minsi %min3A_1016, %max3A_1015 : vector<16xi32>
        %convert_element_type3A_1018 = arith.sitofp %min3A_1010 : vector<16xi32> to vector<16xf32>
        %sub3A_1019 = arith.subf %add3A_999, %convert_element_type3A_1018 : vector<16xf32>
        %convert_element_type3A_1020 = arith.sitofp %min3A_1017 : vector<16xi32> to vector<16xf32>
        %sub3A_1021 = arith.subf %add3A_1003, %convert_element_type3A_1020 : vector<16xf32>
        %sub3A_1022 = arith.constant 1.000000e+00 : f32
        %sub3A_1023 = vector.broadcast %sub3A_1022 : f32 to vector<16xf32>
        %sub3A_1024 = arith.subf %sub3A_1023, %sub3A_1019 : vector<16xf32>
        %sub3A_1025 = arith.constant 1.000000e+00 : f32
        %sub3A_1026 = vector.broadcast %sub3A_1025 : f32 to vector<16xf32>
        %sub3A_1027 = arith.subf %sub3A_1026, %sub3A_1021 : vector<16xf32>
        %mul3A_1028 = arith.mulf %sub3A_1027, %sub3A_1024 : vector<16xf32>
        %mul3A_1029 = arith.mulf %sub3A_1027, %sub3A_1019 : vector<16xf32>
        %mul3A_1030 = arith.mulf %sub3A_1021, %sub3A_1024 : vector<16xf32>
        %mul3A_1031 = arith.mulf %sub3A_1021, %sub3A_1019 : vector<16xf32>
        %mul3A_1032 = arith.constant 64 : i32
        %mul3A_1033 = vector.broadcast %mul3A_1032 : i32 to vector<16xi32>
        %mul3A_1034 = arith.muli %min3A_1017, %mul3A_1033 : vector<16xi32>
        %add3A_1035 = arith.addi %mul3A_1034, %min3A_1010 : vector<16xi32>
        %add3A_1036 = arith.constant 1 : i32
        %add3A_1037 = vector.broadcast %add3A_1036 : i32 to vector<16xi32>
        %add3A_1038 = arith.addi %add3A_1035, %add3A_1037 : vector<16xi32>
        %add3A_1039 = arith.constant 64 : i32
        %add3A_1040 = vector.broadcast %add3A_1039 : i32 to vector<16xi32>
        %add3A_1041 = arith.addi %add3A_1035, %add3A_1040 : vector<16xi32>
        %add3A_1042 = arith.constant 1 : i32
        %add3A_1043 = vector.broadcast %add3A_1042 : i32 to vector<16xi32>
        %add3A_1044 = arith.addi %add3A_1041, %add3A_1043 : vector<16xi32>
        %add3A_1045 = arith.addi %add3A_1035, %broadcast_in_dim3A_42 : vector<16xi32>
        %gather3A_1046 = tpu.vector_load_idx %arg7[%add3A_1045] : memref<32768xf32, #tpu.memory_space<vmem>>[vector<16xi32>], vector<16xf32>,
        %add3A_1047 = arith.addi %add3A_1038, %broadcast_in_dim3A_42 : vector<16xi32>
        %gather3A_1048 = tpu.vector_load_idx %arg7[%add3A_1047] : memref<32768xf32, #tpu.memory_space<vmem>>[vector<16xi32>], vector<16xf32>,
        %add3A_1049 = arith.addi %add3A_1041, %broadcast_in_dim3A_42 : vector<16xi32>
        %gather3A_1050 = tpu.vector_load_idx %arg7[%add3A_1049] : memref<32768xf32, #tpu.memory_space<vmem>>[vector<16xi32>], vector<16xf32>,
        %add3A_1051 = arith.addi %add3A_1044, %broadcast_in_dim3A_42 : vector<16xi32>
        %gather3A_1052 = tpu.vector_load_idx %arg7[%add3A_1051] : memref<32768xf32, #tpu.memory_space<vmem>>[vector<16xi32>], vector<16xf32>,
        %mul3A_1053 = arith.mulf %gather3A_1046, %mul3A_1028 : vector<16xf32>
        %mul3A_1054 = arith.mulf %gather3A_1048, %mul3A_1029 : vector<16xf32>
        %add3A_1055 = arith.addf %mul3A_1053, %mul3A_1054 : vector<16xf32>
        %mul3A_1056 = arith.mulf %gather3A_1050, %mul3A_1030 : vector<16xf32>
        %add3A_1057 = arith.addf %add3A_1055, %mul3A_1056 : vector<16xf32>
        %mul3A_1058 = arith.mulf %gather3A_1052, %mul3A_1031 : vector<16xf32>
        %add3A_1059 = arith.addf %add3A_1057, %mul3A_1058 : vector<16xf32>
        %add3A_1060 = arith.constant 0 : i32
        %add3A_1061 = vector.broadcast %add3A_1060 : i32 to vector<16xi32>
        %add3A_1062 = arith.addi %iota3A, %add3A_1061 : vector<16xi32>
        tpu.vector_store_idx %arg12[%broadcast_in_dim3A_992, %add3A_1062], %add3A_1059 : memref<25x392xf32, #tpu.memory_space<vmem>>[vector<16xi32>, vector<16xi32>], vector<16xf32>,
        %add3A_1063 = arith.addi %add3A_1035, %broadcast_in_dim3A_44 : vector<16xi32>
        %gather3A_1064 = tpu.vector_load_idx %arg7[%add3A_1063] : memref<32768xf32, #tpu.memory_space<vmem>>[vector<16xi32>], vector<16xf32>,
        %add3A_1065 = arith.addi %add3A_1038, %broadcast_in_dim3A_44 : vector<16xi32>
        %gather3A_1066 = tpu.vector_load_idx %arg7[%add3A_1065] : memref<32768xf32, #tpu.memory_space<vmem>>[vector<16xi32>], vector<16xf32>,
        %add3A_1067 = arith.addi %add3A_1041, %broadcast_in_dim3A_44 : vector<16xi32>
        %gather3A_1068 = tpu.vector_load_idx %arg7[%add3A_1067] : memref<32768xf32, #tpu.memory_space<vmem>>[vector<16xi32>], vector<16xf32>,
        %add3A_1069 = arith.addi %add3A_1044, %broadcast_in_dim3A_44 : vector<16xi32>
        %gather3A_1070 = tpu.vector_load_idx %arg7[%add3A_1069] : memref<32768xf32, #tpu.memory_space<vmem>>[vector<16xi32>], vector<16xf32>,
        %mul3A_1071 = arith.mulf %gather3A_1064, %mul3A_1028 : vector<16xf32>
        %mul3A_1072 = arith.mulf %gather3A_1066, %mul3A_1029 : vector<16xf32>
        %add3A_1073 = arith.addf %mul3A_1071, %mul3A_1072 : vector<16xf32>
        %mul3A_1074 = arith.mulf %gather3A_1068, %mul3A_1030 : vector<16xf32>
        %add3A_1075 = arith.addf %add3A_1073, %mul3A_1074 : vector<16xf32>
        %mul3A_1076 = arith.mulf %gather3A_1070, %mul3A_1031 : vector<16xf32>
        %add3A_1077 = arith.addf %add3A_1075, %mul3A_1076 : vector<16xf32>
        %add3A_1078 = arith.constant 49 : i32
        %add3A_1079 = vector.broadcast %add3A_1078 : i32 to vector<16xi32>
        %add3A_1080 = arith.addi %iota3A, %add3A_1079 : vector<16xi32>
        tpu.vector_store_idx %arg12[%broadcast_in_dim3A_992, %add3A_1080], %add3A_1077 : memref<25x392xf32, #tpu.memory_space<vmem>>[vector<16xi32>, vector<16xi32>], vector<16xf32>,
        %add3A_1081 = arith.addi %add3A_1035, %broadcast_in_dim3A_46 : vector<16xi32>
        %gather3A_1082 = tpu.vector_load_idx %arg7[%add3A_1081] : memref<32768xf32, #tpu.memory_space<vmem>>[vector<16xi32>], vector<16xf32>,
        %add3A_1083 = arith.addi %add3A_1038, %broadcast_in_dim3A_46 : vector<16xi32>
        %gather3A_1084 = tpu.vector_load_idx %arg7[%add3A_1083] : memref<32768xf32, #tpu.memory_space<vmem>>[vector<16xi32>], vector<16xf32>,
        %add3A_1085 = arith.addi %add3A_1041, %broadcast_in_dim3A_46 : vector<16xi32>
        %gather3A_1086 = tpu.vector_load_idx %arg7[%add3A_1085] : memref<32768xf32, #tpu.memory_space<vmem>>[vector<16xi32>], vector<16xf32>,
        %add3A_1087 = arith.addi %add3A_1044, %broadcast_in_dim3A_46 : vector<16xi32>
        %gather3A_1088 = tpu.vector_load_idx %arg7[%add3A_1087] : memref<32768xf32, #tpu.memory_space<vmem>>[vector<16xi32>], vector<16xf32>,
        %mul3A_1089 = arith.mulf %gather3A_1082, %mul3A_1028 : vector<16xf32>
        %mul3A_1090 = arith.mulf %gather3A_1084, %mul3A_1029 : vector<16xf32>
        %add3A_1091 = arith.addf %mul3A_1089, %mul3A_1090 : vector<16xf32>
        %mul3A_1092 = arith.mulf %gather3A_1086, %mul3A_1030 : vector<16xf32>
        %add3A_1093 = arith.addf %add3A_1091, %mul3A_1092 : vector<16xf32>
        %mul3A_1094 = arith.mulf %gather3A_1088, %mul3A_1031 : vector<16xf32>
        %add3A_1095 = arith.addf %add3A_1093, %mul3A_1094 : vector<16xf32>
        %add3A_1096 = arith.constant 98 : i32
        %add3A_1097 = vector.broadcast %add3A_1096 : i32 to vector<16xi32>
        %add3A_1098 = arith.addi %iota3A, %add3A_1097 : vector<16xi32>
        tpu.vector_store_idx %arg12[%broadcast_in_dim3A_992, %add3A_1098], %add3A_1095 : memref<25x392xf32, #tpu.memory_space<vmem>>[vector<16xi32>, vector<16xi32>], vector<16xf32>,
        %add3A_1099 = arith.addi %add3A_1035, %broadcast_in_dim3A_48 : vector<16xi32>
        %gather3A_1100 = tpu.vector_load_idx %arg7[%add3A_1099] : memref<32768xf32, #tpu.memory_space<vmem>>[vector<16xi32>], vector<16xf32>,
        %add3A_1101 = arith.addi %add3A_1038, %broadcast_in_dim3A_48 : vector<16xi32>
        %gather3A_1102 = tpu.vector_load_idx %arg7[%add3A_1101] : memref<32768xf32, #tpu.memory_space<vmem>>[vector<16xi32>], vector<16xf32>,
        %add3A_1103 = arith.addi %add3A_1041, %broadcast_in_dim3A_48 : vector<16xi32>
        %gather3A_1104 = tpu.vector_load_idx %arg7[%add3A_1103] : memref<32768xf32, #tpu.memory_space<vmem>>[vector<16xi32>], vector<16xf32>,
        %add3A_1105 = arith.addi %add3A_1044, %broadcast_in_dim3A_48 : vector<16xi32>
        %gather3A_1106 = tpu.vector_load_idx %arg7[%add3A_1105] : memref<32768xf32, #tpu.memory_space<vmem>>[vector<16xi32>], vector<16xf32>,
        %mul3A_1107 = arith.mulf %gather3A_1100, %mul3A_1028 : vector<16xf32>
        %mul3A_1108 = arith.mulf %gather3A_1102, %mul3A_1029 : vector<16xf32>
        %add3A_1109 = arith.addf %mul3A_1107, %mul3A_1108 : vector<16xf32>
        %mul3A_1110 = arith.mulf %gather3A_1104, %mul3A_1030 : vector<16xf32>
        %add3A_1111 = arith.addf %add3A_1109, %mul3A_1110 : vector<16xf32>
        %mul3A_1112 = arith.mulf %gather3A_1106, %mul3A_1031 : vector<16xf32>
        %add3A_1113 = arith.addf %add3A_1111, %mul3A_1112 : vector<16xf32>
        %add3A_1114 = arith.constant 147 : i32
        %add3A_1115 = vector.broadcast %add3A_1114 : i32 to vector<16xi32>
        %add3A_1116 = arith.addi %iota3A, %add3A_1115 : vector<16xi32>
        tpu.vector_store_idx %arg12[%broadcast_in_dim3A_992, %add3A_1116], %add3A_1113 : memref<25x392xf32, #tpu.memory_space<vmem>>[vector<16xi32>, vector<16xi32>], vector<16xf32>,
        %add3A_1117 = arith.addi %add3A_1035, %broadcast_in_dim3A_50 : vector<16xi32>
        %gather3A_1118 = tpu.vector_load_idx %arg7[%add3A_1117] : memref<32768xf32, #tpu.memory_space<vmem>>[vector<16xi32>], vector<16xf32>,
        %add3A_1119 = arith.addi %add3A_1038, %broadcast_in_dim3A_50 : vector<16xi32>
        %gather3A_1120 = tpu.vector_load_idx %arg7[%add3A_1119] : memref<32768xf32, #tpu.memory_space<vmem>>[vector<16xi32>], vector<16xf32>,
        %add3A_1121 = arith.addi %add3A_1041, %broadcast_in_dim3A_50 : vector<16xi32>
        %gather3A_1122 = tpu.vector_load_idx %arg7[%add3A_1121] : memref<32768xf32, #tpu.memory_space<vmem>>[vector<16xi32>], vector<16xf32>,
        %add3A_1123 = arith.addi %add3A_1044, %broadcast_in_dim3A_50 : vector<16xi32>
        %gather3A_1124 = tpu.vector_load_idx %arg7[%add3A_1123] : memref<32768xf32, #tpu.memory_space<vmem>>[vector<16xi32>], vector<16xf32>,
        %mul3A_1125 = arith.mulf %gather3A_1118, %mul3A_1028 : vector<16xf32>
        %mul3A_1126 = arith.mulf %gather3A_1120, %mul3A_1029 : vector<16xf32>
        %add3A_1127 = arith.addf %mul3A_1125, %mul3A_1126 : vector<16xf32>
        %mul3A_1128 = arith.mulf %gather3A_1122, %mul3A_1030 : vector<16xf32>
        %add3A_1129 = arith.addf %add3A_1127, %mul3A_1128 : vector<16xf32>
        %mul3A_1130 = arith.mulf %gather3A_1124, %mul3A_1031 : vector<16xf32>
        %add3A_1131 = arith.addf %add3A_1129, %mul3A_1130 : vector<16xf32>
        %add3A_1132 = arith.constant 196 : i32
        %add3A_1133 = vector.broadcast %add3A_1132 : i32 to vector<16xi32>
        %add3A_1134 = arith.addi %iota3A, %add3A_1133 : vector<16xi32>
        tpu.vector_store_idx %arg12[%broadcast_in_dim3A_992, %add3A_1134], %add3A_1131 : memref<25x392xf32, #tpu.memory_space<vmem>>[vector<16xi32>, vector<16xi32>], vector<16xf32>,
        %add3A_1135 = arith.addi %add3A_1035, %broadcast_in_dim3A_52 : vector<16xi32>
        %gather3A_1136 = tpu.vector_load_idx %arg7[%add3A_1135] : memref<32768xf32, #tpu.memory_space<vmem>>[vector<16xi32>], vector<16xf32>,
        %add3A_1137 = arith.addi %add3A_1038, %broadcast_in_dim3A_52 : vector<16xi32>
        %gather3A_1138 = tpu.vector_load_idx %arg7[%add3A_1137] : memref<32768xf32, #tpu.memory_space<vmem>>[vector<16xi32>], vector<16xf32>,
        %add3A_1139 = arith.addi %add3A_1041, %broadcast_in_dim3A_52 : vector<16xi32>
        %gather3A_1140 = tpu.vector_load_idx %arg7[%add3A_1139] : memref<32768xf32, #tpu.memory_space<vmem>>[vector<16xi32>], vector<16xf32>,
        %add3A_1141 = arith.addi %add3A_1044, %broadcast_in_dim3A_52 : vector<16xi32>
        %gather3A_1142 = tpu.vector_load_idx %arg7[%add3A_1141] : memref<32768xf32, #tpu.memory_space<vmem>>[vector<16xi32>], vector<16xf32>,
        %mul3A_1143 = arith.mulf %gather3A_1136, %mul3A_1028 : vector<16xf32>
        %mul3A_1144 = arith.mulf %gather3A_1138, %mul3A_1029 : vector<16xf32>
        %add3A_1145 = arith.addf %mul3A_1143, %mul3A_1144 : vector<16xf32>
        %mul3A_1146 = arith.mulf %gather3A_1140, %mul3A_1030 : vector<16xf32>
        %add3A_1147 = arith.addf %add3A_1145, %mul3A_1146 : vector<16xf32>
        %mul3A_1148 = arith.mulf %gather3A_1142, %mul3A_1031 : vector<16xf32>
        %add3A_1149 = arith.addf %add3A_1147, %mul3A_1148 : vector<16xf32>
        %add3A_1150 = arith.constant 245 : i32
        %add3A_1151 = vector.broadcast %add3A_1150 : i32 to vector<16xi32>
        %add3A_1152 = arith.addi %iota3A, %add3A_1151 : vector<16xi32>
        tpu.vector_store_idx %arg12[%broadcast_in_dim3A_992, %add3A_1152], %add3A_1149 : memref<25x392xf32, #tpu.memory_space<vmem>>[vector<16xi32>, vector<16xi32>], vector<16xf32>,
        %add3A_1153 = arith.addi %add3A_1035, %broadcast_in_dim3A_54 : vector<16xi32>
        %gather3A_1154 = tpu.vector_load_idx %arg7[%add3A_1153] : memref<32768xf32, #tpu.memory_space<vmem>>[vector<16xi32>], vector<16xf32>,
        %add3A_1155 = arith.addi %add3A_1038, %broadcast_in_dim3A_54 : vector<16xi32>
        %gather3A_1156 = tpu.vector_load_idx %arg7[%add3A_1155] : memref<32768xf32, #tpu.memory_space<vmem>>[vector<16xi32>], vector<16xf32>,
        %add3A_1157 = arith.addi %add3A_1041, %broadcast_in_dim3A_54 : vector<16xi32>
        %gather3A_1158 = tpu.vector_load_idx %arg7[%add3A_1157] : memref<32768xf32, #tpu.memory_space<vmem>>[vector<16xi32>], vector<16xf32>,
        %add3A_1159 = arith.addi %add3A_1044, %broadcast_in_dim3A_54 : vector<16xi32>
        %gather3A_1160 = tpu.vector_load_idx %arg7[%add3A_1159] : memref<32768xf32, #tpu.memory_space<vmem>>[vector<16xi32>], vector<16xf32>,
        %mul3A_1161 = arith.mulf %gather3A_1154, %mul3A_1028 : vector<16xf32>
        %mul3A_1162 = arith.mulf %gather3A_1156, %mul3A_1029 : vector<16xf32>
        %add3A_1163 = arith.addf %mul3A_1161, %mul3A_1162 : vector<16xf32>
        %mul3A_1164 = arith.mulf %gather3A_1158, %mul3A_1030 : vector<16xf32>
        %add3A_1165 = arith.addf %add3A_1163, %mul3A_1164 : vector<16xf32>
        %mul3A_1166 = arith.mulf %gather3A_1160, %mul3A_1031 : vector<16xf32>
        %add3A_1167 = arith.addf %add3A_1165, %mul3A_1166 : vector<16xf32>
        %add3A_1168 = arith.constant 294 : i32
        %add3A_1169 = vector.broadcast %add3A_1168 : i32 to vector<16xi32>
        %add3A_1170 = arith.addi %iota3A, %add3A_1169 : vector<16xi32>
        tpu.vector_store_idx %arg12[%broadcast_in_dim3A_992, %add3A_1170], %add3A_1167 : memref<25x392xf32, #tpu.memory_space<vmem>>[vector<16xi32>, vector<16xi32>], vector<16xf32>,
        %add3A_1171 = arith.addi %add3A_1035, %broadcast_in_dim3A_56 : vector<16xi32>
        %gather3A_1172 = tpu.vector_load_idx %arg7[%add3A_1171] : memref<32768xf32, #tpu.memory_space<vmem>>[vector<16xi32>], vector<16xf32>,
        %add3A_1173 = arith.addi %add3A_1038, %broadcast_in_dim3A_56 : vector<16xi32>
        %gather3A_1174 = tpu.vector_load_idx %arg7[%add3A_1173] : memref<32768xf32, #tpu.memory_space<vmem>>[vector<16xi32>], vector<16xf32>,
        %add3A_1175 = arith.addi %add3A_1041, %broadcast_in_dim3A_56 : vector<16xi32>
        %gather3A_1176 = tpu.vector_load_idx %arg7[%add3A_1175] : memref<32768xf32, #tpu.memory_space<vmem>>[vector<16xi32>], vector<16xf32>,
        %add3A_1177 = arith.addi %add3A_1044, %broadcast_in_dim3A_56 : vector<16xi32>
        %gather3A_1178 = tpu.vector_load_idx %arg7[%add3A_1177] : memref<32768xf32, #tpu.memory_space<vmem>>[vector<16xi32>], vector<16xf32>,
        %mul3A_1179 = arith.mulf %gather3A_1172, %mul3A_1028 : vector<16xf32>
        %mul3A_1180 = arith.mulf %gather3A_1174, %mul3A_1029 : vector<16xf32>
        %add3A_1181 = arith.addf %mul3A_1179, %mul3A_1180 : vector<16xf32>
        %mul3A_1182 = arith.mulf %gather3A_1176, %mul3A_1030 : vector<16xf32>
        %add3A_1183 = arith.addf %add3A_1181, %mul3A_1182 : vector<16xf32>
        %mul3A_1184 = arith.mulf %gather3A_1178, %mul3A_1031 : vector<16xf32>
        %add3A_1185 = arith.addf %add3A_1183, %mul3A_1184 : vector<16xf32>
        %add3A_1186 = arith.constant 343 : i32
        %add3A_1187 = vector.broadcast %add3A_1186 : i32 to vector<16xi32>
        %add3A_1188 = arith.addi %iota3A, %add3A_1187 : vector<16xi32>
        tpu.vector_store_idx %arg12[%broadcast_in_dim3A_992, %add3A_1188], %add3A_1185 : memref<25x392xf32, #tpu.memory_space<vmem>>[vector<16xi32>, vector<16xi32>], vector<16xf32>,
        %get3A_1189 = arith.constant 16 : index
        %get3A_1190 = tpu.vector_load %arg10[%get3A_1189] {strides = array<i32>} : memref<64xf32, #tpu.memory_space<vmem>>, vector<16xf32>,
        %get3A_1191 = arith.constant 16 : index
        %get3A_1192 = tpu.vector_load %arg9[%get3A_1191] {strides = array<i32>} : memref<64xf32, #tpu.memory_space<vmem>>, vector<16xf32>,
        %broadcast_in_dim3A_1193 = vector.broadcast %squeeze3A : f32 to vector<16xf32>
        %mul3A_1194 = vector.broadcast %max3A_986 : f32 to vector<16xf32>
        %mul3A_1195 = arith.mulf %get3A_1190, %mul3A_1194 : vector<16xf32>
        %add3A_1196 = arith.addf %broadcast_in_dim3A_1193, %mul3A_1195 : vector<16xf32>
        %broadcast_in_dim3A_1197 = vector.broadcast %squeeze3A_981 : f32 to vector<16xf32>
        %mul3A_1198 = vector.broadcast %max3A_991 : f32 to vector<16xf32>
        %mul3A_1199 = arith.mulf %get3A_1192, %mul3A_1198 : vector<16xf32>
        %add3A_1200 = arith.addf %broadcast_in_dim3A_1197, %mul3A_1199 : vector<16xf32>
        %convert_element_type3A_1201 = arith.fptosi %add3A_1196 : vector<16xf32> to vector<16xi32>
        %jit3A_1202 = arith.constant 0 : i32
        %jit3A_1203 = arith.constant 62 : i32
        %max3A_1204 = vector.broadcast %jit3A_1202 : i32 to vector<16xi32>
        %max3A_1205 = arith.maxsi %max3A_1204, %convert_element_type3A_1201 : vector<16xi32>
        %min3A_1206 = vector.broadcast %jit3A_1203 : i32 to vector<16xi32>
        %min3A_1207 = arith.minsi %min3A_1206, %max3A_1205 : vector<16xi32>
        %convert_element_type3A_1208 = arith.fptosi %add3A_1200 : vector<16xf32> to vector<16xi32>
        %jit3A_1209 = arith.constant 0 : i32
        %jit3A_1210 = arith.constant 62 : i32
        %max3A_1211 = vector.broadcast %jit3A_1209 : i32 to vector<16xi32>
        %max3A_1212 = arith.maxsi %max3A_1211, %convert_element_type3A_1208 : vector<16xi32>
        %min3A_1213 = vector.broadcast %jit3A_1210 : i32 to vector<16xi32>
        %min3A_1214 = arith.minsi %min3A_1213, %max3A_1212 : vector<16xi32>
        %convert_element_type3A_1215 = arith.sitofp %min3A_1207 : vector<16xi32> to vector<16xf32>
        %sub3A_1216 = arith.subf %add3A_1196, %convert_element_type3A_1215 : vector<16xf32>
        %convert_element_type3A_1217 = arith.sitofp %min3A_1214 : vector<16xi32> to vector<16xf32>
        %sub3A_1218 = arith.subf %add3A_1200, %convert_element_type3A_1217 : vector<16xf32>
        %sub3A_1219 = arith.constant 1.000000e+00 : f32
        %sub3A_1220 = vector.broadcast %sub3A_1219 : f32 to vector<16xf32>
        %sub3A_1221 = arith.subf %sub3A_1220, %sub3A_1216 : vector<16xf32>
        %sub3A_1222 = arith.constant 1.000000e+00 : f32
        %sub3A_1223 = vector.broadcast %sub3A_1222 : f32 to vector<16xf32>
        %sub3A_1224 = arith.subf %sub3A_1223, %sub3A_1218 : vector<16xf32>
        %mul3A_1225 = arith.mulf %sub3A_1224, %sub3A_1221 : vector<16xf32>
        %mul3A_1226 = arith.mulf %sub3A_1224, %sub3A_1216 : vector<16xf32>
        %mul3A_1227 = arith.mulf %sub3A_1218, %sub3A_1221 : vector<16xf32>
        %mul3A_1228 = arith.mulf %sub3A_1218, %sub3A_1216 : vector<16xf32>
        %mul3A_1229 = arith.constant 64 : i32
        %mul3A_1230 = vector.broadcast %mul3A_1229 : i32 to vector<16xi32>
        %mul3A_1231 = arith.muli %min3A_1214, %mul3A_1230 : vector<16xi32>
        %add3A_1232 = arith.addi %mul3A_1231, %min3A_1207 : vector<16xi32>
        %add3A_1233 = arith.constant 1 : i32
        %add3A_1234 = vector.broadcast %add3A_1233 : i32 to vector<16xi32>
        %add3A_1235 = arith.addi %add3A_1232, %add3A_1234 : vector<16xi32>
        %add3A_1236 = arith.constant 64 : i32
        %add3A_1237 = vector.broadcast %add3A_1236 : i32 to vector<16xi32>
        %add3A_1238 = arith.addi %add3A_1232, %add3A_1237 : vector<16xi32>
        %add3A_1239 = arith.constant 1 : i32
        %add3A_1240 = vector.broadcast %add3A_1239 : i32 to vector<16xi32>
        %add3A_1241 = arith.addi %add3A_1238, %add3A_1240 : vector<16xi32>
        %add3A_1242 = arith.addi %add3A_1232, %broadcast_in_dim3A_42 : vector<16xi32>
        %gather3A_1243 = tpu.vector_load_idx %arg7[%add3A_1242] : memref<32768xf32, #tpu.memory_space<vmem>>[vector<16xi32>], vector<16xf32>,
        %add3A_1244 = arith.addi %add3A_1235, %broadcast_in_dim3A_42 : vector<16xi32>
        %gather3A_1245 = tpu.vector_load_idx %arg7[%add3A_1244] : memref<32768xf32, #tpu.memory_space<vmem>>[vector<16xi32>], vector<16xf32>,
        %add3A_1246 = arith.addi %add3A_1238, %broadcast_in_dim3A_42 : vector<16xi32>
        %gather3A_1247 = tpu.vector_load_idx %arg7[%add3A_1246] : memref<32768xf32, #tpu.memory_space<vmem>>[vector<16xi32>], vector<16xf32>,
        %add3A_1248 = arith.addi %add3A_1241, %broadcast_in_dim3A_42 : vector<16xi32>
        %gather3A_1249 = tpu.vector_load_idx %arg7[%add3A_1248] : memref<32768xf32, #tpu.memory_space<vmem>>[vector<16xi32>], vector<16xf32>,
        %mul3A_1250 = arith.mulf %gather3A_1243, %mul3A_1225 : vector<16xf32>
        %mul3A_1251 = arith.mulf %gather3A_1245, %mul3A_1226 : vector<16xf32>
        %add3A_1252 = arith.addf %mul3A_1250, %mul3A_1251 : vector<16xf32>
        %mul3A_1253 = arith.mulf %gather3A_1247, %mul3A_1227 : vector<16xf32>
        %add3A_1254 = arith.addf %add3A_1252, %mul3A_1253 : vector<16xf32>
        %mul3A_1255 = arith.mulf %gather3A_1249, %mul3A_1228 : vector<16xf32>
        %add3A_1256 = arith.addf %add3A_1254, %mul3A_1255 : vector<16xf32>
        %add3A_1257 = arith.constant 16 : i32
        %add3A_1258 = vector.broadcast %add3A_1257 : i32 to vector<16xi32>
        %add3A_1259 = arith.addi %iota3A, %add3A_1258 : vector<16xi32>
        tpu.vector_store_idx %arg12[%broadcast_in_dim3A_992, %add3A_1259], %add3A_1256 : memref<25x392xf32, #tpu.memory_space<vmem>>[vector<16xi32>, vector<16xi32>], vector<16xf32>,
        %add3A_1260 = arith.addi %add3A_1232, %broadcast_in_dim3A_44 : vector<16xi32>
        %gather3A_1261 = tpu.vector_load_idx %arg7[%add3A_1260] : memref<32768xf32, #tpu.memory_space<vmem>>[vector<16xi32>], vector<16xf32>,
        %add3A_1262 = arith.addi %add3A_1235, %broadcast_in_dim3A_44 : vector<16xi32>
        %gather3A_1263 = tpu.vector_load_idx %arg7[%add3A_1262] : memref<32768xf32, #tpu.memory_space<vmem>>[vector<16xi32>], vector<16xf32>,
        %add3A_1264 = arith.addi %add3A_1238, %broadcast_in_dim3A_44 : vector<16xi32>
        %gather3A_1265 = tpu.vector_load_idx %arg7[%add3A_1264] : memref<32768xf32, #tpu.memory_space<vmem>>[vector<16xi32>], vector<16xf32>,
        %add3A_1266 = arith.addi %add3A_1241, %broadcast_in_dim3A_44 : vector<16xi32>
        %gather3A_1267 = tpu.vector_load_idx %arg7[%add3A_1266] : memref<32768xf32, #tpu.memory_space<vmem>>[vector<16xi32>], vector<16xf32>,
        %mul3A_1268 = arith.mulf %gather3A_1261, %mul3A_1225 : vector<16xf32>
        %mul3A_1269 = arith.mulf %gather3A_1263, %mul3A_1226 : vector<16xf32>
        %add3A_1270 = arith.addf %mul3A_1268, %mul3A_1269 : vector<16xf32>
        %mul3A_1271 = arith.mulf %gather3A_1265, %mul3A_1227 : vector<16xf32>
        %add3A_1272 = arith.addf %add3A_1270, %mul3A_1271 : vector<16xf32>
        %mul3A_1273 = arith.mulf %gather3A_1267, %mul3A_1228 : vector<16xf32>
        %add3A_1274 = arith.addf %add3A_1272, %mul3A_1273 : vector<16xf32>
        %add3A_1275 = arith.constant 65 : i32
        %add3A_1276 = vector.broadcast %add3A_1275 : i32 to vector<16xi32>
        %add3A_1277 = arith.addi %iota3A, %add3A_1276 : vector<16xi32>
        tpu.vector_store_idx %arg12[%broadcast_in_dim3A_992, %add3A_1277], %add3A_1274 : memref<25x392xf32, #tpu.memory_space<vmem>>[vector<16xi32>, vector<16xi32>], vector<16xf32>,
        %add3A_1278 = arith.addi %add3A_1232, %broadcast_in_dim3A_46 : vector<16xi32>
        %gather3A_1279 = tpu.vector_load_idx %arg7[%add3A_1278] : memref<32768xf32, #tpu.memory_space<vmem>>[vector<16xi32>], vector<16xf32>,
        %add3A_1280 = arith.addi %add3A_1235, %broadcast_in_dim3A_46 : vector<16xi32>
        %gather3A_1281 = tpu.vector_load_idx %arg7[%add3A_1280] : memref<32768xf32, #tpu.memory_space<vmem>>[vector<16xi32>], vector<16xf32>,
        %add3A_1282 = arith.addi %add3A_1238, %broadcast_in_dim3A_46 : vector<16xi32>
        %gather3A_1283 = tpu.vector_load_idx %arg7[%add3A_1282] : memref<32768xf32, #tpu.memory_space<vmem>>[vector<16xi32>], vector<16xf32>,
        %add3A_1284 = arith.addi %add3A_1241, %broadcast_in_dim3A_46 : vector<16xi32>
        %gather3A_1285 = tpu.vector_load_idx %arg7[%add3A_1284] : memref<32768xf32, #tpu.memory_space<vmem>>[vector<16xi32>], vector<16xf32>,
        %mul3A_1286 = arith.mulf %gather3A_1279, %mul3A_1225 : vector<16xf32>
        %mul3A_1287 = arith.mulf %gather3A_1281, %mul3A_1226 : vector<16xf32>
        %add3A_1288 = arith.addf %mul3A_1286, %mul3A_1287 : vector<16xf32>
        %mul3A_1289 = arith.mulf %gather3A_1283, %mul3A_1227 : vector<16xf32>
        %add3A_1290 = arith.addf %add3A_1288, %mul3A_1289 : vector<16xf32>
        %mul3A_1291 = arith.mulf %gather3A_1285, %mul3A_1228 : vector<16xf32>
        %add3A_1292 = arith.addf %add3A_1290, %mul3A_1291 : vector<16xf32>
        %add3A_1293 = arith.constant 114 : i32
        %add3A_1294 = vector.broadcast %add3A_1293 : i32 to vector<16xi32>
        %add3A_1295 = arith.addi %iota3A, %add3A_1294 : vector<16xi32>
        tpu.vector_store_idx %arg12[%broadcast_in_dim3A_992, %add3A_1295], %add3A_1292 : memref<25x392xf32, #tpu.memory_space<vmem>>[vector<16xi32>, vector<16xi32>], vector<16xf32>,
        %add3A_1296 = arith.addi %add3A_1232, %broadcast_in_dim3A_48 : vector<16xi32>
        %gather3A_1297 = tpu.vector_load_idx %arg7[%add3A_1296] : memref<32768xf32, #tpu.memory_space<vmem>>[vector<16xi32>], vector<16xf32>,
        %add3A_1298 = arith.addi %add3A_1235, %broadcast_in_dim3A_48 : vector<16xi32>
        %gather3A_1299 = tpu.vector_load_idx %arg7[%add3A_1298] : memref<32768xf32, #tpu.memory_space<vmem>>[vector<16xi32>], vector<16xf32>,
        %add3A_1300 = arith.addi %add3A_1238, %broadcast_in_dim3A_48 : vector<16xi32>
        %gather3A_1301 = tpu.vector_load_idx %arg7[%add3A_1300] : memref<32768xf32, #tpu.memory_space<vmem>>[vector<16xi32>], vector<16xf32>,
        %add3A_1302 = arith.addi %add3A_1241, %broadcast_in_dim3A_48 : vector<16xi32>
        %gather3A_1303 = tpu.vector_load_idx %arg7[%add3A_1302] : memref<32768xf32, #tpu.memory_space<vmem>>[vector<16xi32>], vector<16xf32>,
        %mul3A_1304 = arith.mulf %gather3A_1297, %mul3A_1225 : vector<16xf32>
        %mul3A_1305 = arith.mulf %gather3A_1299, %mul3A_1226 : vector<16xf32>
        %add3A_1306 = arith.addf %mul3A_1304, %mul3A_1305 : vector<16xf32>
        %mul3A_1307 = arith.mulf %gather3A_1301, %mul3A_1227 : vector<16xf32>
        %add3A_1308 = arith.addf %add3A_1306, %mul3A_1307 : vector<16xf32>
        %mul3A_1309 = arith.mulf %gather3A_1303, %mul3A_1228 : vector<16xf32>
        %add3A_1310 = arith.addf %add3A_1308, %mul3A_1309 : vector<16xf32>
        %add3A_1311 = arith.constant 163 : i32
        %add3A_1312 = vector.broadcast %add3A_1311 : i32 to vector<16xi32>
        %add3A_1313 = arith.addi %iota3A, %add3A_1312 : vector<16xi32>
        tpu.vector_store_idx %arg12[%broadcast_in_dim3A_992, %add3A_1313], %add3A_1310 : memref<25x392xf32, #tpu.memory_space<vmem>>[vector<16xi32>, vector<16xi32>], vector<16xf32>,
        %add3A_1314 = arith.addi %add3A_1232, %broadcast_in_dim3A_50 : vector<16xi32>
        %gather3A_1315 = tpu.vector_load_idx %arg7[%add3A_1314] : memref<32768xf32, #tpu.memory_space<vmem>>[vector<16xi32>], vector<16xf32>,
        %add3A_1316 = arith.addi %add3A_1235, %broadcast_in_dim3A_50 : vector<16xi32>
        %gather3A_1317 = tpu.vector_load_idx %arg7[%add3A_1316] : memref<32768xf32, #tpu.memory_space<vmem>>[vector<16xi32>], vector<16xf32>,
        %add3A_1318 = arith.addi %add3A_1238, %broadcast_in_dim3A_50 : vector<16xi32>
        %gather3A_1319 = tpu.vector_load_idx %arg7[%add3A_1318] : memref<32768xf32, #tpu.memory_space<vmem>>[vector<16xi32>], vector<16xf32>,
        %add3A_1320 = arith.addi %add3A_1241, %broadcast_in_dim3A_50 : vector<16xi32>
        %gather3A_1321 = tpu.vector_load_idx %arg7[%add3A_1320] : memref<32768xf32, #tpu.memory_space<vmem>>[vector<16xi32>], vector<16xf32>,
        %mul3A_1322 = arith.mulf %gather3A_1315, %mul3A_1225 : vector<16xf32>
        %mul3A_1323 = arith.mulf %gather3A_1317, %mul3A_1226 : vector<16xf32>
        %add3A_1324 = arith.addf %mul3A_1322, %mul3A_1323 : vector<16xf32>
        %mul3A_1325 = arith.mulf %gather3A_1319, %mul3A_1227 : vector<16xf32>
        %add3A_1326 = arith.addf %add3A_1324, %mul3A_1325 : vector<16xf32>
        %mul3A_1327 = arith.mulf %gather3A_1321, %mul3A_1228 : vector<16xf32>
        %add3A_1328 = arith.addf %add3A_1326, %mul3A_1327 : vector<16xf32>
        %add3A_1329 = arith.constant 212 : i32
        %add3A_1330 = vector.broadcast %add3A_1329 : i32 to vector<16xi32>
        %add3A_1331 = arith.addi %iota3A, %add3A_1330 : vector<16xi32>
        tpu.vector_store_idx %arg12[%broadcast_in_dim3A_992, %add3A_1331], %add3A_1328 : memref<25x392xf32, #tpu.memory_space<vmem>>[vector<16xi32>, vector<16xi32>], vector<16xf32>,
        %add3A_1332 = arith.addi %add3A_1232, %broadcast_in_dim3A_52 : vector<16xi32>
        %gather3A_1333 = tpu.vector_load_idx %arg7[%add3A_1332] : memref<32768xf32, #tpu.memory_space<vmem>>[vector<16xi32>], vector<16xf32>,
        %add3A_1334 = arith.addi %add3A_1235, %broadcast_in_dim3A_52 : vector<16xi32>
        %gather3A_1335 = tpu.vector_load_idx %arg7[%add3A_1334] : memref<32768xf32, #tpu.memory_space<vmem>>[vector<16xi32>], vector<16xf32>,
        %add3A_1336 = arith.addi %add3A_1238, %broadcast_in_dim3A_52 : vector<16xi32>
        %gather3A_1337 = tpu.vector_load_idx %arg7[%add3A_1336] : memref<32768xf32, #tpu.memory_space<vmem>>[vector<16xi32>], vector<16xf32>,
        %add3A_1338 = arith.addi %add3A_1241, %broadcast_in_dim3A_52 : vector<16xi32>
        %gather3A_1339 = tpu.vector_load_idx %arg7[%add3A_1338] : memref<32768xf32, #tpu.memory_space<vmem>>[vector<16xi32>], vector<16xf32>,
        %mul3A_1340 = arith.mulf %gather3A_1333, %mul3A_1225 : vector<16xf32>
        %mul3A_1341 = arith.mulf %gather3A_1335, %mul3A_1226 : vector<16xf32>
        %add3A_1342 = arith.addf %mul3A_1340, %mul3A_1341 : vector<16xf32>
        %mul3A_1343 = arith.mulf %gather3A_1337, %mul3A_1227 : vector<16xf32>
        %add3A_1344 = arith.addf %add3A_1342, %mul3A_1343 : vector<16xf32>
        %mul3A_1345 = arith.mulf %gather3A_1339, %mul3A_1228 : vector<16xf32>
        %add3A_1346 = arith.addf %add3A_1344, %mul3A_1345 : vector<16xf32>
        %add3A_1347 = arith.constant 261 : i32
        %add3A_1348 = vector.broadcast %add3A_1347 : i32 to vector<16xi32>
        %add3A_1349 = arith.addi %iota3A, %add3A_1348 : vector<16xi32>
        tpu.vector_store_idx %arg12[%broadcast_in_dim3A_992, %add3A_1349], %add3A_1346 : memref<25x392xf32, #tpu.memory_space<vmem>>[vector<16xi32>, vector<16xi32>], vector<16xf32>,
        %add3A_1350 = arith.addi %add3A_1232, %broadcast_in_dim3A_54 : vector<16xi32>
        %gather3A_1351 = tpu.vector_load_idx %arg7[%add3A_1350] : memref<32768xf32, #tpu.memory_space<vmem>>[vector<16xi32>], vector<16xf32>,
        %add3A_1352 = arith.addi %add3A_1235, %broadcast_in_dim3A_54 : vector<16xi32>
        %gather3A_1353 = tpu.vector_load_idx %arg7[%add3A_1352] : memref<32768xf32, #tpu.memory_space<vmem>>[vector<16xi32>], vector<16xf32>,
        %add3A_1354 = arith.addi %add3A_1238, %broadcast_in_dim3A_54 : vector<16xi32>
        %gather3A_1355 = tpu.vector_load_idx %arg7[%add3A_1354] : memref<32768xf32, #tpu.memory_space<vmem>>[vector<16xi32>], vector<16xf32>,
        %add3A_1356 = arith.addi %add3A_1241, %broadcast_in_dim3A_54 : vector<16xi32>
        %gather3A_1357 = tpu.vector_load_idx %arg7[%add3A_1356] : memref<32768xf32, #tpu.memory_space<vmem>>[vector<16xi32>], vector<16xf32>,
        %mul3A_1358 = arith.mulf %gather3A_1351, %mul3A_1225 : vector<16xf32>
        %mul3A_1359 = arith.mulf %gather3A_1353, %mul3A_1226 : vector<16xf32>
        %add3A_1360 = arith.addf %mul3A_1358, %mul3A_1359 : vector<16xf32>
        %mul3A_1361 = arith.mulf %gather3A_1355, %mul3A_1227 : vector<16xf32>
        %add3A_1362 = arith.addf %add3A_1360, %mul3A_1361 : vector<16xf32>
        %mul3A_1363 = arith.mulf %gather3A_1357, %mul3A_1228 : vector<16xf32>
        %add3A_1364 = arith.addf %add3A_1362, %mul3A_1363 : vector<16xf32>
        %add3A_1365 = arith.constant 310 : i32
        %add3A_1366 = vector.broadcast %add3A_1365 : i32 to vector<16xi32>
        %add3A_1367 = arith.addi %iota3A, %add3A_1366 : vector<16xi32>
        tpu.vector_store_idx %arg12[%broadcast_in_dim3A_992, %add3A_1367], %add3A_1364 : memref<25x392xf32, #tpu.memory_space<vmem>>[vector<16xi32>, vector<16xi32>], vector<16xf32>,
        %add3A_1368 = arith.addi %add3A_1232, %broadcast_in_dim3A_56 : vector<16xi32>
        %gather3A_1369 = tpu.vector_load_idx %arg7[%add3A_1368] : memref<32768xf32, #tpu.memory_space<vmem>>[vector<16xi32>], vector<16xf32>,
        %add3A_1370 = arith.addi %add3A_1235, %broadcast_in_dim3A_56 : vector<16xi32>
        %gather3A_1371 = tpu.vector_load_idx %arg7[%add3A_1370] : memref<32768xf32, #tpu.memory_space<vmem>>[vector<16xi32>], vector<16xf32>,
        %add3A_1372 = arith.addi %add3A_1238, %broadcast_in_dim3A_56 : vector<16xi32>
        %gather3A_1373 = tpu.vector_load_idx %arg7[%add3A_1372] : memref<32768xf32, #tpu.memory_space<vmem>>[vector<16xi32>], vector<16xf32>,
        %add3A_1374 = arith.addi %add3A_1241, %broadcast_in_dim3A_56 : vector<16xi32>
        %gather3A_1375 = tpu.vector_load_idx %arg7[%add3A_1374] : memref<32768xf32, #tpu.memory_space<vmem>>[vector<16xi32>], vector<16xf32>,
        %mul3A_1376 = arith.mulf %gather3A_1369, %mul3A_1225 : vector<16xf32>
        %mul3A_1377 = arith.mulf %gather3A_1371, %mul3A_1226 : vector<16xf32>
        %add3A_1378 = arith.addf %mul3A_1376, %mul3A_1377 : vector<16xf32>
        %mul3A_1379 = arith.mulf %gather3A_1373, %mul3A_1227 : vector<16xf32>
        %add3A_1380 = arith.addf %add3A_1378, %mul3A_1379 : vector<16xf32>
        %mul3A_1381 = arith.mulf %gather3A_1375, %mul3A_1228 : vector<16xf32>
        %add3A_1382 = arith.addf %add3A_1380, %mul3A_1381 : vector<16xf32>
        %add3A_1383 = arith.constant 359 : i32
        %add3A_1384 = vector.broadcast %add3A_1383 : i32 to vector<16xi32>
        %add3A_1385 = arith.addi %iota3A, %add3A_1384 : vector<16xi32>
        tpu.vector_store_idx %arg12[%broadcast_in_dim3A_992, %add3A_1385], %add3A_1382 : memref<25x392xf32, #tpu.memory_space<vmem>>[vector<16xi32>, vector<16xi32>], vector<16xf32>,
        %get3A_1386 = arith.constant 32 : index
        %get3A_1387 = tpu.vector_load %arg10[%get3A_1386] {strides = array<i32>} : memref<64xf32, #tpu.memory_space<vmem>>, vector<16xf32>,
        %get3A_1388 = arith.constant 32 : index
        %get3A_1389 = tpu.vector_load %arg9[%get3A_1388] {strides = array<i32>} : memref<64xf32, #tpu.memory_space<vmem>>, vector<16xf32>,
        %broadcast_in_dim3A_1390 = vector.broadcast %squeeze3A : f32 to vector<16xf32>
        %mul3A_1391 = vector.broadcast %max3A_986 : f32 to vector<16xf32>
        %mul3A_1392 = arith.mulf %get3A_1387, %mul3A_1391 : vector<16xf32>
        %add3A_1393 = arith.addf %broadcast_in_dim3A_1390, %mul3A_1392 : vector<16xf32>
        %broadcast_in_dim3A_1394 = vector.broadcast %squeeze3A_981 : f32 to vector<16xf32>
        %mul3A_1395 = vector.broadcast %max3A_991 : f32 to vector<16xf32>
        %mul3A_1396 = arith.mulf %get3A_1389, %mul3A_1395 : vector<16xf32>
        %add3A_1397 = arith.addf %broadcast_in_dim3A_1394, %mul3A_1396 : vector<16xf32>
        %convert_element_type3A_1398 = arith.fptosi %add3A_1393 : vector<16xf32> to vector<16xi32>
        %jit3A_1399 = arith.constant 0 : i32
        %jit3A_1400 = arith.constant 62 : i32
        %max3A_1401 = vector.broadcast %jit3A_1399 : i32 to vector<16xi32>
        %max3A_1402 = arith.maxsi %max3A_1401, %convert_element_type3A_1398 : vector<16xi32>
        %min3A_1403 = vector.broadcast %jit3A_1400 : i32 to vector<16xi32>
        %min3A_1404 = arith.minsi %min3A_1403, %max3A_1402 : vector<16xi32>
        %convert_element_type3A_1405 = arith.fptosi %add3A_1397 : vector<16xf32> to vector<16xi32>
        %jit3A_1406 = arith.constant 0 : i32
        %jit3A_1407 = arith.constant 62 : i32
        %max3A_1408 = vector.broadcast %jit3A_1406 : i32 to vector<16xi32>
        %max3A_1409 = arith.maxsi %max3A_1408, %convert_element_type3A_1405 : vector<16xi32>
        %min3A_1410 = vector.broadcast %jit3A_1407 : i32 to vector<16xi32>
        %min3A_1411 = arith.minsi %min3A_1410, %max3A_1409 : vector<16xi32>
        %convert_element_type3A_1412 = arith.sitofp %min3A_1404 : vector<16xi32> to vector<16xf32>
        %sub3A_1413 = arith.subf %add3A_1393, %convert_element_type3A_1412 : vector<16xf32>
        %convert_element_type3A_1414 = arith.sitofp %min3A_1411 : vector<16xi32> to vector<16xf32>
        %sub3A_1415 = arith.subf %add3A_1397, %convert_element_type3A_1414 : vector<16xf32>
        %sub3A_1416 = arith.constant 1.000000e+00 : f32
        %sub3A_1417 = vector.broadcast %sub3A_1416 : f32 to vector<16xf32>
        %sub3A_1418 = arith.subf %sub3A_1417, %sub3A_1413 : vector<16xf32>
        %sub3A_1419 = arith.constant 1.000000e+00 : f32
        %sub3A_1420 = vector.broadcast %sub3A_1419 : f32 to vector<16xf32>
        %sub3A_1421 = arith.subf %sub3A_1420, %sub3A_1415 : vector<16xf32>
        %mul3A_1422 = arith.mulf %sub3A_1421, %sub3A_1418 : vector<16xf32>
        %mul3A_1423 = arith.mulf %sub3A_1421, %sub3A_1413 : vector<16xf32>
        %mul3A_1424 = arith.mulf %sub3A_1415, %sub3A_1418 : vector<16xf32>
        %mul3A_1425 = arith.mulf %sub3A_1415, %sub3A_1413 : vector<16xf32>
        %mul3A_1426 = arith.constant 64 : i32
        %mul3A_1427 = vector.broadcast %mul3A_1426 : i32 to vector<16xi32>
        %mul3A_1428 = arith.muli %min3A_1411, %mul3A_1427 : vector<16xi32>
        %add3A_1429 = arith.addi %mul3A_1428, %min3A_1404 : vector<16xi32>
        %add3A_1430 = arith.constant 1 : i32
        %add3A_1431 = vector.broadcast %add3A_1430 : i32 to vector<16xi32>
        %add3A_1432 = arith.addi %add3A_1429, %add3A_1431 : vector<16xi32>
        %add3A_1433 = arith.constant 64 : i32
        %add3A_1434 = vector.broadcast %add3A_1433 : i32 to vector<16xi32>
        %add3A_1435 = arith.addi %add3A_1429, %add3A_1434 : vector<16xi32>
        %add3A_1436 = arith.constant 1 : i32
        %add3A_1437 = vector.broadcast %add3A_1436 : i32 to vector<16xi32>
        %add3A_1438 = arith.addi %add3A_1435, %add3A_1437 : vector<16xi32>
        %add3A_1439 = arith.addi %add3A_1429, %broadcast_in_dim3A_42 : vector<16xi32>
        %gather3A_1440 = tpu.vector_load_idx %arg7[%add3A_1439] : memref<32768xf32, #tpu.memory_space<vmem>>[vector<16xi32>], vector<16xf32>,
        %add3A_1441 = arith.addi %add3A_1432, %broadcast_in_dim3A_42 : vector<16xi32>
        %gather3A_1442 = tpu.vector_load_idx %arg7[%add3A_1441] : memref<32768xf32, #tpu.memory_space<vmem>>[vector<16xi32>], vector<16xf32>,
        %add3A_1443 = arith.addi %add3A_1435, %broadcast_in_dim3A_42 : vector<16xi32>
        %gather3A_1444 = tpu.vector_load_idx %arg7[%add3A_1443] : memref<32768xf32, #tpu.memory_space<vmem>>[vector<16xi32>], vector<16xf32>,
        %add3A_1445 = arith.addi %add3A_1438, %broadcast_in_dim3A_42 : vector<16xi32>
        %gather3A_1446 = tpu.vector_load_idx %arg7[%add3A_1445] : memref<32768xf32, #tpu.memory_space<vmem>>[vector<16xi32>], vector<16xf32>,
        %mul3A_1447 = arith.mulf %gather3A_1440, %mul3A_1422 : vector<16xf32>
        %mul3A_1448 = arith.mulf %gather3A_1442, %mul3A_1423 : vector<16xf32>
        %add3A_1449 = arith.addf %mul3A_1447, %mul3A_1448 : vector<16xf32>
        %mul3A_1450 = arith.mulf %gather3A_1444, %mul3A_1424 : vector<16xf32>
        %add3A_1451 = arith.addf %add3A_1449, %mul3A_1450 : vector<16xf32>
        %mul3A_1452 = arith.mulf %gather3A_1446, %mul3A_1425 : vector<16xf32>
        %add3A_1453 = arith.addf %add3A_1451, %mul3A_1452 : vector<16xf32>
        %add3A_1454 = arith.constant 32 : i32
        %add3A_1455 = vector.broadcast %add3A_1454 : i32 to vector<16xi32>
        %add3A_1456 = arith.addi %iota3A, %add3A_1455 : vector<16xi32>
        tpu.vector_store_idx %arg12[%broadcast_in_dim3A_992, %add3A_1456], %add3A_1453 : memref<25x392xf32, #tpu.memory_space<vmem>>[vector<16xi32>, vector<16xi32>], vector<16xf32>,
        %add3A_1457 = arith.addi %add3A_1429, %broadcast_in_dim3A_44 : vector<16xi32>
        %gather3A_1458 = tpu.vector_load_idx %arg7[%add3A_1457] : memref<32768xf32, #tpu.memory_space<vmem>>[vector<16xi32>], vector<16xf32>,
        %add3A_1459 = arith.addi %add3A_1432, %broadcast_in_dim3A_44 : vector<16xi32>
        %gather3A_1460 = tpu.vector_load_idx %arg7[%add3A_1459] : memref<32768xf32, #tpu.memory_space<vmem>>[vector<16xi32>], vector<16xf32>,
        %add3A_1461 = arith.addi %add3A_1435, %broadcast_in_dim3A_44 : vector<16xi32>
        %gather3A_1462 = tpu.vector_load_idx %arg7[%add3A_1461] : memref<32768xf32, #tpu.memory_space<vmem>>[vector<16xi32>], vector<16xf32>,
        %add3A_1463 = arith.addi %add3A_1438, %broadcast_in_dim3A_44 : vector<16xi32>
        %gather3A_1464 = tpu.vector_load_idx %arg7[%add3A_1463] : memref<32768xf32, #tpu.memory_space<vmem>>[vector<16xi32>], vector<16xf32>,
        %mul3A_1465 = arith.mulf %gather3A_1458, %mul3A_1422 : vector<16xf32>
        %mul3A_1466 = arith.mulf %gather3A_1460, %mul3A_1423 : vector<16xf32>
        %add3A_1467 = arith.addf %mul3A_1465, %mul3A_1466 : vector<16xf32>
        %mul3A_1468 = arith.mulf %gather3A_1462, %mul3A_1424 : vector<16xf32>
        %add3A_1469 = arith.addf %add3A_1467, %mul3A_1468 : vector<16xf32>
        %mul3A_1470 = arith.mulf %gather3A_1464, %mul3A_1425 : vector<16xf32>
        %add3A_1471 = arith.addf %add3A_1469, %mul3A_1470 : vector<16xf32>
        %add3A_1472 = arith.constant 81 : i32
        %add3A_1473 = vector.broadcast %add3A_1472 : i32 to vector<16xi32>
        %add3A_1474 = arith.addi %iota3A, %add3A_1473 : vector<16xi32>
        tpu.vector_store_idx %arg12[%broadcast_in_dim3A_992, %add3A_1474], %add3A_1471 : memref<25x392xf32, #tpu.memory_space<vmem>>[vector<16xi32>, vector<16xi32>], vector<16xf32>,
        %add3A_1475 = arith.addi %add3A_1429, %broadcast_in_dim3A_46 : vector<16xi32>
        %gather3A_1476 = tpu.vector_load_idx %arg7[%add3A_1475] : memref<32768xf32, #tpu.memory_space<vmem>>[vector<16xi32>], vector<16xf32>,
        %add3A_1477 = arith.addi %add3A_1432, %broadcast_in_dim3A_46 : vector<16xi32>
        %gather3A_1478 = tpu.vector_load_idx %arg7[%add3A_1477] : memref<32768xf32, #tpu.memory_space<vmem>>[vector<16xi32>], vector<16xf32>,
        %add3A_1479 = arith.addi %add3A_1435, %broadcast_in_dim3A_46 : vector<16xi32>
        %gather3A_1480 = tpu.vector_load_idx %arg7[%add3A_1479] : memref<32768xf32, #tpu.memory_space<vmem>>[vector<16xi32>], vector<16xf32>,
        %add3A_1481 = arith.addi %add3A_1438, %broadcast_in_dim3A_46 : vector<16xi32>
        %gather3A_1482 = tpu.vector_load_idx %arg7[%add3A_1481] : memref<32768xf32, #tpu.memory_space<vmem>>[vector<16xi32>], vector<16xf32>,
        %mul3A_1483 = arith.mulf %gather3A_1476, %mul3A_1422 : vector<16xf32>
        %mul3A_1484 = arith.mulf %gather3A_1478, %mul3A_1423 : vector<16xf32>
        %add3A_1485 = arith.addf %mul3A_1483, %mul3A_1484 : vector<16xf32>
        %mul3A_1486 = arith.mulf %gather3A_1480, %mul3A_1424 : vector<16xf32>
        %add3A_1487 = arith.addf %add3A_1485, %mul3A_1486 : vector<16xf32>
        %mul3A_1488 = arith.mulf %gather3A_1482, %mul3A_1425 : vector<16xf32>
        %add3A_1489 = arith.addf %add3A_1487, %mul3A_1488 : vector<16xf32>
        %add3A_1490 = arith.constant 130 : i32
        %add3A_1491 = vector.broadcast %add3A_1490 : i32 to vector<16xi32>
        %add3A_1492 = arith.addi %iota3A, %add3A_1491 : vector<16xi32>
        tpu.vector_store_idx %arg12[%broadcast_in_dim3A_992, %add3A_1492], %add3A_1489 : memref<25x392xf32, #tpu.memory_space<vmem>>[vector<16xi32>, vector<16xi32>], vector<16xf32>,
        %add3A_1493 = arith.addi %add3A_1429, %broadcast_in_dim3A_48 : vector<16xi32>
        %gather3A_1494 = tpu.vector_load_idx %arg7[%add3A_1493] : memref<32768xf32, #tpu.memory_space<vmem>>[vector<16xi32>], vector<16xf32>,
        %add3A_1495 = arith.addi %add3A_1432, %broadcast_in_dim3A_48 : vector<16xi32>
        %gather3A_1496 = tpu.vector_load_idx %arg7[%add3A_1495] : memref<32768xf32, #tpu.memory_space<vmem>>[vector<16xi32>], vector<16xf32>,
        %add3A_1497 = arith.addi %add3A_1435, %broadcast_in_dim3A_48 : vector<16xi32>
        %gather3A_1498 = tpu.vector_load_idx %arg7[%add3A_1497] : memref<32768xf32, #tpu.memory_space<vmem>>[vector<16xi32>], vector<16xf32>,
        %add3A_1499 = arith.addi %add3A_1438, %broadcast_in_dim3A_48 : vector<16xi32>
        %gather3A_1500 = tpu.vector_load_idx %arg7[%add3A_1499] : memref<32768xf32, #tpu.memory_space<vmem>>[vector<16xi32>], vector<16xf32>,
        %mul3A_1501 = arith.mulf %gather3A_1494, %mul3A_1422 : vector<16xf32>
        %mul3A_1502 = arith.mulf %gather3A_1496, %mul3A_1423 : vector<16xf32>
        %add3A_1503 = arith.addf %mul3A_1501, %mul3A_1502 : vector<16xf32>
        %mul3A_1504 = arith.mulf %gather3A_1498, %mul3A_1424 : vector<16xf32>
        %add3A_1505 = arith.addf %add3A_1503, %mul3A_1504 : vector<16xf32>
        %mul3A_1506 = arith.mulf %gather3A_1500, %mul3A_1425 : vector<16xf32>
        %add3A_1507 = arith.addf %add3A_1505, %mul3A_1506 : vector<16xf32>
        %add3A_1508 = arith.constant 179 : i32
        %add3A_1509 = vector.broadcast %add3A_1508 : i32 to vector<16xi32>
        %add3A_1510 = arith.addi %iota3A, %add3A_1509 : vector<16xi32>
        tpu.vector_store_idx %arg12[%broadcast_in_dim3A_992, %add3A_1510], %add3A_1507 : memref<25x392xf32, #tpu.memory_space<vmem>>[vector<16xi32>, vector<16xi32>], vector<16xf32>,
        %add3A_1511 = arith.addi %add3A_1429, %broadcast_in_dim3A_50 : vector<16xi32>
        %gather3A_1512 = tpu.vector_load_idx %arg7[%add3A_1511] : memref<32768xf32, #tpu.memory_space<vmem>>[vector<16xi32>], vector<16xf32>,
        %add3A_1513 = arith.addi %add3A_1432, %broadcast_in_dim3A_50 : vector<16xi32>
        %gather3A_1514 = tpu.vector_load_idx %arg7[%add3A_1513] : memref<32768xf32, #tpu.memory_space<vmem>>[vector<16xi32>], vector<16xf32>,
        %add3A_1515 = arith.addi %add3A_1435, %broadcast_in_dim3A_50 : vector<16xi32>
        %gather3A_1516 = tpu.vector_load_idx %arg7[%add3A_1515] : memref<32768xf32, #tpu.memory_space<vmem>>[vector<16xi32>], vector<16xf32>,
        %add3A_1517 = arith.addi %add3A_1438, %broadcast_in_dim3A_50 : vector<16xi32>
        %gather3A_1518 = tpu.vector_load_idx %arg7[%add3A_1517] : memref<32768xf32, #tpu.memory_space<vmem>>[vector<16xi32>], vector<16xf32>,
        %mul3A_1519 = arith.mulf %gather3A_1512, %mul3A_1422 : vector<16xf32>
        %mul3A_1520 = arith.mulf %gather3A_1514, %mul3A_1423 : vector<16xf32>
        %add3A_1521 = arith.addf %mul3A_1519, %mul3A_1520 : vector<16xf32>
        %mul3A_1522 = arith.mulf %gather3A_1516, %mul3A_1424 : vector<16xf32>
        %add3A_1523 = arith.addf %add3A_1521, %mul3A_1522 : vector<16xf32>
        %mul3A_1524 = arith.mulf %gather3A_1518, %mul3A_1425 : vector<16xf32>
        %add3A_1525 = arith.addf %add3A_1523, %mul3A_1524 : vector<16xf32>
        %add3A_1526 = arith.constant 228 : i32
        %add3A_1527 = vector.broadcast %add3A_1526 : i32 to vector<16xi32>
        %add3A_1528 = arith.addi %iota3A, %add3A_1527 : vector<16xi32>
        tpu.vector_store_idx %arg12[%broadcast_in_dim3A_992, %add3A_1528], %add3A_1525 : memref<25x392xf32, #tpu.memory_space<vmem>>[vector<16xi32>, vector<16xi32>], vector<16xf32>,
        %add3A_1529 = arith.addi %add3A_1429, %broadcast_in_dim3A_52 : vector<16xi32>
        %gather3A_1530 = tpu.vector_load_idx %arg7[%add3A_1529] : memref<32768xf32, #tpu.memory_space<vmem>>[vector<16xi32>], vector<16xf32>,
        %add3A_1531 = arith.addi %add3A_1432, %broadcast_in_dim3A_52 : vector<16xi32>
        %gather3A_1532 = tpu.vector_load_idx %arg7[%add3A_1531] : memref<32768xf32, #tpu.memory_space<vmem>>[vector<16xi32>], vector<16xf32>,
        %add3A_1533 = arith.addi %add3A_1435, %broadcast_in_dim3A_52 : vector<16xi32>
        %gather3A_1534 = tpu.vector_load_idx %arg7[%add3A_1533] : memref<32768xf32, #tpu.memory_space<vmem>>[vector<16xi32>], vector<16xf32>,
        %add3A_1535 = arith.addi %add3A_1438, %broadcast_in_dim3A_52 : vector<16xi32>
        %gather3A_1536 = tpu.vector_load_idx %arg7[%add3A_1535] : memref<32768xf32, #tpu.memory_space<vmem>>[vector<16xi32>], vector<16xf32>,
        %mul3A_1537 = arith.mulf %gather3A_1530, %mul3A_1422 : vector<16xf32>
        %mul3A_1538 = arith.mulf %gather3A_1532, %mul3A_1423 : vector<16xf32>
        %add3A_1539 = arith.addf %mul3A_1537, %mul3A_1538 : vector<16xf32>
        %mul3A_1540 = arith.mulf %gather3A_1534, %mul3A_1424 : vector<16xf32>
        %add3A_1541 = arith.addf %add3A_1539, %mul3A_1540 : vector<16xf32>
        %mul3A_1542 = arith.mulf %gather3A_1536, %mul3A_1425 : vector<16xf32>
        %add3A_1543 = arith.addf %add3A_1541, %mul3A_1542 : vector<16xf32>
        %add3A_1544 = arith.constant 277 : i32
        %add3A_1545 = vector.broadcast %add3A_1544 : i32 to vector<16xi32>
        %add3A_1546 = arith.addi %iota3A, %add3A_1545 : vector<16xi32>
        tpu.vector_store_idx %arg12[%broadcast_in_dim3A_992, %add3A_1546], %add3A_1543 : memref<25x392xf32, #tpu.memory_space<vmem>>[vector<16xi32>, vector<16xi32>], vector<16xf32>,
        %add3A_1547 = arith.addi %add3A_1429, %broadcast_in_dim3A_54 : vector<16xi32>
        %gather3A_1548 = tpu.vector_load_idx %arg7[%add3A_1547] : memref<32768xf32, #tpu.memory_space<vmem>>[vector<16xi32>], vector<16xf32>,
        %add3A_1549 = arith.addi %add3A_1432, %broadcast_in_dim3A_54 : vector<16xi32>
        %gather3A_1550 = tpu.vector_load_idx %arg7[%add3A_1549] : memref<32768xf32, #tpu.memory_space<vmem>>[vector<16xi32>], vector<16xf32>,
        %add3A_1551 = arith.addi %add3A_1435, %broadcast_in_dim3A_54 : vector<16xi32>
        %gather3A_1552 = tpu.vector_load_idx %arg7[%add3A_1551] : memref<32768xf32, #tpu.memory_space<vmem>>[vector<16xi32>], vector<16xf32>,
        %add3A_1553 = arith.addi %add3A_1438, %broadcast_in_dim3A_54 : vector<16xi32>
        %gather3A_1554 = tpu.vector_load_idx %arg7[%add3A_1553] : memref<32768xf32, #tpu.memory_space<vmem>>[vector<16xi32>], vector<16xf32>,
        %mul3A_1555 = arith.mulf %gather3A_1548, %mul3A_1422 : vector<16xf32>
        %mul3A_1556 = arith.mulf %gather3A_1550, %mul3A_1423 : vector<16xf32>
        %add3A_1557 = arith.addf %mul3A_1555, %mul3A_1556 : vector<16xf32>
        %mul3A_1558 = arith.mulf %gather3A_1552, %mul3A_1424 : vector<16xf32>
        %add3A_1559 = arith.addf %add3A_1557, %mul3A_1558 : vector<16xf32>
        %mul3A_1560 = arith.mulf %gather3A_1554, %mul3A_1425 : vector<16xf32>
        %add3A_1561 = arith.addf %add3A_1559, %mul3A_1560 : vector<16xf32>
        %add3A_1562 = arith.constant 326 : i32
        %add3A_1563 = vector.broadcast %add3A_1562 : i32 to vector<16xi32>
        %add3A_1564 = arith.addi %iota3A, %add3A_1563 : vector<16xi32>
        tpu.vector_store_idx %arg12[%broadcast_in_dim3A_992, %add3A_1564], %add3A_1561 : memref<25x392xf32, #tpu.memory_space<vmem>>[vector<16xi32>, vector<16xi32>], vector<16xf32>,
        %add3A_1565 = arith.addi %add3A_1429, %broadcast_in_dim3A_56 : vector<16xi32>
        %gather3A_1566 = tpu.vector_load_idx %arg7[%add3A_1565] : memref<32768xf32, #tpu.memory_space<vmem>>[vector<16xi32>], vector<16xf32>,
        %add3A_1567 = arith.addi %add3A_1432, %broadcast_in_dim3A_56 : vector<16xi32>
        %gather3A_1568 = tpu.vector_load_idx %arg7[%add3A_1567] : memref<32768xf32, #tpu.memory_space<vmem>>[vector<16xi32>], vector<16xf32>,
        %add3A_1569 = arith.addi %add3A_1435, %broadcast_in_dim3A_56 : vector<16xi32>
        %gather3A_1570 = tpu.vector_load_idx %arg7[%add3A_1569] : memref<32768xf32, #tpu.memory_space<vmem>>[vector<16xi32>], vector<16xf32>,
        %add3A_1571 = arith.addi %add3A_1438, %broadcast_in_dim3A_56 : vector<16xi32>
        %gather3A_1572 = tpu.vector_load_idx %arg7[%add3A_1571] : memref<32768xf32, #tpu.memory_space<vmem>>[vector<16xi32>], vector<16xf32>,
        %mul3A_1573 = arith.mulf %gather3A_1566, %mul3A_1422 : vector<16xf32>
        %mul3A_1574 = arith.mulf %gather3A_1568, %mul3A_1423 : vector<16xf32>
        %add3A_1575 = arith.addf %mul3A_1573, %mul3A_1574 : vector<16xf32>
        %mul3A_1576 = arith.mulf %gather3A_1570, %mul3A_1424 : vector<16xf32>
        %add3A_1577 = arith.addf %add3A_1575, %mul3A_1576 : vector<16xf32>
        %mul3A_1578 = arith.mulf %gather3A_1572, %mul3A_1425 : vector<16xf32>
        %add3A_1579 = arith.addf %add3A_1577, %mul3A_1578 : vector<16xf32>
        %add3A_1580 = arith.constant 375 : i32
        %add3A_1581 = vector.broadcast %add3A_1580 : i32 to vector<16xi32>
        %add3A_1582 = arith.addi %iota3A, %add3A_1581 : vector<16xi32>
        tpu.vector_store_idx %arg12[%broadcast_in_dim3A_992, %add3A_1582], %add3A_1579 : memref<25x392xf32, #tpu.memory_space<vmem>>[vector<16xi32>, vector<16xi32>], vector<16xf32>,
      }
      %scan3A_534 = arith.constant 25 : i32
      %mul3A_535 = arith.constant 25 : i32
      %mul3A_536 = arith.muli %add3A_524, %mul3A_535 : i32
      %add3A_537 = arith.constant 0 : i32
      %add3A_538 = arith.addi %mul3A_536, %add3A_537 : i32
      %broadcast_in_dim3A_539 = vector.broadcast %add3A_538 : i32 to vector<16xi32>
      %add3A_540 = arith.addi %broadcast_in_dim3A_539, %iota3A : vector<16xi32>
      %mul3A_541 = arith.constant 4 : i32
      %mul3A_542 = vector.broadcast %mul3A_541 : i32 to vector<16xi32>
      %mul3A_543 = arith.muli %add3A_540, %mul3A_542 : vector<16xi32>
      %gather3A_544 = tpu.vector_load_idx %arg8[%mul3A_543] : memref<10112xf32, #tpu.memory_space<vmem>>[vector<16xi32>], vector<16xf32>,
      %add3A_545 = arith.constant 1 : i32
      %add3A_546 = vector.broadcast %add3A_545 : i32 to vector<16xi32>
      %add3A_547 = arith.addi %mul3A_543, %add3A_546 : vector<16xi32>
      %gather3A_548 = tpu.vector_load_idx %arg8[%add3A_547] : memref<10112xf32, #tpu.memory_space<vmem>>[vector<16xi32>], vector<16xf32>,
      %add3A_549 = arith.constant 2 : i32
      %add3A_550 = vector.broadcast %add3A_549 : i32 to vector<16xi32>
      %add3A_551 = arith.addi %mul3A_543, %add3A_550 : vector<16xi32>
      %gather3A_552 = tpu.vector_load_idx %arg8[%add3A_551] : memref<10112xf32, #tpu.memory_space<vmem>>[vector<16xi32>], vector<16xf32>,
      %add3A_553 = arith.constant 3 : i32
      %add3A_554 = vector.broadcast %add3A_553 : i32 to vector<16xi32>
      %add3A_555 = arith.addi %mul3A_543, %add3A_554 : vector<16xi32>
      %gather3A_556 = tpu.vector_load_idx %arg8[%add3A_555] : memref<10112xf32, #tpu.memory_space<vmem>>[vector<16xi32>], vector<16xf32>,
      %sub3A_557 = arith.subf %gather3A_552, %gather3A_544 : vector<16xf32>
      %max3A_558 = arith.constant 1.000000e+00 : f32
      %max3A_559 = vector.broadcast %max3A_558 : f32 to vector<16xf32>
      %max3A_560 = arith.maximumf %sub3A_557, %max3A_559 : vector<16xf32>
      %add3A_561 = arith.addf %gather3A_544, %max3A_560 : vector<16xf32>
      %sub3A_562 = arith.subf %gather3A_556, %gather3A_548 : vector<16xf32>
      %max3A_563 = arith.constant 1.000000e+00 : f32
      %max3A_564 = vector.broadcast %max3A_563 : f32 to vector<16xf32>
      %max3A_565 = arith.maximumf %sub3A_562, %max3A_564 : vector<16xf32>
      %add3A_566 = arith.addf %gather3A_548, %max3A_565 : vector<16xf32>
      %broadcast_in_dim3A_567 = arith.constant 0 : i32
      %broadcast_in_dim3A_568 = vector.broadcast %broadcast_in_dim3A_567 : i32 to vector<16xi32>
      %add3A_569 = arith.addi %broadcast_in_dim3A_568, %iota3A : vector<16xi32>
      %convert_element_type3A_570 = arith.fptosi %add3A_561 : vector<16xf32> to vector<16xi32>
      %jit3A_571 = arith.constant 0 : i32
      %jit3A_572 = arith.constant 62 : i32
      %max3A_573 = vector.broadcast %jit3A_571 : i32 to vector<16xi32>
      %max3A_574 = arith.maxsi %max3A_573, %convert_element_type3A_570 : vector<16xi32>
      %min3A_575 = vector.broadcast %jit3A_572 : i32 to vector<16xi32>
      %min3A_576 = arith.minsi %min3A_575, %max3A_574 : vector<16xi32>
      %convert_element_type3A_577 = arith.fptosi %add3A_566 : vector<16xf32> to vector<16xi32>
      %jit3A_578 = arith.constant 0 : i32
      %jit3A_579 = arith.constant 62 : i32
      %max3A_580 = vector.broadcast %jit3A_578 : i32 to vector<16xi32>
      %max3A_581 = arith.maxsi %max3A_580, %convert_element_type3A_577 : vector<16xi32>
      %min3A_582 = vector.broadcast %jit3A_579 : i32 to vector<16xi32>
      %min3A_583 = arith.minsi %min3A_582, %max3A_581 : vector<16xi32>
      %convert_element_type3A_584 = arith.sitofp %min3A_576 : vector<16xi32> to vector<16xf32>
      %sub3A_585 = arith.subf %add3A_561, %convert_element_type3A_584 : vector<16xf32>
      %convert_element_type3A_586 = arith.sitofp %min3A_583 : vector<16xi32> to vector<16xf32>
      %sub3A_587 = arith.subf %add3A_566, %convert_element_type3A_586 : vector<16xf32>
      %sub3A_588 = arith.constant 1.000000e+00 : f32
      %sub3A_589 = vector.broadcast %sub3A_588 : f32 to vector<16xf32>
      %sub3A_590 = arith.subf %sub3A_589, %sub3A_585 : vector<16xf32>
      %sub3A_591 = arith.constant 1.000000e+00 : f32
      %sub3A_592 = vector.broadcast %sub3A_591 : f32 to vector<16xf32>
      %sub3A_593 = arith.subf %sub3A_592, %sub3A_587 : vector<16xf32>
      %mul3A_594 = arith.mulf %sub3A_593, %sub3A_590 : vector<16xf32>
      %mul3A_595 = arith.mulf %sub3A_593, %sub3A_585 : vector<16xf32>
      %mul3A_596 = arith.mulf %sub3A_587, %sub3A_590 : vector<16xf32>
      %mul3A_597 = arith.mulf %sub3A_587, %sub3A_585 : vector<16xf32>
      %mul3A_598 = arith.constant 64 : i32
      %mul3A_599 = vector.broadcast %mul3A_598 : i32 to vector<16xi32>
      %mul3A_600 = arith.muli %min3A_583, %mul3A_599 : vector<16xi32>
      %add3A_601 = arith.addi %mul3A_600, %min3A_576 : vector<16xi32>
      %add3A_602 = arith.constant 1 : i32
      %add3A_603 = vector.broadcast %add3A_602 : i32 to vector<16xi32>
      %add3A_604 = arith.addi %add3A_601, %add3A_603 : vector<16xi32>
      %add3A_605 = arith.constant 64 : i32
      %add3A_606 = vector.broadcast %add3A_605 : i32 to vector<16xi32>
      %add3A_607 = arith.addi %add3A_601, %add3A_606 : vector<16xi32>
      %add3A_608 = arith.constant 1 : i32
      %add3A_609 = vector.broadcast %add3A_608 : i32 to vector<16xi32>
      %add3A_610 = arith.addi %add3A_607, %add3A_609 : vector<16xi32>
      %add3A_611 = arith.addi %add3A_601, %broadcast_in_dim3A_42 : vector<16xi32>
      %gather3A_612 = tpu.vector_load_idx %arg7[%add3A_611] : memref<32768xf32, #tpu.memory_space<vmem>>[vector<16xi32>], vector<16xf32>,
      %add3A_613 = arith.addi %add3A_604, %broadcast_in_dim3A_42 : vector<16xi32>
      %gather3A_614 = tpu.vector_load_idx %arg7[%add3A_613] : memref<32768xf32, #tpu.memory_space<vmem>>[vector<16xi32>], vector<16xf32>,
      %add3A_615 = arith.addi %add3A_607, %broadcast_in_dim3A_42 : vector<16xi32>
      %gather3A_616 = tpu.vector_load_idx %arg7[%add3A_615] : memref<32768xf32, #tpu.memory_space<vmem>>[vector<16xi32>], vector<16xf32>,
      %add3A_617 = arith.addi %add3A_610, %broadcast_in_dim3A_42 : vector<16xi32>
      %gather3A_618 = tpu.vector_load_idx %arg7[%add3A_617] : memref<32768xf32, #tpu.memory_space<vmem>>[vector<16xi32>], vector<16xf32>,
      %mul3A_619 = arith.mulf %gather3A_612, %mul3A_594 : vector<16xf32>
      %mul3A_620 = arith.mulf %gather3A_614, %mul3A_595 : vector<16xf32>
      %add3A_621 = arith.addf %mul3A_619, %mul3A_620 : vector<16xf32>
      %mul3A_622 = arith.mulf %gather3A_616, %mul3A_596 : vector<16xf32>
      %add3A_623 = arith.addf %add3A_621, %mul3A_622 : vector<16xf32>
      %mul3A_624 = arith.mulf %gather3A_618, %mul3A_597 : vector<16xf32>
      %add3A_625 = arith.addf %add3A_623, %mul3A_624 : vector<16xf32>
      %broadcast_in_dim3A_626 = arith.constant 48 : i32
      %broadcast_in_dim3A_627 = vector.broadcast %broadcast_in_dim3A_626 : i32 to vector<16xi32>
      tpu.vector_store_idx %arg12[%add3A_569, %broadcast_in_dim3A_627], %add3A_625 : memref<25x392xf32, #tpu.memory_space<vmem>>[vector<16xi32>, vector<16xi32>], vector<16xf32>,
      %add3A_628 = arith.addi %add3A_601, %broadcast_in_dim3A_44 : vector<16xi32>
      %gather3A_629 = tpu.vector_load_idx %arg7[%add3A_628] : memref<32768xf32, #tpu.memory_space<vmem>>[vector<16xi32>], vector<16xf32>,
      %add3A_630 = arith.addi %add3A_604, %broadcast_in_dim3A_44 : vector<16xi32>
      %gather3A_631 = tpu.vector_load_idx %arg7[%add3A_630] : memref<32768xf32, #tpu.memory_space<vmem>>[vector<16xi32>], vector<16xf32>,
      %add3A_632 = arith.addi %add3A_607, %broadcast_in_dim3A_44 : vector<16xi32>
      %gather3A_633 = tpu.vector_load_idx %arg7[%add3A_632] : memref<32768xf32, #tpu.memory_space<vmem>>[vector<16xi32>], vector<16xf32>,
      %add3A_634 = arith.addi %add3A_610, %broadcast_in_dim3A_44 : vector<16xi32>
      %gather3A_635 = tpu.vector_load_idx %arg7[%add3A_634] : memref<32768xf32, #tpu.memory_space<vmem>>[vector<16xi32>], vector<16xf32>,
      %mul3A_636 = arith.mulf %gather3A_629, %mul3A_594 : vector<16xf32>
      %mul3A_637 = arith.mulf %gather3A_631, %mul3A_595 : vector<16xf32>
      %add3A_638 = arith.addf %mul3A_636, %mul3A_637 : vector<16xf32>
      %mul3A_639 = arith.mulf %gather3A_633, %mul3A_596 : vector<16xf32>
      %add3A_640 = arith.addf %add3A_638, %mul3A_639 : vector<16xf32>
      %mul3A_641 = arith.mulf %gather3A_635, %mul3A_597 : vector<16xf32>
      %add3A_642 = arith.addf %add3A_640, %mul3A_641 : vector<16xf32>
      %broadcast_in_dim3A_643 = arith.constant 97 : i32
      %broadcast_in_dim3A_644 = vector.broadcast %broadcast_in_dim3A_643 : i32 to vector<16xi32>
      tpu.vector_store_idx %arg12[%add3A_569, %broadcast_in_dim3A_644], %add3A_642 : memref<25x392xf32, #tpu.memory_space<vmem>>[vector<16xi32>, vector<16xi32>], vector<16xf32>,
      %add3A_645 = arith.addi %add3A_601, %broadcast_in_dim3A_46 : vector<16xi32>
      %gather3A_646 = tpu.vector_load_idx %arg7[%add3A_645] : memref<32768xf32, #tpu.memory_space<vmem>>[vector<16xi32>], vector<16xf32>,
      %add3A_647 = arith.addi %add3A_604, %broadcast_in_dim3A_46 : vector<16xi32>
      %gather3A_648 = tpu.vector_load_idx %arg7[%add3A_647] : memref<32768xf32, #tpu.memory_space<vmem>>[vector<16xi32>], vector<16xf32>,
      %add3A_649 = arith.addi %add3A_607, %broadcast_in_dim3A_46 : vector<16xi32>
      %gather3A_650 = tpu.vector_load_idx %arg7[%add3A_649] : memref<32768xf32, #tpu.memory_space<vmem>>[vector<16xi32>], vector<16xf32>,
      %add3A_651 = arith.addi %add3A_610, %broadcast_in_dim3A_46 : vector<16xi32>
      %gather3A_652 = tpu.vector_load_idx %arg7[%add3A_651] : memref<32768xf32, #tpu.memory_space<vmem>>[vector<16xi32>], vector<16xf32>,
      %mul3A_653 = arith.mulf %gather3A_646, %mul3A_594 : vector<16xf32>
      %mul3A_654 = arith.mulf %gather3A_648, %mul3A_595 : vector<16xf32>
      %add3A_655 = arith.addf %mul3A_653, %mul3A_654 : vector<16xf32>
      %mul3A_656 = arith.mulf %gather3A_650, %mul3A_596 : vector<16xf32>
      %add3A_657 = arith.addf %add3A_655, %mul3A_656 : vector<16xf32>
      %mul3A_658 = arith.mulf %gather3A_652, %mul3A_597 : vector<16xf32>
      %add3A_659 = arith.addf %add3A_657, %mul3A_658 : vector<16xf32>
      %broadcast_in_dim3A_660 = arith.constant 146 : i32
      %broadcast_in_dim3A_661 = vector.broadcast %broadcast_in_dim3A_660 : i32 to vector<16xi32>
      tpu.vector_store_idx %arg12[%add3A_569, %broadcast_in_dim3A_661], %add3A_659 : memref<25x392xf32, #tpu.memory_space<vmem>>[vector<16xi32>, vector<16xi32>], vector<16xf32>,
      %add3A_662 = arith.addi %add3A_601, %broadcast_in_dim3A_48 : vector<16xi32>
      %gather3A_663 = tpu.vector_load_idx %arg7[%add3A_662] : memref<32768xf32, #tpu.memory_space<vmem>>[vector<16xi32>], vector<16xf32>,
      %add3A_664 = arith.addi %add3A_604, %broadcast_in_dim3A_48 : vector<16xi32>
      %gather3A_665 = tpu.vector_load_idx %arg7[%add3A_664] : memref<32768xf32, #tpu.memory_space<vmem>>[vector<16xi32>], vector<16xf32>,
      %add3A_666 = arith.addi %add3A_607, %broadcast_in_dim3A_48 : vector<16xi32>
      %gather3A_667 = tpu.vector_load_idx %arg7[%add3A_666] : memref<32768xf32, #tpu.memory_space<vmem>>[vector<16xi32>], vector<16xf32>,
      %add3A_668 = arith.addi %add3A_610, %broadcast_in_dim3A_48 : vector<16xi32>
      %gather3A_669 = tpu.vector_load_idx %arg7[%add3A_668] : memref<32768xf32, #tpu.memory_space<vmem>>[vector<16xi32>], vector<16xf32>,
      %mul3A_670 = arith.mulf %gather3A_663, %mul3A_594 : vector<16xf32>
      %mul3A_671 = arith.mulf %gather3A_665, %mul3A_595 : vector<16xf32>
      %add3A_672 = arith.addf %mul3A_670, %mul3A_671 : vector<16xf32>
      %mul3A_673 = arith.mulf %gather3A_667, %mul3A_596 : vector<16xf32>
      %add3A_674 = arith.addf %add3A_672, %mul3A_673 : vector<16xf32>
      %mul3A_675 = arith.mulf %gather3A_669, %mul3A_597 : vector<16xf32>
      %add3A_676 = arith.addf %add3A_674, %mul3A_675 : vector<16xf32>
      %broadcast_in_dim3A_677 = arith.constant 195 : i32
      %broadcast_in_dim3A_678 = vector.broadcast %broadcast_in_dim3A_677 : i32 to vector<16xi32>
      tpu.vector_store_idx %arg12[%add3A_569, %broadcast_in_dim3A_678], %add3A_676 : memref<25x392xf32, #tpu.memory_space<vmem>>[vector<16xi32>, vector<16xi32>], vector<16xf32>,
      %add3A_679 = arith.addi %add3A_601, %broadcast_in_dim3A_50 : vector<16xi32>
      %gather3A_680 = tpu.vector_load_idx %arg7[%add3A_679] : memref<32768xf32, #tpu.memory_space<vmem>>[vector<16xi32>], vector<16xf32>,
      %add3A_681 = arith.addi %add3A_604, %broadcast_in_dim3A_50 : vector<16xi32>
      %gather3A_682 = tpu.vector_load_idx %arg7[%add3A_681] : memref<32768xf32, #tpu.memory_space<vmem>>[vector<16xi32>], vector<16xf32>,
      %add3A_683 = arith.addi %add3A_607, %broadcast_in_dim3A_50 : vector<16xi32>
      %gather3A_684 = tpu.vector_load_idx %arg7[%add3A_683] : memref<32768xf32, #tpu.memory_space<vmem>>[vector<16xi32>], vector<16xf32>,
      %add3A_685 = arith.addi %add3A_610, %broadcast_in_dim3A_50 : vector<16xi32>
      %gather3A_686 = tpu.vector_load_idx %arg7[%add3A_685] : memref<32768xf32, #tpu.memory_space<vmem>>[vector<16xi32>], vector<16xf32>,
      %mul3A_687 = arith.mulf %gather3A_680, %mul3A_594 : vector<16xf32>
      %mul3A_688 = arith.mulf %gather3A_682, %mul3A_595 : vector<16xf32>
      %add3A_689 = arith.addf %mul3A_687, %mul3A_688 : vector<16xf32>
      %mul3A_690 = arith.mulf %gather3A_684, %mul3A_596 : vector<16xf32>
      %add3A_691 = arith.addf %add3A_689, %mul3A_690 : vector<16xf32>
      %mul3A_692 = arith.mulf %gather3A_686, %mul3A_597 : vector<16xf32>
      %add3A_693 = arith.addf %add3A_691, %mul3A_692 : vector<16xf32>
      %broadcast_in_dim3A_694 = arith.constant 244 : i32
      %broadcast_in_dim3A_695 = vector.broadcast %broadcast_in_dim3A_694 : i32 to vector<16xi32>
      tpu.vector_store_idx %arg12[%add3A_569, %broadcast_in_dim3A_695], %add3A_693 : memref<25x392xf32, #tpu.memory_space<vmem>>[vector<16xi32>, vector<16xi32>], vector<16xf32>,
      %add3A_696 = arith.addi %add3A_601, %broadcast_in_dim3A_52 : vector<16xi32>
      %gather3A_697 = tpu.vector_load_idx %arg7[%add3A_696] : memref<32768xf32, #tpu.memory_space<vmem>>[vector<16xi32>], vector<16xf32>,
      %add3A_698 = arith.addi %add3A_604, %broadcast_in_dim3A_52 : vector<16xi32>
      %gather3A_699 = tpu.vector_load_idx %arg7[%add3A_698] : memref<32768xf32, #tpu.memory_space<vmem>>[vector<16xi32>], vector<16xf32>,
      %add3A_700 = arith.addi %add3A_607, %broadcast_in_dim3A_52 : vector<16xi32>
      %gather3A_701 = tpu.vector_load_idx %arg7[%add3A_700] : memref<32768xf32, #tpu.memory_space<vmem>>[vector<16xi32>], vector<16xf32>,
      %add3A_702 = arith.addi %add3A_610, %broadcast_in_dim3A_52 : vector<16xi32>
      %gather3A_703 = tpu.vector_load_idx %arg7[%add3A_702] : memref<32768xf32, #tpu.memory_space<vmem>>[vector<16xi32>], vector<16xf32>,
      %mul3A_704 = arith.mulf %gather3A_697, %mul3A_594 : vector<16xf32>
      %mul3A_705 = arith.mulf %gather3A_699, %mul3A_595 : vector<16xf32>
      %add3A_706 = arith.addf %mul3A_704, %mul3A_705 : vector<16xf32>
      %mul3A_707 = arith.mulf %gather3A_701, %mul3A_596 : vector<16xf32>
      %add3A_708 = arith.addf %add3A_706, %mul3A_707 : vector<16xf32>
      %mul3A_709 = arith.mulf %gather3A_703, %mul3A_597 : vector<16xf32>
      %add3A_710 = arith.addf %add3A_708, %mul3A_709 : vector<16xf32>
      %broadcast_in_dim3A_711 = arith.constant 293 : i32
      %broadcast_in_dim3A_712 = vector.broadcast %broadcast_in_dim3A_711 : i32 to vector<16xi32>
      tpu.vector_store_idx %arg12[%add3A_569, %broadcast_in_dim3A_712], %add3A_710 : memref<25x392xf32, #tpu.memory_space<vmem>>[vector<16xi32>, vector<16xi32>], vector<16xf32>,
      %add3A_713 = arith.addi %add3A_601, %broadcast_in_dim3A_54 : vector<16xi32>
      %gather3A_714 = tpu.vector_load_idx %arg7[%add3A_713] : memref<32768xf32, #tpu.memory_space<vmem>>[vector<16xi32>], vector<16xf32>,
      %add3A_715 = arith.addi %add3A_604, %broadcast_in_dim3A_54 : vector<16xi32>
      %gather3A_716 = tpu.vector_load_idx %arg7[%add3A_715] : memref<32768xf32, #tpu.memory_space<vmem>>[vector<16xi32>], vector<16xf32>,
      %add3A_717 = arith.addi %add3A_607, %broadcast_in_dim3A_54 : vector<16xi32>
      %gather3A_718 = tpu.vector_load_idx %arg7[%add3A_717] : memref<32768xf32, #tpu.memory_space<vmem>>[vector<16xi32>], vector<16xf32>,
      %add3A_719 = arith.addi %add3A_610, %broadcast_in_dim3A_54 : vector<16xi32>
      %gather3A_720 = tpu.vector_load_idx %arg7[%add3A_719] : memref<32768xf32, #tpu.memory_space<vmem>>[vector<16xi32>], vector<16xf32>,
      %mul3A_721 = arith.mulf %gather3A_714, %mul3A_594 : vector<16xf32>
      %mul3A_722 = arith.mulf %gather3A_716, %mul3A_595 : vector<16xf32>
      %add3A_723 = arith.addf %mul3A_721, %mul3A_722 : vector<16xf32>
      %mul3A_724 = arith.mulf %gather3A_718, %mul3A_596 : vector<16xf32>
      %add3A_725 = arith.addf %add3A_723, %mul3A_724 : vector<16xf32>
      %mul3A_726 = arith.mulf %gather3A_720, %mul3A_597 : vector<16xf32>
      %add3A_727 = arith.addf %add3A_725, %mul3A_726 : vector<16xf32>
      %broadcast_in_dim3A_728 = arith.constant 342 : i32
      %broadcast_in_dim3A_729 = vector.broadcast %broadcast_in_dim3A_728 : i32 to vector<16xi32>
      tpu.vector_store_idx %arg12[%add3A_569, %broadcast_in_dim3A_729], %add3A_727 : memref<25x392xf32, #tpu.memory_space<vmem>>[vector<16xi32>, vector<16xi32>], vector<16xf32>,
      %add3A_730 = arith.addi %add3A_601, %broadcast_in_dim3A_56 : vector<16xi32>
      %gather3A_731 = tpu.vector_load_idx %arg7[%add3A_730] : memref<32768xf32, #tpu.memory_space<vmem>>[vector<16xi32>], vector<16xf32>,
      %add3A_732 = arith.addi %add3A_604, %broadcast_in_dim3A_56 : vector<16xi32>
      %gather3A_733 = tpu.vector_load_idx %arg7[%add3A_732] : memref<32768xf32, #tpu.memory_space<vmem>>[vector<16xi32>], vector<16xf32>,
      %add3A_734 = arith.addi %add3A_607, %broadcast_in_dim3A_56 : vector<16xi32>
      %gather3A_735 = tpu.vector_load_idx %arg7[%add3A_734] : memref<32768xf32, #tpu.memory_space<vmem>>[vector<16xi32>], vector<16xf32>,
      %add3A_736 = arith.addi %add3A_610, %broadcast_in_dim3A_56 : vector<16xi32>
      %gather3A_737 = tpu.vector_load_idx %arg7[%add3A_736] : memref<32768xf32, #tpu.memory_space<vmem>>[vector<16xi32>], vector<16xf32>,
      %mul3A_738 = arith.mulf %gather3A_731, %mul3A_594 : vector<16xf32>
      %mul3A_739 = arith.mulf %gather3A_733, %mul3A_595 : vector<16xf32>
      %add3A_740 = arith.addf %mul3A_738, %mul3A_739 : vector<16xf32>
      %mul3A_741 = arith.mulf %gather3A_735, %mul3A_596 : vector<16xf32>
      %add3A_742 = arith.addf %add3A_740, %mul3A_741 : vector<16xf32>
      %mul3A_743 = arith.mulf %gather3A_737, %mul3A_597 : vector<16xf32>
      %add3A_744 = arith.addf %add3A_742, %mul3A_743 : vector<16xf32>
      %broadcast_in_dim3A_745 = arith.constant 391 : i32
      %broadcast_in_dim3A_746 = vector.broadcast %broadcast_in_dim3A_745 : i32 to vector<16xi32>
      tpu.vector_store_idx %arg12[%add3A_569, %broadcast_in_dim3A_746], %add3A_744 : memref<25x392xf32, #tpu.memory_space<vmem>>[vector<16xi32>, vector<16xi32>], vector<16xf32>,
      %mul3A_747 = arith.constant 25 : i32
      %mul3A_748 = arith.muli %add3A_524, %mul3A_747 : i32
      %add3A_749 = arith.constant 16 : i32
      %add3A_750 = arith.addi %mul3A_748, %add3A_749 : i32
      %broadcast_in_dim3A_751 = vector.broadcast %add3A_750 : i32 to vector<16xi32>
      %add3A_752 = arith.addi %broadcast_in_dim3A_751, %iota3A : vector<16xi32>
      %mul3A_753 = arith.constant 4 : i32
      %mul3A_754 = vector.broadcast %mul3A_753 : i32 to vector<16xi32>
      %mul3A_755 = arith.muli %add3A_752, %mul3A_754 : vector<16xi32>
      %gather3A_756 = tpu.vector_load_idx %arg8[%mul3A_755] : memref<10112xf32, #tpu.memory_space<vmem>>[vector<16xi32>], vector<16xf32>,
      %add3A_757 = arith.constant 1 : i32
      %add3A_758 = vector.broadcast %add3A_757 : i32 to vector<16xi32>
      %add3A_759 = arith.addi %mul3A_755, %add3A_758 : vector<16xi32>
      %gather3A_760 = tpu.vector_load_idx %arg8[%add3A_759] : memref<10112xf32, #tpu.memory_space<vmem>>[vector<16xi32>], vector<16xf32>,
      %add3A_761 = arith.constant 2 : i32
      %add3A_762 = vector.broadcast %add3A_761 : i32 to vector<16xi32>
      %add3A_763 = arith.addi %mul3A_755, %add3A_762 : vector<16xi32>
      %gather3A_764 = tpu.vector_load_idx %arg8[%add3A_763] : memref<10112xf32, #tpu.memory_space<vmem>>[vector<16xi32>], vector<16xf32>,
      %add3A_765 = arith.constant 3 : i32
      %add3A_766 = vector.broadcast %add3A_765 : i32 to vector<16xi32>
      %add3A_767 = arith.addi %mul3A_755, %add3A_766 : vector<16xi32>
      %gather3A_768 = tpu.vector_load_idx %arg8[%add3A_767] : memref<10112xf32, #tpu.memory_space<vmem>>[vector<16xi32>], vector<16xf32>,
      %sub3A_769 = arith.subf %gather3A_764, %gather3A_756 : vector<16xf32>
      %max3A_770 = arith.constant 1.000000e+00 : f32
      %max3A_771 = vector.broadcast %max3A_770 : f32 to vector<16xf32>
      %max3A_772 = arith.maximumf %sub3A_769, %max3A_771 : vector<16xf32>
      %add3A_773 = arith.addf %gather3A_756, %max3A_772 : vector<16xf32>
      %sub3A_774 = arith.subf %gather3A_768, %gather3A_760 : vector<16xf32>
      %max3A_775 = arith.constant 1.000000e+00 : f32
      %max3A_776 = vector.broadcast %max3A_775 : f32 to vector<16xf32>
      %max3A_777 = arith.maximumf %sub3A_774, %max3A_776 : vector<16xf32>
      %add3A_778 = arith.addf %gather3A_760, %max3A_777 : vector<16xf32>
      %lt3A_779 = arith.constant 9 : i32
      %lt3A_780 = vector.broadcast %lt3A_779 : i32 to vector<16xi32>
      %lt3A_781 = arith.cmpi slt, %iota3A, %lt3A_780 : vector<16xi32>
      %broadcast_in_dim3A_782 = arith.constant 16 : i32
      %broadcast_in_dim3A_783 = vector.broadcast %broadcast_in_dim3A_782 : i32 to vector<16xi32>
      %add3A_784 = arith.addi %broadcast_in_dim3A_783, %iota3A : vector<16xi32>
      %convert_element_type3A_785 = arith.fptosi %add3A_773 : vector<16xf32> to vector<16xi32>
      %jit3A_786 = arith.constant 0 : i32
      %jit3A_787 = arith.constant 62 : i32
      %max3A_788 = vector.broadcast %jit3A_786 : i32 to vector<16xi32>
      %max3A_789 = arith.maxsi %max3A_788, %convert_element_type3A_785 : vector<16xi32>
      %min3A_790 = vector.broadcast %jit3A_787 : i32 to vector<16xi32>
      %min3A_791 = arith.minsi %min3A_790, %max3A_789 : vector<16xi32>
      %convert_element_type3A_792 = arith.fptosi %add3A_778 : vector<16xf32> to vector<16xi32>
      %jit3A_793 = arith.constant 0 : i32
      %jit3A_794 = arith.constant 62 : i32
      %max3A_795 = vector.broadcast %jit3A_793 : i32 to vector<16xi32>
      %max3A_796 = arith.maxsi %max3A_795, %convert_element_type3A_792 : vector<16xi32>
      %min3A_797 = vector.broadcast %jit3A_794 : i32 to vector<16xi32>
      %min3A_798 = arith.minsi %min3A_797, %max3A_796 : vector<16xi32>
      %convert_element_type3A_799 = arith.sitofp %min3A_791 : vector<16xi32> to vector<16xf32>
      %sub3A_800 = arith.subf %add3A_773, %convert_element_type3A_799 : vector<16xf32>
      %convert_element_type3A_801 = arith.sitofp %min3A_798 : vector<16xi32> to vector<16xf32>
      %sub3A_802 = arith.subf %add3A_778, %convert_element_type3A_801 : vector<16xf32>
      %sub3A_803 = arith.constant 1.000000e+00 : f32
      %sub3A_804 = vector.broadcast %sub3A_803 : f32 to vector<16xf32>
      %sub3A_805 = arith.subf %sub3A_804, %sub3A_800 : vector<16xf32>
      %sub3A_806 = arith.constant 1.000000e+00 : f32
      %sub3A_807 = vector.broadcast %sub3A_806 : f32 to vector<16xf32>
      %sub3A_808 = arith.subf %sub3A_807, %sub3A_802 : vector<16xf32>
      %mul3A_809 = arith.mulf %sub3A_808, %sub3A_805 : vector<16xf32>
      %mul3A_810 = arith.mulf %sub3A_808, %sub3A_800 : vector<16xf32>
      %mul3A_811 = arith.mulf %sub3A_802, %sub3A_805 : vector<16xf32>
      %mul3A_812 = arith.mulf %sub3A_802, %sub3A_800 : vector<16xf32>
      %mul3A_813 = arith.constant 64 : i32
      %mul3A_814 = vector.broadcast %mul3A_813 : i32 to vector<16xi32>
      %mul3A_815 = arith.muli %min3A_798, %mul3A_814 : vector<16xi32>
      %add3A_816 = arith.addi %mul3A_815, %min3A_791 : vector<16xi32>
      %add3A_817 = arith.constant 1 : i32
      %add3A_818 = vector.broadcast %add3A_817 : i32 to vector<16xi32>
      %add3A_819 = arith.addi %add3A_816, %add3A_818 : vector<16xi32>
      %add3A_820 = arith.constant 64 : i32
      %add3A_821 = vector.broadcast %add3A_820 : i32 to vector<16xi32>
      %add3A_822 = arith.addi %add3A_816, %add3A_821 : vector<16xi32>
      %add3A_823 = arith.constant 1 : i32
      %add3A_824 = vector.broadcast %add3A_823 : i32 to vector<16xi32>
      %add3A_825 = arith.addi %add3A_822, %add3A_824 : vector<16xi32>
      %add3A_826 = arith.addi %add3A_816, %broadcast_in_dim3A_42 : vector<16xi32>
      %gather3A_827 = tpu.vector_load_idx %arg7[%add3A_826] : memref<32768xf32, #tpu.memory_space<vmem>>[vector<16xi32>], vector<16xf32>,
      %add3A_828 = arith.addi %add3A_819, %broadcast_in_dim3A_42 : vector<16xi32>
      %gather3A_829 = tpu.vector_load_idx %arg7[%add3A_828] : memref<32768xf32, #tpu.memory_space<vmem>>[vector<16xi32>], vector<16xf32>,
      %add3A_830 = arith.addi %add3A_822, %broadcast_in_dim3A_42 : vector<16xi32>
      %gather3A_831 = tpu.vector_load_idx %arg7[%add3A_830] : memref<32768xf32, #tpu.memory_space<vmem>>[vector<16xi32>], vector<16xf32>,
      %add3A_832 = arith.addi %add3A_825, %broadcast_in_dim3A_42 : vector<16xi32>
      %gather3A_833 = tpu.vector_load_idx %arg7[%add3A_832] : memref<32768xf32, #tpu.memory_space<vmem>>[vector<16xi32>], vector<16xf32>,
      %mul3A_834 = arith.mulf %gather3A_827, %mul3A_809 : vector<16xf32>
      %mul3A_835 = arith.mulf %gather3A_829, %mul3A_810 : vector<16xf32>
      %add3A_836 = arith.addf %mul3A_834, %mul3A_835 : vector<16xf32>
      %mul3A_837 = arith.mulf %gather3A_831, %mul3A_811 : vector<16xf32>
      %add3A_838 = arith.addf %add3A_836, %mul3A_837 : vector<16xf32>
      %mul3A_839 = arith.mulf %gather3A_833, %mul3A_812 : vector<16xf32>
      %add3A_840 = arith.addf %add3A_838, %mul3A_839 : vector<16xf32>
      %broadcast_in_dim3A_841 = arith.constant 48 : i32
      %broadcast_in_dim3A_842 = vector.broadcast %broadcast_in_dim3A_841 : i32 to vector<16xi32>
      tpu.vector_store_idx %arg12[%add3A_784, %broadcast_in_dim3A_842], %add3A_840 masked %lt3A_781 : memref<25x392xf32, #tpu.memory_space<vmem>>[vector<16xi32>, vector<16xi32>], vector<16xf32>, vector<16xi1>
      %add3A_843 = arith.addi %add3A_816, %broadcast_in_dim3A_44 : vector<16xi32>
      %gather3A_844 = tpu.vector_load_idx %arg7[%add3A_843] : memref<32768xf32, #tpu.memory_space<vmem>>[vector<16xi32>], vector<16xf32>,
      %add3A_845 = arith.addi %add3A_819, %broadcast_in_dim3A_44 : vector<16xi32>
      %gather3A_846 = tpu.vector_load_idx %arg7[%add3A_845] : memref<32768xf32, #tpu.memory_space<vmem>>[vector<16xi32>], vector<16xf32>,
      %add3A_847 = arith.addi %add3A_822, %broadcast_in_dim3A_44 : vector<16xi32>
      %gather3A_848 = tpu.vector_load_idx %arg7[%add3A_847] : memref<32768xf32, #tpu.memory_space<vmem>>[vector<16xi32>], vector<16xf32>,
      %add3A_849 = arith.addi %add3A_825, %broadcast_in_dim3A_44 : vector<16xi32>
      %gather3A_850 = tpu.vector_load_idx %arg7[%add3A_849] : memref<32768xf32, #tpu.memory_space<vmem>>[vector<16xi32>], vector<16xf32>,
      %mul3A_851 = arith.mulf %gather3A_844, %mul3A_809 : vector<16xf32>
      %mul3A_852 = arith.mulf %gather3A_846, %mul3A_810 : vector<16xf32>
      %add3A_853 = arith.addf %mul3A_851, %mul3A_852 : vector<16xf32>
      %mul3A_854 = arith.mulf %gather3A_848, %mul3A_811 : vector<16xf32>
      %add3A_855 = arith.addf %add3A_853, %mul3A_854 : vector<16xf32>
      %mul3A_856 = arith.mulf %gather3A_850, %mul3A_812 : vector<16xf32>
      %add3A_857 = arith.addf %add3A_855, %mul3A_856 : vector<16xf32>
      %broadcast_in_dim3A_858 = arith.constant 97 : i32
      %broadcast_in_dim3A_859 = vector.broadcast %broadcast_in_dim3A_858 : i32 to vector<16xi32>
      tpu.vector_store_idx %arg12[%add3A_784, %broadcast_in_dim3A_859], %add3A_857 masked %lt3A_781 : memref<25x392xf32, #tpu.memory_space<vmem>>[vector<16xi32>, vector<16xi32>], vector<16xf32>, vector<16xi1>
      %add3A_860 = arith.addi %add3A_816, %broadcast_in_dim3A_46 : vector<16xi32>
      %gather3A_861 = tpu.vector_load_idx %arg7[%add3A_860] : memref<32768xf32, #tpu.memory_space<vmem>>[vector<16xi32>], vector<16xf32>,
      %add3A_862 = arith.addi %add3A_819, %broadcast_in_dim3A_46 : vector<16xi32>
      %gather3A_863 = tpu.vector_load_idx %arg7[%add3A_862] : memref<32768xf32, #tpu.memory_space<vmem>>[vector<16xi32>], vector<16xf32>,
      %add3A_864 = arith.addi %add3A_822, %broadcast_in_dim3A_46 : vector<16xi32>
      %gather3A_865 = tpu.vector_load_idx %arg7[%add3A_864] : memref<32768xf32, #tpu.memory_space<vmem>>[vector<16xi32>], vector<16xf32>,
      %add3A_866 = arith.addi %add3A_825, %broadcast_in_dim3A_46 : vector<16xi32>
      %gather3A_867 = tpu.vector_load_idx %arg7[%add3A_866] : memref<32768xf32, #tpu.memory_space<vmem>>[vector<16xi32>], vector<16xf32>,
      %mul3A_868 = arith.mulf %gather3A_861, %mul3A_809 : vector<16xf32>
      %mul3A_869 = arith.mulf %gather3A_863, %mul3A_810 : vector<16xf32>
      %add3A_870 = arith.addf %mul3A_868, %mul3A_869 : vector<16xf32>
      %mul3A_871 = arith.mulf %gather3A_865, %mul3A_811 : vector<16xf32>
      %add3A_872 = arith.addf %add3A_870, %mul3A_871 : vector<16xf32>
      %mul3A_873 = arith.mulf %gather3A_867, %mul3A_812 : vector<16xf32>
      %add3A_874 = arith.addf %add3A_872, %mul3A_873 : vector<16xf32>
      %broadcast_in_dim3A_875 = arith.constant 146 : i32
      %broadcast_in_dim3A_876 = vector.broadcast %broadcast_in_dim3A_875 : i32 to vector<16xi32>
      tpu.vector_store_idx %arg12[%add3A_784, %broadcast_in_dim3A_876], %add3A_874 masked %lt3A_781 : memref<25x392xf32, #tpu.memory_space<vmem>>[vector<16xi32>, vector<16xi32>], vector<16xf32>, vector<16xi1>
      %add3A_877 = arith.addi %add3A_816, %broadcast_in_dim3A_48 : vector<16xi32>
      %gather3A_878 = tpu.vector_load_idx %arg7[%add3A_877] : memref<32768xf32, #tpu.memory_space<vmem>>[vector<16xi32>], vector<16xf32>,
      %add3A_879 = arith.addi %add3A_819, %broadcast_in_dim3A_48 : vector<16xi32>
      %gather3A_880 = tpu.vector_load_idx %arg7[%add3A_879] : memref<32768xf32, #tpu.memory_space<vmem>>[vector<16xi32>], vector<16xf32>,
      %add3A_881 = arith.addi %add3A_822, %broadcast_in_dim3A_48 : vector<16xi32>
      %gather3A_882 = tpu.vector_load_idx %arg7[%add3A_881] : memref<32768xf32, #tpu.memory_space<vmem>>[vector<16xi32>], vector<16xf32>,
      %add3A_883 = arith.addi %add3A_825, %broadcast_in_dim3A_48 : vector<16xi32>
      %gather3A_884 = tpu.vector_load_idx %arg7[%add3A_883] : memref<32768xf32, #tpu.memory_space<vmem>>[vector<16xi32>], vector<16xf32>,
      %mul3A_885 = arith.mulf %gather3A_878, %mul3A_809 : vector<16xf32>
      %mul3A_886 = arith.mulf %gather3A_880, %mul3A_810 : vector<16xf32>
      %add3A_887 = arith.addf %mul3A_885, %mul3A_886 : vector<16xf32>
      %mul3A_888 = arith.mulf %gather3A_882, %mul3A_811 : vector<16xf32>
      %add3A_889 = arith.addf %add3A_887, %mul3A_888 : vector<16xf32>
      %mul3A_890 = arith.mulf %gather3A_884, %mul3A_812 : vector<16xf32>
      %add3A_891 = arith.addf %add3A_889, %mul3A_890 : vector<16xf32>
      %broadcast_in_dim3A_892 = arith.constant 195 : i32
      %broadcast_in_dim3A_893 = vector.broadcast %broadcast_in_dim3A_892 : i32 to vector<16xi32>
      tpu.vector_store_idx %arg12[%add3A_784, %broadcast_in_dim3A_893], %add3A_891 masked %lt3A_781 : memref<25x392xf32, #tpu.memory_space<vmem>>[vector<16xi32>, vector<16xi32>], vector<16xf32>, vector<16xi1>
      %add3A_894 = arith.addi %add3A_816, %broadcast_in_dim3A_50 : vector<16xi32>
      %gather3A_895 = tpu.vector_load_idx %arg7[%add3A_894] : memref<32768xf32, #tpu.memory_space<vmem>>[vector<16xi32>], vector<16xf32>,
      %add3A_896 = arith.addi %add3A_819, %broadcast_in_dim3A_50 : vector<16xi32>
      %gather3A_897 = tpu.vector_load_idx %arg7[%add3A_896] : memref<32768xf32, #tpu.memory_space<vmem>>[vector<16xi32>], vector<16xf32>,
      %add3A_898 = arith.addi %add3A_822, %broadcast_in_dim3A_50 : vector<16xi32>
      %gather3A_899 = tpu.vector_load_idx %arg7[%add3A_898] : memref<32768xf32, #tpu.memory_space<vmem>>[vector<16xi32>], vector<16xf32>,
      %add3A_900 = arith.addi %add3A_825, %broadcast_in_dim3A_50 : vector<16xi32>
      %gather3A_901 = tpu.vector_load_idx %arg7[%add3A_900] : memref<32768xf32, #tpu.memory_space<vmem>>[vector<16xi32>], vector<16xf32>,
      %mul3A_902 = arith.mulf %gather3A_895, %mul3A_809 : vector<16xf32>
      %mul3A_903 = arith.mulf %gather3A_897, %mul3A_810 : vector<16xf32>
      %add3A_904 = arith.addf %mul3A_902, %mul3A_903 : vector<16xf32>
      %mul3A_905 = arith.mulf %gather3A_899, %mul3A_811 : vector<16xf32>
      %add3A_906 = arith.addf %add3A_904, %mul3A_905 : vector<16xf32>
      %mul3A_907 = arith.mulf %gather3A_901, %mul3A_812 : vector<16xf32>
      %add3A_908 = arith.addf %add3A_906, %mul3A_907 : vector<16xf32>
      %broadcast_in_dim3A_909 = arith.constant 244 : i32
      %broadcast_in_dim3A_910 = vector.broadcast %broadcast_in_dim3A_909 : i32 to vector<16xi32>
      tpu.vector_store_idx %arg12[%add3A_784, %broadcast_in_dim3A_910], %add3A_908 masked %lt3A_781 : memref<25x392xf32, #tpu.memory_space<vmem>>[vector<16xi32>, vector<16xi32>], vector<16xf32>, vector<16xi1>
      %add3A_911 = arith.addi %add3A_816, %broadcast_in_dim3A_52 : vector<16xi32>
      %gather3A_912 = tpu.vector_load_idx %arg7[%add3A_911] : memref<32768xf32, #tpu.memory_space<vmem>>[vector<16xi32>], vector<16xf32>,
      %add3A_913 = arith.addi %add3A_819, %broadcast_in_dim3A_52 : vector<16xi32>
      %gather3A_914 = tpu.vector_load_idx %arg7[%add3A_913] : memref<32768xf32, #tpu.memory_space<vmem>>[vector<16xi32>], vector<16xf32>,
      %add3A_915 = arith.addi %add3A_822, %broadcast_in_dim3A_52 : vector<16xi32>
      %gather3A_916 = tpu.vector_load_idx %arg7[%add3A_915] : memref<32768xf32, #tpu.memory_space<vmem>>[vector<16xi32>], vector<16xf32>,
      %add3A_917 = arith.addi %add3A_825, %broadcast_in_dim3A_52 : vector<16xi32>
      %gather3A_918 = tpu.vector_load_idx %arg7[%add3A_917] : memref<32768xf32, #tpu.memory_space<vmem>>[vector<16xi32>], vector<16xf32>,
      %mul3A_919 = arith.mulf %gather3A_912, %mul3A_809 : vector<16xf32>
      %mul3A_920 = arith.mulf %gather3A_914, %mul3A_810 : vector<16xf32>
      %add3A_921 = arith.addf %mul3A_919, %mul3A_920 : vector<16xf32>
      %mul3A_922 = arith.mulf %gather3A_916, %mul3A_811 : vector<16xf32>
      %add3A_923 = arith.addf %add3A_921, %mul3A_922 : vector<16xf32>
      %mul3A_924 = arith.mulf %gather3A_918, %mul3A_812 : vector<16xf32>
      %add3A_925 = arith.addf %add3A_923, %mul3A_924 : vector<16xf32>
      %broadcast_in_dim3A_926 = arith.constant 293 : i32
      %broadcast_in_dim3A_927 = vector.broadcast %broadcast_in_dim3A_926 : i32 to vector<16xi32>
      tpu.vector_store_idx %arg12[%add3A_784, %broadcast_in_dim3A_927], %add3A_925 masked %lt3A_781 : memref<25x392xf32, #tpu.memory_space<vmem>>[vector<16xi32>, vector<16xi32>], vector<16xf32>, vector<16xi1>
      %add3A_928 = arith.addi %add3A_816, %broadcast_in_dim3A_54 : vector<16xi32>
      %gather3A_929 = tpu.vector_load_idx %arg7[%add3A_928] : memref<32768xf32, #tpu.memory_space<vmem>>[vector<16xi32>], vector<16xf32>,
      %add3A_930 = arith.addi %add3A_819, %broadcast_in_dim3A_54 : vector<16xi32>
      %gather3A_931 = tpu.vector_load_idx %arg7[%add3A_930] : memref<32768xf32, #tpu.memory_space<vmem>>[vector<16xi32>], vector<16xf32>,
      %add3A_932 = arith.addi %add3A_822, %broadcast_in_dim3A_54 : vector<16xi32>
      %gather3A_933 = tpu.vector_load_idx %arg7[%add3A_932] : memref<32768xf32, #tpu.memory_space<vmem>>[vector<16xi32>], vector<16xf32>,
      %add3A_934 = arith.addi %add3A_825, %broadcast_in_dim3A_54 : vector<16xi32>
      %gather3A_935 = tpu.vector_load_idx %arg7[%add3A_934] : memref<32768xf32, #tpu.memory_space<vmem>>[vector<16xi32>], vector<16xf32>,
      %mul3A_936 = arith.mulf %gather3A_929, %mul3A_809 : vector<16xf32>
      %mul3A_937 = arith.mulf %gather3A_931, %mul3A_810 : vector<16xf32>
      %add3A_938 = arith.addf %mul3A_936, %mul3A_937 : vector<16xf32>
      %mul3A_939 = arith.mulf %gather3A_933, %mul3A_811 : vector<16xf32>
      %add3A_940 = arith.addf %add3A_938, %mul3A_939 : vector<16xf32>
      %mul3A_941 = arith.mulf %gather3A_935, %mul3A_812 : vector<16xf32>
      %add3A_942 = arith.addf %add3A_940, %mul3A_941 : vector<16xf32>
      %broadcast_in_dim3A_943 = arith.constant 342 : i32
      %broadcast_in_dim3A_944 = vector.broadcast %broadcast_in_dim3A_943 : i32 to vector<16xi32>
      tpu.vector_store_idx %arg12[%add3A_784, %broadcast_in_dim3A_944], %add3A_942 masked %lt3A_781 : memref<25x392xf32, #tpu.memory_space<vmem>>[vector<16xi32>, vector<16xi32>], vector<16xf32>, vector<16xi1>
      %add3A_945 = arith.addi %add3A_816, %broadcast_in_dim3A_56 : vector<16xi32>
      %gather3A_946 = tpu.vector_load_idx %arg7[%add3A_945] : memref<32768xf32, #tpu.memory_space<vmem>>[vector<16xi32>], vector<16xf32>,
      %add3A_947 = arith.addi %add3A_819, %broadcast_in_dim3A_56 : vector<16xi32>
      %gather3A_948 = tpu.vector_load_idx %arg7[%add3A_947] : memref<32768xf32, #tpu.memory_space<vmem>>[vector<16xi32>], vector<16xf32>,
      %add3A_949 = arith.addi %add3A_822, %broadcast_in_dim3A_56 : vector<16xi32>
      %gather3A_950 = tpu.vector_load_idx %arg7[%add3A_949] : memref<32768xf32, #tpu.memory_space<vmem>>[vector<16xi32>], vector<16xf32>,
      %add3A_951 = arith.addi %add3A_825, %broadcast_in_dim3A_56 : vector<16xi32>
      %gather3A_952 = tpu.vector_load_idx %arg7[%add3A_951] : memref<32768xf32, #tpu.memory_space<vmem>>[vector<16xi32>], vector<16xf32>,
      %mul3A_953 = arith.mulf %gather3A_946, %mul3A_809 : vector<16xf32>
      %mul3A_954 = arith.mulf %gather3A_948, %mul3A_810 : vector<16xf32>
      %add3A_955 = arith.addf %mul3A_953, %mul3A_954 : vector<16xf32>
      %mul3A_956 = arith.mulf %gather3A_950, %mul3A_811 : vector<16xf32>
      %add3A_957 = arith.addf %add3A_955, %mul3A_956 : vector<16xf32>
      %mul3A_958 = arith.mulf %gather3A_952, %mul3A_812 : vector<16xf32>
      %add3A_959 = arith.addf %add3A_957, %mul3A_958 : vector<16xf32>
      %broadcast_in_dim3A_960 = arith.constant 391 : i32
      %broadcast_in_dim3A_961 = vector.broadcast %broadcast_in_dim3A_960 : i32 to vector<16xi32>
      tpu.vector_store_idx %arg12[%add3A_784, %broadcast_in_dim3A_961], %add3A_959 masked %lt3A_781 : memref<25x392xf32, #tpu.memory_space<vmem>>[vector<16xi32>, vector<16xi32>], vector<16xf32>, vector<16xi1>
      %mul3A_962 = arith.constant 2500 : i32
      %mul3A_963 = arith.muli %select_n3A, %mul3A_962 : i32
      %mul3A_964 = arith.constant 25 : i32
      %mul3A_965 = arith.muli %add3A_524, %mul3A_964 : i32
      %add3A_966 = arith.addi %mul3A_963, %mul3A_965 : i32
      %mul3A_967 = arith.constant 392 : i32
      %mul3A_968 = arith.muli %select_n3A_30, %mul3A_967 : i32
      %dma_start3A_969 = tpu.memref_slice %arg6[%add3A_966, %mul3A_968] : memref<10000x3136xf32, #tpu.memory_space<hbm>> -> memref<25x392xf32, #tpu.memory_space<hbm>>
      %dma_start3A_970 = tpu.memref_slice %arg6[%add3A_966, %mul3A_968] : memref<10000x3136xf32, #tpu.memory_space<hbm>> -> memref<25x392xf32, #tpu.memory_space<hbm>>
      tpu.enqueue_dma source(%arg12 : memref<25x392xf32, #tpu.memory_space<vmem>>) target(%dma_start3A_970 : memref<25x392xf32, #tpu.memory_space<hbm>>) target_semaphore(%arg14 : memref<!tpu.dma_semaphore, #tpu.memory_space<semaphore_mem>>)
    }
    %scan3A_61 = arith.constant 50 : i32
    %mul3A_62 = arith.constant 2500 : i32
    %mul3A_63 = arith.muli %select_n3A, %mul3A_62 : i32
    %add3A_64 = arith.constant 0 : i32
    %add3A_65 = arith.addi %mul3A_63, %add3A_64 : i32
    %mul3A_66 = arith.constant 392 : i32
    %mul3A_67 = arith.muli %select_n3A_30, %mul3A_66 : i32
    %dma_wait3A = tpu.memref_slice %arg6[%add3A_65, %mul3A_67] : memref<10000x3136xf32, #tpu.memory_space<hbm>> -> memref<25x392xf32, #tpu.memory_space<hbm>>
    %dma_wait3A_68 = tpu.memref_slice %arg6[%add3A_65, %mul3A_67] : memref<10000x3136xf32, #tpu.memory_space<hbm>> -> memref<25x392xf32, #tpu.memory_space<hbm>>
    tpu.wait_dma2 semaphore(%arg13 : memref<!tpu.dma_semaphore, #tpu.memory_space<semaphore_mem>>) src(%arg11 : memref<25x392xf32, #tpu.memory_space<vmem>>) dst(%dma_wait3A_68 : memref<25x392xf32, #tpu.memory_space<hbm>>)
    %mul3A_69 = arith.constant 2500 : i32
    %mul3A_70 = arith.muli %select_n3A, %mul3A_69 : i32
    %add3A_71 = arith.constant 0 : i32
    %add3A_72 = arith.addi %mul3A_70, %add3A_71 : i32
    %mul3A_73 = arith.constant 392 : i32
    %mul3A_74 = arith.muli %select_n3A_30, %mul3A_73 : i32
    %dma_wait3A_75 = tpu.memref_slice %arg6[%add3A_72, %mul3A_74] : memref<10000x3136xf32, #tpu.memory_space<hbm>> -> memref<25x392xf32, #tpu.memory_space<hbm>>
    %dma_wait3A_76 = tpu.memref_slice %arg6[%add3A_72, %mul3A_74] : memref<10000x3136xf32, #tpu.memory_space<hbm>> -> memref<25x392xf32, #tpu.memory_space<hbm>>
    tpu.wait_dma2 semaphore(%arg14 : memref<!tpu.dma_semaphore, #tpu.memory_space<semaphore_mem>>) src(%arg12 : memref<25x392xf32, #tpu.memory_space<vmem>>) dst(%dma_wait3A_76 : memref<25x392xf32, #tpu.memory_space<hbm>>)
    return
  }
}

</mosaic_0001>

<sc_bundles>
// kernel: kernel.3.cloned.1.call-start
scs
__scs_entry_jumppad:
0x0: {  	(pc) =	sbr.rel $0x88, $3  }
0x1: {  	(tag) =	ssettag $0x0;
	lr =	simm.s32 $0x1  }
0x2: {  	[smem:$0x3F9F] =	sst lr;
	_ =	strace $0xD0000000  }
0x3: {  	_ = 	snop  }
0x4: {  	_ = 	snop  }
0x5: {  	_ = 	snop  }
0x6: {  	_ = 	snop  }
0x7: {  	_ = 	snop  }
__scs_overlays_trampoline_lowered:
0x8: {  	[smem:$0x3FAE] =	sst s0  }
0x9: {  	[smem:$0x3FAF] =	sst s1  }
0xa: {  	[smem:$0x3FB0] =	sst s2  }
0xb: {  	[smem:$0x3FB1] =	sst s3  }
0xc: {  	[smem:$0x3FB2] =	sst s4  }
0xd: {  	[smem:$0x3FB3] =	sst s5  }
0xe: {  	[smem:$0x3FB4] =	sst s6  }
0xf: {  	[smem:$0x3FB5] =	sst s7  }
0x10: {  	[smem:$0x3FB6] =	sst s8  }
0x11: {  	[smem:$0x3FB7] =	sst s9;
	s0 =	simm.s32 @!p0 $0x0  }
0x12: {  	s1 =	sld [smem:$0x3F9D];
	s0 =	simm.s32 @p0 $0x1  }
0x13: {  	[smem:$0x3FB8] =	sst s0;
	s0 =	simm.s32 @!p1 $0x0  }
0x14: {  	s2 =	sld [smem:$0x3F9C];
	s0 =	simm.s32 @p1 $0x1  }
0x15: {  	[smem:$0x3FB9] =	sst s0;
	s0 =	simm.s32 @!p2 $0x0  }
0x16: {  	s3 =	sld [smem:$0x3FDB];
	s0 =	simm.s32 @p2 $0x1  }
0x17: {  	s4 =	simm.s32 $0x1BF5;
	[smem:$0x3FBB] =	sst s0  }
0x18: {  	s0 =	sld [smem:$0x3F9E];
	_ =	swait.ge [sflag:s4], $0x0  }
0x19: {  	s7 =	sld [smem:$0x3F9F]  }
0x1a: {  	s8 =	sadd.s32 $0xFFFFE003, lr  }
0x1b: {  	s9 =	sadd.s32 $0xFFFFFEF7, lr;
	s5 =	simm.s32 $0xFFFFFFFF;
	p2 =	slt.u32 s8, $0xFFFFF086  }
0x1c: {  	p1 =	slt.u32 s9, $0xF7A;
	s5 =	simm.s32 @!p2 $0x0  }
0x1d: {  	s5 =	simm.s32 @p1 $0x1;
	p0 =	seq.s32 s7, s2  }
0x1e: {  	s7 =	smul.u32 @!p0 $0xF7A, s2;
	p2 =	seq.s32 @!p0 s5, $0x0  }
0x1f: {  	s9 =	smul.u32 $0xF7A, s1;
	s8 =	simm.s32 @!p0 $0x1BF5;
	p2 =	por !p2, p0  }
0x20: {  	[sflag:s8] =	ssyncset.s32 @!p0 $0xFFFFF086;
	s6 =	sadd.s32 @!p0 s3, s7;
	s7 =	simm.s32 @!p0 $0x108  }
0x21: {  	s3 =	sadd.s32 s3, s9;
	s6 =	sadd.s32 @!p0 $0x88, s6;
	s7 =	simm.s32 @p2 $0x1082  }
0x22: {  	[simem:s7], [sflag:s8] =	dma.local @!p0 [hbm:s6], $0xF7A  }
0x23: {  	s9 =	sor.u32 $0xD0000000, s2;
	s6 =	simm.s32 $0x108;
	_ =	swait.ge @!p0 [sflag:s8], $0x0  }
0x24: {  	s3 =	sadd.s32 $0x88, s3;
	s6 =	simm.s32 @!p1 $0x1082;
	[sflag:s4] =	ssyncset.s32 $0xFFFFF086  }
0x25: {  	[simem:s6], [sflag:s4] =	dma.local [hbm:s3], $0xF7A  }
0x26: {  	[smem:$0x3F9F] =	sst s1;
	(tag) =	ssettag s2;
	_ =	strace s9  }
0x27: {  	s1 =	sld [smem:$0x3FAF]  }
0x28: {  	s2 =	sld [smem:$0x3FB0]  }
0x29: {  	s4 =	sld [smem:$0x3FB2]  }
0x2a: {  	p0 =	seq.s32 s5, $0x0;
	s5 =	sld [smem:$0x3FB3]  }
0x2b: {  	s6 =	sld [smem:$0x3FB4]  }
0x2c: {  	s7 =	sld [smem:$0x3FB5]  }
0x2d: {  	s3 =	simm.s32 $0x108;
	s8 =	sld [smem:$0x3FB6]  }
0x2e: {  	s3 =	simm.s32 @!p0 $0x1082;
	s9 =	sld [smem:$0x3FB7]  }
0x2f: {  	lr =	sadd.s32 s0, s3;
	s0 =	sld [smem:$0x3FAE]  }
0x30: {  	s3 =	sld [smem:$0x3FB1]  }
0x31: {  	[smem:$0x3FBA] =	sst s10  }
0x32: {  	s10 =	sld [smem:$0x3FB8];
	_ =	sdelay $0x3  }
0x33: {  	p0 =	seq.s32 s10, $0x1;
	s10 =	sld [smem:$0x3FBA];
	_ =	sdelay $0x3  }
0x34: {  	[smem:$0x3FBA] =	sst s10  }
0x35: {  	s10 =	sld [smem:$0x3FB9];
	_ =	sdelay $0x3  }
0x36: {  	p1 =	seq.s32 s10, $0x1;
	s10 =	sld [smem:$0x3FBA];
	_ =	sdelay $0x3  }
0x37: {  	[smem:$0x3FBA] =	sst s10  }
0x38: {  	s10 =	sld [smem:$0x3FBB]  }
0x39: {  	_ = 	snop;
	(pc) =	sbr.ind lr, $3  }
0x3a: {  	_ = 	snop  }
0x3b: {  	_ = 	snop  }
0x3c: {  	p2 =	seq.s32 s10, $0x1;
	s10 =	sld [smem:$0x3FBA]  }
0x3d: {  	_ =	shalt  }
0x3e: {  	_ =	shalt  }
0x3f: {  	_ =	shalt  }
0x40: {  	_ =	shalt  }
0x41: {  	_ =	shalt  }
0x42: {  	_ =	shalt  }
0x43: {  	_ =	shalt  }
0x44: {  	_ =	shalt  }
0x45: {  	_ =	shalt  }
0x46: {  	_ =	shalt  }
0x47: {  	_ =	shalt  }
0x48: {  	_ =	shalt  }
0x49: {  	_ =	shalt  }
0x4a: {  	_ =	shalt  }
0x4b: {  	_ =	shalt  }
0x4c: {  	_ =	shalt  }
0x4d: {  	_ =	shalt  }
0x4e: {  	_ =	shalt  }
0x4f: {  	_ =	shalt  }
0x50: {  	_ =	shalt  }
0x51: {  	_ =	shalt  }
0x52: {  	_ =	shalt  }
0x53: {  	_ =	shalt  }
0x54: {  	_ =	shalt  }
0x55: {  	_ =	shalt  }
0x56: {  	_ =	shalt  }
0x57: {  	_ =	shalt  }
0x58: {  	_ =	shalt  }
0x59: {  	_ =	shalt  }
0x5a: {  	_ =	shalt  }
0x5b: {  	_ =	shalt  }
0x5c: {  	_ =	shalt  }
0x5d: {  	_ =	shalt  }
0x5e: {  	_ =	shalt  }
0x5f: {  	_ =	shalt  }
0x60: {  	_ =	shalt  }
0x61: {  	_ =	shalt  }
0x62: {  	_ =	shalt  }
0x63: {  	_ =	shalt  }
0x64: {  	_ =	shalt  }
0x65: {  	_ =	shalt  }
0x66: {  	_ =	shalt  }
0x67: {  	_ =	shalt  }
0x68: {  	_ =	shalt  }
0x69: {  	_ =	shalt  }
0x6a: {  	_ =	shalt  }
0x6b: {  	_ =	shalt  }
0x6c: {  	_ =	shalt  }
0x6d: {  	_ =	shalt  }
0x6e: {  	_ =	shalt  }
0x6f: {  	_ =	shalt  }
0x70: {  	_ =	shalt  }
0x71: {  	_ =	shalt  }
0x72: {  	_ =	shalt  }
0x73: {  	_ =	shalt  }
0x74: {  	_ =	shalt  }
0x75: {  	_ =	shalt  }
0x76: {  	_ =	shalt  }
0x77: {  	_ =	shalt  }
0x78: {  	_ =	shalt  }
0x79: {  	_ =	shalt  }
0x7a: {  	_ =	shalt  }
0x7b: {  	_ =	shalt  }
0x7c: {  	_ =	shalt  }
0x7d: {  	_ =	shalt  }
0x7e: {  	_ =	shalt  }
0x7f: {  	_ =	shalt  }
0x80: {  	_ =	shalt  }
0x81: {  	_ =	shalt  }
0x82: {  	_ =	shalt  }
0x83: {  	_ =	shalt  }
0x84: {  	_ =	shalt  }
0x85: {  	_ =	shalt  }
0x86: {  	_ =	shalt  }
0x87: {  	_ =	shalt  }
.Lfunc_end0:
.L_simem_size_0:
called_computation.2_lowered:
.L_overlay_start_0:
0x88: {  	s2 =	sld [smem:$0x3FD9]  }
0x89: {  	s3 =	sld [smem:$0x3FFE];
	_ =	sdelay $0x1  }
0x8a: {  	s1 =	srdreg.scid  }
0x8b: {  	s0 =	sand.u32 $0x1, s1  }
0x8c: {  	s17 =	sshll.u32 s0, $0xA;
	s2 =	sadd.s32 s3, s2  }
0x8d: {  	s2 =	sadd.s32 s2, s17  }
0x8e: {  	[smem:$0x3FC6] =	sst s2  }
0x8f: {  	_ = 	snop  }
0x90: {  	s2 =	sld [smem:$0x3FD0];
	(tm) =	ssettm $0x1  }
0x91: {  	s18 =	sld [smem:$0x3FFB];
	_ =	sdelay $0x3  }
0x92: {  	_ =	strace s18  }
0x93: {  	s3 =	sld [smem:$0x3FFC];
	_ =	sdelay $0x3  }
0x94: {  	_ =	strace s3  }
0x95: {  	s3 =	sld [smem:$0x3FFD];
	_ =	sdelay $0x3  }
0x96: {  	_ =	strace s3  }
0x97: {  	_ =	strace $0x8FFFFFFF  }
0x98: {  	s19 =	sld [smem:$0x3FDB];
	_ =	sdelay $0x1  }
0x99: {  	s4 =	simm.s32 $_scs_section_size  }
0x9a: {  	s5 =	simm.s32 $_size__tile_overlayer_lowered;
	s6 =	simm.s32 $_tile_overlayer_lowered  }
0x9b: {  	s22 =	simm.s32 $0x1BFF;
	s21 =	sshll.u32 s6, $0x1;
	s3 =	sadd.s32 s4, s19  }
0x9c: {  	s7 =	simm.s32 $0x0;
	s20 =	sshll.u32 s5, $0x1;
	s5 =	sadd.s32 s21, s3  }
0x9d: {  	[timem:s7], [sflag:s22] =	dma.local [hbm:s5], s20  }
0x9e: {  	_ =	swait.ge [sflag:s22], s20  }
0x9f: {  	s4 =	ssub.s32 $0x0, s20;
	[sflag:s22] =	ssyncset.done $0x0  }
0xa0: {  	[sflag:s22] =	ssyncadd.s32 s4;
	_ =	sdelay $0x1  }
0xa1: {  	s23 =	simm.s32 $0x1B8B  }
0xa2: {  	_ =	swait.ge [sflag:s23], $0x1  }
0xa3: {  	[sflag:s23] =	ssyncset.done $0x0  }
0xa4: {  	s25 =	simm.s32 $0x1B8E;
	s24 =	sld [smem:$0x3FFE];
	[sflag:s23] =	ssyncadd.s32 $0xFFFFFFFF  }
0xa5: {  	s26 =	simm.s32 $execute0_lowered;
	[smem:$0x3FD2] =	sst s25  }
0xa6: {  	s5 =	sshll.u32 s26, $0x1;
	_ =	strace $0x80000046;
	[dreg:$0x1] =	wrdreg $0xFFFFFFFF  }
0xa7: {  	s28 =	simm.s32 $_size_execute0_lowered;
	s3 =	sadd.s32 s3, s5;
	[dreg:$0x0] =	wrdreg $0x0  }
0xa8: {  	s5 =	sshll.u32 s28, $0x1;
	[dreg:$0x2] =	wrdreg s3  }
0xa9: {  	[dreg:$0x3] =	wrdreg s5  }
0xaa: {  	[dreg:$0x4] =	wrdreg $0xC0  }
0xab: {  	_ =	task [dreg:s7], $0x5FFFF  }
0xac: {  	[dreg:$0x1] =	wrdreg $0xFFFFFFFF  }
0xad: {  	[dreg:$0x0] =	wrdreg $0x60  }
0xae: {  	[dreg:$0x2] =	wrdreg s24  }
0xaf: {  	[dreg:$0x3] =	wrdreg s2  }
0xb0: {  	[dreg:$0x4] =	wrdreg $0x9  }
0xb1: {  	_ =	task.clear_ibuf [dreg:s7], $0x5FFFF;
	_ =	strace $0x90000046  }
0xb2: {  	s29 =	simm.s32 $0x9;
	_ =	strace $0x80000048  }
0xb3: {  	_ =	swait.ge [sflag:s29], $0x1  }
0xb4: {  	[sflag:s29] =	ssyncadd.s32 $0xFFFFFFFF  }
0xb5: {  	_ =	strace $0x90000048  }
0xb6: {  	_ =	sfence  }
0xb7: {  	s30 =	sld [smem:$0x0];
	_ =	sdelay $0x2  }
0xb8: {  	s31 =	sshll.u32 s1, $0xD;
	s1 =	sshrl.u32 s1, $0x2  }
0xb9: {  	s3 =	sand.u32 $0x4000, s31;
	s1 =	sadd.s32 s1, s30  }
0xba: {  	s0 =	sor.u32 s3, s0;
	s1 =	sshll.u32 s1, $0x11  }
0xbb: {  	s0 =	sor.u32 s1, s0  }
0xbc: {  	s0 =	sadd.s32 $0x8F2B, s0  }
0xbd: {  	[sflag:s0] =	ssyncadd.remote.s32 $0x1  }
0xbe: {  	_ =	sfence.sel $0xFFFF  }
0xbf: {  	[dreg:$0x0] =	wrdreg $0xFFFFFFFF;
	(pc) =	sbr.abs _section_cstart, $3  }
0xc0: {  	[dreg:$0x1] =	wrdreg $0xFFFFFFFF  }
0xc1: {  	_ =	task.clear_ibuf [dreg:s7], $0x2FFFF;
	_ =	strace $0x9FFFFFFF  }
0xc2: {  	(tm) =	ssettm $0x7FFFFFFF  }
0xc3: {  	_ =	shalt  }
tec
execute0_lowered:
.L_overlay_start_1:
0x0: {  	(tag) =	ssettag $0x1  }
0x1: {  	s5 =	rddreg [dreg:$0x0]  }
0x2: {  	s2 =	rddreg [dreg:$0x1];
	s3 =	simm.s32 $0x0;
	v0 =	vlaneseq.u32  }
0x3: {  	s0 =	stileid.u32;
	s28 =	srdreg.scid;
	s13 =	simm.s32 $0xA780;
	v1 =	vadd.s32 $0x31, v0;
	v2 =	vadd.s32 $0x62, v0  }
0x4: {  	s14 =	simm.s32 $0xA7C0;
	s15 =	simm.s32 $0xA800;
	s16 =	simm.s32 $0x188;
	v3 =	vadd.s32 $0x93, v0;
	v4 =	vadd.s32 $0xC4, v0;
	v5 =	vadd.s32 $0xF5, v0  }
0x5: {  	s17 =	simm.s32 $0xC40;
	s18 =	simm.s32 $0xCE48;
	s19 =	simm.s32 $0x1;
	v6 =	vadd.s32 $0x126, v0;
	v7 =	vadd.s32 $0x157, v0;
	v8 =	vor.u32 $0x10, v0  }
0x6: {  	s20 =	simm.s32 $0x2;
	s21 =	simm.s32 $0x0;
	[smem:$0x7FF] =	sst s3;
	v9 =	vadd.s32 $0x41, v0;
	v10 =	vadd.s32 $0x72, v0;
	v11 =	vadd.s32 $0xA3, v0  }
0x7: {  	s6 =	sshrl.u32 s0, $0x2;
	s9 =	sshll.u32 s0, $0x1;
	s29 =	sand.u32 $0x1, s28;
	v12 =	vadd.s32 $0xD4, v0;
	v13 =	vadd.s32 $0x105, v0;
	v14 =	vadd.s32 $0x136, v0  }
0x8: {  	v15 =	vadd.s32 $0x167, v0;
	v16 =	vor.u32 $0x20, v0;
	_ =	strace $0x80000047;
	s4 =	sshll.u32 s6, $0xF;
	s7 =	smul.u32 $0x4F0, s6  }
0x9: {  	v17 =	vadd.s32 $0x51, v0;
	v18 =	vadd.s32 $0x82, v0;
	v19 =	vadd.s32 $0xB3, v0;
	s9 =	sand.u32 $0x6, s9;
	s11 =	ssub.s32 $0x2, s29;
	s6 =	smul.u32 $0x9C4, s6  }
0xa: {  	v20 =	vadd.s32 $0xE4, v0;
	v21 =	vadd.s32 $0x115, v0;
	v22 =	vmul.u32 $0x188, v0;
	s8 =	sadd.s32 s4, s5;
	s4 =	sadd.s32 $0xE00, s5;
	s9 =	sor.u32 s29, s9  }
0xb: {  	v23 =	vadd.s32 $0x146, v0;
	v24 =	vadd.s32 $0x177, v0;
	v25 =	vmul.u32 $0x4, v0;
	s30 =	sshrl.u32 s11, $0x1;
	s10 =	sadd.s32 s7, s5;
	s5 =	sadd.s32 $0xC00, s5  }
0xc: {  	v26 =	vadd.s32 $0x30, v22;
	v27 =	vadd.s32 $0x61, v22;
	v28 =	vadd.s32 $0x92, v22;
	s12 =	sshll.u32 s9, $0xC;
	s11 =	ssub.s32 s11, s30;
	s9 =	smul.u32 $0x188, s9  }
0xd: {  	v29 =	vadd.s32 $0xC3, v22;
	v30 =	vadd.s32 $0xF4, v22;
	v31 =	vadd.s32 $0x125, v22;
	s31 =	sadd.s32 s12, s8;
	s8 =	sadd.s32 $0x21000, s10;
	s10 =	smax.u32 s11, $0x1  }
0xe: {  	v32 =	vadd.s32 $0x156, v22;
	v33 =	vadd.s32 $0x187, v22;
	v34 =	vadd.s32 $0x18B0, v22;
	s11 =	simm.s32 $0x3;
	s12 =	simm.s32 $0x8000;
	s7 =	sadd.s32 $0x1000, s31  }
.LBB2_1:
0xf: {  	[tilespmem:s3], [sflag:$0x3] =	stream.linear.gather [hbm4b:s7+s3], $0x8000, $0x38;
	[tilespmem:$0xF490] =	vst v63  }
0x10: {  	_ =	swait.ge [sflag:s11], $0x8000  }
0x11: {  	[sflag:s11] =	ssyncset.done $0x0  }
0x12: {  	[sflag:s11] =	ssyncadd.s32 $0xFFFF8000  }
0x13: {  	[tilespmem:s12], [sflag:$0x3] =	stream.linear.gather [hbm4b:s8+s3], $0x2780, $0x38;
	[tilespmem:$0xF490] =	vst v63  }
0x14: {  	_ =	swait.ge [sflag:s11], $0x2780  }
0x15: {  	[sflag:s11] =	ssyncset.done $0x0  }
0x16: {  	[sflag:s11] =	ssyncadd.s32 $0xFFFFD880  }
0x17: {  	[tilespmem:s13], [sflag:$0x3] =	stream.linear.gather [hbm4b:s4+s3], $0x40, $0x38;
	[tilespmem:$0xF490] =	vst v63  }
0x18: {  	_ =	swait.ge [sflag:s11], $0x40  }
0x19: {  	[sflag:s11] =	ssyncset.done $0x0  }
0x1a: {  	[sflag:s11] =	ssyncadd.s32 $0xFFFFFFC0  }
0x1b: {  	[tilespmem:s14], [sflag:$0x3] =	stream.linear.gather [hbm4b:s5+s3], $0x40, $0x38;
	[tilespmem:$0xF490] =	vst v63  }
0x1c: {  	_ =	swait.ge [sflag:s11], $0x40  }
0x1d: {  	s22 =	simm.s32 $0x64;
	[sflag:s11] =	ssyncset.done $0x0  }
0x1e: {  	s23 =	simm.s32 $0x0;
	s24 =	simm.s32 $0x0;
	[sflag:s11] =	ssyncadd.s32 $0xFFFFFFC0  }
.LBB2_2:
0x1f: {  	p0 =	seq.s32 s24, $0x0  }
0x20: {  	s25 =	simm.s32 @!p0 $0x1  }
0x21: {  	_ =	swait.ge @!p0 [sflag:s25], $0x2648  }
0x22: {  	s26 =	simm.s32 $0x0;
	[sflag:s25] =	ssyncset.done @!p0 $0x0  }
0x23: {  	s28 =	smov.u32 s23;
	[sflag:s25] =	ssyncadd.s32 @!p0 $0xFFFFD9B8;
	s25 =	smul.u32 $0x32, s24  }
.LBB2_3:
0x24: {  	v35 =	vadd.s32 s28, v0;
	_ =	sdelay $0x4  }
0x25: {  	v35 =	vld.idx.msk [tilespmem:v35+s12+$0x0], $0xffff;
	_ =	sdelay $0x4  }
0x26: {  	(v2sf) =	vpush v35, $0x0  }
0x27: {  	(v2sf) =	vpush v35, $0x1  }
0x28: {  	(v2sf) =	vpush v35, $0x2  }
0x29: {  	(v2sf) =	vpush v35, $0x3;
	_ =	sdelay $0xb  }
0x2a: {  	s29 =	spop (v2sf)  }
0x2b: {  	s30 =	spop (v2sf)  }
0x2c: {  	v37 =	vld [tilespmem:$0xA780];
	s31 =	spop (v2sf)  }
0x2d: {  	v38 =	vld [tilespmem:$0xA7C0];
	s0 =	spop (v2sf)  }
0x2e: {  	s0 =	ssub.f32 s0, s30  }
0x2f: {  	s29 =	ssub.f32 s31, s29  }
0x30: {  	s30 =	smax.f32 s0, $1.000000000e+00  }
0x31: {  	v36 =	vbroadcast v35, $0x1;
	s29 =	smax.f32 s29, $1.000000000e+00;
	v39 =	vmul.f32 s30, v37  }
0x32: {  	v53 =	vmul.f32 s29, v38;
	v37 =	vbroadcast v35, $0x0  }
0x33: {  	v40 =	vadd.f32 v39, v36  }
0x34: {  	v35 =	vadd.f32 v53, v37  }
0x35: {  	v54 =	vtrunc.f32 v40  }
0x36: {  	v55 =	vtrunc.f32 v35;
	v38 =	vcvt.f32.s32 v54  }
0x37: {  	v39 =	vcvt.f32.s32 v55  }
0x38: {  	vm0 =	vgt.s32 v38, $0x0  }
0x39: {  	vm11 =	vgt.s32 v39, $0x0;
	v38 =	vnsel vm0, $0x0, v38  }
0x3a: {  	v39 =	vnsel vm11, $0x0, v39;
	v41 =	vmin.u32 v38, $0x3E  }
0x3b: {  	v42 =	vmin.u32 v39, $0x3E;
	v38 =	vshll.u32 v41, $0x6  }
0x3c: {  	v38 =	vor.u32 v42, v38  }
0x3d: {  	v43 =	vadd.s32 $0x1, v38;
	v56 =	vadd.s32 $0x40, v38  }
0x3e: {  	v39 =	vand.u32 $0x7, v42;
	v44 =	vand.u32 $0x1FF8, v56  }
0x3f: {  	v41 =	vcvt.s32.f32 v41;
	v42 =	vcvt.s32.f32 v42;
	v44 =	vor.u32 v39, v44;
	_ =	sdelay $0x1  }
0x40: {  	v46 =	vsub.f32 v40, v41;
	v57 =	vadd.s32 $0x41, v38;
	v45 =	vsub.f32 v35, v42;
	v47 =	vld.idx.msk [tilespmem:v38+s3+$0x0], $0xffff  }
0x41: {  	v43 =	vld.idx.msk [tilespmem:v43+s3+$0x0], $0xffff  }
0x42: {  	v59 =	vsub.f32 $1.000000000e+00, v46;
	v58 =	vsub.f32 $1.000000000e+00, v45  }
0x43: {  	v44 =	vld.idx.msk [tilespmem:v44+s3+$0x0], $0xffff  }
0x44: {  	v48 =	vmov s26;
	v42 =	vmul.f32 v59, v45;
	v41 =	vmul.f32 v58, v59  }
0x45: {  	v60 =	vmul.u32 $0x188, v48;
	v40 =	vmul.f32 v58, v46;
	v49 =	vld.idx.msk [tilespmem:v57+s3+$0x0], $0xffff  }
0x46: {  	v47 =	vmul.f32 v41, v47;
	v61 =	vmul.f32 v42, v43  }
0x47: {  	v35 =	vbroadcast v60, $0x0  }
0x48: {  	v43 =	vmul.f32 v45, v46;
	v62 =	vadd.f32 v61, v47;
	v44 =	vmul.f32 v40, v44  }
0x49: {  	v63 =	vadd.s32 v0, v35  }
0x4a: {  	v53 =	vor.u32 $0x1000, v38;
	v52 =	vmul.f32 v43, v49;
	v44 =	vadd.f32 v62, v44  }
0x4b: {  	v54 =	vadd.s32 $0x1001, v38;
	v55 =	vadd.s32 $0x1040, v38  }
0x4c: {  	v56 =	vand.u32 $0x3FF8, v55;
	v44 =	vadd.f32 v44, v52  }
0x4d: {  	v45 =	vor.u32 v39, v56  }
0x4e: {  	[tilespmem:v63+s15+$0x0] =	vst.idx.msk $0xffff, v44  }
0x4f: {  	v57 =	vadd.s32 $0x1041, v38;
	v44 =	vld.idx.msk [tilespmem:v53+s3+$0x0], $0xffff  }
0x50: {  	v58 =	vld.idx.msk [tilespmem:v54+s3+$0x0], $0xffff;
	_ =	sdelay $0x1  }
0x51: {  	v45 =	vld.idx.msk [tilespmem:v45+s3+$0x0], $0xffff;
	_ =	sdelay $0x1  }
0x52: {  	v46 =	vld.idx.msk [tilespmem:v57+s3+$0x0], $0xffff  }
0x53: {  	v44 =	vmul.f32 v41, v44;
	v47 =	vmul.f32 v42, v58;
	_ =	sdelay $0x1  }
0x54: {  	v45 =	vmul.f32 v40, v45;
	v44 =	vadd.f32 v47, v44  }
0x55: {  	v59 =	vadd.s32 v1, v35  }
0x56: {  	v61 =	vor.u32 $0x2000, v38;
	v60 =	vmul.f32 v43, v46;
	v44 =	vadd.f32 v44, v45  }
0x57: {  	v62 =	vadd.s32 $0x2001, v38;
	v63 =	vadd.s32 $0x2040, v38  }
0x58: {  	v51 =	vand.u32 $0x3FF8, v63;
	v44 =	vadd.f32 v44, v60  }
0x59: {  	v45 =	vor.u32 v39, v51  }
0x5a: {  	[tilespmem:v59+s15+$0x0] =	vst.idx.msk $0xffff, v44  }
0x5b: {  	v52 =	vadd.s32 $0x2041, v38;
	v44 =	vld.idx.msk [tilespmem:v61+s3+$0x0], $0xffff  }
0x5c: {  	v47 =	vld.idx.msk [tilespmem:v62+s3+$0x0], $0xffff;
	_ =	sdelay $0x1  }
0x5d: {  	v45 =	vld.idx.msk [tilespmem:v45+s3+$0x0], $0xffff;
	_ =	sdelay $0x1  }
0x5e: {  	v46 =	vld.idx.msk [tilespmem:v52+s3+$0x0], $0xffff  }
0x5f: {  	v44 =	vmul.f32 v41, v44;
	v47 =	vmul.f32 v42, v47;
	_ =	sdelay $0x1  }
0x60: {  	v45 =	vmul.f32 v45, v40;
	v44 =	vadd.f32 v47, v44  }
0x61: {  	v53 =	vadd.s32 v2, v35  }
0x62: {  	v55 =	vor.u32 $0x3000, v38;
	v54 =	vmul.f32 v46, v43;
	v44 =	vadd.f32 v45, v44  }
0x63: {  	v56 =	vadd.s32 $0x3001, v38;
	v57 =	vadd.s32 $0x3040, v38  }
0x64: {  	v58 =	vand.u32 $0x7FF8, v57;
	v44 =	vadd.f32 v54, v44  }
0x65: {  	v45 =	vor.u32 v39, v58  }
0x66: {  	[tilespmem:v53+s15+$0x0] =	vst.idx.msk $0xffff, v44  }
0x67: {  	v59 =	vadd.s32 $0x3041, v38;
	v44 =	vld.idx.msk [tilespmem:v55+s3+$0x0], $0xffff  }
0x68: {  	v47 =	vld.idx.msk [tilespmem:v56+s3+$0x0], $0xffff;
	_ =	sdelay $0x1  }
0x69: {  	v45 =	vld.idx.msk [tilespmem:v45+s3+$0x0], $0xffff;
	_ =	sdelay $0x1  }
0x6a: {  	v46 =	vld.idx.msk [tilespmem:v59+s3+$0x0], $0xffff  }
0x6b: {  	v44 =	vmul.f32 v44, v41;
	v47 =	vmul.f32 v47, v42;
	_ =	sdelay $0x1  }
0x6c: {  	v45 =	vmul.f32 v45, v40;
	v44 =	vadd.f32 v47, v44  }
0x6d: {  	v60 =	vadd.s32 v3, v35  }
0x6e: {  	v62 =	vor.u32 $0x4000, v38;
	v61 =	vmul.f32 v46, v43;
	v44 =	vadd.f32 v45, v44  }
0x6f: {  	v63 =	vadd.s32 $0x4001, v38;
	v52 =	vadd.s32 $0x4040, v38  }
0x70: {  	v53 =	vand.u32 $0x5FF8, v52;
	v44 =	vadd.f32 v61, v44  }
0x71: {  	v45 =	vor.u32 v39, v53  }
0x72: {  	[tilespmem:v60+s15+$0x0] =	vst.idx.msk $0xffff, v44  }
0x73: {  	v54 =	vadd.s32 $0x4041, v38;
	v44 =	vld.idx.msk [tilespmem:v62+s3+$0x0], $0xffff  }
0x74: {  	v47 =	vld.idx.msk [tilespmem:v63+s3+$0x0], $0xffff;
	_ =	sdelay $0x1  }
0x75: {  	v45 =	vld.idx.msk [tilespmem:v45+s3+$0x0], $0xffff;
	_ =	sdelay $0x1  }
0x76: {  	v46 =	vld.idx.msk [tilespmem:v54+s3+$0x0], $0xffff  }
0x77: {  	v44 =	vmul.f32 v44, v41;
	v47 =	vmul.f32 v47, v42;
	_ =	sdelay $0x1  }
0x78: {  	v45 =	vmul.f32 v45, v40;
	v44 =	vadd.f32 v47, v44  }
0x79: {  	v55 =	vadd.s32 v4, v35  }
0x7a: {  	v57 =	vor.u32 $0x5000, v38;
	v56 =	vmul.f32 v46, v43;
	v44 =	vadd.f32 v45, v44  }
0x7b: {  	v58 =	vadd.s32 $0x5001, v38;
	v59 =	vadd.s32 $0x5040, v38  }
0x7c: {  	v60 =	vand.u32 $0x7FF8, v59;
	v44 =	vadd.f32 v56, v44  }
0x7d: {  	v45 =	vor.u32 v39, v60  }
0x7e: {  	[tilespmem:v55+s15+$0x0] =	vst.idx.msk $0xffff, v44  }
0x7f: {  	v61 =	vadd.s32 $0x5041, v38;
	v44 =	vld.idx.msk [tilespmem:v57+s3+$0x0], $0xffff  }
0x80: {  	v47 =	vld.idx.msk [tilespmem:v58+s3+$0x0], $0xffff;
	_ =	sdelay $0x1  }
0x81: {  	v45 =	vld.idx.msk [tilespmem:v45+s3+$0x0], $0xffff;
	_ =	sdelay $0x1  }
0x82: {  	v46 =	vld.idx.msk [tilespmem:v61+s3+$0x0], $0xffff  }
0x83: {  	v44 =	vmul.f32 v44, v41;
	v47 =	vmul.f32 v47, v42;
	_ =	sdelay $0x1  }
0x84: {  	v45 =	vmul.f32 v45, v40;
	v44 =	vadd.f32 v47, v44  }
0x85: {  	v62 =	vadd.s32 v5, v35  }
0x86: {  	v52 =	vor.u32 $0x6000, v38;
	v63 =	vmul.f32 v46, v43;
	v44 =	vadd.f32 v45, v44  }
0x87: {  	v53 =	vadd.s32 $0x6001, v38;
	v54 =	vadd.s32 $0x6040, v38  }
0x88: {  	v55 =	vand.u32 $0x7FF8, v54;
	v44 =	vadd.f32 v63, v44  }
0x89: {  	v45 =	vor.u32 v39, v55  }
0x8a: {  	[tilespmem:v62+s15+$0x0] =	vst.idx.msk $0xffff, v44  }
0x8b: {  	v56 =	vadd.s32 $0x6041, v38;
	v44 =	vld.idx.msk [tilespmem:v52+s3+$0x0], $0xffff  }
0x8c: {  	v47 =	vld.idx.msk [tilespmem:v53+s3+$0x0], $0xffff;
	_ =	sdelay $0x1  }
0x8d: {  	v45 =	vld.idx.msk [tilespmem:v45+s3+$0x0], $0xffff;
	_ =	sdelay $0x1  }
0x8e: {  	v46 =	vld.idx.msk [tilespmem:v56+s3+$0x0], $0xffff  }
0x8f: {  	v44 =	vmul.f32 v44, v41;
	v47 =	vmul.f32 v47, v42;
	_ =	sdelay $0x1  }
0x90: {  	v45 =	vmul.f32 v45, v40;
	v44 =	vadd.f32 v47, v44  }
0x91: {  	v57 =	vadd.s32 v6, v35  }
0x92: {  	v59 =	vor.u32 $0x7000, v38;
	v58 =	vmul.f32 v46, v43;
	v44 =	vadd.f32 v45, v44  }
0x93: {  	v60 =	vadd.s32 $0x7001, v38;
	v61 =	vadd.s32 $0x7040, v38  }
0x94: {  	v62 =	vand.u32 $0xFFF8, v61;
	v44 =	vadd.f32 v58, v44  }
0x95: {  	v39 =	vor.u32 v39, v62  }
0x96: {  	[tilespmem:v57+s15+$0x0] =	vst.idx.msk $0xffff, v44  }
0x97: {  	v38 =	vadd.s32 $0x7041, v38;
	v44 =	vld.idx.msk [tilespmem:v59+s3+$0x0], $0xffff  }
0x98: {  	v63 =	vld.idx.msk [tilespmem:v60+s3+$0x0], $0xffff;
	_ =	sdelay $0x1  }
0x99: {  	v39 =	vld.idx.msk [tilespmem:v39+s3+$0x0], $0xffff;
	_ =	sdelay $0x1  }
0x9a: {  	v38 =	vld.idx.msk [tilespmem:v38+s3+$0x0], $0xffff  }
0x9b: {  	v41 =	vmul.f32 v44, v41;
	v42 =	vmul.f32 v63, v42;
	_ =	sdelay $0x1  }
0x9c: {  	v39 =	vmul.f32 v39, v40;
	v41 =	vadd.f32 v42, v41  }
0x9d: {  	v46 =	vadd.s32 v7, v35  }
0x9e: {  	v38 =	vmul.f32 v38, v43;
	v39 =	vadd.f32 v39, v41;
	_ =	sdelay $0x1  }
0x9f: {  	v38 =	vadd.f32 v38, v39;
	_ =	sdelay $0x1  }
0xa0: {  	[tilespmem:v46+s15+$0x0] =	vst.idx.msk $0xffff, v38  }
0xa1: {  	v38 =	vld [tilespmem:$0xA790]  }
0xa2: {  	v47 =	vld [tilespmem:$0xA7D0];
	_ =	sdelay $0x3  }
0xa3: {  	v38 =	vmul.f32 s30, v38  }
0xa4: {  	v39 =	vmul.f32 s29, v47  }
0xa5: {  	v48 =	vadd.f32 v38, v36  }
0xa6: {  	v49 =	vadd.f32 v39, v37  }
0xa7: {  	v38 =	vtrunc.f32 v48  }
0xa8: {  	v39 =	vtrunc.f32 v49;
	v38 =	vcvt.f32.s32 v38  }
0xa9: {  	v39 =	vcvt.f32.s32 v39  }
0xaa: {  	vm12 =	vgt.s32 v38, $0x0  }
0xab: {  	vm13 =	vgt.s32 v39, $0x0;
	v38 =	vnsel vm12, $0x0, v38  }
0xac: {  	v39 =	vnsel vm13, $0x0, v39;
	v50 =	vmin.u32 v38, $0x3E  }
0xad: {  	v51 =	vmin.u32 v39, $0x3E;
	v38 =	vshll.u32 v50, $0x6  }
0xae: {  	v38 =	vor.u32 v51, v38  }
0xaf: {  	v52 =	vadd.s32 $0x1, v38;
	v53 =	vadd.s32 $0x40, v38  }
0xb0: {  	v39 =	vand.u32 $0x7, v51;
	v54 =	vand.u32 $0x1FF8, v53  }
0xb1: {  	v43 =	vcvt.s32.f32 v51;
	v42 =	vcvt.s32.f32 v50;
	v45 =	vor.u32 v39, v54;
	_ =	sdelay $0x1  }
0xb2: {  	v43 =	vsub.f32 v49, v43;
	v55 =	vsub.f32 v48, v42;
	v56 =	vadd.s32 $0x41, v38;
	v57 =	vld.idx.msk [tilespmem:v38+s3+$0x0], $0xffff  }
0xb3: {  	v44 =	vld.idx.msk [tilespmem:v52+s3+$0x0], $0xffff  }
0xb4: {  	v58 =	vsub.f32 $1.000000000e+00, v43;
	v42 =	vsub.f32 $1.000000000e+00, v55  }
0xb5: {  	v45 =	vld.idx.msk [tilespmem:v45+s3+$0x0], $0xffff  }
0xb6: {  	v41 =	vmul.f32 v42, v58;
	v42 =	vmul.f32 v42, v43  }
0xb7: {  	v40 =	vmul.f32 v58, v55;
	v47 =	vld.idx.msk [tilespmem:v56+s3+$0x0], $0xffff  }
0xb8: {  	v48 =	vmul.f32 v41, v57;
	v44 =	vmul.f32 v42, v44;
	_ =	sdelay $0x1  }
0xb9: {  	v43 =	vmul.f32 v55, v43;
	v44 =	vadd.f32 v44, v48;
	v45 =	vmul.f32 v40, v45  }
0xba: {  	v59 =	vadd.s32 v8, v35  }
0xbb: {  	v61 =	vor.u32 $0x1000, v38;
	v60 =	vmul.f32 v43, v47;
	v44 =	vadd.f32 v44, v45  }
0xbc: {  	v62 =	vadd.s32 $0x1001, v38;
	v63 =	vadd.s32 $0x1040, v38  }
0xbd: {  	v49 =	vand.u32 $0x3FF8, v63;
	v44 =	vadd.f32 v44, v60  }
0xbe: {  	v45 =	vor.u32 v39, v49  }
0xbf: {  	[tilespmem:v59+s15+$0x0] =	vst.idx.msk $0xffff, v44  }
0xc0: {  	v50 =	vadd.s32 $0x1041, v38;
	v44 =	vld.idx.msk [tilespmem:v61+s3+$0x0], $0xffff  }
0xc1: {  	v51 =	vld.idx.msk [tilespmem:v62+s3+$0x0], $0xffff;
	_ =	sdelay $0x1  }
0xc2: {  	v45 =	vld.idx.msk [tilespmem:v45+s3+$0x0], $0xffff;
	_ =	sdelay $0x1  }
0xc3: {  	v46 =	vld.idx.msk [tilespmem:v50+s3+$0x0], $0xffff  }
0xc4: {  	v44 =	vmul.f32 v41, v44;
	v47 =	vmul.f32 v42, v51;
	_ =	sdelay $0x1  }
0xc5: {  	v45 =	vmul.f32 v40, v45;
	v44 =	vadd.f32 v47, v44  }
0xc6: {  	v52 =	vadd.s32 v9, v35  }
0xc7: {  	v54 =	vor.u32 $0x2000, v38;
	v53 =	vmul.f32 v46, v43;
	v44 =	vadd.f32 v44, v45  }
0xc8: {  	v55 =	vadd.s32 $0x2001, v38;
	v56 =	vadd.s32 $0x2040, v38  }
0xc9: {  	v57 =	vand.u32 $0x3FF8, v56;
	v44 =	vadd.f32 v44, v53  }
0xca: {  	v45 =	vor.u32 v39, v57  }
0xcb: {  	[tilespmem:v52+s15+$0x0] =	vst.idx.msk $0xffff, v44  }
0xcc: {  	v58 =	vadd.s32 $0x2041, v38;
	v44 =	vld.idx.msk [tilespmem:v54+s3+$0x0], $0xffff  }
0xcd: {  	v47 =	vld.idx.msk [tilespmem:v55+s3+$0x0], $0xffff;
	_ =	sdelay $0x1  }
0xce: {  	v45 =	vld.idx.msk [tilespmem:v45+s3+$0x0], $0xffff;
	_ =	sdelay $0x1  }
0xcf: {  	v46 =	vld.idx.msk [tilespmem:v58+s3+$0x0], $0xffff  }
0xd0: {  	v44 =	vmul.f32 v44, v41;
	v47 =	vmul.f32 v47, v42;
	_ =	sdelay $0x1  }
0xd1: {  	v45 =	vmul.f32 v45, v40;
	v44 =	vadd.f32 v47, v44  }
0xd2: {  	v59 =	vadd.s32 v10, v35  }
0xd3: {  	v61 =	vor.u32 $0x3000, v38;
	v60 =	vmul.f32 v46, v43;
	v44 =	vadd.f32 v45, v44  }
0xd4: {  	v63 =	vadd.s32 $0x3040, v38;
	v62 =	vadd.s32 $0x3001, v38  }
0xd5: {  	v50 =	vand.u32 $0x7FF8, v63;
	v44 =	vadd.f32 v60, v44  }
0xd6: {  	v45 =	vor.u32 v39, v50  }
0xd7: {  	[tilespmem:v59+s15+$0x0] =	vst.idx.msk $0xffff, v44  }
0xd8: {  	v51 =	vadd.s32 $0x3041, v38;
	v44 =	vld.idx.msk [tilespmem:v61+s3+$0x0], $0xffff  }
0xd9: {  	v47 =	vld.idx.msk [tilespmem:v62+s3+$0x0], $0xffff;
	_ =	sdelay $0x1  }
0xda: {  	v45 =	vld.idx.msk [tilespmem:v45+s3+$0x0], $0xffff;
	_ =	sdelay $0x1  }
0xdb: {  	v46 =	vld.idx.msk [tilespmem:v51+s3+$0x0], $0xffff  }
0xdc: {  	v44 =	vmul.f32 v44, v41;
	v47 =	vmul.f32 v47, v42;
	_ =	sdelay $0x1  }
0xdd: {  	v45 =	vmul.f32 v45, v40;
	v44 =	vadd.f32 v47, v44  }
0xde: {  	v52 =	vadd.s32 v11, v35  }
0xdf: {  	v54 =	vor.u32 $0x4000, v38;
	v53 =	vmul.f32 v46, v43;
	v44 =	vadd.f32 v45, v44  }
0xe0: {  	v56 =	vadd.s32 $0x4040, v38;
	v55 =	vadd.s32 $0x4001, v38  }
0xe1: {  	v57 =	vand.u32 $0x5FF8, v56;
	v44 =	vadd.f32 v53, v44  }
0xe2: {  	v45 =	vor.u32 v39, v57  }
0xe3: {  	[tilespmem:v52+s15+$0x0] =	vst.idx.msk $0xffff, v44  }
0xe4: {  	v58 =	vadd.s32 $0x4041, v38;
	v44 =	vld.idx.msk [tilespmem:v54+s3+$0x0], $0xffff  }
0xe5: {  	v47 =	vld.idx.msk [tilespmem:v55+s3+$0x0], $0xffff;
	_ =	sdelay $0x1  }
0xe6: {  	v45 =	vld.idx.msk [tilespmem:v45+s3+$0x0], $0xffff;
	_ =	sdelay $0x1  }
0xe7: {  	v46 =	vld.idx.msk [tilespmem:v58+s3+$0x0], $0xffff  }
0xe8: {  	v44 =	vmul.f32 v44, v41;
	v47 =	vmul.f32 v47, v42;
	_ =	sdelay $0x1  }
0xe9: {  	v45 =	vmul.f32 v45, v40;
	v44 =	vadd.f32 v47, v44  }
0xea: {  	v59 =	vadd.s32 v12, v35  }
0xeb: {  	v61 =	vor.u32 $0x5000, v38;
	v60 =	vmul.f32 v46, v43;
	v44 =	vadd.f32 v45, v44  }
0xec: {  	v63 =	vadd.s32 $0x5040, v38;
	v62 =	vadd.s32 $0x5001, v38  }
0xed: {  	v50 =	vand.u32 $0x7FF8, v63;
	v44 =	vadd.f32 v60, v44  }
0xee: {  	v45 =	vor.u32 v39, v50  }
0xef: {  	[tilespmem:v59+s15+$0x0] =	vst.idx.msk $0xffff, v44  }
0xf0: {  	v51 =	vadd.s32 $0x5041, v38;
	v44 =	vld.idx.msk [tilespmem:v61+s3+$0x0], $0xffff  }
0xf1: {  	v47 =	vld.idx.msk [tilespmem:v62+s3+$0x0], $0xffff;
	_ =	sdelay $0x1  }
0xf2: {  	v45 =	vld.idx.msk [tilespmem:v45+s3+$0x0], $0xffff;
	_ =	sdelay $0x1  }
0xf3: {  	v46 =	vld.idx.msk [tilespmem:v51+s3+$0x0], $0xffff  }
0xf4: {  	v44 =	vmul.f32 v44, v41;
	v47 =	vmul.f32 v47, v42;
	_ =	sdelay $0x1  }
0xf5: {  	v45 =	vmul.f32 v45, v40;
	v44 =	vadd.f32 v47, v44  }
0xf6: {  	v52 =	vadd.s32 v13, v35  }
0xf7: {  	v54 =	vor.u32 $0x6000, v38;
	v53 =	vmul.f32 v46, v43;
	v44 =	vadd.f32 v45, v44  }
0xf8: {  	v56 =	vadd.s32 $0x6040, v38;
	v55 =	vadd.s32 $0x6001, v38  }
0xf9: {  	v57 =	vand.u32 $0x7FF8, v56;
	v44 =	vadd.f32 v53, v44  }
0xfa: {  	v45 =	vor.u32 v39, v57  }
0xfb: {  	[tilespmem:v52+s15+$0x0] =	vst.idx.msk $0xffff, v44  }
0xfc: {  	v58 =	vadd.s32 $0x6041, v38;
	v44 =	vld.idx.msk [tilespmem:v54+s3+$0x0], $0xffff  }
0xfd: {  	v47 =	vld.idx.msk [tilespmem:v55+s3+$0x0], $0xffff;
	_ =	sdelay $0x1  }
0xfe: {  	v45 =	vld.idx.msk [tilespmem:v45+s3+$0x0], $0xffff;
	_ =	sdelay $0x1  }
0xff: {  	v46 =	vld.idx.msk [tilespmem:v58+s3+$0x0], $0xffff  }
0x100: {  	v44 =	vmul.f32 v44, v41;
	v47 =	vmul.f32 v47, v42;
	_ =	sdelay $0x1  }
0x101: {  	v45 =	vmul.f32 v45, v40;
	v44 =	vadd.f32 v47, v44  }
0x102: {  	v59 =	vadd.s32 v14, v35  }
0x103: {  	v61 =	vor.u32 $0x7000, v38;
	v60 =	vmul.f32 v46, v43;
	v44 =	vadd.f32 v45, v44  }
0x104: {  	v63 =	vadd.s32 $0x7040, v38;
	v62 =	vadd.s32 $0x7001, v38  }
0x105: {  	v49 =	vand.u32 $0xFFF8, v63;
	v44 =	vadd.f32 v60, v44  }
0x106: {  	v39 =	vor.u32 v39, v49  }
0x107: {  	[tilespmem:v59+s15+$0x0] =	vst.idx.msk $0xffff, v44  }
0x108: {  	v38 =	vadd.s32 $0x7041, v38;
	v44 =	vld.idx.msk [tilespmem:v61+s3+$0x0], $0xffff  }
0x109: {  	v50 =	vld.idx.msk [tilespmem:v62+s3+$0x0], $0xffff;
	_ =	sdelay $0x1  }
0x10a: {  	v39 =	vld.idx.msk [tilespmem:v39+s3+$0x0], $0xffff;
	_ =	sdelay $0x1  }
0x10b: {  	v38 =	vld.idx.msk [tilespmem:v38+s3+$0x0], $0xffff  }
0x10c: {  	v41 =	vmul.f32 v44, v41;
	v42 =	vmul.f32 v50, v42;
	_ =	sdelay $0x1  }
0x10d: {  	v39 =	vmul.f32 v39, v40;
	v41 =	vadd.f32 v42, v41  }
0x10e: {  	v51 =	vadd.s32 v15, v35  }
0x10f: {  	v38 =	vmul.f32 v38, v43;
	v39 =	vadd.f32 v39, v41;
	_ =	sdelay $0x1  }
0x110: {  	v38 =	vadd.f32 v38, v39;
	_ =	sdelay $0x1  }
0x111: {  	[tilespmem:v51+s15+$0x0] =	vst.idx.msk $0xffff, v38  }
0x112: {  	v38 =	vld [tilespmem:$0xA7A0]  }
0x113: {  	v52 =	vld [tilespmem:$0xA7E0];
	_ =	sdelay $0x3  }
0x114: {  	v38 =	vmul.f32 s30, v38  }
0x115: {  	v39 =	vmul.f32 s29, v52  }
0x116: {  	v38 =	vadd.f32 v38, v36  }
0x117: {  	v39 =	vadd.f32 v39, v37  }
0x118: {  	v36 =	vtrunc.f32 v38  }
0x119: {  	v37 =	vtrunc.f32 v39;
	v36 =	vcvt.f32.s32 v36  }
0x11a: {  	v37 =	vcvt.f32.s32 v37  }
0x11b: {  	vm14 =	vgt.s32 v36, $0x0  }
0x11c: {  	vm15 =	vgt.s32 v37, $0x0;
	v36 =	vnsel vm14, $0x0, v36  }
0x11d: {  	v37 =	vnsel vm15, $0x0, v37;
	v53 =	vmin.u32 v36, $0x3E  }
0x11e: {  	v54 =	vmin.u32 v37, $0x3E;
	v36 =	vshll.u32 v53, $0x6  }
0x11f: {  	v36 =	vor.u32 v54, v36  }
0x120: {  	v55 =	vadd.s32 $0x1, v36;
	v56 =	vadd.s32 $0x40, v36  }
0x121: {  	v37 =	vand.u32 $0x7, v54;
	v57 =	vand.u32 $0x1FF8, v56  }
0x122: {  	v41 =	vcvt.s32.f32 v54;
	v40 =	vcvt.s32.f32 v53;
	v43 =	vor.u32 v37, v57;
	_ =	sdelay $0x1  }
0x123: {  	v41 =	vsub.f32 v39, v41;
	v58 =	vsub.f32 v38, v40;
	v59 =	vadd.s32 $0x41, v36;
	v60 =	vld.idx.msk [tilespmem:v36+s3+$0x0], $0xffff  }
0x124: {  	v42 =	vld.idx.msk [tilespmem:v55+s3+$0x0], $0xffff  }
0x125: {  	v61 =	vsub.f32 $1.000000000e+00, v41;
	v40 =	vsub.f32 $1.000000000e+00, v58  }
0x126: {  	v43 =	vld.idx.msk [tilespmem:v43+s3+$0x0], $0xffff  }
0x127: {  	v39 =	vmul.f32 v40, v61;
	v40 =	vmul.f32 v40, v41  }
0x128: {  	v38 =	vmul.f32 v61, v58;
	v45 =	vld.idx.msk [tilespmem:v59+s3+$0x0], $0xffff  }
0x129: {  	v46 =	vmul.f32 v39, v60;
	v42 =	vmul.f32 v40, v42;
	_ =	sdelay $0x1  }
0x12a: {  	v41 =	vmul.f32 v58, v41;
	v42 =	vadd.f32 v42, v46;
	v43 =	vmul.f32 v38, v43  }
0x12b: {  	v62 =	vadd.s32 v16, v35  }
0x12c: {  	v48 =	vor.u32 $0x1000, v36;
	v63 =	vmul.f32 v41, v45;
	v42 =	vadd.f32 v42, v43  }
0x12d: {  	v49 =	vadd.s32 $0x1001, v36;
	v50 =	vadd.s32 $0x1040, v36  }
0x12e: {  	v51 =	vand.u32 $0x3FF8, v50;
	v42 =	vadd.f32 v42, v63  }
0x12f: {  	v43 =	vor.u32 v37, v51  }
0x130: {  	[tilespmem:v62+s15+$0x0] =	vst.idx.msk $0xffff, v42  }
0x131: {  	v52 =	vadd.s32 $0x1041, v36;
	v42 =	vld.idx.msk [tilespmem:v48+s3+$0x0], $0xffff  }
0x132: {  	v53 =	vld.idx.msk [tilespmem:v49+s3+$0x0], $0xffff;
	_ =	sdelay $0x1  }
0x133: {  	v43 =	vld.idx.msk [tilespmem:v43+s3+$0x0], $0xffff;
	_ =	sdelay $0x1  }
0x134: {  	v44 =	vld.idx.msk [tilespmem:v52+s3+$0x0], $0xffff  }
0x135: {  	v42 =	vmul.f32 v39, v42;
	v45 =	vmul.f32 v40, v53;
	_ =	sdelay $0x1  }
0x136: {  	v43 =	vmul.f32 v38, v43;
	v42 =	vadd.f32 v45, v42  }
0x137: {  	v54 =	vadd.s32 v17, v35  }
0x138: {  	v56 =	vor.u32 $0x2000, v36;
	v55 =	vmul.f32 v44, v41;
	v42 =	vadd.f32 v42, v43  }
0x139: {  	v57 =	vadd.s32 $0x2001, v36;
	v58 =	vadd.s32 $0x2040, v36  }
0x13a: {  	v59 =	vand.u32 $0x3FF8, v58;
	v42 =	vadd.f32 v42, v55  }
0x13b: {  	v43 =	vor.u32 v37, v59  }
0x13c: {  	[tilespmem:v54+s15+$0x0] =	vst.idx.msk $0xffff, v42  }
0x13d: {  	v60 =	vadd.s32 $0x2041, v36;
	v42 =	vld.idx.msk [tilespmem:v56+s3+$0x0], $0xffff  }
0x13e: {  	v45 =	vld.idx.msk [tilespmem:v57+s3+$0x0], $0xffff;
	_ =	sdelay $0x1  }
0x13f: {  	v43 =	vld.idx.msk [tilespmem:v43+s3+$0x0], $0xffff;
	_ =	sdelay $0x1  }
0x140: {  	v44 =	vld.idx.msk [tilespmem:v60+s3+$0x0], $0xffff  }
0x141: {  	v42 =	vmul.f32 v42, v39;
	v45 =	vmul.f32 v45, v40;
	_ =	sdelay $0x1  }
0x142: {  	v43 =	vmul.f32 v43, v38;
	v42 =	vadd.f32 v45, v42  }
0x143: {  	v61 =	vadd.s32 v18, v35  }
0x144: {  	v63 =	vor.u32 $0x3000, v36;
	v62 =	vmul.f32 v44, v41;
	v42 =	vadd.f32 v43, v42  }
0x145: {  	v48 =	vadd.s32 $0x3001, v36;
	v49 =	vadd.s32 $0x3040, v36  }
0x146: {  	v50 =	vand.u32 $0x7FF8, v49;
	v42 =	vadd.f32 v62, v42  }
0x147: {  	v43 =	vor.u32 v37, v50  }
0x148: {  	[tilespmem:v61+s15+$0x0] =	vst.idx.msk $0xffff, v42  }
0x149: {  	v51 =	vadd.s32 $0x3041, v36;
	v42 =	vld.idx.msk [tilespmem:v63+s3+$0x0], $0xffff  }
0x14a: {  	v45 =	vld.idx.msk [tilespmem:v48+s3+$0x0], $0xffff;
	_ =	sdelay $0x1  }
0x14b: {  	v43 =	vld.idx.msk [tilespmem:v43+s3+$0x0], $0xffff;
	_ =	sdelay $0x1  }
0x14c: {  	v44 =	vld.idx.msk [tilespmem:v51+s3+$0x0], $0xffff  }
0x14d: {  	v42 =	vmul.f32 v42, v39;
	v45 =	vmul.f32 v45, v40;
	_ =	sdelay $0x1  }
0x14e: {  	v43 =	vmul.f32 v43, v38;
	v42 =	vadd.f32 v45, v42  }
0x14f: {  	v52 =	vadd.s32 v19, v35  }
0x150: {  	v54 =	vor.u32 $0x4000, v36;
	v53 =	vmul.f32 v44, v41;
	v42 =	vadd.f32 v43, v42  }
0x151: {  	v55 =	vadd.s32 $0x4001, v36;
	v56 =	vadd.s32 $0x4040, v36  }
0x152: {  	v57 =	vand.u32 $0x5FF8, v56;
	v42 =	vadd.f32 v53, v42  }
0x153: {  	v43 =	vor.u32 v37, v57  }
0x154: {  	[tilespmem:v52+s15+$0x0] =	vst.idx.msk $0xffff, v42  }
0x155: {  	v58 =	vadd.s32 $0x4041, v36;
	v42 =	vld.idx.msk [tilespmem:v54+s3+$0x0], $0xffff  }
0x156: {  	v45 =	vld.idx.msk [tilespmem:v55+s3+$0x0], $0xffff;
	_ =	sdelay $0x1  }
0x157: {  	v43 =	vld.idx.msk [tilespmem:v43+s3+$0x0], $0xffff;
	_ =	sdelay $0x1  }
0x158: {  	v44 =	vld.idx.msk [tilespmem:v58+s3+$0x0], $0xffff  }
0x159: {  	v42 =	vmul.f32 v42, v39;
	v45 =	vmul.f32 v45, v40;
	_ =	sdelay $0x1  }
0x15a: {  	v43 =	vmul.f32 v43, v38;
	v42 =	vadd.f32 v45, v42  }
0x15b: {  	v59 =	vadd.s32 v20, v35  }
0x15c: {  	v61 =	vor.u32 $0x5000, v36;
	v60 =	vmul.f32 v44, v41;
	v42 =	vadd.f32 v43, v42  }
0x15d: {  	v62 =	vadd.s32 $0x5001, v36;
	v63 =	vadd.s32 $0x5040, v36  }
0x15e: {  	v48 =	vand.u32 $0x7FF8, v63;
	v42 =	vadd.f32 v60, v42  }
0x15f: {  	v43 =	vor.u32 v37, v48  }
0x160: {  	[tilespmem:v59+s15+$0x0] =	vst.idx.msk $0xffff, v42  }
0x161: {  	v49 =	vadd.s32 $0x5041, v36;
	v42 =	vld.idx.msk [tilespmem:v61+s3+$0x0], $0xffff  }
0x162: {  	v45 =	vld.idx.msk [tilespmem:v62+s3+$0x0], $0xffff;
	_ =	sdelay $0x1  }
0x163: {  	v43 =	vld.idx.msk [tilespmem:v43+s3+$0x0], $0xffff;
	_ =	sdelay $0x1  }
0x164: {  	v44 =	vld.idx.msk [tilespmem:v49+s3+$0x0], $0xffff  }
0x165: {  	v42 =	vmul.f32 v42, v39;
	v45 =	vmul.f32 v45, v40;
	_ =	sdelay $0x1  }
0x166: {  	v43 =	vmul.f32 v43, v38;
	v42 =	vadd.f32 v45, v42  }
0x167: {  	v50 =	vadd.s32 v21, v35  }
0x168: {  	v52 =	vor.u32 $0x6000, v36;
	v51 =	vmul.f32 v44, v41;
	v42 =	vadd.f32 v43, v42  }
0x169: {  	v53 =	vadd.s32 $0x6001, v36;
	v54 =	vadd.s32 $0x6040, v36  }
0x16a: {  	v55 =	vand.u32 $0x7FF8, v54;
	v42 =	vadd.f32 v51, v42  }
0x16b: {  	v43 =	vor.u32 v37, v55  }
0x16c: {  	[tilespmem:v50+s15+$0x0] =	vst.idx.msk $0xffff, v42  }
0x16d: {  	v56 =	vadd.s32 $0x6041, v36;
	v42 =	vld.idx.msk [tilespmem:v52+s3+$0x0], $0xffff  }
0x16e: {  	v45 =	vld.idx.msk [tilespmem:v53+s3+$0x0], $0xffff;
	_ =	sdelay $0x1  }
0x16f: {  	v43 =	vld.idx.msk [tilespmem:v43+s3+$0x0], $0xffff;
	_ =	sdelay $0x1  }
0x170: {  	v44 =	vld.idx.msk [tilespmem:v56+s3+$0x0], $0xffff  }
0x171: {  	v42 =	vmul.f32 v42, v39;
	v45 =	vmul.f32 v45, v40;
	_ =	sdelay $0x1  }
0x172: {  	v43 =	vmul.f32 v43, v38;
	v42 =	vadd.f32 v45, v42  }
0x173: {  	v57 =	vadd.s32 v23, v35  }
0x174: {  	v59 =	vor.u32 $0x7000, v36;
	v58 =	vmul.f32 v44, v41;
	v42 =	vadd.f32 v43, v42  }
0x175: {  	v60 =	vadd.s32 $0x7001, v36;
	v61 =	vadd.s32 $0x7040, v36  }
0x176: {  	v62 =	vand.u32 $0xFFF8, v61;
	v42 =	vadd.f32 v58, v42  }
0x177: {  	v37 =	vor.u32 v37, v62  }
0x178: {  	[tilespmem:v57+s15+$0x0] =	vst.idx.msk $0xffff, v42  }
0x179: {  	v36 =	vadd.s32 $0x7041, v36;
	v42 =	vld.idx.msk [tilespmem:v59+s3+$0x0], $0xffff  }
0x17a: {  	v63 =	vld.idx.msk [tilespmem:v60+s3+$0x0], $0xffff;
	_ =	sdelay $0x1  }
0x17b: {  	v37 =	vld.idx.msk [tilespmem:v37+s3+$0x0], $0xffff;
	_ =	sdelay $0x1  }
0x17c: {  	v36 =	vld.idx.msk [tilespmem:v36+s3+$0x0], $0xffff  }
0x17d: {  	v39 =	vmul.f32 v42, v39;
	v40 =	vmul.f32 v63, v40;
	_ =	sdelay $0x1  }
0x17e: {  	v37 =	vmul.f32 v37, v38;
	v39 =	vadd.f32 v40, v39  }
0x17f: {  	p1 =	sne.s32 s26, $0x18;
	v35 =	vadd.s32 v24, v35  }
.Ltmp0:
0x180: {  	v36 =	vmul.f32 v36, v41;
	v37 =	vadd.f32 v37, v39;
	(pc) =	sbr.rel @p1 .LBB2_3-.Ltmp0, $3  }
0x181: {  	_ = 	snop  }
0x182: {  	v36 =	vadd.f32 v36, v37;
	_ =	sdelay $0x1  }
0x183: {  	s28 =	sadd.s32 $0x4, s28;
	s26 =	sadd.s32 $0x1, s26;
	[tilespmem:v35+s15+$0x0] =	vst.idx.msk $0xffff, v36  }
0x184: {  	v35 =	vmov s25  }
0x185: {  	v35 =	vshll.u32 v35, $0x2  }
0x186: {  	v35 =	vadd.s32 v25, v35  }
0x187: {  	v36 =	vor.u32 $0x1, v35  }
0x188: {  	v37 =	vor.u32 $0x3, v35  }
0x189: {  	v38 =	vor.u32 $0x2, v35;
	_ =	sdelay $0x1  }
0x18a: {  	v35 =	vld.idx.msk [tilespmem:v35+s12+$0x0], $0xffff  }
0x18b: {  	v36 =	vld.idx.msk [tilespmem:v36+s12+$0x0], $0xffff  }
0x18c: {  	v37 =	vld.idx.msk [tilespmem:v37+s12+$0x0], $0xffff  }
0x18d: {  	v38 =	vld.idx.msk [tilespmem:v38+s12+$0x0], $0xffff;
	_ =	sdelay $0x3  }
0x18e: {  	v37 =	vsub.f32 v37, v36  }
0x18f: {  	v38 =	vsub.f32 v38, v35  }
0x190: {  	v37 =	vmax.f32 v37, $1.000000000e+00  }
0x191: {  	v38 =	vmax.f32 v38, $1.000000000e+00;
	v37 =	vadd.f32 v37, v36  }
0x192: {  	v38 =	vadd.f32 v38, v35  }
0x193: {  	v49 =	vtrunc.f32 v37  }
0x194: {  	v50 =	vtrunc.f32 v38;
	v35 =	vcvt.f32.s32 v49  }
0x195: {  	v36 =	vcvt.f32.s32 v50  }
0x196: {  	vm0 =	vgt.s32 v35, $0x0  }
0x197: {  	vm13 =	vgt.s32 v36, $0x0;
	v35 =	vnsel vm0, $0x0, v35  }
0x198: {  	v36 =	vnsel vm13, $0x0, v36;
	v39 =	vmin.u32 v35, $0x3E  }
0x199: {  	v40 =	vmin.u32 v36, $0x3E;
	v35 =	vshll.u32 v39, $0x6  }
0x19a: {  	v35 =	vor.u32 v40, v35  }
0x19b: {  	v41 =	vadd.s32 $0x1, v35;
	v51 =	vadd.s32 $0x40, v35  }
0x19c: {  	v36 =	vand.u32 $0x7, v40;
	v42 =	vand.u32 $0x1FF8, v51  }
0x19d: {  	v39 =	vcvt.s32.f32 v39;
	v40 =	vcvt.s32.f32 v40;
	v42 =	vor.u32 v36, v42;
	_ =	sdelay $0x1  }
0x19e: {  	v43 =	vsub.f32 v37, v39;
	v44 =	vadd.s32 $0x41, v35;
	v38 =	vsub.f32 v38, v40;
	v45 =	vld.idx.msk [tilespmem:v35+s3+$0x0], $0xffff  }
0x19f: {  	v41 =	vld.idx.msk [tilespmem:v41+s3+$0x0], $0xffff  }
0x1a0: {  	v53 =	vsub.f32 $1.000000000e+00, v43;
	v52 =	vsub.f32 $1.000000000e+00, v38  }
0x1a1: {  	v42 =	vld.idx.msk [tilespmem:v42+s3+$0x0], $0xffff  }
0x1a2: {  	v40 =	vmul.f32 v53, v38;
	v39 =	vmul.f32 v53, v52  }
0x1a3: {  	v37 =	vmul.f32 v52, v43;
	v44 =	vld.idx.msk [tilespmem:v44+s3+$0x0], $0xffff  }
0x1a4: {  	v45 =	vmul.f32 v39, v45;
	v41 =	vmul.f32 v40, v41;
	_ =	sdelay $0x1  }
0x1a5: {  	v38 =	vmul.f32 v43, v38;
	v41 =	vadd.f32 v41, v45;
	v42 =	vmul.f32 v37, v42;
	_ =	sdelay $0x1  }
0x1a6: {  	v55 =	vor.u32 $0x1000, v35;
	v54 =	vmul.f32 v38, v44;
	v41 =	vadd.f32 v41, v42  }
0x1a7: {  	v56 =	vadd.s32 $0x1001, v35;
	v57 =	vadd.s32 $0x1040, v35  }
0x1a8: {  	v58 =	vand.u32 $0x3FF8, v57;
	v41 =	vadd.f32 v41, v54  }
0x1a9: {  	v42 =	vor.u32 v36, v58  }
0x1aa: {  	[tilespmem:v26+s15+$0x0] =	vst.idx.msk $0xffff, v41  }
0x1ab: {  	v59 =	vadd.s32 $0x1041, v35;
	v41 =	vld.idx.msk [tilespmem:v55+s3+$0x0], $0xffff  }
0x1ac: {  	v44 =	vld.idx.msk [tilespmem:v56+s3+$0x0], $0xffff;
	_ =	sdelay $0x1  }
0x1ad: {  	v42 =	vld.idx.msk [tilespmem:v42+s3+$0x0], $0xffff;
	_ =	sdelay $0x1  }
0x1ae: {  	v43 =	vld.idx.msk [tilespmem:v59+s3+$0x0], $0xffff  }
0x1af: {  	v41 =	vmul.f32 v39, v41;
	v44 =	vmul.f32 v40, v44;
	_ =	sdelay $0x1  }
0x1b0: {  	v42 =	vmul.f32 v37, v42;
	v41 =	vadd.f32 v44, v41;
	_ =	sdelay $0x1  }
0x1b1: {  	v61 =	vor.u32 $0x2000, v35;
	v60 =	vmul.f32 v38, v43;
	v41 =	vadd.f32 v41, v42  }
0x1b2: {  	v62 =	vadd.s32 $0x2001, v35;
	v63 =	vadd.s32 $0x2040, v35  }
0x1b3: {  	v48 =	vand.u32 $0x3FF8, v63;
	v41 =	vadd.f32 v41, v60  }
0x1b4: {  	v42 =	vor.u32 v36, v48  }
0x1b5: {  	[tilespmem:v27+s15+$0x0] =	vst.idx.msk $0xffff, v41  }
0x1b6: {  	v49 =	vadd.s32 $0x2041, v35;
	v41 =	vld.idx.msk [tilespmem:v61+s3+$0x0], $0xffff  }
0x1b7: {  	v44 =	vld.idx.msk [tilespmem:v62+s3+$0x0], $0xffff;
	_ =	sdelay $0x1  }
0x1b8: {  	v42 =	vld.idx.msk [tilespmem:v42+s3+$0x0], $0xffff;
	_ =	sdelay $0x1  }
0x1b9: {  	v43 =	vld.idx.msk [tilespmem:v49+s3+$0x0], $0xffff  }
0x1ba: {  	v41 =	vmul.f32 v41, v39;
	v44 =	vmul.f32 v44, v40;
	_ =	sdelay $0x1  }
0x1bb: {  	v42 =	vmul.f32 v42, v37;
	v41 =	vadd.f32 v44, v41;
	_ =	sdelay $0x1  }
0x1bc: {  	v51 =	vor.u32 $0x3000, v35;
	v50 =	vmul.f32 v43, v38;
	v41 =	vadd.f32 v42, v41  }
0x1bd: {  	v52 =	vadd.s32 $0x3001, v35;
	v53 =	vadd.s32 $0x3040, v35  }
0x1be: {  	v54 =	vand.u32 $0x7FF8, v53;
	v41 =	vadd.f32 v50, v41  }
0x1bf: {  	v42 =	vor.u32 v36, v54  }
0x1c0: {  	[tilespmem:v28+s15+$0x0] =	vst.idx.msk $0xffff, v41  }
0x1c1: {  	v55 =	vadd.s32 $0x3041, v35;
	v41 =	vld.idx.msk [tilespmem:v51+s3+$0x0], $0xffff  }
0x1c2: {  	v44 =	vld.idx.msk [tilespmem:v52+s3+$0x0], $0xffff;
	_ =	sdelay $0x1  }
0x1c3: {  	v42 =	vld.idx.msk [tilespmem:v42+s3+$0x0], $0xffff;
	_ =	sdelay $0x1  }
0x1c4: {  	v43 =	vld.idx.msk [tilespmem:v55+s3+$0x0], $0xffff  }
0x1c5: {  	v41 =	vmul.f32 v41, v39;
	v44 =	vmul.f32 v44, v40;
	_ =	sdelay $0x1  }
0x1c6: {  	v42 =	vmul.f32 v42, v37;
	v41 =	vadd.f32 v44, v41;
	_ =	sdelay $0x1  }
0x1c7: {  	v57 =	vor.u32 $0x4000, v35;
	v56 =	vmul.f32 v43, v38;
	v41 =	vadd.f32 v42, v41  }
0x1c8: {  	v58 =	vadd.s32 $0x4001, v35;
	v59 =	vadd.s32 $0x4040, v35  }
0x1c9: {  	v60 =	vand.u32 $0x5FF8, v59;
	v41 =	vadd.f32 v56, v41  }
0x1ca: {  	v42 =	vor.u32 v36, v60  }
0x1cb: {  	[tilespmem:v29+s15+$0x0] =	vst.idx.msk $0xffff, v41  }
0x1cc: {  	v61 =	vadd.s32 $0x4041, v35;
	v41 =	vld.idx.msk [tilespmem:v57+s3+$0x0], $0xffff  }
0x1cd: {  	v44 =	vld.idx.msk [tilespmem:v58+s3+$0x0], $0xffff;
	_ =	sdelay $0x1  }
0x1ce: {  	v42 =	vld.idx.msk [tilespmem:v42+s3+$0x0], $0xffff;
	_ =	sdelay $0x1  }
0x1cf: {  	v43 =	vld.idx.msk [tilespmem:v61+s3+$0x0], $0xffff  }
0x1d0: {  	v41 =	vmul.f32 v41, v39;
	v44 =	vmul.f32 v44, v40;
	_ =	sdelay $0x1  }
0x1d1: {  	v42 =	vmul.f32 v42, v37;
	v41 =	vadd.f32 v44, v41;
	_ =	sdelay $0x1  }
0x1d2: {  	v63 =	vor.u32 $0x5000, v35;
	v62 =	vmul.f32 v43, v38;
	v41 =	vadd.f32 v42, v41  }
0x1d3: {  	v48 =	vadd.s32 $0x5001, v35;
	v49 =	vadd.s32 $0x5040, v35  }
0x1d4: {  	v50 =	vand.u32 $0x7FF8, v49;
	v41 =	vadd.f32 v62, v41  }
0x1d5: {  	v42 =	vor.u32 v36, v50  }
0x1d6: {  	[tilespmem:v30+s15+$0x0] =	vst.idx.msk $0xffff, v41  }
0x1d7: {  	v51 =	vadd.s32 $0x5041, v35;
	v41 =	vld.idx.msk [tilespmem:v63+s3+$0x0], $0xffff  }
0x1d8: {  	v44 =	vld.idx.msk [tilespmem:v48+s3+$0x0], $0xffff;
	_ =	sdelay $0x1  }
0x1d9: {  	v42 =	vld.idx.msk [tilespmem:v42+s3+$0x0], $0xffff;
	_ =	sdelay $0x1  }
0x1da: {  	v43 =	vld.idx.msk [tilespmem:v51+s3+$0x0], $0xffff  }
0x1db: {  	v41 =	vmul.f32 v41, v39;
	v44 =	vmul.f32 v44, v40;
	_ =	sdelay $0x1  }
0x1dc: {  	v42 =	vmul.f32 v42, v37;
	v41 =	vadd.f32 v44, v41;
	_ =	sdelay $0x1  }
0x1dd: {  	v53 =	vor.u32 $0x6000, v35;
	v52 =	vmul.f32 v43, v38;
	v41 =	vadd.f32 v42, v41  }
0x1de: {  	v54 =	vadd.s32 $0x6001, v35;
	v55 =	vadd.s32 $0x6040, v35  }
0x1df: {  	v56 =	vand.u32 $0x7FF8, v55;
	v41 =	vadd.f32 v52, v41  }
0x1e0: {  	v42 =	vor.u32 v36, v56  }
0x1e1: {  	[tilespmem:v31+s15+$0x0] =	vst.idx.msk $0xffff, v41  }
0x1e2: {  	v57 =	vadd.s32 $0x6041, v35;
	v41 =	vld.idx.msk [tilespmem:v53+s3+$0x0], $0xffff  }
0x1e3: {  	v44 =	vld.idx.msk [tilespmem:v54+s3+$0x0], $0xffff;
	_ =	sdelay $0x1  }
0x1e4: {  	v42 =	vld.idx.msk [tilespmem:v42+s3+$0x0], $0xffff;
	_ =	sdelay $0x1  }
0x1e5: {  	v43 =	vld.idx.msk [tilespmem:v57+s3+$0x0], $0xffff  }
0x1e6: {  	v41 =	vmul.f32 v41, v39;
	v44 =	vmul.f32 v44, v40;
	_ =	sdelay $0x1  }
0x1e7: {  	v42 =	vmul.f32 v42, v37;
	v41 =	vadd.f32 v44, v41;
	_ =	sdelay $0x1  }
0x1e8: {  	v59 =	vor.u32 $0x7000, v35;
	v58 =	vmul.f32 v43, v38;
	v41 =	vadd.f32 v42, v41  }
0x1e9: {  	v60 =	vadd.s32 $0x7001, v35;
	v61 =	vadd.s32 $0x7040, v35  }
0x1ea: {  	v62 =	vand.u32 $0xFFF8, v61;
	v41 =	vadd.f32 v58, v41  }
0x1eb: {  	v36 =	vor.u32 v36, v62  }
0x1ec: {  	[tilespmem:v32+s15+$0x0] =	vst.idx.msk $0xffff, v41  }
0x1ed: {  	v35 =	vadd.s32 $0x7041, v35;
	v41 =	vld.idx.msk [tilespmem:v59+s3+$0x0], $0xffff  }
0x1ee: {  	v63 =	vld.idx.msk [tilespmem:v60+s3+$0x0], $0xffff;
	_ =	sdelay $0x1  }
0x1ef: {  	v36 =	vld.idx.msk [tilespmem:v36+s3+$0x0], $0xffff;
	_ =	sdelay $0x1  }
0x1f0: {  	v35 =	vld.idx.msk [tilespmem:v35+s3+$0x0], $0xffff  }
0x1f1: {  	v39 =	vmul.f32 v41, v39;
	v40 =	vmul.f32 v63, v40  }
0x1f2: {  	s0 =	sadd.s32 $0x10, s25  }
0x1f3: {  	v45 =	vmov s0;
	v36 =	vmul.f32 v36, v37;
	v39 =	vadd.f32 v40, v39  }
0x1f4: {  	v37 =	vshll.u32 v45, $0x2  }
0x1f5: {  	v35 =	vmul.f32 v35, v38;
	v37 =	vadd.s32 v25, v37;
	v36 =	vadd.f32 v36, v39  }
0x1f6: {  	v46 =	vor.u32 $0x1, v37  }
0x1f7: {  	v47 =	vor.u32 $0x3, v37;
	v35 =	vadd.f32 v35, v36  }
0x1f8: {  	v48 =	vor.u32 $0x2, v37  }
0x1f9: {  	[tilespmem:v33+s15+$0x0] =	vst.idx.msk $0xffff, v35  }
0x1fa: {  	v35 =	vld.idx.msk [tilespmem:v37+s12+$0x0], $0xffff  }
0x1fb: {  	v49 =	vld.idx.msk [tilespmem:v46+s12+$0x0], $0xffff  }
0x1fc: {  	v36 =	vld.idx.msk [tilespmem:v47+s12+$0x0], $0xffff  }
0x1fd: {  	v50 =	vld.idx.msk [tilespmem:v48+s12+$0x0], $0xffff;
	_ =	sdelay $0x3  }
0x1fe: {  	v36 =	vsub.f32 v36, v49  }
0x1ff: {  	v38 =	vsub.f32 v50, v35  }
0x200: {  	v36 =	vmax.f32 v36, $1.000000000e+00  }
0x201: {  	v38 =	vmax.f32 v38, $1.000000000e+00;
	v36 =	vadd.f32 v36, v49  }
0x202: {  	v35 =	vadd.f32 v38, v35  }
0x203: {  	v37 =	vtrunc.f32 v36  }
0x204: {  	v38 =	vtrunc.f32 v35;
	v37 =	vcvt.f32.s32 v37  }
0x205: {  	v38 =	vcvt.f32.s32 v38  }
0x206: {  	vm14 =	vgt.s32 v37, $0x0  }
0x207: {  	vm15 =	vgt.s32 v38, $0x0;
	v37 =	vnsel vm14, $0x0, v37  }
0x208: {  	v38 =	vnsel vm15, $0x0, v38;
	v37 =	vmin.u32 v37, $0x3E  }
0x209: {  	v38 =	vmin.u32 v38, $0x3E;
	v51 =	vshll.u32 v37, $0x6  }
0x20a: {  	v41 =	vor.u32 v38, v51  }
0x20b: {  	v39 =	vadd.s32 $0x1, v41;
	v52 =	vadd.s32 $0x40, v41  }
0x20c: {  	v42 =	vand.u32 $0x7, v38;
	v40 =	vand.u32 $0x1FF8, v52  }
0x20d: {  	v37 =	vcvt.s32.f32 v37;
	v38 =	vcvt.s32.f32 v38;
	v40 =	vor.u32 v42, v40;
	_ =	sdelay $0x1  }
0x20e: {  	v36 =	vsub.f32 v36, v37;
	v53 =	vadd.s32 $0x41, v41;
	v35 =	vsub.f32 v35, v38;
	v54 =	vld.idx.msk [tilespmem:v41+s3+$0x0], $0xffff  }
0x20f: {  	v39 =	vld.idx.msk [tilespmem:v39+s3+$0x0], $0xffff  }
0x210: {  	v56 =	vsub.f32 $1.000000000e+00, v36;
	v55 =	vsub.f32 $1.000000000e+00, v35  }
0x211: {  	v40 =	vld.idx.msk [tilespmem:v40+s3+$0x0], $0xffff  }
0x212: {  	v46 =	vmul.f32 v56, v35;
	v45 =	vmul.f32 v56, v55  }
0x213: {  	v43 =	vmul.f32 v55, v36;
	v37 =	vld.idx.msk [tilespmem:v53+s3+$0x0], $0xffff  }
0x214: {  	v38 =	vmul.f32 v45, v54;
	v39 =	vmul.f32 v46, v39;
	_ =	sdelay $0x1  }
0x215: {  	v44 =	vmul.f32 v36, v35;
	v57 =	vadd.f32 v39, v38;
	v58 =	vmul.f32 v43, v40;
	_ =	sdelay $0x1  }
0x216: {  	v60 =	vor.u32 $0x1000, v41;
	v59 =	vmul.f32 v44, v37;
	v35 =	vadd.f32 v57, v58  }
0x217: {  	v61 =	vadd.s32 $0x1001, v41;
	v62 =	vadd.s32 $0x1040, v41  }
0x218: {  	v63 =	vand.u32 $0x3FF8, v62;
	v35 =	vadd.f32 v35, v59  }
0x219: {  	v36 =	vor.u32 v42, v63  }
0x21a: {  	[tilespmem:v34+s15+$0x0] =	vst.idx.msk $0x1ff, v35  }
0x21b: {  	v40 =	vadd.s32 $0x1041, v41;
	v35 =	vld.idx.msk [tilespmem:v60+s3+$0x0], $0xffff  }
0x21c: {  	v38 =	vld.idx.msk [tilespmem:v61+s3+$0x0], $0xffff;
	_ =	sdelay $0x1  }
0x21d: {  	v36 =	vld.idx.msk [tilespmem:v36+s3+$0x0], $0xffff;
	_ =	sdelay $0x1  }
0x21e: {  	v37 =	vld.idx.msk [tilespmem:v40+s3+$0x0], $0xffff  }
0x21f: {  	v35 =	vmul.f32 v45, v35;
	v38 =	vmul.f32 v46, v38;
	_ =	sdelay $0x1  }
0x220: {  	v36 =	vmul.f32 v43, v36;
	v38 =	vadd.f32 v38, v35  }
0x221: {  	v35 =	vadd.s32 $0x18E1, v22  }
0x222: {  	v47 =	vor.u32 $0x2000, v41;
	v37 =	vmul.f32 v44, v37;
	v36 =	vadd.f32 v38, v36  }
0x223: {  	v48 =	vadd.s32 $0x2001, v41;
	v49 =	vadd.s32 $0x2040, v41  }
0x224: {  	v50 =	vand.u32 $0x3FF8, v49;
	v36 =	vadd.f32 v36, v37  }
0x225: {  	v37 =	vor.u32 v42, v50  }
0x226: {  	[tilespmem:v35+s15+$0x0] =	vst.idx.msk $0x1ff, v36  }
0x227: {  	v51 =	vadd.s32 $0x2041, v41;
	v36 =	vld.idx.msk [tilespmem:v47+s3+$0x0], $0xffff  }
0x228: {  	v39 =	vld.idx.msk [tilespmem:v48+s3+$0x0], $0xffff;
	_ =	sdelay $0x1  }
0x229: {  	v37 =	vld.idx.msk [tilespmem:v37+s3+$0x0], $0xffff;
	_ =	sdelay $0x1  }
0x22a: {  	v38 =	vld.idx.msk [tilespmem:v51+s3+$0x0], $0xffff  }
0x22b: {  	v36 =	vmul.f32 v36, v45;
	v39 =	vmul.f32 v39, v46;
	_ =	sdelay $0x1  }
0x22c: {  	v39 =	vadd.f32 v39, v36;
	v37 =	vmul.f32 v37, v43  }
0x22d: {  	v36 =	vadd.s32 $0x1912, v22  }
0x22e: {  	v52 =	vor.u32 $0x3000, v41;
	v38 =	vmul.f32 v38, v44;
	v37 =	vadd.f32 v37, v39  }
0x22f: {  	v53 =	vadd.s32 $0x3001, v41;
	v47 =	vadd.s32 $0x3040, v41  }
0x230: {  	v54 =	vand.u32 $0x7FF8, v47;
	v37 =	vadd.f32 v38, v37  }
0x231: {  	v38 =	vor.u32 v42, v54  }
0x232: {  	[tilespmem:v36+s15+$0x0] =	vst.idx.msk $0x1ff, v37  }
0x233: {  	v55 =	vadd.s32 $0x3041, v41;
	v37 =	vld.idx.msk [tilespmem:v52+s3+$0x0], $0xffff  }
0x234: {  	v40 =	vld.idx.msk [tilespmem:v53+s3+$0x0], $0xffff;
	_ =	sdelay $0x1  }
0x235: {  	v38 =	vld.idx.msk [tilespmem:v38+s3+$0x0], $0xffff;
	_ =	sdelay $0x1  }
0x236: {  	v39 =	vld.idx.msk [tilespmem:v55+s3+$0x0], $0xffff  }
0x237: {  	v37 =	vmul.f32 v37, v45;
	v40 =	vmul.f32 v40, v46;
	_ =	sdelay $0x1  }
0x238: {  	v40 =	vadd.f32 v40, v37;
	v38 =	vmul.f32 v38, v43  }
0x239: {  	v37 =	vadd.s32 $0x1943, v22  }
0x23a: {  	v56 =	vor.u32 $0x4000, v41;
	v39 =	vmul.f32 v39, v44;
	v38 =	vadd.f32 v38, v40  }
0x23b: {  	v57 =	vadd.s32 $0x4001, v41;
	v48 =	vadd.s32 $0x4040, v41  }
0x23c: {  	v58 =	vand.u32 $0x5FF8, v48;
	v38 =	vadd.f32 v39, v38  }
0x23d: {  	v39 =	vor.u32 v42, v58  }
0x23e: {  	[tilespmem:v37+s15+$0x0] =	vst.idx.msk $0x1ff, v38  }
0x23f: {  	v59 =	vadd.s32 $0x4041, v41;
	v38 =	vld.idx.msk [tilespmem:v56+s3+$0x0], $0xffff  }
0x240: {  	v47 =	vld.idx.msk [tilespmem:v57+s3+$0x0], $0xffff;
	_ =	sdelay $0x1  }
0x241: {  	v39 =	vld.idx.msk [tilespmem:v39+s3+$0x0], $0xffff;
	_ =	sdelay $0x1  }
0x242: {  	v40 =	vld.idx.msk [tilespmem:v59+s3+$0x0], $0xffff  }
0x243: {  	v38 =	vmul.f32 v38, v45;
	v47 =	vmul.f32 v47, v46;
	_ =	sdelay $0x1  }
0x244: {  	v47 =	vadd.f32 v47, v38;
	v39 =	vmul.f32 v39, v43  }
0x245: {  	v38 =	vadd.s32 $0x1974, v22  }
0x246: {  	v60 =	vor.u32 $0x5000, v41;
	v40 =	vmul.f32 v40, v44;
	v39 =	vadd.f32 v39, v47  }
0x247: {  	v49 =	vadd.s32 $0x5040, v41;
	v61 =	vadd.s32 $0x5001, v41  }
0x248: {  	v62 =	vand.u32 $0x7FF8, v49;
	v39 =	vadd.f32 v40, v39  }
0x249: {  	v40 =	vor.u32 v42, v62  }
0x24a: {  	[tilespmem:v38+s15+$0x0] =	vst.idx.msk $0x1ff, v39  }
0x24b: {  	v63 =	vadd.s32 $0x5041, v41;
	v39 =	vld.idx.msk [tilespmem:v60+s3+$0x0], $0xffff  }
0x24c: {  	v48 =	vld.idx.msk [tilespmem:v61+s3+$0x0], $0xffff;
	_ =	sdelay $0x1  }
0x24d: {  	v40 =	vld.idx.msk [tilespmem:v40+s3+$0x0], $0xffff;
	_ =	sdelay $0x1  }
0x24e: {  	v47 =	vld.idx.msk [tilespmem:v63+s3+$0x0], $0xffff  }
0x24f: {  	v39 =	vmul.f32 v39, v45;
	v48 =	vmul.f32 v48, v46;
	_ =	sdelay $0x1  }
0x250: {  	v48 =	vadd.f32 v48, v39;
	v40 =	vmul.f32 v40, v43  }
0x251: {  	v39 =	vadd.s32 $0x19A5, v22  }
0x252: {  	v52 =	vor.u32 $0x6000, v41;
	v47 =	vmul.f32 v47, v44;
	v40 =	vadd.f32 v40, v48  }
0x253: {  	v50 =	vadd.s32 $0x6040, v41;
	v53 =	vadd.s32 $0x6001, v41  }
0x254: {  	v54 =	vand.u32 $0x7FF8, v50;
	v40 =	vadd.f32 v47, v40  }
0x255: {  	v47 =	vor.u32 v42, v54  }
0x256: {  	[tilespmem:v39+s15+$0x0] =	vst.idx.msk $0x1ff, v40  }
0x257: {  	v55 =	vadd.s32 $0x6041, v41;
	v40 =	vld.idx.msk [tilespmem:v52+s3+$0x0], $0xffff  }
0x258: {  	v49 =	vld.idx.msk [tilespmem:v53+s3+$0x0], $0xffff;
	_ =	sdelay $0x1  }
0x259: {  	v47 =	vld.idx.msk [tilespmem:v47+s3+$0x0], $0xffff;
	_ =	sdelay $0x1  }
0x25a: {  	v48 =	vld.idx.msk [tilespmem:v55+s3+$0x0], $0xffff  }
0x25b: {  	v40 =	vmul.f32 v40, v45;
	v49 =	vmul.f32 v49, v46;
	_ =	sdelay $0x1  }
0x25c: {  	v49 =	vadd.f32 v49, v40;
	v47 =	vmul.f32 v47, v43  }
0x25d: {  	v40 =	vadd.s32 $0x19D6, v22  }
0x25e: {  	v56 =	vor.u32 $0x7000, v41;
	v48 =	vmul.f32 v48, v44;
	v47 =	vadd.f32 v47, v49  }
0x25f: {  	v51 =	vadd.s32 $0x7040, v41;
	v57 =	vadd.s32 $0x7001, v41  }
0x260: {  	v58 =	vand.u32 $0xFFF8, v51;
	v47 =	vadd.f32 v48, v47  }
0x261: {  	v42 =	vor.u32 v42, v58  }
0x262: {  	[tilespmem:v40+s15+$0x0] =	vst.idx.msk $0x1ff, v47  }
0x263: {  	v41 =	vadd.s32 $0x7041, v41;
	v47 =	vld.idx.msk [tilespmem:v56+s3+$0x0], $0xffff  }
0x264: {  	v59 =	vld.idx.msk [tilespmem:v57+s3+$0x0], $0xffff;
	_ =	sdelay $0x1  }
0x265: {  	v42 =	vld.idx.msk [tilespmem:v42+s3+$0x0], $0xffff;
	_ =	sdelay $0x1  }
0x266: {  	v60 =	vld.idx.msk [tilespmem:v41+s3+$0x0], $0xffff  }
0x267: {  	v61 =	vmul.f32 v47, v45;
	v62 =	vmul.f32 v59, v46;
	_ =	sdelay $0x1  }
0x268: {  	v42 =	vmul.f32 v42, v43;
	v45 =	vadd.f32 v62, v61  }
0x269: {  	s31 =	sadd.s32 s6, s25;
	v41 =	vadd.s32 $0x1A07, v22  }
0x26a: {  	s0 =	smul.u32 $0xC40, s31;
	v63 =	vmul.f32 v60, v44;
	v42 =	vadd.f32 v42, v45;
	_ =	sdelay $0x1  }
0x26b: {  	s0 =	sadd.s32 s9, s0;
	v42 =	vadd.f32 v63, v42  }
0x26c: {  	s0 =	sshrl.u32 s0, $0x3  }
0x26d: {  	s0 =	sadd.s32 s2, s0;
	[tilespmem:v41+s15+$0x0] =	vst.idx.msk $0x1ff, v42  }
0x26e: {  	[hbm4b:s0+s16] =	stream.strided.scatter [tilespmem:s15], [sflag:$0x1], $0x2648, s17, s16, $0x38;
	[tilespmem:$0xF490] =	vst v63  }
0x26f: {  	s0 =	simm.s32 @!p0 $0x2  }
0x270: {  	_ =	swait.ge @!p0 [sflag:s0], $0x2648  }
0x271: {  	s26 =	sadd.s32 $0x19, s25;
	[sflag:s0] =	ssyncset.done @!p0 $0x0  }
0x272: {  	s28 =	simm.s32 $0x0;
	s29 =	smov.u32 s22;
	[sflag:s0] =	ssyncadd.s32 @!p0 $0xFFFFD9B8  }
.LBB2_5:
0x273: {  	v42 =	vadd.s32 s29, v0;
	_ =	sdelay $0x4  }
0x274: {  	v42 =	vld.idx.msk [tilespmem:v42+s12+$0x0], $0xffff;
	_ =	sdelay $0x4  }
0x275: {  	(v2sf) =	vpush v42, $0x0  }
0x276: {  	(v2sf) =	vpush v42, $0x1  }
0x277: {  	(v2sf) =	vpush v42, $0x2  }
0x278: {  	(v2sf) =	vpush v42, $0x3;
	_ =	sdelay $0xb  }
0x279: {  	s0 =	spop (v2sf)  }
0x27a: {  	s30 =	spop (v2sf)  }
0x27b: {  	v44 =	vld [tilespmem:$0xA780];
	s31 =	spop (v2sf)  }
0x27c: {  	v45 =	vld [tilespmem:$0xA7C0];
	s1 =	spop (v2sf)  }
0x27d: {  	s1 =	ssub.f32 s1, s30  }
0x27e: {  	s0 =	ssub.f32 s31, s0  }
0x27f: {  	s31 =	smax.f32 s1, $1.000000000e+00  }
0x280: {  	v43 =	vbroadcast v42, $0x1;
	s1 =	smax.f32 s0, $1.000000000e+00;
	v46 =	vmul.f32 s31, v44  }
0x281: {  	v44 =	vbroadcast v42, $0x0;
	v57 =	vmul.f32 s1, v45  }
0x282: {  	v47 =	vadd.f32 v46, v43  }
0x283: {  	v42 =	vadd.f32 v57, v44  }
0x284: {  	v58 =	vtrunc.f32 v47  }
0x285: {  	v59 =	vtrunc.f32 v42;
	v45 =	vcvt.f32.s32 v58  }
0x286: {  	v46 =	vcvt.f32.s32 v59  }
0x287: {  	vm0 =	vgt.s32 v45, $0x0  }
0x288: {  	vm11 =	vgt.s32 v46, $0x0;
	v45 =	vnsel vm0, $0x0, v45  }
0x289: {  	v46 =	vnsel vm11, $0x0, v46;
	v48 =	vmin.u32 v45, $0x3E  }
0x28a: {  	v49 =	vmin.u32 v46, $0x3E;
	v45 =	vshll.u32 v48, $0x6  }
0x28b: {  	v45 =	vor.u32 v49, v45  }
0x28c: {  	v50 =	vadd.s32 $0x1, v45;
	v60 =	vadd.s32 $0x40, v45  }
0x28d: {  	v46 =	vand.u32 $0x7, v49;
	v51 =	vand.u32 $0x1FF8, v60  }
0x28e: {  	v48 =	vcvt.s32.f32 v48;
	v49 =	vcvt.s32.f32 v49;
	v51 =	vor.u32 v46, v51;
	_ =	sdelay $0x1  }
0x28f: {  	v53 =	vsub.f32 v47, v48;
	v61 =	vadd.s32 $0x41, v45;
	v52 =	vsub.f32 v42, v49;
	v54 =	vld.idx.msk [tilespmem:v45+s3+$0x0], $0xffff  }
0x290: {  	v50 =	vld.idx.msk [tilespmem:v50+s3+$0x0], $0xffff  }
0x291: {  	v63 =	vsub.f32 $1.000000000e+00, v53;
	v62 =	vsub.f32 $1.000000000e+00, v52  }
0x292: {  	v51 =	vld.idx.msk [tilespmem:v51+s3+$0x0], $0xffff  }
0x293: {  	v55 =	vmov s28;
	v49 =	vmul.f32 v63, v52;
	v48 =	vmul.f32 v62, v63  }
0x294: {  	v57 =	vmul.u32 $0x188, v55;
	v47 =	vmul.f32 v62, v53;
	v56 =	vld.idx.msk [tilespmem:v61+s3+$0x0], $0xffff  }
0x295: {  	v54 =	vmul.f32 v48, v54;
	v58 =	vmul.f32 v49, v50  }
0x296: {  	v42 =	vbroadcast v57, $0x0  }
0x297: {  	v50 =	vmul.f32 v52, v53;
	v59 =	vadd.f32 v58, v54;
	v51 =	vmul.f32 v47, v51  }
0x298: {  	v53 =	vadd.s32 v0, v42  }
0x299: {  	v61 =	vor.u32 $0x1000, v45;
	v60 =	vmul.f32 v50, v56;
	v51 =	vadd.f32 v59, v51  }
0x29a: {  	v62 =	vadd.s32 $0x1001, v45;
	v63 =	vadd.s32 $0x1040, v45  }
0x29b: {  	v57 =	vand.u32 $0x3FF8, v63;
	v51 =	vadd.f32 v51, v60  }
0x29c: {  	v52 =	vor.u32 v46, v57  }
0x29d: {  	[tilespmem:v53+s18+$0x0] =	vst.idx.msk $0xffff, v51  }
0x29e: {  	v58 =	vadd.s32 $0x1041, v45;
	v51 =	vld.idx.msk [tilespmem:v61+s3+$0x0], $0xffff  }
0x29f: {  	v59 =	vld.idx.msk [tilespmem:v62+s3+$0x0], $0xffff;
	_ =	sdelay $0x1  }
0x2a0: {  	v52 =	vld.idx.msk [tilespmem:v52+s3+$0x0], $0xffff;
	_ =	sdelay $0x1  }
0x2a1: {  	v53 =	vld.idx.msk [tilespmem:v58+s3+$0x0], $0xffff  }
0x2a2: {  	v51 =	vmul.f32 v48, v51;
	v54 =	vmul.f32 v49, v59;
	_ =	sdelay $0x1  }
0x2a3: {  	v52 =	vmul.f32 v47, v52;
	v51 =	vadd.f32 v54, v51  }
0x2a4: {  	v54 =	vadd.s32 v1, v42  }
0x2a5: {  	v61 =	vor.u32 $0x2000, v45;
	v60 =	vmul.f32 v50, v53;
	v51 =	vadd.f32 v51, v52  }
0x2a6: {  	v63 =	vadd.s32 $0x2040, v45;
	v62 =	vadd.s32 $0x2001, v45  }
0x2a7: {  	v58 =	vand.u32 $0x3FF8, v63;
	v51 =	vadd.f32 v51, v60  }
0x2a8: {  	v52 =	vor.u32 v46, v58  }
0x2a9: {  	[tilespmem:v54+s18+$0x0] =	vst.idx.msk $0xffff, v51  }
0x2aa: {  	v59 =	vadd.s32 $0x2041, v45;
	v51 =	vld.idx.msk [tilespmem:v61+s3+$0x0], $0xffff  }
0x2ab: {  	v54 =	vld.idx.msk [tilespmem:v62+s3+$0x0], $0xffff;
	_ =	sdelay $0x1  }
0x2ac: {  	v52 =	vld.idx.msk [tilespmem:v52+s3+$0x0], $0xffff;
	_ =	sdelay $0x1  }
0x2ad: {  	v53 =	vld.idx.msk [tilespmem:v59+s3+$0x0], $0xffff  }
0x2ae: {  	v51 =	vmul.f32 v48, v51;
	v54 =	vmul.f32 v49, v54;
	_ =	sdelay $0x1  }
0x2af: {  	v52 =	vmul.f32 v52, v47;
	v51 =	vadd.f32 v54, v51  }
0x2b0: {  	v54 =	vadd.s32 v2, v42  }
0x2b1: {  	v61 =	vor.u32 $0x3000, v45;
	v60 =	vmul.f32 v53, v50;
	v51 =	vadd.f32 v52, v51  }
0x2b2: {  	v63 =	vadd.s32 $0x3040, v45;
	v62 =	vadd.s32 $0x3001, v45  }
0x2b3: {  	v58 =	vand.u32 $0x7FF8, v63;
	v51 =	vadd.f32 v60, v51  }
0x2b4: {  	v52 =	vor.u32 v46, v58  }
0x2b5: {  	[tilespmem:v54+s18+$0x0] =	vst.idx.msk $0xffff, v51  }
0x2b6: {  	v59 =	vadd.s32 $0x3041, v45;
	v51 =	vld.idx.msk [tilespmem:v61+s3+$0x0], $0xffff  }
0x2b7: {  	v54 =	vld.idx.msk [tilespmem:v62+s3+$0x0], $0xffff;
	_ =	sdelay $0x1  }
0x2b8: {  	v52 =	vld.idx.msk [tilespmem:v52+s3+$0x0], $0xffff;
	_ =	sdelay $0x1  }
0x2b9: {  	v53 =	vld.idx.msk [tilespmem:v59+s3+$0x0], $0xffff  }
0x2ba: {  	v51 =	vmul.f32 v51, v48;
	v54 =	vmul.f32 v54, v49;
	_ =	sdelay $0x1  }
0x2bb: {  	v52 =	vmul.f32 v52, v47;
	v51 =	vadd.f32 v54, v51  }
0x2bc: {  	v54 =	vadd.s32 v3, v42  }
0x2bd: {  	v61 =	vor.u32 $0x4000, v45;
	v60 =	vmul.f32 v53, v50;
	v51 =	vadd.f32 v52, v51  }
0x2be: {  	v63 =	vadd.s32 $0x4040, v45;
	v62 =	vadd.s32 $0x4001, v45  }
0x2bf: {  	v58 =	vand.u32 $0x5FF8, v63;
	v51 =	vadd.f32 v60, v51  }
0x2c0: {  	v52 =	vor.u32 v46, v58  }
0x2c1: {  	[tilespmem:v54+s18+$0x0] =	vst.idx.msk $0xffff, v51  }
0x2c2: {  	v59 =	vadd.s32 $0x4041, v45;
	v51 =	vld.idx.msk [tilespmem:v61+s3+$0x0], $0xffff  }
0x2c3: {  	v54 =	vld.idx.msk [tilespmem:v62+s3+$0x0], $0xffff;
	_ =	sdelay $0x1  }
0x2c4: {  	v52 =	vld.idx.msk [tilespmem:v52+s3+$0x0], $0xffff;
	_ =	sdelay $0x1  }
0x2c5: {  	v53 =	vld.idx.msk [tilespmem:v59+s3+$0x0], $0xffff  }
0x2c6: {  	v51 =	vmul.f32 v51, v48;
	v54 =	vmul.f32 v54, v49;
	_ =	sdelay $0x1  }
0x2c7: {  	v52 =	vmul.f32 v52, v47;
	v51 =	vadd.f32 v54, v51  }
0x2c8: {  	v54 =	vadd.s32 v4, v42  }
0x2c9: {  	v61 =	vor.u32 $0x5000, v45;
	v60 =	vmul.f32 v53, v50;
	v51 =	vadd.f32 v52, v51  }
0x2ca: {  	v63 =	vadd.s32 $0x5040, v45;
	v62 =	vadd.s32 $0x5001, v45  }
0x2cb: {  	v58 =	vand.u32 $0x7FF8, v63;
	v51 =	vadd.f32 v60, v51  }
0x2cc: {  	v52 =	vor.u32 v46, v58  }
0x2cd: {  	[tilespmem:v54+s18+$0x0] =	vst.idx.msk $0xffff, v51  }
0x2ce: {  	v59 =	vadd.s32 $0x5041, v45;
	v51 =	vld.idx.msk [tilespmem:v61+s3+$0x0], $0xffff  }
0x2cf: {  	v54 =	vld.idx.msk [tilespmem:v62+s3+$0x0], $0xffff;
	_ =	sdelay $0x1  }
0x2d0: {  	v52 =	vld.idx.msk [tilespmem:v52+s3+$0x0], $0xffff;
	_ =	sdelay $0x1  }
0x2d1: {  	v53 =	vld.idx.msk [tilespmem:v59+s3+$0x0], $0xffff  }
0x2d2: {  	v51 =	vmul.f32 v51, v48;
	v54 =	vmul.f32 v54, v49;
	_ =	sdelay $0x1  }
0x2d3: {  	v52 =	vmul.f32 v52, v47;
	v51 =	vadd.f32 v54, v51  }
0x2d4: {  	v54 =	vadd.s32 v5, v42  }
0x2d5: {  	v61 =	vor.u32 $0x6000, v45;
	v60 =	vmul.f32 v53, v50;
	v51 =	vadd.f32 v52, v51  }
0x2d6: {  	v63 =	vadd.s32 $0x6040, v45;
	v62 =	vadd.s32 $0x6001, v45  }
0x2d7: {  	v51 =	vadd.f32 v60, v51;
	v60 =	vand.u32 $0x7FF8, v63  }
0x2d8: {  	v52 =	vor.u32 v46, v60  }
0x2d9: {  	[tilespmem:v54+s18+$0x0] =	vst.idx.msk $0xffff, v51  }
0x2da: {  	v51 =	vld.idx.msk [tilespmem:v61+s3+$0x0], $0xffff;
	v61 =	vadd.s32 $0x6041, v45  }
0x2db: {  	v54 =	vld.idx.msk [tilespmem:v62+s3+$0x0], $0xffff;
	_ =	sdelay $0x1  }
0x2dc: {  	v52 =	vld.idx.msk [tilespmem:v52+s3+$0x0], $0xffff;
	_ =	sdelay $0x1  }
0x2dd: {  	v53 =	vld.idx.msk [tilespmem:v61+s3+$0x0], $0xffff  }
0x2de: {  	v51 =	vmul.f32 v51, v48;
	v54 =	vmul.f32 v54, v49;
	_ =	sdelay $0x1  }
0x2df: {  	v51 =	vadd.f32 v54, v51;
	v52 =	vmul.f32 v52, v47  }
0x2e0: {  	v54 =	vadd.s32 v6, v42  }
0x2e1: {  	v63 =	vor.u32 $0x7000, v45;
	v51 =	vadd.f32 v52, v51;
	v62 =	vmul.f32 v53, v50  }
0x2e2: {  	v60 =	vadd.s32 $0x7001, v45;
	v61 =	vadd.s32 $0x7040, v45  }
0x2e3: {  	v51 =	vadd.f32 v62, v51;
	v62 =	vand.u32 $0xFFF8, v61  }
0x2e4: {  	v46 =	vor.u32 v46, v62  }
0x2e5: {  	[tilespmem:v54+s18+$0x0] =	vst.idx.msk $0xffff, v51  }
0x2e6: {  	v45 =	vadd.s32 $0x7041, v45;
	v51 =	vld.idx.msk [tilespmem:v63+s3+$0x0], $0xffff  }
0x2e7: {  	v63 =	vld.idx.msk [tilespmem:v60+s3+$0x0], $0xffff;
	_ =	sdelay $0x1  }
0x2e8: {  	v46 =	vld.idx.msk [tilespmem:v46+s3+$0x0], $0xffff;
	_ =	sdelay $0x1  }
0x2e9: {  	v45 =	vld.idx.msk [tilespmem:v45+s3+$0x0], $0xffff  }
0x2ea: {  	v48 =	vmul.f32 v51, v48;
	v49 =	vmul.f32 v63, v49;
	_ =	sdelay $0x1  }
0x2eb: {  	v48 =	vadd.f32 v49, v48;
	v46 =	vmul.f32 v46, v47  }
0x2ec: {  	v54 =	vadd.s32 v7, v42  }
0x2ed: {  	v45 =	vmul.f32 v45, v50;
	v46 =	vadd.f32 v46, v48;
	_ =	sdelay $0x1  }
0x2ee: {  	v45 =	vadd.f32 v45, v46;
	_ =	sdelay $0x1  }
0x2ef: {  	[tilespmem:v54+s18+$0x0] =	vst.idx.msk $0xffff, v45  }
0x2f0: {  	v45 =	vld [tilespmem:$0xA790]  }
0x2f1: {  	v55 =	vld [tilespmem:$0xA7D0];
	_ =	sdelay $0x3  }
0x2f2: {  	v45 =	vmul.f32 s31, v45  }
0x2f3: {  	v46 =	vmul.f32 s1, v55  }
0x2f4: {  	v56 =	vadd.f32 v45, v43  }
0x2f5: {  	v57 =	vadd.f32 v46, v44  }
0x2f6: {  	v45 =	vtrunc.f32 v56  }
0x2f7: {  	v46 =	vtrunc.f32 v57;
	v45 =	vcvt.f32.s32 v45  }
0x2f8: {  	v46 =	vcvt.f32.s32 v46  }
0x2f9: {  	vm12 =	vgt.s32 v45, $0x0  }
0x2fa: {  	vm13 =	vgt.s32 v46, $0x0;
	v45 =	vnsel vm12, $0x0, v45  }
0x2fb: {  	v46 =	vnsel vm13, $0x0, v46;
	v58 =	vmin.u32 v45, $0x3E  }
0x2fc: {  	v59 =	vmin.u32 v46, $0x3E;
	v45 =	vshll.u32 v58, $0x6  }
0x2fd: {  	v45 =	vor.u32 v59, v45  }
0x2fe: {  	v60 =	vadd.s32 $0x1, v45;
	v61 =	vadd.s32 $0x40, v45  }
0x2ff: {  	v46 =	vand.u32 $0x7, v59;
	v62 =	vand.u32 $0x1FF8, v61  }
0x300: {  	v50 =	vcvt.s32.f32 v59;
	v49 =	vcvt.s32.f32 v58;
	v52 =	vor.u32 v46, v62;
	_ =	sdelay $0x1  }
0x301: {  	v50 =	vsub.f32 v57, v50;
	v63 =	vsub.f32 v56, v49;
	v57 =	vadd.s32 $0x41, v45;
	v58 =	vld.idx.msk [tilespmem:v45+s3+$0x0], $0xffff  }
0x302: {  	v51 =	vld.idx.msk [tilespmem:v60+s3+$0x0], $0xffff  }
0x303: {  	v59 =	vsub.f32 $1.000000000e+00, v50;
	v49 =	vsub.f32 $1.000000000e+00, v63  }
0x304: {  	v52 =	vld.idx.msk [tilespmem:v52+s3+$0x0], $0xffff  }
0x305: {  	v48 =	vmul.f32 v49, v59;
	v49 =	vmul.f32 v49, v50  }
0x306: {  	v47 =	vmul.f32 v59, v63;
	v54 =	vld.idx.msk [tilespmem:v57+s3+$0x0], $0xffff  }
0x307: {  	v55 =	vmul.f32 v48, v58;
	v51 =	vmul.f32 v49, v51;
	_ =	sdelay $0x1  }
0x308: {  	v50 =	vmul.f32 v63, v50;
	v51 =	vadd.f32 v51, v55;
	v52 =	vmul.f32 v47, v52  }
0x309: {  	v53 =	vadd.s32 v8, v42  }
0x30a: {  	v61 =	vor.u32 $0x1000, v45;
	v60 =	vmul.f32 v50, v54;
	v51 =	vadd.f32 v51, v52  }
0x30b: {  	v62 =	vadd.s32 $0x1001, v45;
	v63 =	vadd.s32 $0x1040, v45  }
0x30c: {  	v57 =	vand.u32 $0x3FF8, v63;
	v51 =	vadd.f32 v51, v60  }
0x30d: {  	v52 =	vor.u32 v46, v57  }
0x30e: {  	[tilespmem:v53+s18+$0x0] =	vst.idx.msk $0xffff, v51  }
0x30f: {  	v58 =	vadd.s32 $0x1041, v45;
	v51 =	vld.idx.msk [tilespmem:v61+s3+$0x0], $0xffff  }
0x310: {  	v59 =	vld.idx.msk [tilespmem:v62+s3+$0x0], $0xffff;
	_ =	sdelay $0x1  }
0x311: {  	v52 =	vld.idx.msk [tilespmem:v52+s3+$0x0], $0xffff;
	_ =	sdelay $0x1  }
0x312: {  	v53 =	vld.idx.msk [tilespmem:v58+s3+$0x0], $0xffff  }
0x313: {  	v51 =	vmul.f32 v48, v51;
	v54 =	vmul.f32 v49, v59;
	_ =	sdelay $0x1  }
0x314: {  	v52 =	vmul.f32 v47, v52;
	v51 =	vadd.f32 v54, v51  }
0x315: {  	v54 =	vadd.s32 v9, v42  }
0x316: {  	v61 =	vor.u32 $0x2000, v45;
	v60 =	vmul.f32 v53, v50;
	v51 =	vadd.f32 v51, v52  }
0x317: {  	v63 =	vadd.s32 $0x2040, v45;
	v62 =	vadd.s32 $0x2001, v45  }
0x318: {  	v58 =	vand.u32 $0x3FF8, v63;
	v51 =	vadd.f32 v51, v60  }
0x319: {  	v52 =	vor.u32 v46, v58  }
0x31a: {  	[tilespmem:v54+s18+$0x0] =	vst.idx.msk $0xffff, v51  }
0x31b: {  	v59 =	vadd.s32 $0x2041, v45;
	v51 =	vld.idx.msk [tilespmem:v61+s3+$0x0], $0xffff  }
0x31c: {  	v54 =	vld.idx.msk [tilespmem:v62+s3+$0x0], $0xffff;
	_ =	sdelay $0x1  }
0x31d: {  	v52 =	vld.idx.msk [tilespmem:v52+s3+$0x0], $0xffff;
	_ =	sdelay $0x1  }
0x31e: {  	v53 =	vld.idx.msk [tilespmem:v59+s3+$0x0], $0xffff  }
0x31f: {  	v51 =	vmul.f32 v51, v48;
	v54 =	vmul.f32 v54, v49;
	_ =	sdelay $0x1  }
0x320: {  	v52 =	vmul.f32 v52, v47;
	v51 =	vadd.f32 v54, v51  }
0x321: {  	v54 =	vadd.s32 v10, v42  }
0x322: {  	v61 =	vor.u32 $0x3000, v45;
	v60 =	vmul.f32 v53, v50;
	v51 =	vadd.f32 v52, v51  }
0x323: {  	v63 =	vadd.s32 $0x3040, v45;
	v62 =	vadd.s32 $0x3001, v45  }
0x324: {  	v58 =	vand.u32 $0x7FF8, v63;
	v51 =	vadd.f32 v60, v51  }
0x325: {  	v52 =	vor.u32 v46, v58  }
0x326: {  	[tilespmem:v54+s18+$0x0] =	vst.idx.msk $0xffff, v51  }
0x327: {  	v59 =	vadd.s32 $0x3041, v45;
	v51 =	vld.idx.msk [tilespmem:v61+s3+$0x0], $0xffff  }
0x328: {  	v54 =	vld.idx.msk [tilespmem:v62+s3+$0x0], $0xffff;
	_ =	sdelay $0x1  }
0x329: {  	v52 =	vld.idx.msk [tilespmem:v52+s3+$0x0], $0xffff;
	_ =	sdelay $0x1  }
0x32a: {  	v53 =	vld.idx.msk [tilespmem:v59+s3+$0x0], $0xffff  }
0x32b: {  	v51 =	vmul.f32 v51, v48;
	v54 =	vmul.f32 v54, v49;
	_ =	sdelay $0x1  }
0x32c: {  	v52 =	vmul.f32 v52, v47;
	v51 =	vadd.f32 v54, v51  }
0x32d: {  	v54 =	vadd.s32 v11, v42  }
0x32e: {  	v61 =	vor.u32 $0x4000, v45;
	v60 =	vmul.f32 v53, v50;
	v51 =	vadd.f32 v52, v51  }
0x32f: {  	v63 =	vadd.s32 $0x4040, v45;
	v62 =	vadd.s32 $0x4001, v45  }
0x330: {  	v58 =	vand.u32 $0x5FF8, v63;
	v51 =	vadd.f32 v60, v51  }
0x331: {  	v52 =	vor.u32 v46, v58  }
0x332: {  	[tilespmem:v54+s18+$0x0] =	vst.idx.msk $0xffff, v51  }
0x333: {  	v59 =	vadd.s32 $0x4041, v45;
	v51 =	vld.idx.msk [tilespmem:v61+s3+$0x0], $0xffff  }
0x334: {  	v54 =	vld.idx.msk [tilespmem:v62+s3+$0x0], $0xffff;
	_ =	sdelay $0x1  }
0x335: {  	v52 =	vld.idx.msk [tilespmem:v52+s3+$0x0], $0xffff;
	_ =	sdelay $0x1  }
0x336: {  	v53 =	vld.idx.msk [tilespmem:v59+s3+$0x0], $0xffff  }
0x337: {  	v51 =	vmul.f32 v51, v48;
	v54 =	vmul.f32 v54, v49;
	_ =	sdelay $0x1  }
0x338: {  	v52 =	vmul.f32 v52, v47;
	v51 =	vadd.f32 v54, v51  }
0x339: {  	v54 =	vadd.s32 v12, v42  }
0x33a: {  	v61 =	vor.u32 $0x5000, v45;
	v60 =	vmul.f32 v53, v50;
	v51 =	vadd.f32 v52, v51  }
0x33b: {  	v63 =	vadd.s32 $0x5040, v45;
	v62 =	vadd.s32 $0x5001, v45  }
0x33c: {  	v58 =	vand.u32 $0x7FF8, v63;
	v51 =	vadd.f32 v60, v51  }
0x33d: {  	v52 =	vor.u32 v46, v58  }
0x33e: {  	[tilespmem:v54+s18+$0x0] =	vst.idx.msk $0xffff, v51  }
0x33f: {  	v59 =	vadd.s32 $0x5041, v45;
	v51 =	vld.idx.msk [tilespmem:v61+s3+$0x0], $0xffff  }
0x340: {  	v54 =	vld.idx.msk [tilespmem:v62+s3+$0x0], $0xffff;
	_ =	sdelay $0x1  }
0x341: {  	v52 =	vld.idx.msk [tilespmem:v52+s3+$0x0], $0xffff;
	_ =	sdelay $0x1  }
0x342: {  	v53 =	vld.idx.msk [tilespmem:v59+s3+$0x0], $0xffff  }
0x343: {  	v51 =	vmul.f32 v51, v48;
	v54 =	vmul.f32 v54, v49;
	_ =	sdelay $0x1  }
0x344: {  	v52 =	vmul.f32 v52, v47;
	v51 =	vadd.f32 v54, v51  }
0x345: {  	v54 =	vadd.s32 v13, v42  }
0x346: {  	v61 =	vor.u32 $0x6000, v45;
	v60 =	vmul.f32 v53, v50;
	v51 =	vadd.f32 v52, v51  }
0x347: {  	v63 =	vadd.s32 $0x6040, v45;
	v62 =	vadd.s32 $0x6001, v45  }
0x348: {  	v51 =	vadd.f32 v60, v51;
	v60 =	vand.u32 $0x7FF8, v63  }
0x349: {  	v52 =	vor.u32 v46, v60  }
0x34a: {  	[tilespmem:v54+s18+$0x0] =	vst.idx.msk $0xffff, v51  }
0x34b: {  	v51 =	vld.idx.msk [tilespmem:v61+s3+$0x0], $0xffff;
	v61 =	vadd.s32 $0x6041, v45  }
0x34c: {  	v54 =	vld.idx.msk [tilespmem:v62+s3+$0x0], $0xffff;
	_ =	sdelay $0x1  }
0x34d: {  	v52 =	vld.idx.msk [tilespmem:v52+s3+$0x0], $0xffff;
	_ =	sdelay $0x1  }
0x34e: {  	v53 =	vld.idx.msk [tilespmem:v61+s3+$0x0], $0xffff  }
0x34f: {  	v51 =	vmul.f32 v51, v48;
	v54 =	vmul.f32 v54, v49;
	_ =	sdelay $0x1  }
0x350: {  	v51 =	vadd.f32 v54, v51;
	v52 =	vmul.f32 v52, v47  }
0x351: {  	v54 =	vadd.s32 v14, v42  }
0x352: {  	v63 =	vor.u32 $0x7000, v45;
	v51 =	vadd.f32 v52, v51;
	v62 =	vmul.f32 v53, v50  }
0x353: {  	v60 =	vadd.s32 $0x7001, v45;
	v61 =	vadd.s32 $0x7040, v45  }
0x354: {  	v51 =	vadd.f32 v62, v51;
	v62 =	vand.u32 $0xFFF8, v61  }
0x355: {  	v46 =	vor.u32 v46, v62  }
0x356: {  	[tilespmem:v54+s18+$0x0] =	vst.idx.msk $0xffff, v51  }
0x357: {  	v45 =	vadd.s32 $0x7041, v45;
	v51 =	vld.idx.msk [tilespmem:v63+s3+$0x0], $0xffff  }
0x358: {  	v63 =	vld.idx.msk [tilespmem:v60+s3+$0x0], $0xffff;
	_ =	sdelay $0x1  }
0x359: {  	v46 =	vld.idx.msk [tilespmem:v46+s3+$0x0], $0xffff;
	_ =	sdelay $0x1  }
0x35a: {  	v45 =	vld.idx.msk [tilespmem:v45+s3+$0x0], $0xffff  }
0x35b: {  	v48 =	vmul.f32 v51, v48;
	v49 =	vmul.f32 v63, v49;
	_ =	sdelay $0x1  }
0x35c: {  	v48 =	vadd.f32 v49, v48;
	v46 =	vmul.f32 v46, v47  }
0x35d: {  	v56 =	vadd.s32 v15, v42  }
0x35e: {  	v45 =	vmul.f32 v45, v50;
	v46 =	vadd.f32 v46, v48;
	_ =	sdelay $0x1  }
0x35f: {  	v45 =	vadd.f32 v45, v46;
	_ =	sdelay $0x1  }
0x360: {  	[tilespmem:v56+s18+$0x0] =	vst.idx.msk $0xffff, v45  }
0x361: {  	v45 =	vld [tilespmem:$0xA7A0]  }
0x362: {  	v57 =	vld [tilespmem:$0xA7E0];
	_ =	sdelay $0x3  }
0x363: {  	v45 =	vmul.f32 s31, v45  }
0x364: {  	v46 =	vmul.f32 s1, v57  }
0x365: {  	v45 =	vadd.f32 v45, v43  }
0x366: {  	v46 =	vadd.f32 v46, v44  }
0x367: {  	v43 =	vtrunc.f32 v45  }
0x368: {  	v44 =	vtrunc.f32 v46;
	v43 =	vcvt.f32.s32 v43  }
0x369: {  	v44 =	vcvt.f32.s32 v44  }
0x36a: {  	vm14 =	vgt.s32 v43, $0x0  }
0x36b: {  	vm15 =	vgt.s32 v44, $0x0;
	v43 =	vnsel vm14, $0x0, v43  }
0x36c: {  	v44 =	vnsel vm15, $0x0, v44;
	v58 =	vmin.u32 v43, $0x3E  }
0x36d: {  	v59 =	vmin.u32 v44, $0x3E;
	v43 =	vshll.u32 v58, $0x6  }
0x36e: {  	v43 =	vor.u32 v59, v43  }
0x36f: {  	v60 =	vadd.s32 $0x1, v43;
	v61 =	vadd.s32 $0x40, v43  }
0x370: {  	v44 =	vand.u32 $0x7, v59;
	v62 =	vand.u32 $0x1FF8, v61  }
0x371: {  	v48 =	vcvt.s32.f32 v59;
	v47 =	vcvt.s32.f32 v58;
	v50 =	vor.u32 v44, v62;
	_ =	sdelay $0x1  }
0x372: {  	v48 =	vsub.f32 v46, v48;
	v63 =	vsub.f32 v45, v47;
	v56 =	vadd.s32 $0x41, v43;
	v57 =	vld.idx.msk [tilespmem:v43+s3+$0x0], $0xffff  }
0x373: {  	v49 =	vld.idx.msk [tilespmem:v60+s3+$0x0], $0xffff  }
0x374: {  	v58 =	vsub.f32 $1.000000000e+00, v48;
	v47 =	vsub.f32 $1.000000000e+00, v63  }
0x375: {  	v50 =	vld.idx.msk [tilespmem:v50+s3+$0x0], $0xffff  }
0x376: {  	v46 =	vmul.f32 v47, v58;
	v47 =	vmul.f32 v47, v48  }
0x377: {  	v45 =	vmul.f32 v58, v63;
	v52 =	vld.idx.msk [tilespmem:v56+s3+$0x0], $0xffff  }
0x378: {  	v53 =	vmul.f32 v46, v57;
	v49 =	vmul.f32 v47, v49;
	_ =	sdelay $0x1  }
0x379: {  	v48 =	vmul.f32 v63, v48;
	v49 =	vadd.f32 v49, v53;
	v50 =	vmul.f32 v45, v50  }
0x37a: {  	v59 =	vadd.s32 v16, v42  }
0x37b: {  	v61 =	vor.u32 $0x1000, v43;
	v60 =	vmul.f32 v48, v52;
	v49 =	vadd.f32 v49, v50  }
0x37c: {  	v62 =	vadd.s32 $0x1001, v43;
	v63 =	vadd.s32 $0x1040, v43  }
0x37d: {  	v56 =	vand.u32 $0x3FF8, v63;
	v49 =	vadd.f32 v49, v60  }
0x37e: {  	v50 =	vor.u32 v44, v56  }
0x37f: {  	[tilespmem:v59+s18+$0x0] =	vst.idx.msk $0xffff, v49  }
0x380: {  	v57 =	vadd.s32 $0x1041, v43;
	v49 =	vld.idx.msk [tilespmem:v61+s3+$0x0], $0xffff  }
0x381: {  	v58 =	vld.idx.msk [tilespmem:v62+s3+$0x0], $0xffff;
	_ =	sdelay $0x1  }
0x382: {  	v50 =	vld.idx.msk [tilespmem:v50+s3+$0x0], $0xffff;
	_ =	sdelay $0x1  }
0x383: {  	v51 =	vld.idx.msk [tilespmem:v57+s3+$0x0], $0xffff  }
0x384: {  	v49 =	vmul.f32 v46, v49;
	v52 =	vmul.f32 v47, v58;
	_ =	sdelay $0x1  }
0x385: {  	v50 =	vmul.f32 v45, v50;
	v49 =	vadd.f32 v52, v49  }
0x386: {  	v59 =	vadd.s32 v17, v42  }
0x387: {  	v61 =	vor.u32 $0x2000, v43;
	v60 =	vmul.f32 v51, v48;
	v49 =	vadd.f32 v49, v50  }
0x388: {  	v63 =	vadd.s32 $0x2040, v43;
	v62 =	vadd.s32 $0x2001, v43  }
0x389: {  	v57 =	vand.u32 $0x3FF8, v63;
	v49 =	vadd.f32 v49, v60  }
0x38a: {  	v50 =	vor.u32 v44, v57  }
0x38b: {  	[tilespmem:v59+s18+$0x0] =	vst.idx.msk $0xffff, v49  }
0x38c: {  	v58 =	vadd.s32 $0x2041, v43;
	v49 =	vld.idx.msk [tilespmem:v61+s3+$0x0], $0xffff  }
0x38d: {  	v52 =	vld.idx.msk [tilespmem:v62+s3+$0x0], $0xffff;
	_ =	sdelay $0x1  }
0x38e: {  	v50 =	vld.idx.msk [tilespmem:v50+s3+$0x0], $0xffff;
	_ =	sdelay $0x1  }
0x38f: {  	v51 =	vld.idx.msk [tilespmem:v58+s3+$0x0], $0xffff  }
0x390: {  	v49 =	vmul.f32 v49, v46;
	v52 =	vmul.f32 v52, v47;
	_ =	sdelay $0x1  }
0x391: {  	v50 =	vmul.f32 v50, v45;
	v49 =	vadd.f32 v52, v49  }
0x392: {  	v59 =	vadd.s32 v18, v42  }
0x393: {  	v61 =	vor.u32 $0x3000, v43;
	v60 =	vmul.f32 v51, v48;
	v49 =	vadd.f32 v50, v49  }
0x394: {  	v63 =	vadd.s32 $0x3040, v43;
	v62 =	vadd.s32 $0x3001, v43  }
0x395: {  	v57 =	vand.u32 $0x7FF8, v63;
	v49 =	vadd.f32 v60, v49  }
0x396: {  	v50 =	vor.u32 v44, v57  }
0x397: {  	[tilespmem:v59+s18+$0x0] =	vst.idx.msk $0xffff, v49  }
0x398: {  	v58 =	vadd.s32 $0x3041, v43;
	v49 =	vld.idx.msk [tilespmem:v61+s3+$0x0], $0xffff  }
0x399: {  	v52 =	vld.idx.msk [tilespmem:v62+s3+$0x0], $0xffff;
	_ =	sdelay $0x1  }
0x39a: {  	v50 =	vld.idx.msk [tilespmem:v50+s3+$0x0], $0xffff;
	_ =	sdelay $0x1  }
0x39b: {  	v51 =	vld.idx.msk [tilespmem:v58+s3+$0x0], $0xffff  }
0x39c: {  	v49 =	vmul.f32 v49, v46;
	v52 =	vmul.f32 v52, v47;
	_ =	sdelay $0x1  }
0x39d: {  	v50 =	vmul.f32 v50, v45;
	v49 =	vadd.f32 v52, v49  }
0x39e: {  	v59 =	vadd.s32 v19, v42  }
0x39f: {  	v61 =	vor.u32 $0x4000, v43;
	v60 =	vmul.f32 v51, v48;
	v49 =	vadd.f32 v50, v49  }
0x3a0: {  	v63 =	vadd.s32 $0x4040, v43;
	v62 =	vadd.s32 $0x4001, v43  }
0x3a1: {  	v57 =	vand.u32 $0x5FF8, v63;
	v49 =	vadd.f32 v60, v49  }
0x3a2: {  	v50 =	vor.u32 v44, v57  }
0x3a3: {  	[tilespmem:v59+s18+$0x0] =	vst.idx.msk $0xffff, v49  }
0x3a4: {  	v58 =	vadd.s32 $0x4041, v43;
	v49 =	vld.idx.msk [tilespmem:v61+s3+$0x0], $0xffff  }
0x3a5: {  	v52 =	vld.idx.msk [tilespmem:v62+s3+$0x0], $0xffff;
	_ =	sdelay $0x1  }
0x3a6: {  	v50 =	vld.idx.msk [tilespmem:v50+s3+$0x0], $0xffff;
	_ =	sdelay $0x1  }
0x3a7: {  	v51 =	vld.idx.msk [tilespmem:v58+s3+$0x0], $0xffff  }
0x3a8: {  	v49 =	vmul.f32 v49, v46;
	v52 =	vmul.f32 v52, v47;
	_ =	sdelay $0x1  }
0x3a9: {  	v50 =	vmul.f32 v50, v45;
	v49 =	vadd.f32 v52, v49  }
0x3aa: {  	v59 =	vadd.s32 v20, v42  }
0x3ab: {  	v61 =	vor.u32 $0x5000, v43;
	v60 =	vmul.f32 v51, v48;
	v49 =	vadd.f32 v50, v49  }
0x3ac: {  	v63 =	vadd.s32 $0x5040, v43;
	v62 =	vadd.s32 $0x5001, v43  }
0x3ad: {  	v57 =	vand.u32 $0x7FF8, v63;
	v49 =	vadd.f32 v60, v49  }
0x3ae: {  	v50 =	vor.u32 v44, v57  }
0x3af: {  	[tilespmem:v59+s18+$0x0] =	vst.idx.msk $0xffff, v49  }
0x3b0: {  	v58 =	vadd.s32 $0x5041, v43;
	v49 =	vld.idx.msk [tilespmem:v61+s3+$0x0], $0xffff  }
0x3b1: {  	v52 =	vld.idx.msk [tilespmem:v62+s3+$0x0], $0xffff;
	_ =	sdelay $0x1  }
0x3b2: {  	v50 =	vld.idx.msk [tilespmem:v50+s3+$0x0], $0xffff;
	_ =	sdelay $0x1  }
0x3b3: {  	v51 =	vld.idx.msk [tilespmem:v58+s3+$0x0], $0xffff  }
0x3b4: {  	v49 =	vmul.f32 v49, v46;
	v52 =	vmul.f32 v52, v47;
	_ =	sdelay $0x1  }
0x3b5: {  	v50 =	vmul.f32 v50, v45;
	v49 =	vadd.f32 v52, v49  }
0x3b6: {  	v59 =	vadd.s32 v21, v42  }
0x3b7: {  	v61 =	vor.u32 $0x6000, v43;
	v60 =	vmul.f32 v51, v48;
	v49 =	vadd.f32 v50, v49  }
0x3b8: {  	v63 =	vadd.s32 $0x6040, v43;
	v62 =	vadd.s32 $0x6001, v43  }
0x3b9: {  	v55 =	vand.u32 $0x7FF8, v63;
	v49 =	vadd.f32 v60, v49  }
0x3ba: {  	v50 =	vor.u32 v44, v55  }
0x3bb: {  	[tilespmem:v59+s18+$0x0] =	vst.idx.msk $0xffff, v49  }
0x3bc: {  	v56 =	vadd.s32 $0x6041, v43;
	v49 =	vld.idx.msk [tilespmem:v61+s3+$0x0], $0xffff  }
0x3bd: {  	v52 =	vld.idx.msk [tilespmem:v62+s3+$0x0], $0xffff;
	_ =	sdelay $0x1  }
0x3be: {  	v50 =	vld.idx.msk [tilespmem:v50+s3+$0x0], $0xffff;
	_ =	sdelay $0x1  }
0x3bf: {  	v51 =	vld.idx.msk [tilespmem:v56+s3+$0x0], $0xffff  }
0x3c0: {  	v49 =	vmul.f32 v49, v46;
	v52 =	vmul.f32 v52, v47;
	_ =	sdelay $0x1  }
0x3c1: {  	v50 =	vmul.f32 v50, v45;
	v49 =	vadd.f32 v52, v49  }
0x3c2: {  	v57 =	vadd.s32 v23, v42  }
0x3c3: {  	v59 =	vor.u32 $0x7000, v43;
	v58 =	vmul.f32 v51, v48;
	v49 =	vadd.f32 v50, v49  }
0x3c4: {  	v60 =	vadd.s32 $0x7001, v43;
	v61 =	vadd.s32 $0x7040, v43  }
0x3c5: {  	v62 =	vand.u32 $0xFFF8, v61;
	v49 =	vadd.f32 v58, v49  }
0x3c6: {  	v44 =	vor.u32 v44, v62  }
0x3c7: {  	[tilespmem:v57+s18+$0x0] =	vst.idx.msk $0xffff, v49  }
0x3c8: {  	v43 =	vadd.s32 $0x7041, v43;
	v49 =	vld.idx.msk [tilespmem:v59+s3+$0x0], $0xffff  }
0x3c9: {  	v63 =	vld.idx.msk [tilespmem:v60+s3+$0x0], $0xffff;
	_ =	sdelay $0x1  }
0x3ca: {  	v44 =	vld.idx.msk [tilespmem:v44+s3+$0x0], $0xffff;
	_ =	sdelay $0x1  }
0x3cb: {  	v43 =	vld.idx.msk [tilespmem:v43+s3+$0x0], $0xffff  }
0x3cc: {  	v46 =	vmul.f32 v49, v46;
	v47 =	vmul.f32 v63, v47;
	_ =	sdelay $0x1  }
0x3cd: {  	v44 =	vmul.f32 v44, v45;
	v46 =	vadd.f32 v47, v46  }
0x3ce: {  	p0 =	sne.s32 s28, $0x18;
	v42 =	vadd.s32 v24, v42  }
.Ltmp1:
0x3cf: {  	v43 =	vmul.f32 v43, v48;
	v44 =	vadd.f32 v44, v46;
	(pc) =	sbr.rel @p0 .LBB2_5-.Ltmp1, $3  }
0x3d0: {  	_ = 	snop  }
0x3d1: {  	v43 =	vadd.f32 v43, v44;
	_ =	sdelay $0x1  }
0x3d2: {  	s29 =	sadd.s32 $0x4, s29;
	s28 =	sadd.s32 $0x1, s28;
	[tilespmem:v42+s18+$0x0] =	vst.idx.msk $0xffff, v43  }
0x3d3: {  	v42 =	vmov s26  }
0x3d4: {  	v42 =	vshll.u32 v42, $0x2  }
0x3d5: {  	v42 =	vadd.s32 v25, v42  }
0x3d6: {  	v43 =	vor.u32 $0x1, v42  }
0x3d7: {  	v44 =	vor.u32 $0x3, v42  }
0x3d8: {  	v45 =	vor.u32 $0x2, v42;
	_ =	sdelay $0x1  }
0x3d9: {  	v42 =	vld.idx.msk [tilespmem:v42+s12+$0x0], $0xffff  }
0x3da: {  	v43 =	vld.idx.msk [tilespmem:v43+s12+$0x0], $0xffff  }
0x3db: {  	v44 =	vld.idx.msk [tilespmem:v44+s12+$0x0], $0xffff  }
0x3dc: {  	v45 =	vld.idx.msk [tilespmem:v45+s12+$0x0], $0xffff;
	_ =	sdelay $0x3  }
0x3dd: {  	v44 =	vsub.f32 v44, v43  }
0x3de: {  	v45 =	vsub.f32 v45, v42  }
0x3df: {  	v44 =	vmax.f32 v44, $1.000000000e+00  }
0x3e0: {  	v45 =	vmax.f32 v45, $1.000000000e+00;
	v44 =	vadd.f32 v44, v43  }
0x3e1: {  	v45 =	vadd.f32 v45, v42  }
0x3e2: {  	v51 =	vtrunc.f32 v44  }
0x3e3: {  	v52 =	vtrunc.f32 v45;
	v42 =	vcvt.f32.s32 v51  }
0x3e4: {  	v43 =	vcvt.f32.s32 v52  }
0x3e5: {  	vm0 =	vgt.s32 v42, $0x0  }
0x3e6: {  	vm13 =	vgt.s32 v43, $0x0;
	v42 =	vnsel vm0, $0x0, v42  }
0x3e7: {  	v43 =	vnsel vm13, $0x0, v43;
	v46 =	vmin.u32 v42, $0x3E  }
0x3e8: {  	v47 =	vmin.u32 v43, $0x3E;
	v42 =	vshll.u32 v46, $0x6  }
0x3e9: {  	v42 =	vor.u32 v47, v42  }
0x3ea: {  	v48 =	vadd.s32 $0x1, v42;
	v53 =	vadd.s32 $0x40, v42  }
0x3eb: {  	v43 =	vand.u32 $0x7, v47;
	v49 =	vand.u32 $0x1FF8, v53  }
0x3ec: {  	v46 =	vcvt.s32.f32 v46;
	v47 =	vcvt.s32.f32 v47;
	v49 =	vor.u32 v43, v49;
	_ =	sdelay $0x1  }
0x3ed: {  	v50 =	vsub.f32 v44, v46;
	v51 =	vadd.s32 $0x41, v42;
	v45 =	vsub.f32 v45, v47;
	v52 =	vld.idx.msk [tilespmem:v42+s3+$0x0], $0xffff  }
0x3ee: {  	v48 =	vld.idx.msk [tilespmem:v48+s3+$0x0], $0xffff  }
0x3ef: {  	v55 =	vsub.f32 $1.000000000e+00, v50;
	v54 =	vsub.f32 $1.000000000e+00, v45  }
0x3f0: {  	v49 =	vld.idx.msk [tilespmem:v49+s3+$0x0], $0xffff  }
0x3f1: {  	v47 =	vmul.f32 v55, v45;
	v46 =	vmul.f32 v55, v54  }
0x3f2: {  	v44 =	vmul.f32 v54, v50;
	v51 =	vld.idx.msk [tilespmem:v51+s3+$0x0], $0xffff  }
0x3f3: {  	v52 =	vmul.f32 v46, v52;
	v48 =	vmul.f32 v47, v48;
	_ =	sdelay $0x1  }
0x3f4: {  	v45 =	vmul.f32 v50, v45;
	v48 =	vadd.f32 v48, v52;
	v49 =	vmul.f32 v44, v49;
	_ =	sdelay $0x1  }
0x3f5: {  	v57 =	vor.u32 $0x1000, v42;
	v56 =	vmul.f32 v45, v51;
	v48 =	vadd.f32 v48, v49  }
0x3f6: {  	v58 =	vadd.s32 $0x1001, v42;
	v59 =	vadd.s32 $0x1040, v42  }
0x3f7: {  	v60 =	vand.u32 $0x3FF8, v59;
	v48 =	vadd.f32 v48, v56  }
0x3f8: {  	v49 =	vor.u32 v43, v60  }
0x3f9: {  	[tilespmem:v26+s18+$0x0] =	vst.idx.msk $0xffff, v48  }
0x3fa: {  	v61 =	vadd.s32 $0x1041, v42;
	v48 =	vld.idx.msk [tilespmem:v57+s3+$0x0], $0xffff  }
0x3fb: {  	v51 =	vld.idx.msk [tilespmem:v58+s3+$0x0], $0xffff;
	_ =	sdelay $0x1  }
0x3fc: {  	v49 =	vld.idx.msk [tilespmem:v49+s3+$0x0], $0xffff;
	_ =	sdelay $0x1  }
0x3fd: {  	v50 =	vld.idx.msk [tilespmem:v61+s3+$0x0], $0xffff  }
0x3fe: {  	v48 =	vmul.f32 v46, v48;
	v51 =	vmul.f32 v47, v51;
	_ =	sdelay $0x1  }
0x3ff: {  	v49 =	vmul.f32 v44, v49;
	v48 =	vadd.f32 v51, v48;
	_ =	sdelay $0x1  }
0x400: {  	v63 =	vor.u32 $0x2000, v42;
	v62 =	vmul.f32 v45, v50;
	v48 =	vadd.f32 v48, v49  }
0x401: {  	v56 =	vadd.s32 $0x2001, v42;
	v57 =	vadd.s32 $0x2040, v42  }
0x402: {  	v58 =	vand.u32 $0x3FF8, v57;
	v48 =	vadd.f32 v48, v62  }
0x403: {  	v49 =	vor.u32 v43, v58  }
0x404: {  	[tilespmem:v27+s18+$0x0] =	vst.idx.msk $0xffff, v48  }
0x405: {  	v59 =	vadd.s32 $0x2041, v42;
	v48 =	vld.idx.msk [tilespmem:v63+s3+$0x0], $0xffff  }
0x406: {  	v51 =	vld.idx.msk [tilespmem:v56+s3+$0x0], $0xffff;
	_ =	sdelay $0x1  }
0x407: {  	v49 =	vld.idx.msk [tilespmem:v49+s3+$0x0], $0xffff;
	_ =	sdelay $0x1  }
0x408: {  	v50 =	vld.idx.msk [tilespmem:v59+s3+$0x0], $0xffff  }
0x409: {  	v48 =	vmul.f32 v48, v46;
	v51 =	vmul.f32 v51, v47;
	_ =	sdelay $0x1  }
0x40a: {  	v49 =	vmul.f32 v49, v44;
	v48 =	vadd.f32 v51, v48;
	_ =	sdelay $0x1  }
0x40b: {  	v61 =	vor.u32 $0x3000, v42;
	v60 =	vmul.f32 v50, v45;
	v48 =	vadd.f32 v49, v48  }
0x40c: {  	v62 =	vadd.s32 $0x3001, v42;
	v63 =	vadd.s32 $0x3040, v42  }
0x40d: {  	v55 =	vand.u32 $0x7FF8, v63;
	v48 =	vadd.f32 v60, v48  }
0x40e: {  	v49 =	vor.u32 v43, v55  }
0x40f: {  	[tilespmem:v28+s18+$0x0] =	vst.idx.msk $0xffff, v48  }
0x410: {  	v56 =	vadd.s32 $0x3041, v42;
	v48 =	vld.idx.msk [tilespmem:v61+s3+$0x0], $0xffff  }
0x411: {  	v51 =	vld.idx.msk [tilespmem:v62+s3+$0x0], $0xffff;
	_ =	sdelay $0x1  }
0x412: {  	v49 =	vld.idx.msk [tilespmem:v49+s3+$0x0], $0xffff;
	_ =	sdelay $0x1  }
0x413: {  	v50 =	vld.idx.msk [tilespmem:v56+s3+$0x0], $0xffff  }
0x414: {  	v48 =	vmul.f32 v48, v46;
	v51 =	vmul.f32 v51, v47;
	_ =	sdelay $0x1  }
0x415: {  	v49 =	vmul.f32 v49, v44;
	v48 =	vadd.f32 v51, v48;
	_ =	sdelay $0x1  }
0x416: {  	v58 =	vor.u32 $0x4000, v42;
	v57 =	vmul.f32 v50, v45;
	v48 =	vadd.f32 v49, v48  }
0x417: {  	v59 =	vadd.s32 $0x4001, v42;
	v60 =	vadd.s32 $0x4040, v42  }
0x418: {  	v61 =	vand.u32 $0x5FF8, v60;
	v48 =	vadd.f32 v57, v48  }
0x419: {  	v49 =	vor.u32 v43, v61  }
0x41a: {  	[tilespmem:v29+s18+$0x0] =	vst.idx.msk $0xffff, v48  }
0x41b: {  	v62 =	vadd.s32 $0x4041, v42;
	v48 =	vld.idx.msk [tilespmem:v58+s3+$0x0], $0xffff  }
0x41c: {  	v51 =	vld.idx.msk [tilespmem:v59+s3+$0x0], $0xffff;
	_ =	sdelay $0x1  }
0x41d: {  	v49 =	vld.idx.msk [tilespmem:v49+s3+$0x0], $0xffff;
	_ =	sdelay $0x1  }
0x41e: {  	v50 =	vld.idx.msk [tilespmem:v62+s3+$0x0], $0xffff  }
0x41f: {  	v48 =	vmul.f32 v48, v46;
	v51 =	vmul.f32 v51, v47;
	_ =	sdelay $0x1  }
0x420: {  	v49 =	vmul.f32 v49, v44;
	v48 =	vadd.f32 v51, v48;
	_ =	sdelay $0x1  }
0x421: {  	v56 =	vor.u32 $0x5000, v42;
	v63 =	vmul.f32 v50, v45;
	v48 =	vadd.f32 v49, v48  }
0x422: {  	v57 =	vadd.s32 $0x5001, v42;
	v58 =	vadd.s32 $0x5040, v42  }
0x423: {  	v59 =	vand.u32 $0x7FF8, v58;
	v48 =	vadd.f32 v63, v48  }
0x424: {  	v49 =	vor.u32 v43, v59  }
0x425: {  	[tilespmem:v30+s18+$0x0] =	vst.idx.msk $0xffff, v48  }
0x426: {  	v60 =	vadd.s32 $0x5041, v42;
	v48 =	vld.idx.msk [tilespmem:v56+s3+$0x0], $0xffff  }
0x427: {  	v51 =	vld.idx.msk [tilespmem:v57+s3+$0x0], $0xffff;
	_ =	sdelay $0x1  }
0x428: {  	v49 =	vld.idx.msk [tilespmem:v49+s3+$0x0], $0xffff;
	_ =	sdelay $0x1  }
0x429: {  	v50 =	vld.idx.msk [tilespmem:v60+s3+$0x0], $0xffff  }
0x42a: {  	v48 =	vmul.f32 v48, v46;
	v51 =	vmul.f32 v51, v47;
	_ =	sdelay $0x1  }
0x42b: {  	v49 =	vmul.f32 v49, v44;
	v48 =	vadd.f32 v51, v48;
	_ =	sdelay $0x1  }
0x42c: {  	v62 =	vor.u32 $0x6000, v42;
	v61 =	vmul.f32 v50, v45;
	v48 =	vadd.f32 v49, v48  }
0x42d: {  	v63 =	vadd.s32 $0x6001, v42;
	v56 =	vadd.s32 $0x6040, v42  }
0x42e: {  	v57 =	vand.u32 $0x7FF8, v56;
	v48 =	vadd.f32 v61, v48  }
0x42f: {  	v49 =	vor.u32 v43, v57  }
0x430: {  	[tilespmem:v31+s18+$0x0] =	vst.idx.msk $0xffff, v48  }
0x431: {  	v58 =	vadd.s32 $0x6041, v42;
	v48 =	vld.idx.msk [tilespmem:v62+s3+$0x0], $0xffff  }
0x432: {  	v51 =	vld.idx.msk [tilespmem:v63+s3+$0x0], $0xffff;
	_ =	sdelay $0x1  }
0x433: {  	v49 =	vld.idx.msk [tilespmem:v49+s3+$0x0], $0xffff;
	_ =	sdelay $0x1  }
0x434: {  	v50 =	vld.idx.msk [tilespmem:v58+s3+$0x0], $0xffff  }
0x435: {  	v48 =	vmul.f32 v48, v46;
	v51 =	vmul.f32 v51, v47;
	_ =	sdelay $0x1  }
0x436: {  	v49 =	vmul.f32 v49, v44;
	v48 =	vadd.f32 v51, v48;
	_ =	sdelay $0x1  }
0x437: {  	v60 =	vor.u32 $0x7000, v42;
	v59 =	vmul.f32 v50, v45;
	v48 =	vadd.f32 v49, v48  }
0x438: {  	v61 =	vadd.s32 $0x7001, v42;
	v62 =	vadd.s32 $0x7040, v42  }
0x439: {  	v63 =	vand.u32 $0xFFF8, v62;
	v48 =	vadd.f32 v59, v48  }
0x43a: {  	v43 =	vor.u32 v43, v63  }
0x43b: {  	[tilespmem:v32+s18+$0x0] =	vst.idx.msk $0xffff, v48  }
0x43c: {  	v42 =	vadd.s32 $0x7041, v42;
	v48 =	vld.idx.msk [tilespmem:v60+s3+$0x0], $0xffff  }
0x43d: {  	v52 =	vld.idx.msk [tilespmem:v61+s3+$0x0], $0xffff;
	_ =	sdelay $0x1  }
0x43e: {  	v43 =	vld.idx.msk [tilespmem:v43+s3+$0x0], $0xffff;
	_ =	sdelay $0x1  }
0x43f: {  	v42 =	vld.idx.msk [tilespmem:v42+s3+$0x0], $0xffff  }
0x440: {  	v46 =	vmul.f32 v48, v46;
	v47 =	vmul.f32 v52, v47  }
0x441: {  	s0 =	sadd.s32 $0x29, s25  }
0x442: {  	v53 =	vmov s0;
	v43 =	vmul.f32 v43, v44;
	v46 =	vadd.f32 v47, v46  }
0x443: {  	v44 =	vshll.u32 v53, $0x2  }
0x444: {  	v42 =	vmul.f32 v42, v45;
	v44 =	vadd.s32 v25, v44;
	v43 =	vadd.f32 v43, v46  }
0x445: {  	v54 =	vor.u32 $0x1, v44  }
0x446: {  	v55 =	vor.u32 $0x3, v44;
	v42 =	vadd.f32 v42, v43  }
0x447: {  	v56 =	vor.u32 $0x2, v44  }
0x448: {  	[tilespmem:v33+s18+$0x0] =	vst.idx.msk $0xffff, v42  }
0x449: {  	v42 =	vld.idx.msk [tilespmem:v44+s12+$0x0], $0xffff  }
0x44a: {  	v57 =	vld.idx.msk [tilespmem:v54+s12+$0x0], $0xffff  }
0x44b: {  	v43 =	vld.idx.msk [tilespmem:v55+s12+$0x0], $0xffff  }
0x44c: {  	v58 =	vld.idx.msk [tilespmem:v56+s12+$0x0], $0xffff;
	_ =	sdelay $0x3  }
0x44d: {  	v43 =	vsub.f32 v43, v57  }
0x44e: {  	v45 =	vsub.f32 v58, v42  }
0x44f: {  	v43 =	vmax.f32 v43, $1.000000000e+00  }
0x450: {  	v45 =	vmax.f32 v45, $1.000000000e+00;
	v44 =	vadd.f32 v43, v57  }
0x451: {  	v45 =	vadd.f32 v45, v42  }
0x452: {  	v59 =	vtrunc.f32 v44  }
0x453: {  	v60 =	vtrunc.f32 v45;
	v42 =	vcvt.f32.s32 v59  }
0x454: {  	v43 =	vcvt.f32.s32 v60  }
0x455: {  	vm14 =	vgt.s32 v42, $0x0  }
0x456: {  	vm15 =	vgt.s32 v43, $0x0;
	v42 =	vnsel vm14, $0x0, v42  }
0x457: {  	v43 =	vnsel vm15, $0x0, v43;
	v61 =	vmin.u32 v42, $0x3E  }
0x458: {  	v62 =	vmin.u32 v43, $0x3E;
	v42 =	vshll.u32 v61, $0x6  }
0x459: {  	v42 =	vor.u32 v62, v42  }
0x45a: {  	v63 =	vadd.s32 $0x1, v42;
	v56 =	vadd.s32 $0x40, v42  }
0x45b: {  	v43 =	vand.u32 $0x7, v62;
	v57 =	vand.u32 $0x1FF8, v56  }
0x45c: {  	v47 =	vcvt.s32.f32 v62;
	v46 =	vcvt.s32.f32 v61;
	v49 =	vor.u32 v43, v57;
	_ =	sdelay $0x1  }
0x45d: {  	v47 =	vsub.f32 v45, v47;
	v58 =	vsub.f32 v44, v46;
	v59 =	vadd.s32 $0x41, v42;
	v60 =	vld.idx.msk [tilespmem:v42+s3+$0x0], $0xffff  }
0x45e: {  	v48 =	vld.idx.msk [tilespmem:v63+s3+$0x0], $0xffff  }
0x45f: {  	v61 =	vsub.f32 $1.000000000e+00, v47;
	v46 =	vsub.f32 $1.000000000e+00, v58  }
0x460: {  	v49 =	vld.idx.msk [tilespmem:v49+s3+$0x0], $0xffff  }
0x461: {  	v45 =	vmul.f32 v46, v61;
	v46 =	vmul.f32 v46, v47  }
0x462: {  	v44 =	vmul.f32 v61, v58;
	v51 =	vld.idx.msk [tilespmem:v59+s3+$0x0], $0xffff  }
0x463: {  	v52 =	vmul.f32 v45, v60;
	v48 =	vmul.f32 v46, v48;
	_ =	sdelay $0x1  }
0x464: {  	v47 =	vmul.f32 v58, v47;
	v48 =	vadd.f32 v48, v52;
	v49 =	vmul.f32 v44, v49;
	_ =	sdelay $0x1  }
0x465: {  	v63 =	vor.u32 $0x1000, v42;
	v62 =	vmul.f32 v47, v51;
	v48 =	vadd.f32 v48, v49  }
0x466: {  	v56 =	vadd.s32 $0x1001, v42;
	v57 =	vadd.s32 $0x1040, v42  }
0x467: {  	v58 =	vand.u32 $0x3FF8, v57;
	v48 =	vadd.f32 v48, v62  }
0x468: {  	v49 =	vor.u32 v43, v58  }
0x469: {  	[tilespmem:v34+s18+$0x0] =	vst.idx.msk $0x1ff, v48  }
0x46a: {  	v59 =	vadd.s32 $0x1041, v42;
	v48 =	vld.idx.msk [tilespmem:v63+s3+$0x0], $0xffff  }
0x46b: {  	v51 =	vld.idx.msk [tilespmem:v56+s3+$0x0], $0xffff;
	_ =	sdelay $0x1  }
0x46c: {  	v49 =	vld.idx.msk [tilespmem:v49+s3+$0x0], $0xffff;
	_ =	sdelay $0x1  }
0x46d: {  	v50 =	vld.idx.msk [tilespmem:v59+s3+$0x0], $0xffff  }
0x46e: {  	v48 =	vmul.f32 v45, v48;
	v51 =	vmul.f32 v46, v51;
	_ =	sdelay $0x1  }
0x46f: {  	v49 =	vmul.f32 v44, v49;
	v48 =	vadd.f32 v51, v48;
	_ =	sdelay $0x1  }
0x470: {  	v61 =	vor.u32 $0x2000, v42;
	v60 =	vmul.f32 v47, v50;
	v48 =	vadd.f32 v48, v49  }
0x471: {  	v62 =	vadd.s32 $0x2001, v42;
	v63 =	vadd.s32 $0x2040, v42  }
0x472: {  	v54 =	vand.u32 $0x3FF8, v63;
	v48 =	vadd.f32 v48, v60  }
0x473: {  	v49 =	vor.u32 v43, v54  }
0x474: {  	[tilespmem:v35+s18+$0x0] =	vst.idx.msk $0x1ff, v48  }
0x475: {  	v55 =	vadd.s32 $0x2041, v42;
	v35 =	vld.idx.msk [tilespmem:v61+s3+$0x0], $0xffff  }
0x476: {  	v56 =	vld.idx.msk [tilespmem:v62+s3+$0x0], $0xffff;
	_ =	sdelay $0x1  }
0x477: {  	v49 =	vld.idx.msk [tilespmem:v49+s3+$0x0], $0xffff;
	_ =	sdelay $0x1  }
0x478: {  	v48 =	vld.idx.msk [tilespmem:v55+s3+$0x0], $0xffff  }
0x479: {  	v35 =	vmul.f32 v35, v45;
	v50 =	vmul.f32 v56, v46;
	_ =	sdelay $0x1  }
0x47a: {  	v49 =	vmul.f32 v49, v44;
	v35 =	vadd.f32 v50, v35;
	_ =	sdelay $0x1  }
0x47b: {  	v57 =	vor.u32 $0x3000, v42;
	v48 =	vmul.f32 v48, v47;
	v35 =	vadd.f32 v49, v35  }
0x47c: {  	v58 =	vadd.s32 $0x3001, v42;
	v59 =	vadd.s32 $0x3040, v42  }
0x47d: {  	v60 =	vand.u32 $0x7FF8, v59;
	v35 =	vadd.f32 v48, v35  }
0x47e: {  	v48 =	vor.u32 v43, v60  }
0x47f: {  	[tilespmem:v36+s18+$0x0] =	vst.idx.msk $0x1ff, v35  }
0x480: {  	v61 =	vadd.s32 $0x3041, v42;
	v35 =	vld.idx.msk [tilespmem:v57+s3+$0x0], $0xffff  }
0x481: {  	v62 =	vld.idx.msk [tilespmem:v58+s3+$0x0], $0xffff;
	_ =	sdelay $0x1  }
0x482: {  	v48 =	vld.idx.msk [tilespmem:v48+s3+$0x0], $0xffff;
	_ =	sdelay $0x1  }
0x483: {  	v36 =	vld.idx.msk [tilespmem:v61+s3+$0x0], $0xffff  }
0x484: {  	v35 =	vmul.f32 v35, v45;
	v49 =	vmul.f32 v62, v46;
	_ =	sdelay $0x1  }
0x485: {  	v35 =	vadd.f32 v49, v35;
	v48 =	vmul.f32 v48, v44;
	_ =	sdelay $0x1  }
0x486: {  	v63 =	vor.u32 $0x4000, v42;
	v36 =	vmul.f32 v36, v47;
	v35 =	vadd.f32 v48, v35  }
0x487: {  	v53 =	vadd.s32 $0x4040, v42;
	v52 =	vadd.s32 $0x4001, v42  }
0x488: {  	v54 =	vand.u32 $0x5FF8, v53;
	v35 =	vadd.f32 v36, v35  }
0x489: {  	v36 =	vor.u32 v43, v54  }
0x48a: {  	[tilespmem:v37+s18+$0x0] =	vst.idx.msk $0x1ff, v35  }
0x48b: {  	v55 =	vadd.s32 $0x4041, v42;
	v35 =	vld.idx.msk [tilespmem:v63+s3+$0x0], $0xffff  }
0x48c: {  	v56 =	vld.idx.msk [tilespmem:v52+s3+$0x0], $0xffff;
	_ =	sdelay $0x1  }
0x48d: {  	v36 =	vld.idx.msk [tilespmem:v36+s3+$0x0], $0xffff;
	_ =	sdelay $0x1  }
0x48e: {  	v37 =	vld.idx.msk [tilespmem:v55+s3+$0x0], $0xffff  }
0x48f: {  	v35 =	vmul.f32 v35, v45;
	v48 =	vmul.f32 v56, v46;
	_ =	sdelay $0x1  }
0x490: {  	v35 =	vadd.f32 v48, v35;
	v36 =	vmul.f32 v36, v44;
	_ =	sdelay $0x1  }
0x491: {  	v58 =	vor.u32 $0x5000, v42;
	v57 =	vmul.f32 v37, v47;
	v35 =	vadd.f32 v36, v35  }
0x492: {  	v59 =	vadd.s32 $0x5001, v42;
	v60 =	vadd.s32 $0x5040, v42  }
0x493: {  	v61 =	vand.u32 $0x7FF8, v60;
	v35 =	vadd.f32 v57, v35  }
0x494: {  	v36 =	vor.u32 v43, v61  }
0x495: {  	[tilespmem:v38+s18+$0x0] =	vst.idx.msk $0x1ff, v35  }
0x496: {  	v62 =	vadd.s32 $0x5041, v42;
	v35 =	vld.idx.msk [tilespmem:v58+s3+$0x0], $0xffff  }
0x497: {  	v38 =	vld.idx.msk [tilespmem:v59+s3+$0x0], $0xffff;
	_ =	sdelay $0x1  }
0x498: {  	v36 =	vld.idx.msk [tilespmem:v36+s3+$0x0], $0xffff;
	_ =	sdelay $0x1  }
0x499: {  	v37 =	vld.idx.msk [tilespmem:v62+s3+$0x0], $0xffff  }
0x49a: {  	v35 =	vmul.f32 v35, v45;
	v38 =	vmul.f32 v38, v46;
	_ =	sdelay $0x1  }
0x49b: {  	v36 =	vmul.f32 v36, v44;
	v35 =	vadd.f32 v38, v35;
	_ =	sdelay $0x1  }
0x49c: {  	v52 =	vor.u32 $0x6000, v42;
	v63 =	vmul.f32 v37, v47;
	v35 =	vadd.f32 v36, v35  }
0x49d: {  	v53 =	vadd.s32 $0x6001, v42;
	v54 =	vadd.s32 $0x6040, v42  }
0x49e: {  	v55 =	vand.u32 $0x7FF8, v54;
	v35 =	vadd.f32 v63, v35  }
0x49f: {  	v36 =	vor.u32 v43, v55  }
0x4a0: {  	[tilespmem:v39+s18+$0x0] =	vst.idx.msk $0x1ff, v35  }
0x4a1: {  	v56 =	vadd.s32 $0x6041, v42;
	v35 =	vld.idx.msk [tilespmem:v52+s3+$0x0], $0xffff  }
0x4a2: {  	v38 =	vld.idx.msk [tilespmem:v53+s3+$0x0], $0xffff;
	_ =	sdelay $0x1  }
0x4a3: {  	v36 =	vld.idx.msk [tilespmem:v36+s3+$0x0], $0xffff;
	_ =	sdelay $0x1  }
0x4a4: {  	v37 =	vld.idx.msk [tilespmem:v56+s3+$0x0], $0xffff  }
0x4a5: {  	v35 =	vmul.f32 v35, v45;
	v38 =	vmul.f32 v38, v46;
	_ =	sdelay $0x1  }
0x4a6: {  	v36 =	vmul.f32 v36, v44;
	v35 =	vadd.f32 v38, v35;
	_ =	sdelay $0x1  }
0x4a7: {  	v58 =	vor.u32 $0x7000, v42;
	v57 =	vmul.f32 v37, v47;
	v35 =	vadd.f32 v36, v35  }
0x4a8: {  	v60 =	vadd.s32 $0x7040, v42;
	v59 =	vadd.s32 $0x7001, v42  }
0x4a9: {  	v61 =	vand.u32 $0xFFF8, v60;
	v35 =	vadd.f32 v57, v35  }
0x4aa: {  	v36 =	vor.u32 v43, v61  }
0x4ab: {  	[tilespmem:v40+s18+$0x0] =	vst.idx.msk $0x1ff, v35  }
0x4ac: {  	v62 =	vadd.s32 $0x7041, v42;
	v35 =	vld.idx.msk [tilespmem:v58+s3+$0x0], $0xffff  }
0x4ad: {  	v38 =	vld.idx.msk [tilespmem:v59+s3+$0x0], $0xffff;
	_ =	sdelay $0x1  }
0x4ae: {  	v36 =	vld.idx.msk [tilespmem:v36+s3+$0x0], $0xffff;
	_ =	sdelay $0x1  }
0x4af: {  	v37 =	vld.idx.msk [tilespmem:v62+s3+$0x0], $0xffff  }
0x4b0: {  	v35 =	vmul.f32 v35, v45;
	v38 =	vmul.f32 v38, v46;
	_ =	sdelay $0x1  }
0x4b1: {  	v36 =	vmul.f32 v36, v44;
	v35 =	vadd.f32 v38, v35  }
0x4b2: {  	s31 =	sadd.s32 s6, s26;
	s24 =	sadd.s32 $0x1, s24  }
0x4b3: {  	p0 =	sne.s32 s24, $0x32;
	s0 =	smul.u32 $0xC40, s31;
	v63 =	vmul.f32 v37, v47;
	v35 =	vadd.f32 v36, v35  }
.Ltmp2:
0x4b4: {  	_ = 	snop;
	(pc) =	sbr.rel @p0 .LBB2_2-.Ltmp2, $4  }
0x4b5: {  	s0 =	sadd.s32 s9, s0;
	v35 =	vadd.f32 v63, v35  }
0x4b6: {  	s0 =	sshrl.u32 s0, $0x3  }
0x4b7: {  	s23 =	sadd.s32 $0xC8, s23;
	s22 =	sadd.s32 $0xC8, s22;
	s0 =	sadd.s32 s2, s0;
	[tilespmem:v41+s18+$0x0] =	vst.idx.msk $0x1ff, v35  }
0x4b8: {  	[hbm4b:s0+s16] =	stream.strided.scatter [tilespmem:s18], [sflag:$0x2], $0x2648, s17, s16, $0x38;
	[tilespmem:$0xF490] =	vst v63  }
0x4b9: {  	s21 =	sadd.s32 $0x1, s21  }
0x4ba: {  	_ =	swait.ge [sflag:s19], $0x2648;
	p0 =	sne.s32 s21, s10  }
.Ltmp3:
0x4bb: {  	[sflag:s19] =	ssyncset.done $0x0;
	(pc) =	sbr.rel @p0 .LBB2_1-.Ltmp3, $4  }
0x4bc: {  	[sflag:s19] =	ssyncadd.s32 $0xFFFFD9B8  }
0x4bd: {  	_ =	swait.ge [sflag:s20], $0x2648  }
0x4be: {  	[sflag:s20] =	ssyncset.done $0x0  }
0x4bf: {  	[sflag:s20] =	ssyncadd.s32 $0xFFFFD9B8  }
0x4c0: {  	_ =	sfence.sel $0x180000  }
0x4c1: {  	[bflag:$0x0] =	sbarrier.arrive $0xFFFF  }
0x4c2: {  	_ =	strace $0x90000047  }
0x4c3: {  	s0 =	stileid.u32;
	[bflag:$0x2] =	sbarrier.arrive $0xFFFF  }
0x4c4: {  	p0 =	sne.s32 s0, $0x0;
	s0 =	rddreg [dreg:$0x2]  }
0x4c5: {  	s0 =	sadd.s32 @!p0 $0x100000, s0  }
0x4c6: {  	[sflag:s0] =	ssyncadd.tile.s32 @!p0 $0x1;
	_ =	shalt  }
.Lfunc_end2:
_tile_overlayer_lowered:
.L_overlay_start_2:
0x4c7: {  	(tag) =	ssettag $0x2  }
0x4c8: {  	s0 =	rddreg [dreg:$0x0];
	s2 =	stileid.u32  }
0x4c9: {  	s1 =	rddreg [dreg:$0x1];
	p0 =	sne.s32 s2, $0x0  }
0x4ca: {  	s3 =	rddreg [dreg:$0x2];
	[bflag:$0x3] =	sbarrier.arrive $0xFFFF;
	s2 =	simm.s32 @!p0 $0x1C03  }
0x4cb: {  	[timem:s3], [sflag:s2] =	dma.local @!p0 [hbm:s0], s1  }
0x4cc: {  	s0 =	simm.s32 @!p0 $0x3  }
0x4cd: {  	_ =	swait.ge @!p0 [sflag:s0], s1  }
0x4ce: {  	s1 =	ssub.s32 @!p0 $0x0, s1;
	[sflag:s0] =	ssyncset.done @!p0 $0x0  }
0x4cf: {  	[sflag:s0] =	ssyncadd.s32 @!p0 s1  }
0x4d0: {  	[bflag:$0x3] =	sbarrier.arrive $0xFFFF  }
0x4d1: {  	_ =	shalt  }

// kernel: sparse-core-data-format-call.1.cloned.1.call-start
scs
called_computation.1_lowered:
.L_overlay_start_0:
0x0: {  	s2 =	sld [smem:$0x3FD9]  }
0x1: {  	s3 =	sld [smem:$0x3FFE];
	_ =	sdelay $0x1  }
0x2: {  	s1 =	srdreg.scid  }
0x3: {  	s0 =	sand.u32 $0x1, s1  }
0x4: {  	s18 =	sshll.u32 s0, $0xA;
	s2 =	sadd.s32 s3, s2  }
0x5: {  	s2 =	sadd.s32 s2, s18  }
0x6: {  	[smem:$0x3FC6] =	sst s2  }
0x7: {  	_ = 	snop  }
0x8: {  	s2 =	sld [smem:$0x3FD0];
	(tm) =	ssettm $0x1  }
0x9: {  	s19 =	sld [smem:$0x3FFB];
	_ =	sdelay $0x3  }
0xa: {  	_ =	strace s19  }
0xb: {  	s3 =	sld [smem:$0x3FFC];
	_ =	sdelay $0x3  }
0xc: {  	_ =	strace s3  }
0xd: {  	s3 =	sld [smem:$0x3FFD];
	_ =	sdelay $0x3  }
0xe: {  	_ =	strace s3  }
0xf: {  	_ =	strace $0x8FFFFFFF  }
0x10: {  	s20 =	sld [smem:$0x3FDB];
	_ =	sdelay $0x1  }
0x11: {  	s4 =	simm.s32 $_scs_section_size  }
0x12: {  	s5 =	simm.s32 $_size__tile_overlayer_lowered;
	s6 =	simm.s32 $_tile_overlayer_lowered  }
0x13: {  	s23 =	simm.s32 $0x1BFF;
	s22 =	sshll.u32 s6, $0x1;
	s3 =	sadd.s32 s4, s20  }
0x14: {  	s7 =	simm.s32 $0x0;
	s21 =	sshll.u32 s5, $0x1;
	s5 =	sadd.s32 s22, s3  }
0x15: {  	[timem:s7], [sflag:s23] =	dma.local [hbm:s5], s21  }
0x16: {  	_ =	swait.ge [sflag:s23], s21  }
0x17: {  	s4 =	ssub.s32 $0x0, s21;
	[sflag:s23] =	ssyncset.done $0x0  }
0x18: {  	[sflag:s23] =	ssyncadd.s32 s4;
	_ =	sdelay $0x1  }
0x19: {  	s24 =	simm.s32 $0x1B8B  }
0x1a: {  	_ =	swait.ge [sflag:s24], $0x1  }
0x1b: {  	[sflag:s24] =	ssyncset.done $0x0  }
0x1c: {  	s26 =	simm.s32 $0x1B8E;
	s25 =	sld [smem:$0x3FFE];
	[sflag:s24] =	ssyncadd.s32 $0xFFFFFFFF  }
0x1d: {  	s27 =	simm.s32 $execute0_lowered;
	[smem:$0x3FD2] =	sst s26  }
0x1e: {  	s5 =	sshll.u32 s27, $0x1;
	_ =	strace $0x80000049;
	[dreg:$0x1] =	wrdreg $0xFFFFFFFF  }
0x1f: {  	s28 =	simm.s32 $_size_execute0_lowered;
	s3 =	sadd.s32 s3, s5;
	[dreg:$0x0] =	wrdreg $0x0  }
0x20: {  	s5 =	sshll.u32 s28, $0x1;
	[dreg:$0x2] =	wrdreg s3  }
0x21: {  	[dreg:$0x3] =	wrdreg s5  }
0x22: {  	[dreg:$0x4] =	wrdreg $0xC0  }
0x23: {  	_ =	task [dreg:s7], $0x5FFFF  }
0x24: {  	[dreg:$0x1] =	wrdreg $0xFFFFFFFF  }
0x25: {  	[dreg:$0x0] =	wrdreg $0x60  }
0x26: {  	[dreg:$0x2] =	wrdreg s25  }
0x27: {  	[dreg:$0x3] =	wrdreg s2  }
0x28: {  	[dreg:$0x4] =	wrdreg $0x9  }
0x29: {  	_ =	task.clear_ibuf [dreg:s7], $0x5FFFF;
	_ =	strace $0x90000049  }
0x2a: {  	s29 =	simm.s32 $0x9;
	_ =	strace $0x8000004B  }
0x2b: {  	_ =	swait.ge [sflag:s29], $0x1  }
0x2c: {  	[sflag:s29] =	ssyncadd.s32 $0xFFFFFFFF  }
0x2d: {  	_ =	strace $0x9000004B  }
0x2e: {  	_ =	sfence  }
0x2f: {  	s30 =	sld [smem:$0x0];
	_ =	sdelay $0x2  }
0x30: {  	s31 =	sshll.u32 s1, $0xD;
	s1 =	sshrl.u32 s1, $0x2  }
0x31: {  	s3 =	sand.u32 $0x4000, s31;
	s1 =	sadd.s32 s1, s30  }
0x32: {  	s0 =	sor.u32 s3, s0;
	s1 =	sshll.u32 s1, $0x11  }
0x33: {  	s0 =	sor.u32 s1, s0  }
0x34: {  	s0 =	sadd.s32 $0x8F2B, s0  }
0x35: {  	[sflag:s0] =	ssyncadd.remote.s32 $0x1  }
0x36: {  	_ =	sfence.sel $0xFFFF  }
0x37: {  	[dreg:$0x0] =	wrdreg $0xFFFFFFFF;
	(pc) =	sbr.abs _section_cstart, $3  }
0x38: {  	[dreg:$0x1] =	wrdreg $0xFFFFFFFF  }
0x39: {  	_ =	task.clear_ibuf [dreg:s7], $0x2FFFF;
	_ =	strace $0x9FFFFFFF  }
0x3a: {  	(tm) =	ssettm $0x7FFFFFFF  }
0x3b: {  	_ =	shalt  }
tec
execute0_lowered:
.L_overlay_start_1:
0x0: {  	(tag) =	ssettag $0x1  }
0x1: {  	s0 =	srdreg.scid  }
0x2: {  	s0 =	sshll.u32 s0, $0x4  }
0x3: {  	s2 =	stileid.u32;
	s0 =	sand.u32 $0x10, s0  }
0x4: {  	s0 =	sor.u32 s2, s0  }
0x5: {  	s12 =	sshll.u32 s0, $0x7  }
0x6: {  	s1 =	rddreg [dreg:$0x0];
	s0 =	ssub.s32 $0x2700, s12  }
0x7: {  	_ =	strace $0x8000004A;
	s29 =	simm.s32 $0x1;
	s0 =	sshrl.u32 s0, $0xC  }
0x8: {  	s30 =	simm.s32 $0x2;
	s14 =	simm.s32 $0x0;
	s0 =	smul.u32 $0x19, s0  }
.Ltmp0:
0x9: {  	s9 =	simm.s32 $0x0;
	s1 =	sadd.s32 $0xC00, s1;
	(pc) =	sbr.rel .LBB1_1-.Ltmp0, $4  }
0xa: {  	s8 =	simm.s32 $0x0;
	s11 =	simm.s32 $0x0;
	[dreg:$0x4] =	wrdreg s1  }
0xb: {  	s10 =	simm.s32 $0x0;
	[dreg:$0x3] =	wrdreg s12;
	s31 =	sadd.s32 $0x19, s0  }
0xc: {  	[sflag:s29] =	ssyncpa.u1 $0x0;
	s7 =	sadd.s32 $0x1A, s0;
	[dreg:$0x5] =	wrdreg s31  }
0xd: {  	s13 =	simm.s32 $0x0;
	[sflag:s30] =	ssyncpa.u1 $0x0;
	[dreg:$0x6] =	wrdreg s7  }
.LBB1_12:
0xe: {  	s8 =	rddreg [dreg:$0x7]  }
0xf: {  	s1 =	sshll.u32 s11, $0x3;
	s25 =	sand.u32 $0x7F, s11;
	s5 =	rddreg [dreg:$0xb]  }
0x10: {  	p1 =	sgt.s32 s11, $0x2700;
	s26 =	rddreg [dreg:$0xa];
	s0 =	sshrl.u32 s8, $0x3  }
0x11: {  	s4 =	smov.u32 s11;
	s30 =	rddreg [dreg:$0x1];
	s0 =	smul.u32 $0x13C00, s0  }
0x12: {  	s31 =	simm.s32 $0x13C00;
	s1 =	sand.u32 $0xFFFFFC00, s1;
	s2 =	sshll.u32 s8, $0x7  }
0x13: {  	s9 =	rddreg [dreg:$0x8];
	s24 =	sand.u32 $0x380, s2;
	s0 =	sadd.s32 s1, s0  }
0x14: {  	p0 =	sgt.s32 s8, $0xBC0;
	s3 =	smov.u32 s8;
	s0 =	sor.u32 s24, s0  }
0x15: {  	s4 =	simm.s32 @!p1 $0x2700;
	s1 =	sor.u32 s25, s0;
	s0 =	smulhi.u32 $0xCF6474A9, s0  }
0x16: {  	s3 =	simm.s32 @!p0 $0xBC0;
	s4 =	sadd.s32 s26, s4;
	s2 =	smulhi.u32 $0xCF6474A9, s1  }
0x17: {  	s3 =	sadd.s32 s5, s3;
	s7 =	sadd.s32 $0xFFFFD900, s4;
	s0 =	sshrl.u32 s0, $0xD  }
0x18: {  	s4 =	ssub.s32 $0x2780, s4;
	s2 =	sshrl.u32 s2, $0xD;
	s27 =	smulhi.u32 $0x14E5E1, s0  }
0x19: {  	s6 =	sadd.s32 $0xFFFFF440, s3;
	p1 =	sgt.s32 s7, $0x7F;
	s2 =	smul.u32 $0x2780, s2  }
0x1a: {  	s3 =	ssub.s32 $0xC40, s3;
	p0 =	sgt.s32 s6, $0x7F;
	s5 =	smul.u32 $0xC40, s27  }
0x1b: {  	s14 =	rddreg [dreg:$0x9];
	s4 =	simm.s32 @p1 $0x0;
	s3 =	simm.s32 @p0 $0x0  }
0x1c: {  	s28 =	smul.u32 s4, s3;
	s1 =	ssub.s32 s1, s2;
	s0 =	ssub.s32 s0, s5  }
0x1d: {  	s29 =	sshrl.u32 s1, $0x3;
	s1 =	sand.u32 $0x7, s1;
	s0 =	smul.u32 $0x4F0, s0  }
0x1e: {  	s7 =	rddreg [dreg:$0x6];
	s3 =	sadd.s32 s30, s29;
	s1 =	sshll.u32 s1, $0x12  }
0x1f: {  	s2 =	sand.u32 $0x3FFFFFFF, s28;
	s1 =	sor.u32 $0x400, s1;
	s0 =	sadd.s32 s0, s3  }
0x20: {  	[hbm4b:s0+s1] =	stream.strided.scatter [tilespmem:s18], [sflag:$0x2], s2, s31, s1, $0x20;
	[tilespmem:$0x10100] =	vst v63  }
.LBB1_13:
0x21: {  	p0 =	slt.u32 s13, $0x2  }
0x22: {  	s1 =	smov.u32 s14;
	s2 =	smov.u32 s9;
	p1 =	sgt.s32 @!p0 s14, $0xBC0  }
0x23: {  	s0 =	sshra.s32 @!p0 s14, $0x1F;
	p2 =	sgt.s32 @!p0 s9, $0x2700;
	s3 =	sshra.s32 @!p0 s9, $0x1F  }
0x24: {  	p1 =	por !p1, p0;
	s0 =	sand.u32 @!p0 s0, s14;
	p2 =	por !p2, p0  }
0x25: {  	s3 =	sand.u32 @!p0 s3, s9;
	s1 =	simm.s32 @p1 $0xBC0;
	s2 =	simm.s32 @p2 $0x2700  }
0x26: {  	s0 =	ssub.s32 @!p0 s1, s0;
	s1 =	ssub.s32 @!p0 s2, s3  }
0x27: {  	s2 =	sadd.s32 @!p0 $0xFFFFF440, s0;
	s3 =	sadd.s32 @!p0 $0xFFFFD900, s1  }
0x28: {  	s0 =	ssub.s32 @!p0 $0xC40, s0;
	p1 =	sgt.s32 @!p0 s2, $0x7F;
	p2 =	sgt.s32 @!p0 s3, $0x7F  }
0x29: {  	s1 =	ssub.s32 @!p0 $0x2780, s1;
	p1 =	por !p1, p0;
	p2 =	por !p2, p0  }
0x2a: {  	s0 =	simm.s32 @!p1 $0x0;
	s1 =	simm.s32 @!p2 $0x0  }
0x2b: {  	s0 =	smul.u32 @!p0 s1, s0  }
0x2c: {  	s4 =	smov.u32 s12;
	s2 =	simm.s32 @!p0 $0x2;
	s1 =	sadd.s32 $0x80, s10  }
0x2d: {  	s3 =	sadd.s32 $0x1000, s12;
	p1 =	sgt.s32 s1, $0xC3F;
	s0 =	sand.u32 @!p0 $0x3FFFFFFF, s0  }
0x2e: {  	s4 =	smov.u32 @p1 s3;
	_ =	swait.ge @!p0 [sflag:s2], s0  }
0x2f: {  	s1 =	simm.s32 @p1 $0x0;
	p1 =	sgt.s32 s4, $0x270F;
	s3 =	rddreg [dreg:$0x3]  }
0x30: {  	s4 =	smov.u32 @p1 s3;
	p1 =	sne.s32 s13, s7  }
.Ltmp1:
0x31: {  	_ = 	snop;
	(pc) =	sbr.rel @!p1 .LBB1_14-.Ltmp1, $4  }
0x32: {  	s14 =	smov.u32 s8  }
0x33: {  	s9 =	smov.u32 s11;
	s8 =	smov.u32 s10;
	s11 =	smov.u32 s12  }
0x34: {  	s0 =	ssub.s32 @!p0 $0x0, s0;
	s10 =	smov.u32 s1;
	[sflag:s2] =	ssyncset.done @!p0 $0x0  }
0x35: {  	s13 =	sadd.s32 $0x1, s13;
	[sflag:s2] =	ssyncadd.s32 @!p0 s0;
	s12 =	smov.u32 s4  }
.LBB1_1:
0x36: {  	s0 =	rddreg [dreg:$0x5]  }
0x37: {  	s3 =	smov.u32 s12;
	p0 =	sge.u32 s13, s0  }
0x38: {  	s5 =	smov.u32 s10;
	s0 =	sshrl.u32 @!p0 s12, $0x3;
	s1 =	sshll.u32 @!p0 s10, $0x3  }
0x39: {  	s2 =	sshll.u32 @!p0 s12, $0x7;
	p1 =	sgt.s32 @!p0 s12, $0x2690;
	s0 =	smul.u32 @!p0 $0x6400, s0  }
0x3a: {  	s4 =	sshra.s32 @!p0 s12, $0x1F;
	s1 =	sand.u32 @!p0 $0xFFFFFC00, s1;
	p1 =	por !p1, p0  }
0x3b: {  	s3 =	simm.s32 @p1 $0x2690;
	s0 =	sadd.s32 @!p0 s0, s1;
	s1 =	sand.u32 @!p0 $0x380, s2  }
0x3c: {  	p1 =	sgt.s32 @!p0 s10, $0xC00;
	s2 =	sand.u32 @!p0 $0x7F, s10;
	s0 =	sor.u32 @!p0 s1, s0  }
0x3d: {  	s6 =	sshra.s32 @!p0 s10, $0x1F;
	p1 =	por !p1, p0;
	s1 =	sor.u32 @!p0 s2, s0  }
0x3e: {  	s6 =	sand.u32 @!p0 s6, s10;
	s5 =	simm.s32 @p1 $0xC00;
	s2 =	smulhi.u32 @!p0 $0x51EB851F, s1  }
0x3f: {  	s4 =	sand.u32 @!p0 s4, s12;
	s0 =	smulhi.u32 @!p0 $0x51EB851F, s0;
	s5 =	ssub.s32 @!p0 s5, s6  }
0x40: {  	s3 =	ssub.s32 @!p0 s3, s4;
	s6 =	sadd.s32 @!p0 $0xFFFFF400, s5;
	s2 =	sshrl.u32 @!p0 s2, $0xA  }
0x41: {  	s0 =	sshrl.u32 @!p0 s0, $0xA;
	p2 =	sgt.s32 @!p0 s6, $0x7F;
	s2 =	smul.u32 @!p0 $0xC80, s2  }
0x42: {  	s5 =	ssub.s32 @!p0 $0xC80, s5;
	s4 =	smulhi.u32 @!p0 $0x1A36E3, s0;
	p2 =	por !p2, p0  }
0x43: {  	s1 =	ssub.s32 @!p0 s1, s2;
	s2 =	sadd.s32 @!p0 $0xFFFFD970, s3;
	s3 =	ssub.s32 @!p0 $0x2710, s3  }
0x44: {  	p1 =	sgt.s32 @!p0 s2, $0x7F;
	s2 =	sshrl.u32 @!p0 s4, $0x2;
	s4 =	sxor.u32 @!p0 $0xFFFFFFFF, s13  }
0x45: {  	s2 =	smul.u32 @!p0 $0x2710, s2;
	p1 =	por !p1, p0;
	s4 =	sshll.u32 @!p0 s4, $0xE  }
0x46: {  	s5 =	simm.s32 @!p2 $0x0;
	s3 =	simm.s32 @!p1 $0x0;
	s4 =	sand.u32 @!p0 $0x4000, s4  }
0x47: {  	s0 =	ssub.s32 @!p0 s0, s2;
	s2 =	smul.u32 @!p0 s3, s5;
	s3 =	sshrl.u32 @!p0 s1, $0x3  }
0x48: {  	s1 =	sand.u32 @!p0 $0x7, s1;
	s5 =	rddreg [dreg:$0x4];
	s0 =	smul.u32 @!p0 $0x190, s0  }
0x49: {  	s3 =	sadd.s32 @!p0 s5, s3;
	s1 =	sshll.u32 @!p0 s1, $0x12;
	s2 =	sand.u32 @!p0 $0x3FFFFFFF, s2  }
0x4a: {  	s1 =	sor.u32 @!p0 $0x400, s1;
	s0 =	sadd.s32 @!p0 s0, s3;
	s3 =	simm.s32 @!p0 $0x6400  }
0x4b: {  	[tilespmem:s4], [sflag:$0x1] =	stream.strided.gather @!p0 [hbm4b:s0+s1], s2, s3, s1, $0x38;
	[tilespmem:$0x10100] =	vst v63  }
0x4c: {  	p0 =	seq.s32 s13, $0x0  }
0x4d: {  	p1 =	sge.u32 @!p0 s13, s7  }
0x4e: {  	p0 =	por p0, p1  }
.Ltmp2:
0x4f: {  	_ = 	snop;
	(pc) =	sbr.rel @p0 .LBB1_13-.Ltmp2, $1  }
0x50: {  	_ =	sdelay $0x3  }
0x51: {  	s0 =	ssub.s32 $0x0, s11;
	s1 =	sshra.s32 s11, $0x1F;
	p0 =	sgt.s32 s11, $0x2690  }
0x52: {  	s2 =	smov.u32 s11;
	s25 =	ssub.s32 $0x0, s8;
	s26 =	sshra.s32 s8, $0x1F  }
0x53: {  	s3 =	smov.u32 s8;
	s2 =	simm.s32 @!p0 $0x2690;
	p0 =	sgt.s32 s8, $0xC00  }
0x54: {  	s4 =	sand.u32 s0, s1;
	s1 =	sand.u32 s25, s26;
	s3 =	simm.s32 @!p0 $0xC00  }
0x55: {  	s2 =	sadd.s32 s4, s2;
	[dreg:$0xb] =	wrdreg s1;
	s1 =	sadd.s32 s1, s3  }
0x56: {  	s27 =	sadd.s32 $0xFFFFD970, s2;
	s2 =	ssub.s32 $0x2710, s2;
	s28 =	sadd.s32 $0xFFFFF400, s1  }
0x57: {  	p0 =	sgt.s32 s27, $0x7F;
	s0 =	ssub.s32 $0xC80, s1;
	p1 =	sgt.s32 s28, $0x7F  }
0x58: {  	s2 =	simm.s32 @p0 $0x0;
	s0 =	simm.s32 @p1 $0x0  }
0x59: {  	s29 =	smul.u32 s2, s0;
	s2 =	sadd.s32 $0x80, s11  }
0x5a: {  	p0 =	slt.s32 s2, $0x2710  }
0x5b: {  	s2 =	simm.s32 @!p0 $0x2710  }
0x5c: {  	[dreg:$0x9] =	wrdreg s14;
	s19 =	ssub.s32 s2, s11  }
0x5d: {  	[dreg:$0x8] =	wrdreg s9;
	p0 =	slt.s32 s19, $0x1  }
.Ltmp3:
0x5e: {  	[dreg:$0x7] =	wrdreg s8;
	s30 =	simm.s32 $0x1;
	(pc) =	sbr.rel @p0 .LBB1_12-.Ltmp3, $4  }
0x5f: {  	[dreg:$0xa] =	wrdreg s4;
	s0 =	sand.u32 $0x1, s13;
	s1 =	sand.u32 $0x3FFFFFFF, s29  }
0x60: {  	s31 =	smul.u32 $0x4080, s0;
	_ =	swait.ge [sflag:s30], s1  }
0x61: {  	s1 =	ssub.s32 $0x0, s1;
	[sflag:s30] =	ssyncset.done $0x0  }
0x62: {  	s18 =	sor.u32 $0x8000, s31;
	[sflag:s30] =	ssyncadd.s32 s1  }
0x63: {  	s2 =	rddreg [dreg:$0x7]  }
0x64: {  	s1 =	sadd.s32 $0x80, s2  }
0x65: {  	p0 =	slt.s32 s1, $0xC40  }
.Ltmp4:
0x66: {  	s1 =	simm.s32 @!p0 $0xC40;
	(pc) =	sbr.rel .LBB1_4-.Ltmp4, $4  }
0x67: {  	s22 =	sshll.u32 s0, $0xE;
	s1 =	ssub.s32 s1, s2  }
0x68: {  	s24 =	simm.s32 $0x0;
	s25 =	simm.s32 $0x400;
	s1 =	sadd.s32 $0xF, s1  }
0x69: {  	s20 =	sand.u32 $0xFFFFFFF0, s1;
	s21 =	sand.u32 $0xFFFFFF00, s1;
	s31 =	sshll.u32 s1, $0x3  }
0x6a: {  	p0 =	slt.s32 s1, $0x100;
	s23 =	sand.u32 $0xFFFFF800, s31;
	p1 =	sge.s32 s21, s20  }
.LBB1_11:
0x6b: {  	s24 =	sadd.s32 $0x1, s24  }
0x6c: {  	p2 =	sne.s32 s24, s19  }
.Ltmp5:
0x6d: {  	_ = 	snop;
	(pc) =	sbr.rel @!p2 .LBB1_12-.Ltmp5, $2  }
0x6e: {  	_ =	sdelay $0x2  }
0x6f: {  	s25 =	sadd.s32 $0x80, s25  }
.LBB1_4:
.Ltmp6:
0x70: {  	(pc) =	sbr.rel @p0 .LBB1_8-.Ltmp6, $2  }
0x71: {  	_ =	sdelay $0x2  }
0x72: {  	s26 =	sshll.u32 s24, $0x7;
	s27 =	sand.u32 $0x7F, s24  }
0x73: {  	s0 =	sshll.u32 s24, $0x3  }
0x74: {  	s5 =	sand.u32 $0x380, s26;
	s3 =	sshrl.u32 s0, $0x7;
	s2 =	sadd.s32 $0x800, s0  }
0x75: {  	s6 =	sadd.s32 $0x1000, s0;
	s17 =	sadd.s32 s5, s22;
	s16 =	sadd.s32 $0x1800, s0  }
0x76: {  	s9 =	sadd.s32 $0x2800, s0;
	s1 =	sand.u32 $0x78, s3;
	s2 =	sshrl.u32 s2, $0x7  }
0x77: {  	s15 =	sshrl.u32 s6, $0x7;
	s6 =	sshrl.u32 s16, $0x7;
	s14 =	sshrl.u32 s9, $0x7  }
0x78: {  	s16 =	sadd.s32 $0x3000, s0;
	s4 =	smul.u32 $0x204, s1;
	s2 =	sand.u32 $0x78, s2  }
0x79: {  	s0 =	sadd.s32 $0x3800, s0;
	s5 =	sand.u32 $0x78, s15;
	s2 =	smul.u32 $0x204, s2  }
0x7a: {  	v0 =	vmov s17;
	s17 =	sand.u32 $0x3C00, s25;
	s1 =	sxor.u32 $0x40, s1;
	s5 =	smul.u32 $0x204, s5  }
0x7b: {  	s7 =	sand.u32 $0x78, s6;
	s1 =	smul.u32 $0x204, s1;
	s4 =	sshrl.u32 s4, $0x2  }
0x7c: {  	s4 =	sadd.s32 s4, s18;
	s2 =	sshrl.u32 s2, $0x2;
	s8 =	sshrl.u32 s5, $0x2  }
0x7d: {  	s1 =	sshrl.u32 s1, $0x2;
	s2 =	sadd.s32 s2, s18;
	s28 =	sadd.s32 s27, s4  }
0x7e: {  	s4 =	sadd.s32 s8, s18;
	s15 =	sadd.s32 s1, s18;
	s8 =	sshrl.u32 s0, $0x7  }
0x7f: {  	s29 =	sadd.s32 s27, s2;
	s2 =	smul.u32 $0x204, s7;
	s30 =	sadd.s32 s27, s4  }
0x80: {  	s4 =	sand.u32 $0x78, s14;
	s31 =	sadd.s32 s27, s15;
	s7 =	sshrl.u32 s16, $0x7  }
0x81: {  	s9 =	sand.u32 $0x78, s8;
	s14 =	sadd.s32 $0x10, s3;
	s15 =	sadd.s32 $0x20, s3  }
0x82: {  	s4 =	smul.u32 $0x204, s4;
	s5 =	sand.u32 $0x78, s14;
	s6 =	sand.u32 $0x78, s15  }
0x83: {  	s14 =	sadd.s32 $0x60, s3;
	s2 =	sshrl.u32 s2, $0x2;
	s5 =	smul.u32 $0x204, s5  }
0x84: {  	s6 =	smul.u32 $0x204, s6;
	s14 =	sand.u32 $0x78, s14;
	s2 =	sadd.s32 s2, s18  }
0x85: {  	s4 =	sshrl.u32 s4, $0x2;
	s14 =	smul.u32 $0x204, s14;
	s1 =	sadd.s32 s27, s2  }
0x86: {  	s2 =	sand.u32 $0x78, s7;
	s4 =	sadd.s32 s4, s18;
	s5 =	sshrl.u32 s5, $0x2  }
0x87: {  	s7 =	sadd.s32 $0x30, s3;
	s0 =	sadd.s32 s27, s4;
	s4 =	smul.u32 $0x204, s9  }
0x88: {  	s16 =	sadd.s32 s5, s18;
	s5 =	sand.u32 $0x78, s7;
	s7 =	sadd.s32 $0x50, s3  }
0x89: {  	s6 =	sshrl.u32 s6, $0x2;
	s3 =	sadd.s32 $0x70, s3;
	s7 =	sand.u32 $0x78, s7  }
0x8a: {  	v1 =	vld.idx.msk [tilespmem:v0+s17+$0x0 ss:$0x1], $0xffff;
	s3 =	sand.u32 $0x78, s3;
	s4 =	sshrl.u32 s4, $0x2;
	s7 =	smul.u32 $0x204, s7  }
0x8b: {  	s14 =	sshrl.u32 s14, $0x2;
	s3 =	smul.u32 $0x204, s3;
	s4 =	sadd.s32 s4, s18  }
0x8c: {  	s15 =	sadd.s32 s6, s18;
	s14 =	sadd.s32 s14, s18;
	s8 =	sadd.s32 s27, s4  }
0x8d: {  	s4 =	sadd.s32 s27, s15;
	s7 =	sshrl.u32 s7, $0x2;
	s3 =	sshrl.u32 s3, $0x2  }
0x8e: {  	s15 =	sadd.s32 $0xFFFFFC00, s25;
	s7 =	sadd.s32 s7, s18;
	s9 =	sadd.s32 s3, s18  }
0x8f: {  	[tilespmem:s28+$0x0 ss:$0x81] =	vst.msk $0xffff, v1;
	v1 =	vld.idx.msk [tilespmem:v0+s17+$0x20 ss:$0x1], $0xffff;
	s3 =	sadd.s32 s27, s7;
	s7 =	sadd.s32 s27, s14;
	s14 =	sand.u32 $0x3C00, s15  }
0x90: {  	v2 =	vld.idx.msk [tilespmem:v0+s14+$0x70 ss:$0x1], $0xffff  }
0x91: {  	v3 =	vld.idx.msk [tilespmem:v0+s14+$0x0 ss:$0x1], $0xffff  }
0x92: {  	v4 =	vld.idx.msk [tilespmem:v0+s14+$0x10 ss:$0x1], $0xffff  }
0x93: {  	v5 =	vld.idx.msk [tilespmem:v0+s14+$0x20 ss:$0x1], $0xffff  }
0x94: {  	v6 =	vld.idx.msk [tilespmem:v0+s14+$0x30 ss:$0x1], $0xffff  }
0x95: {  	v7 =	vld.idx.msk [tilespmem:v0+s14+$0x40 ss:$0x1], $0xffff;
	[tilespmem:s8+$0x0 ss:$0x81] =	vst.msk $0xffff, v2  }
0x96: {  	s2 =	smul.u32 $0x204, s2;
	v8 =	vld.idx.msk [tilespmem:v0+s14+$0x50 ss:$0x1], $0xffff;
	[tilespmem:s28+$0x0 ss:$0x81] =	vst.msk $0xffff, v3  }
0x97: {  	p2 =	sgt.s32 s21, $0x100;
	s5 =	smul.u32 $0x204, s5;
	v9 =	vld.idx.msk [tilespmem:v0+s14+$0x60 ss:$0x1], $0xffff;
	[tilespmem:s29+$0x0 ss:$0x81] =	vst.msk $0xffff, v4  }
.Ltmp7:
0x98: {  	v4 =	vld.idx.msk [tilespmem:v0+s17+$0x10 ss:$0x1], $0xffff;
	[tilespmem:s30+$0x0 ss:$0x81] =	vst.msk $0xffff, v5;
	(pc) =	sbr.rel @!p2 .LBB1_7-.Ltmp7, $4  }
0x99: {  	s2 =	sshrl.u32 s2, $0x2;
	s5 =	sshrl.u32 s5, $0x2;
	[tilespmem:s1+$0x0 ss:$0x81] =	vst.msk $0xffff, v6;
	v2 =	vld.idx.msk [tilespmem:v0+s17+$0x30 ss:$0x1], $0xffff  }
0x9a: {  	s2 =	sadd.s32 s2, s18;
	s5 =	sadd.s32 s5, s18;
	[tilespmem:s31+$0x0 ss:$0x81] =	vst.msk $0xffff, v7;
	v3 =	vld.idx.msk [tilespmem:v0+s17+$0x40 ss:$0x1], $0xffff  }
0x9b: {  	s6 =	sadd.s32 s27, s16;
	s2 =	sadd.s32 s27, s2;
	s5 =	sadd.s32 s27, s5;
	[tilespmem:s0+$0x0 ss:$0x81] =	vst.msk $0xffff, v8;
	v5 =	vld.idx.msk [tilespmem:v0+s17+$0x50 ss:$0x1], $0xffff  }
0x9c: {  	s16 =	sadd.s32 s27, s9;
	s15 =	sadd.s32 $0x800, s25;
	s14 =	simm.s32 $0x100;
	[tilespmem:s2+$0x0 ss:$0x81] =	vst.msk $0xffff, v9;
	v6 =	vld.idx.msk [tilespmem:v0+s17+$0x60 ss:$0x1], $0xffff  }
.LBB1_6:
0x9d: {  	s9 =	sadd.s32 $0xFFFFFC00, s15;
	s14 =	sadd.s32 $0x100, s14;
	[tilespmem:s6+$0x0 ss:$0x81] =	vst.msk $0xffff, v4;
	v4 =	vld.idx.msk [tilespmem:v0+s17+$0x70 ss:$0x1], $0xffff;
	s17 =	sand.u32 $0x3C00, s15  }
0x9e: {  	s9 =	sand.u32 $0x3C00, s9;
	v7 =	vld.idx.msk [tilespmem:v0+s17+$0x0 ss:$0x1], $0xffff;
	p2 =	slt.s32 s14, s21;
	[tilespmem:s4+$0x0 ss:$0x81] =	vst.msk $0xffff, v1  }
0x9f: {  	v1 =	vld.idx.msk [tilespmem:v0+s9+$0x70 ss:$0x1], $0xffff;
	[tilespmem:s5+$0x0 ss:$0x81] =	vst.msk $0xffff, v2  }
0xa0: {  	v2 =	vld.idx.msk [tilespmem:v0+s9+$0x0 ss:$0x1], $0xffff;
	[tilespmem:s31+$0x0 ss:$0x81] =	vst.msk $0xffff, v3  }
0xa1: {  	v3 =	vld.idx.msk [tilespmem:v0+s9+$0x10 ss:$0x1], $0xffff;
	[tilespmem:s3+$0x0 ss:$0x81] =	vst.msk $0xffff, v5  }
0xa2: {  	v5 =	vld.idx.msk [tilespmem:v0+s9+$0x20 ss:$0x1], $0xffff;
	[tilespmem:s7+$0x0 ss:$0x81] =	vst.msk $0xffff, v6  }
0xa3: {  	v6 =	vld.idx.msk [tilespmem:v0+s9+$0x30 ss:$0x1], $0xffff;
	[tilespmem:s16+$0x0 ss:$0x81] =	vst.msk $0xffff, v4  }
0xa4: {  	v8 =	vld.idx.msk [tilespmem:v0+s9+$0x40 ss:$0x1], $0xffff;
	[tilespmem:s28+$0x0 ss:$0x81] =	vst.msk $0xffff, v7  }
0xa5: {  	v7 =	vld.idx.msk [tilespmem:v0+s9+$0x50 ss:$0x1], $0xffff;
	[tilespmem:s8+$0x0 ss:$0x81] =	vst.msk $0xffff, v1  }
0xa6: {  	[tilespmem:s28+$0x0 ss:$0x81] =	vst.msk $0xffff, v2;
	v9 =	vld.idx.msk [tilespmem:v0+s9+$0x60 ss:$0x1], $0xffff  }
0xa7: {  	[tilespmem:s29+$0x0 ss:$0x81] =	vst.msk $0xffff, v3;
	v4 =	vld.idx.msk [tilespmem:v0+s17+$0x10 ss:$0x1], $0xffff  }
.Ltmp8:
0xa8: {  	[tilespmem:s30+$0x0 ss:$0x81] =	vst.msk $0xffff, v5;
	v1 =	vld.idx.msk [tilespmem:v0+s17+$0x20 ss:$0x1], $0xffff;
	(pc) =	sbr.rel @p2 .LBB1_6-.Ltmp8, $4  }
0xa9: {  	[tilespmem:s1+$0x0 ss:$0x81] =	vst.msk $0xffff, v6;
	v2 =	vld.idx.msk [tilespmem:v0+s17+$0x30 ss:$0x1], $0xffff  }
0xaa: {  	[tilespmem:s31+$0x0 ss:$0x81] =	vst.msk $0xffff, v8;
	v3 =	vld.idx.msk [tilespmem:v0+s17+$0x40 ss:$0x1], $0xffff  }
0xab: {  	[tilespmem:s0+$0x0 ss:$0x81] =	vst.msk $0xffff, v7;
	v5 =	vld.idx.msk [tilespmem:v0+s17+$0x50 ss:$0x1], $0xffff  }
0xac: {  	s15 =	sadd.s32 $0x800, s15;
	[tilespmem:s2+$0x0 ss:$0x81] =	vst.msk $0xffff, v9;
	v6 =	vld.idx.msk [tilespmem:v0+s17+$0x60 ss:$0x1], $0xffff  }
.LBB1_7:
0xad: {  	_ =	sdelay $0x2  }
0xae: {  	[tilespmem:s6+$0x0 ss:$0x81] =	vst.msk $0xffff, v4  }
0xaf: {  	v0 =	vld.idx.msk [tilespmem:v0+s17+$0x70 ss:$0x1], $0xffff;
	[tilespmem:s4+$0x0 ss:$0x81] =	vst.msk $0xffff, v1  }
0xb0: {  	[tilespmem:s5+$0x0 ss:$0x81] =	vst.msk $0xffff, v2  }
0xb1: {  	[tilespmem:s31+$0x0 ss:$0x81] =	vst.msk $0xffff, v3  }
0xb2: {  	[tilespmem:s3+$0x0 ss:$0x81] =	vst.msk $0xffff, v5  }
0xb3: {  	[tilespmem:s7+$0x0 ss:$0x81] =	vst.msk $0xffff, v6  }
0xb4: {  	[tilespmem:s16+$0x0 ss:$0x81] =	vst.msk $0xffff, v0  }
.LBB1_8:
.Ltmp9:
0xb5: {  	(pc) =	sbr.rel @p1 .LBB1_11-.Ltmp9, $1  }
0xb6: {  	_ =	sdelay $0x3  }
0xb7: {  	s1 =	sand.u32 $0x380, s26;
	s0 =	sshrl.u32 s24, $0x4;
	s2 =	sadd.s32 s27, s18  }
0xb8: {  	s3 =	smov.u32 s23;
	s4 =	smov.u32 s21;
	s1 =	sadd.s32 s1, s22  }
.LBB1_10:
0xb9: {  	s5 =	sand.u32 $0x3C00, s3  }
0xba: {  	s5 =	sadd.s32 s26, s5  }
0xbb: {  	s5 =	sand.u32 $0x3C00, s5  }
0xbc: {  	s6 =	sand.u32 $0x70, s4;
	s30 =	sadd.s32 s4, s0;
	s5 =	sadd.s32 s5, s1  }
0xbd: {  	s4 =	sadd.s32 $0x10, s4;
	s31 =	sand.u32 $0x78, s30;
	s5 =	sadd.s32 s6, s5  }
0xbe: {  	p2 =	slt.s32 s4, s20;
	v0 =	vld [tilespmem:s5+$0x0];
	s5 =	smul.u32 $0x204, s31  }
.Ltmp10:
0xbf: {  	_ = 	snop;
	(pc) =	sbr.rel @p2 .LBB1_10-.Ltmp10, $4  }
0xc0: {  	_ = 	snop  }
0xc1: {  	s5 =	sshrl.u32 s5, $0x2  }
0xc2: {  	s5 =	sadd.s32 s5, s2  }
0xc3: {  	s3 =	sadd.s32 $0x80, s3;
	[tilespmem:s5+$0x0 ss:$0x81] =	vst.msk $0xffff, v0  }
.Ltmp11:
0xc4: {  	_ = 	snop;
	(pc) =	sbr.rel .LBB1_11-.Ltmp11, $1  }
0xc5: {  	_ =	sdelay $0x3  }
.LBB1_14:
0xc6: {  	_ =	sfence.sel $0x180000  }
0xc7: {  	s0 =	simm.s32 $0x1;
	[bflag:$0x0] =	sbarrier.arrive $0xFFFF  }
0xc8: {  	s30 =	simm.s32 $0x2;
	[sflag:s0] =	ssyncpa.u1 $0x1  }
0xc9: {  	[sflag:s30] =	ssyncpa.u1 $0x1  }
0xca: {  	_ =	strace $0x9000004A  }
0xcb: {  	s31 =	stileid.u32;
	[bflag:$0x2] =	sbarrier.arrive $0xFFFF  }
0xcc: {  	p0 =	sne.s32 s31, $0x0;
	s0 =	rddreg [dreg:$0x2]  }
0xcd: {  	s0 =	sadd.s32 @!p0 $0x100000, s0  }
0xce: {  	[sflag:s0] =	ssyncadd.tile.s32 @!p0 $0x1;
	_ =	shalt  }
.Lfunc_end1:
_tile_overlayer_lowered:
.L_overlay_start_2:
0xcf: {  	(tag) =	ssettag $0x2  }
0xd0: {  	s0 =	rddreg [dreg:$0x0];
	s2 =	stileid.u32  }
0xd1: {  	s1 =	rddreg [dreg:$0x1];
	p0 =	sne.s32 s2, $0x0  }
0xd2: {  	s3 =	rddreg [dreg:$0x2];
	[bflag:$0x3] =	sbarrier.arrive $0xFFFF;
	s2 =	simm.s32 @!p0 $0x1C01  }
0xd3: {  	[timem:s3], [sflag:s2] =	dma.local @!p0 [hbm:s0], s1  }
0xd4: {  	s0 =	simm.s32 @!p0 $0x1  }
0xd5: {  	_ =	swait.ge @!p0 [sflag:s0], s1  }
0xd6: {  	s1 =	ssub.s32 @!p0 $0x0, s1;
	[sflag:s0] =	ssyncset.done @!p0 $0x0  }
0xd7: {  	[sflag:s0] =	ssyncadd.s32 @!p0 s1  }
0xd8: {  	[bflag:$0x3] =	sbarrier.arrive $0xFFFF  }
0xd9: {  	_ =	shalt  }

// kernel: sparse-core-data-format-call.cloned.1.call-start
scs
called_computation_lowered:
.L_overlay_start_0:
0x0: {  	s2 =	sld [smem:$0x3FD9]  }
0x1: {  	s3 =	sld [smem:$0x3FFE];
	_ =	sdelay $0x1  }
0x2: {  	s1 =	srdreg.scid  }
0x3: {  	s0 =	sand.u32 $0x1, s1  }
0x4: {  	s18 =	sshll.u32 s0, $0xA;
	s2 =	sadd.s32 s3, s2  }
0x5: {  	s2 =	sadd.s32 s2, s18  }
0x6: {  	[smem:$0x3FC6] =	sst s2  }
0x7: {  	_ = 	snop  }
0x8: {  	s2 =	sld [smem:$0x3FD0];
	(tm) =	ssettm $0x1  }
0x9: {  	s19 =	sld [smem:$0x3FFB];
	_ =	sdelay $0x3  }
0xa: {  	_ =	strace s19  }
0xb: {  	s3 =	sld [smem:$0x3FFC];
	_ =	sdelay $0x3  }
0xc: {  	_ =	strace s3  }
0xd: {  	s3 =	sld [smem:$0x3FFD];
	_ =	sdelay $0x3  }
0xe: {  	_ =	strace s3  }
0xf: {  	_ =	strace $0x8FFFFFFF  }
0x10: {  	s20 =	sld [smem:$0x3FDB];
	_ =	sdelay $0x1  }
0x11: {  	s4 =	simm.s32 $_scs_section_size  }
0x12: {  	s5 =	simm.s32 $_size__tile_overlayer_lowered;
	s6 =	simm.s32 $_tile_overlayer_lowered  }
0x13: {  	s23 =	simm.s32 $0x1BFF;
	s22 =	sshll.u32 s6, $0x1;
	s3 =	sadd.s32 s4, s20  }
0x14: {  	s7 =	simm.s32 $0x0;
	s21 =	sshll.u32 s5, $0x1;
	s5 =	sadd.s32 s22, s3  }
0x15: {  	[timem:s7], [sflag:s23] =	dma.local [hbm:s5], s21  }
0x16: {  	_ =	swait.ge [sflag:s23], s21  }
0x17: {  	s4 =	ssub.s32 $0x0, s21;
	[sflag:s23] =	ssyncset.done $0x0  }
0x18: {  	[sflag:s23] =	ssyncadd.s32 s4;
	_ =	sdelay $0x1  }
0x19: {  	s24 =	simm.s32 $0x1B8B  }
0x1a: {  	_ =	swait.ge [sflag:s24], $0x1  }
0x1b: {  	[sflag:s24] =	ssyncset.done $0x0  }
0x1c: {  	s26 =	simm.s32 $0x1B8E;
	s25 =	sld [smem:$0x3FFE];
	[sflag:s24] =	ssyncadd.s32 $0xFFFFFFFF  }
0x1d: {  	s27 =	simm.s32 $execute0_lowered;
	[smem:$0x3FD2] =	sst s26  }
0x1e: {  	s5 =	sshll.u32 s27, $0x1;
	_ =	strace $0x8000004C;
	[dreg:$0x1] =	wrdreg $0xFFFFFFFF  }
0x1f: {  	s28 =	simm.s32 $_size_execute0_lowered;
	s3 =	sadd.s32 s3, s5;
	[dreg:$0x0] =	wrdreg $0x0  }
0x20: {  	s5 =	sshll.u32 s28, $0x1;
	[dreg:$0x2] =	wrdreg s3  }
0x21: {  	[dreg:$0x3] =	wrdreg s5  }
0x22: {  	[dreg:$0x4] =	wrdreg $0xC0  }
0x23: {  	_ =	task [dreg:s7], $0x5FFFF  }
0x24: {  	[dreg:$0x1] =	wrdreg $0xFFFFFFFF  }
0x25: {  	[dreg:$0x0] =	wrdreg $0x60  }
0x26: {  	[dreg:$0x2] =	wrdreg s25  }
0x27: {  	[dreg:$0x3] =	wrdreg s2  }
0x28: {  	[dreg:$0x4] =	wrdreg $0x9  }
0x29: {  	_ =	task.clear_ibuf [dreg:s7], $0x5FFFF;
	_ =	strace $0x9000004C  }
0x2a: {  	s29 =	simm.s32 $0x9;
	_ =	strace $0x8000004E  }
0x2b: {  	_ =	swait.ge [sflag:s29], $0x1  }
0x2c: {  	[sflag:s29] =	ssyncadd.s32 $0xFFFFFFFF  }
0x2d: {  	_ =	strace $0x9000004E  }
0x2e: {  	_ =	sfence  }
0x2f: {  	s30 =	sld [smem:$0x0];
	_ =	sdelay $0x2  }
0x30: {  	s31 =	sshll.u32 s1, $0xD;
	s1 =	sshrl.u32 s1, $0x2  }
0x31: {  	s3 =	sand.u32 $0x4000, s31;
	s1 =	sadd.s32 s1, s30  }
0x32: {  	s0 =	sor.u32 s3, s0;
	s1 =	sshll.u32 s1, $0x11  }
0x33: {  	s0 =	sor.u32 s1, s0  }
0x34: {  	s0 =	sadd.s32 $0x8F2B, s0  }
0x35: {  	[sflag:s0] =	ssyncadd.remote.s32 $0x1  }
0x36: {  	_ =	sfence.sel $0xFFFF  }
0x37: {  	[dreg:$0x0] =	wrdreg $0xFFFFFFFF;
	(pc) =	sbr.abs _section_cstart, $3  }
0x38: {  	[dreg:$0x1] =	wrdreg $0xFFFFFFFF  }
0x39: {  	_ =	task.clear_ibuf [dreg:s7], $0x2FFFF;
	_ =	strace $0x9FFFFFFF  }
0x3a: {  	(tm) =	ssettm $0x7FFFFFFF  }
0x3b: {  	_ =	shalt  }
tec
execute0_lowered:
.L_overlay_start_1:
0x0: {  	(tag) =	ssettag $0x1  }
0x1: {  	s3 =	rddreg [dreg:$0x0]  }
0x2: {  	s2 =	rddreg [dreg:$0x1];
	s4 =	srdreg.scid  }
0x3: {  	s0 =	rddreg [dreg:$0x2];
	s1 =	stileid.u32  }
0x4: {  	_ =	strace $0x8000004D;
	s8 =	simm.s32 $0x2;
	s7 =	simm.s32 $0x0  }
0x5: {  	s19 =	simm.s32 $0x0;
	s9 =	simm.s32 $0x13C00;
	s21 =	simm.s32 $0x0  }
0x6: {  	s22 =	simm.s32 $0x0;
	s20 =	simm.s32 $0x0;
	s10 =	simm.s32 $0x0  }
0x7: {  	s11 =	simm.s32 $0x0;
	s12 =	simm.s32 $0x0;
	s14 =	simm.s32 $0x0  }
0x8: {  	s13 =	simm.s32 $0x0;
	s17 =	simm.s32 $0x0;
	s18 =	simm.s32 $0x0  }
.Ltmp0:
0x9: {  	s4 =	sshll.u32 s4, $0x4;
	s5 =	sand.u32 $0x7, s1;
	(pc) =	sbr.rel .LBB1_1-.Ltmp0, $4  }
0xa: {  	s3 =	sadd.s32 $0xC00, s3;
	s4 =	sor.u32 s1, s4;
	p0 =	seq.s32 s5, $0x7  }
0xb: {  	s16 =	smov.u32 s5;
	s6 =	sshrl.u32 s4, $0x2;
	s4 =	simm.s32 $0x1  }
0xc: {  	s7 =	simm.s32 @!p0 $0x4F;
	s6 =	sand.u32 $0x6, s6;
	[sflag:s4] =	ssyncpa.u1 $0x0  }
0xd: {  	[sflag:s8] =	ssyncpa.u1 $0x0;
	s8 =	sadd.s32 $0x1, s7;
	s15 =	smov.u32 s6  }
.LBB1_7:
0xe: {  	p0 =	slt.u32 s18, $0x2  }
0xf: {  	s23 =	smov.u32 s22;
	s25 =	smov.u32 s16;
	s26 =	smov.u32 s17  }
0x10: {  	p1 =	sgt.s32 @!p0 s22, $0x6;
	s24 =	sshra.s32 @!p0 s22, $0x1F;
	p2 =	sgt.s32 @!p0 s19, $0x2700  }
0x11: {  	s27 =	simm.s32 @!p0 $0x2;
	p1 =	por !p1, p0;
	s22 =	sand.u32 @!p0 s24, s22  }
0x12: {  	s24 =	sshra.s32 @!p0 s21, $0x1F;
	s23 =	simm.s32 @p1 $0x6;
	p1 =	sgt.s32 @!p0 s21, $0x5  }
0x13: {  	s22 =	ssub.s32 @!p0 s23, s22;
	p1 =	por !p1, p0;
	s23 =	smov.u32 s21  }
0x14: {  	s21 =	sand.u32 @!p0 s24, s21;
	s24 =	sadd.s32 @!p0 $0xFFFFFFFA, s22;
	s23 =	simm.s32 @p1 $0x5  }
0x15: {  	p2 =	por !p2, p0;
	p1 =	sgt.s32 @!p0 s24, $0x0;
	s21 =	ssub.s32 @!p0 s23, s21  }
0x16: {  	s22 =	ssub.s32 @!p0 $0x7, s22;
	p1 =	por !p1, p0;
	s23 =	sadd.s32 @!p0 $0xFFFFFFFB, s21  }
0x17: {  	s24 =	sshra.s32 @!p0 s19, $0x1F;
	s22 =	simm.s32 @!p1 $0x0;
	p1 =	sgt.s32 @!p0 s23, $0x1  }
0x18: {  	s21 =	ssub.s32 @!p0 $0x7, s21;
	s23 =	ssub.s32 @!p0 $0x0, s20;
	p1 =	por !p1, p0  }
0x19: {  	s20 =	smin.u32 @!p0 s20, s23;
	s23 =	smov.u32 s19;
	s19 =	sand.u32 @!p0 s24, s19  }
0x1a: {  	s24 =	smov.u32 s15;
	s23 =	simm.s32 @p2 $0x2700;
	p2 =	sgt.s32 @!p0 s20, $0x3F  }
0x1b: {  	s20 =	ssub.s32 @!p0 $0x40, s20;
	p2 =	por !p2, p0;
	s19 =	ssub.s32 @!p0 s23, s19  }
0x1c: {  	s21 =	simm.s32 @!p1 $0x0;
	s20 =	simm.s32 @!p2 $0x0;
	s23 =	sadd.s32 @!p0 $0xFFFFD900, s19  }
0x1d: {  	p1 =	sgt.s32 @!p0 s23, $0x7F;
	s20 =	smul.u32 @!p0 s20, s22;
	s23 =	sadd.s32 $0x80, s13  }
0x1e: {  	s19 =	ssub.s32 @!p0 $0x2780, s19;
	s22 =	sadd.s32 $0x8, s15;
	p2 =	sgt.s32 s23, $0x270F  }
0x1f: {  	p1 =	por !p1, p0;
	s20 =	smul.u32 @!p0 s21, s20;
	s24 =	smov.u32 @p2 s22  }
0x20: {  	s19 =	simm.s32 @!p1 $0x0;
	s21 =	sadd.s32 $0x8, s16;
	p1 =	sgt.s32 s24, $0x6  }
0x21: {  	s23 =	simm.s32 @p2 $0x0;
	s22 =	smov.u32 s12;
	s25 =	smov.u32 @p1 s21  }
0x22: {  	s19 =	smul.u32 @!p0 s19, s20;
	s20 =	sadd.s32 $0x40, s17;
	p2 =	sgt.s32 s25, $0x6  }
0x23: {  	s12 =	smov.u32 s16;
	s24 =	smov.u32 @p1 s6;
	s26 =	smov.u32 @p2 s20  }
0x24: {  	s21 =	smov.u32 s11;
	s11 =	smov.u32 s15;
	p1 =	sgt.s32 s26, $0x3F  }
0x25: {  	s15 =	smov.u32 s24;
	s26 =	simm.s32 @p1 $0x0;
	p1 =	sne.s32 s18, s8  }
.Ltmp1:
0x26: {  	s19 =	sand.u32 @!p0 $0x3FFFFFFF, s19;
	s25 =	smov.u32 @p2 s5;
	(pc) =	sbr.rel @!p1 .LBB1_8-.Ltmp1, $4  }
0x27: {  	s20 =	smov.u32 s14;
	s14 =	smov.u32 s17;
	_ =	swait.ge @!p0 [sflag:s27], s19  }
0x28: {  	s28 =	ssub.s32 @!p0 $0x0, s19;
	s19 =	smov.u32 s10;
	s10 =	smov.u32 s13  }
0x29: {  	s13 =	smov.u32 s23;
	s16 =	smov.u32 s25;
	[sflag:s27] =	ssyncset.done @!p0 $0x0  }
0x2a: {  	s18 =	sadd.s32 $0x1, s18;
	[sflag:s27] =	ssyncadd.s32 @!p0 s28;
	s17 =	smov.u32 s26  }
.LBB1_1:
0x2b: {  	p0 =	sge.u32 s18, s7  }
0x2c: {  	s23 =	sshrl.u32 @!p0 s15, $0x3  }
0x2d: {  	s24 =	sshll.u32 @!p0 s13, $0x3;
	s23 =	smul.u32 @!p0 $0x13C00, s23  }
0x2e: {  	s25 =	sshll.u32 @!p0 s15, $0x7;
	s24 =	sand.u32 @!p0 $0xFFFFFC00, s24  }
0x2f: {  	s23 =	sadd.s32 @!p0 s23, s24;
	s24 =	sand.u32 @!p0 $0x380, s25  }
0x30: {  	s25 =	sand.u32 @!p0 $0x7F, s13;
	s23 =	sor.u32 @!p0 s24, s23  }
0x31: {  	s24 =	sor.u32 @!p0 s25, s23  }
0x32: {  	s25 =	smulhi.u32 @!p0 $0xCF6474A9, s24  }
0x33: {  	s23 =	smulhi.u32 @!p0 $0xCF6474A9, s23  }
0x34: {  	s31 =	sadd.s32 $0xFFFFFFFF, s18;
	s27 =	smul.u32 @!p0 $0x11480, s17;
	s25 =	sshrl.u32 @!p0 s25, $0xD  }
0x35: {  	s26 =	sxor.u32 @!p0 $0xFFFFFFFF, s18;
	s23 =	sshrl.u32 @!p0 s23, $0xD;
	s25 =	smul.u32 @!p0 $0x2780, s25  }
0x36: {  	s28 =	smul.u32 @!p0 $0x2780, s16;
	s26 =	sshll.u32 @!p0 s26, $0xE;
	s23 =	sand.u32 @!p0 $0x7, s23  }
0x37: {  	s23 =	smul.u32 @!p0 $0x4F0, s23;
	s24 =	ssub.s32 @!p0 s24, s25;
	s25 =	sadd.s32 @!p0 s3, s27  }
0x38: {  	s26 =	sand.u32 @!p0 $0x4000, s26;
	s25 =	sadd.s32 @!p0 s28, s25;
	s27 =	sand.u32 @!p0 $0x7, s24  }
0x39: {  	s24 =	sshrl.u32 @!p0 s24, $0x3;
	s23 =	sadd.s32 @!p0 s23, s25;
	s25 =	sshll.u32 @!p0 s27, $0x12  }
0x3a: {  	s23 =	sadd.s32 @!p0 s24, s23;
	s24 =	sor.u32 @!p0 $0x100, s25;
	s25 =	simm.s32 @!p0 $0x8A400  }
0x3b: {  	[tilespmem:s26], [sflag:$0x1] =	stream.strided.gather @!p0 [hbm4b:s23+s24], $0x4000, s25, s24, $0x38;
	[tilespmem:$0x10000] =	vst v63  }
0x3c: {  	p0 =	sge.u32 s31, s7  }
.Ltmp2:
0x3d: {  	_ = 	snop;
	(pc) =	sbr.rel @p0 .LBB1_7-.Ltmp2, $1  }
0x3e: {  	_ =	sdelay $0x3  }
0x3f: {  	_ =	swait.ge [sflag:s4], $0x4000;
	s23 =	sshll.u32 s18, $0xE  }
0x40: {  	[sflag:s4] =	ssyncset.done $0x0;
	s24 =	sand.u32 $0x4000, s23  }
0x41: {  	s25 =	simm.s32 $0x0;
	[sflag:s4] =	ssyncadd.s32 $0xFFFFC000;
	s23 =	sor.u32 $0x8000, s24  }
.LBB1_3:
0x42: {  	s26 =	sshll.u32 s25, $0x8  }
0x43: {  	s26 =	sand.u32 $0x3FFFFF00, s26  }
0x44: {  	s27 =	sshll.u32 s25, $0x7;
	s26 =	sadd.s32 s26, s24  }
0x45: {  	s27 =	sand.u32 $0x3FFFFF80, s27;
	v0 =	vmov s26  }
0x46: {  	s27 =	sadd.s32 s27, s23  }
0x47: {  	p0 =	por $0x1, $0x1;
	v1 =	vmov s27;
	s26 =	simm.s32 $0x0  }
.LBB1_4:
0x48: {  	s27 =	sshll.u32 s26, $0x7  }
0x49: {  	s27 =	sand.u32 $0x3FFFFF80, s27  }
0x4a: {  	v2 =	vld.idx.msk [tilespmem:v0+s27+$0x0 ss:$0x1], $0xffff  }
0x4b: {  	v3 =	vld.idx.msk [tilespmem:v0+s27+$0x10 ss:$0x1], $0xffff  }
0x4c: {  	v4 =	vld.idx.msk [tilespmem:v0+s27+$0x20 ss:$0x1], $0xffff  }
0x4d: {  	s31 =	sshll.u32 s26, $0xD;
	v5 =	vld.idx.msk [tilespmem:v0+s27+$0x30 ss:$0x1], $0xffff  }
0x4e: {  	s26 =	sand.u32 $0x3FFFE000, s31;
	v6 =	vld.idx.msk [tilespmem:v0+s27+$0x40 ss:$0x1], $0xffff  }
0x4f: {  	v63 =	vld.idx.msk [tilespmem:v0+s27+$0x70 ss:$0x1], $0xffff;
	[tilespmem:v1+s26+$0x0 ss:$0x1] =	vst.idx.msk $0xffff, v2  }
0x50: {  	v2 =	vld.idx.msk [tilespmem:v0+s27+$0x50 ss:$0x1], $0xffff;
	[tilespmem:v1+s26+$0x10 ss:$0x1] =	vst.idx.msk $0xffff, v3  }
0x51: {  	p1 =	por p0, p0;
	v3 =	vld.idx.msk [tilespmem:v0+s27+$0x60 ss:$0x1], $0xffff;
	[tilespmem:v1+s26+$0x20 ss:$0x1] =	vst.idx.msk $0xffff, v4  }
.Ltmp3:
0x52: {  	[tilespmem:v1+s26+$0x30 ss:$0x1] =	vst.idx.msk $0xffff, v5;
	(pc) =	sbr.rel @p1 .LBB1_4-.Ltmp3, $4  }
0x53: {  	[tilespmem:v1+s26+$0x40 ss:$0x1] =	vst.idx.msk $0xffff, v6  }
0x54: {  	[tilespmem:v1+s26+$0x70 ss:$0x1] =	vst.idx.msk $0xffff, v63  }
0x55: {  	[tilespmem:v1+s26+$0x50 ss:$0x1] =	vst.idx.msk $0xffff, v2  }
0x56: {  	p0 =	por $0x0, $0x0;
	[tilespmem:v1+s26+$0x60 ss:$0x1] =	vst.idx.msk $0xffff, v3;
	s26 =	simm.s32 $0x1  }
0x57: {  	s25 =	sadd.s32 $0x1, s25  }
0x58: {  	p0 =	sne.s32 s25, $0x40  }
.Ltmp4:
0x59: {  	_ = 	snop;
	(pc) =	sbr.rel @p0 .LBB1_3-.Ltmp4, $1  }
0x5a: {  	_ =	sdelay $0x3  }
0x5b: {  	s24 =	sshrl.u32 s14, $0x3;
	s25 =	sshll.u32 s10, $0x3;
	s26 =	sshll.u32 s14, $0x7  }
0x5c: {  	s30 =	sand.u32 $0x7F, s10;
	p0 =	sgt.s32 s12, $0x6;
	s27 =	smov.u32 s12  }
0x5d: {  	s28 =	sshra.s32 s12, $0x1F;
	s31 =	ssub.s32 $0x0, s14;
	s24 =	smul.u32 $0x13C00, s24  }
0x5e: {  	s25 =	sand.u32 $0xFFFFFC00, s25;
	s29 =	sand.u32 $0x380, s26;
	s27 =	simm.s32 @!p0 $0x6  }
0x5f: {  	s28 =	sand.u32 s28, s12;
	p0 =	sgt.s32 s11, $0x5;
	s24 =	sadd.s32 s24, s25  }
0x60: {  	s27 =	ssub.s32 s27, s28;
	s28 =	smov.u32 s11;
	s24 =	sor.u32 s29, s24  }
0x61: {  	s28 =	simm.s32 @!p0 $0x5;
	s29 =	sshra.s32 s11, $0x1F;
	s25 =	sor.u32 s30, s24  }
0x62: {  	s30 =	sadd.s32 $0xFFFFFFFA, s27;
	s29 =	sand.u32 s29, s11;
	s24 =	smulhi.u32 $0xCF6474A9, s24  }
0x63: {  	s27 =	ssub.s32 $0x7, s27;
	s26 =	smulhi.u32 $0xCF6474A9, s25;
	p0 =	sgt.s32 s30, $0x0  }
0x64: {  	s28 =	ssub.s32 s28, s29;
	s30 =	smin.u32 s14, s31;
	s31 =	sshra.s32 s10, $0x1F  }
0x65: {  	s27 =	simm.s32 @p0 $0x0;
	s29 =	sadd.s32 $0xFFFFFFFB, s28;
	s28 =	ssub.s32 $0x7, s28  }
0x66: {  	s24 =	sshrl.u32 s24, $0xD;
	s26 =	sshrl.u32 s26, $0xD;
	p0 =	sgt.s32 s29, $0x1  }
0x67: {  	s29 =	ssub.s32 $0x40, s30;
	s24 =	sand.u32 $0x3F, s24;
	s26 =	smul.u32 $0x2780, s26  }
0x68: {  	s28 =	simm.s32 @p0 $0x0;
	p0 =	sgt.s32 s30, $0x3F;
	s30 =	smov.u32 s10  }
0x69: {  	s24 =	smul.u32 $0x4F0, s24;
	s29 =	simm.s32 @p0 $0x0;
	p0 =	sgt.s32 s10, $0x2700  }
0x6a: {  	s27 =	smul.u32 s29, s27;
	s30 =	simm.s32 @!p0 $0x2700;
	s29 =	sand.u32 s31, s10  }
0x6b: {  	s25 =	ssub.s32 s25, s26;
	s31 =	smul.u32 $0x8A400, s12;
	s26 =	ssub.s32 s30, s29  }
0x6c: {  	s27 =	smul.u32 s28, s27;
	s30 =	sadd.s32 $0xFFFFD900, s26  }
0x6d: {  	s26 =	ssub.s32 $0x2780, s26;
	p0 =	sgt.s32 s30, $0x7F;
	s30 =	smul.u32 $0x13C00, s11  }
.Ltmp5:
0x6e: {  	s29 =	sadd.s32 s2, s31;
	s26 =	simm.s32 @p0 $0x0;
	(pc) =	sbr.rel .LBB1_7-.Ltmp5, $4  }
0x6f: {  	s26 =	smul.u32 s26, s27;
	s31 =	sadd.s32 s30, s29;
	s29 =	sand.u32 $0x7, s25  }
0x70: {  	s25 =	sshrl.u32 s25, $0x3;
	s24 =	sadd.s32 s24, s31;
	s30 =	sshll.u32 s29, $0x12  }
0x71: {  	s26 =	sand.u32 $0x3FFFFFFF, s26;
	s24 =	sadd.s32 s25, s24;
	s31 =	sor.u32 $0x400, s30  }
0x72: {  	[hbm4b:s24+s31] =	stream.strided.scatter [tilespmem:s23], [sflag:$0x2], s26, s9, s31, $0x38;
	[tilespmem:$0x10000] =	vst v63  }
.LBB1_8:
0x73: {  	_ =	sfence.sel $0x180000  }
0x74: {  	s2 =	simm.s32 $0x1;
	[bflag:$0x0] =	sbarrier.arrive $0xFFFF  }
0x75: {  	s31 =	simm.s32 $0x2;
	[sflag:s2] =	ssyncpa.u1 $0x1  }
0x76: {  	[sflag:s31] =	ssyncpa.u1 $0x1  }
0x77: {  	p0 =	sne.s32 s1, $0x0;
	_ =	strace $0x9000004D  }
0x78: {  	s0 =	sadd.s32 @!p0 $0x100000, s0;
	[bflag:$0x2] =	sbarrier.arrive $0xFFFF  }
0x79: {  	[sflag:s0] =	ssyncadd.tile.s32 @!p0 $0x1;
	_ =	shalt  }
.Lfunc_end1:
_tile_overlayer_lowered:
.L_overlay_start_2:
0x7a: {  	(tag) =	ssettag $0x2  }
0x7b: {  	s0 =	rddreg [dreg:$0x0];
	s2 =	stileid.u32  }
0x7c: {  	s1 =	rddreg [dreg:$0x1];
	p0 =	sne.s32 s2, $0x0  }
0x7d: {  	s3 =	rddreg [dreg:$0x2];
	[bflag:$0x3] =	sbarrier.arrive $0xFFFF;
	s2 =	simm.s32 @!p0 $0x1C01  }
0x7e: {  	[timem:s3], [sflag:s2] =	dma.local @!p0 [hbm:s0], s1  }
0x7f: {  	s0 =	simm.s32 @!p0 $0x1  }
0x80: {  	_ =	swait.ge @!p0 [sflag:s0], s1  }
0x81: {  	s1 =	ssub.s32 @!p0 $0x0, s1;
	[sflag:s0] =	ssyncset.done @!p0 $0x0  }
0x82: {  	[sflag:s0] =	ssyncadd.s32 @!p0 s1  }
0x83: {  	[bflag:$0x3] =	sbarrier.arrive $0xFFFF  }
0x84: {  	_ =	shalt  }

</sc_bundles>
